<compile_context>
chip_gen: v7x
topology: tpu7x:2x2x1
jax: 0.10.2.dev20260603
libtpu: 0.0.44.dev20260713+nightly
codegen_flags: <defaults>
</compile_context>

<pallas_src>
import functools

import jax
import jax.numpy as jnp
from jax import lax
from jax.experimental import pallas as pl
from jax.experimental.pallas import tpu as pltpu
from jax.experimental.pallas import tpu_sc as plsc

_K = 16
_KB = 256
_NW = 32
_SG = 64
_CH = 256
_CAP = 448


def _dist_tau_kernel(x_ref, y_ref, dist_ref, tau_ref):
    x = x_ref[0]
    y = y_ref[0]
    xn = x / jnp.maximum(jnp.sqrt(jnp.sum(x * x, axis=0, keepdims=True)), 1e-12)
    yn = y / jnp.maximum(jnp.sqrt(jnp.sum(y * y, axis=0, keepdims=True)), 1e-12)
    x2 = jnp.sum(xn * xn, axis=0)
    y2 = jnp.sum(yn * yn, axis=0)
    inner = jax.lax.dot_general(
        yn.astype(jnp.bfloat16), xn.astype(jnp.bfloat16),
        (((0,), (0,)), ((), ())),
        preferred_element_type=jnp.float32,
    )
    dist = (x2[None, :] + (-2.0) * inner) + y2[:, None]
    dist_ref[0] = dist
    tau_ref[0, 0, 0] = jnp.min(dist, axis=0)


def _sc_topk_kernel(dist_hbm, taup_hbm, out_hbm, chunk0, chunk1, taubuf, cval,
                    cidx, cntbuf, outbuf, sem0, sem1):
    nb, n, _ = dist_hbm.shape
    q_w = 256
    nsg = q_w // _SG
    nvs = _SG // 16
    nch = n // _CH
    nw_b = n // q_w
    wid = lax.axis_index("s") * 2 + lax.axis_index("c")
    b = wid // nw_b
    qbase = (wid % nw_b) * q_w
    pltpu.sync_copy(taup_hbm.at[b, :, 0, pl.ds(qbase, q_w)], taubuf)
    lane = lax.iota(jnp.int32, 16)
    inf = jnp.float32(jnp.inf)
    bufs = (chunk0, chunk1)
    sems = (sem0, sem1)

    def start_fetch(sg, kc, buf, sem):
        pltpu.async_copy(
            dist_hbm.at[b, pl.ds(kc * _CH, _CH), pl.ds(qbase + sg * _SG, _SG)],
            buf, sem,
        )

    def wait_fetch(buf, sem):
        pltpu.make_async_copy(dist_hbm.at[b, pl.ds(0, _CH), pl.ds(0, _SG)],
                              buf, sem).wait()

    start_fetch(0, 0, bufs[0], sems[0])

    def sg_body(sg, _):
        taus = []
        for s in range(nvs):
            tv = taubuf[0, pl.ds(sg * _SG + s * 16, 16)]
            for kg in range(1, 16):
                tv = jnp.maximum(tv, taubuf[kg, pl.ds(sg * _SG + s * 16, 16)])
            taus.append(tv)

        cnts = [jnp.zeros((16,), jnp.int32)] * nvs
        jv = jnp.zeros((16,), jnp.int32)
        for kc in range(nch):
            wait_fetch(bufs[kc % 2], sems[kc % 2])
            if kc < nch - 1:
                start_fetch(sg, kc + 1, bufs[(kc + 1) % 2], sems[(kc + 1) % 2])
            else:
                @pl.when(sg < nsg - 1)
                def _():
                    start_fetch(sg + 1, 0, bufs[0], sems[0])

            def col_body(j, carry, kc=kc):
                *cs, jv2 = carry
                cs = list(cs)
                for s in range(nvs):
                    v = bufs[kc % 2][j, pl.ds(s * 16, 16)]
                    m = v <= taus[s]
                    pos = jnp.minimum(cs[s], _CAP - 1)
                    row = lane + s * 16
                    plsc.store_scatter(cval, [row, pos], v, mask=m)
                    plsc.store_scatter(cidx, [row, pos], jv2, mask=m)
                    cs[s] = cs[s] + m.astype(jnp.int32)
                return (*cs, jv2 + 1)

            *cnts, jv = plsc.parallel_loop(
                0, _CH, step=1, unroll=8, carry=(*cnts, jv)
            )(col_body)
            cnts = list(cnts)

        for s in range(nvs):
            cntbuf[pl.ds(s * 16, 16)] = jnp.minimum(cnts[s], _CAP)

        def row_body(rr, _):
            ncv = plsc.load_gather(cntbuf, [jnp.full((16,), rr, jnp.int32)])
            n_c = jnp.max(ncv)

            def merge_body(t, carry):
                rk, ri = carry
                valid = (lane + t * 16) < ncv
                vals = cval[rr, pl.ds(t * 16, 16)]
                idxv = cidx[rr, pl.ds(t * 16, 16)]
                ck, ci = plsc.sort_key_val(
                    jnp.where(valid, vals, inf),
                    jnp.where(valid, idxv, jnp.int32(2**30)),
                )
                bk = lax.rev(rk, (0,))
                bi = lax.rev(ri, (0,))
                take_a = (ck < bk) | ((ck == bk) & (ci < bi))
                return tuple(plsc.sort_key_val(
                    jnp.where(take_a, ck, bk), jnp.where(take_a, ci, bi)
                ))

            rk0 = jnp.full((16,), inf)
            ri0 = jnp.full((16,), 2**30, dtype=jnp.int32)
            _, ri = lax.fori_loop(0, (n_c + 15) // 16, merge_body, (rk0, ri0))
            outbuf[sg * _SG + rr] = ri
            return jnp.int32(0)

        plsc.parallel_loop(0, _SG, step=1, unroll=2,
                           carry=jnp.int32(0))(row_body)
        return 0

    lax.fori_loop(0, nsg, sg_body, 0)
    pltpu.sync_copy(outbuf, out_hbm.at[pl.ds(wid * q_w, q_w)])


def kernel(x, y):
    b, c, n, _ = x.shape
    xs = x[..., 0]
    ys = y[..., 0]
    dist_t, tau_p = pl.pallas_call(
        _dist_tau_kernel,
        grid=(b, n // _KB),
        in_specs=[
            pl.BlockSpec((1, c, n), lambda bi, i: (bi, 0, 0)),
            pl.BlockSpec((1, c, _KB), lambda bi, i: (bi, 0, i)),
        ],
        out_specs=[
            pl.BlockSpec((1, _KB, n), lambda bi, i: (bi, i, 0)),
            pl.BlockSpec((1, 1, 1, n), lambda bi, i: (bi, i, 0, 0)),
        ],
        out_shape=[
            jax.ShapeDtypeStruct((b, n, n), jnp.float32),
            jax.ShapeDtypeStruct((b, n // _KB, 1, n), jnp.float32),
        ],
    )(xs, ys)

    rows = b * n
    sc_topk = functools.partial(
        pl.kernel,
        out_type=jax.ShapeDtypeStruct((rows, _K), jnp.int32),
        mesh=plsc.VectorSubcoreMesh(core_axis_name="c", subcore_axis_name="s"),
        compiler_params=pltpu.CompilerParams(
            needs_layout_passes=False, use_tc_tiling_on_sc=False
        ),
        scratch_types=[
            pltpu.VMEM((_CH, _SG), jnp.float32),
            pltpu.VMEM((_CH, _SG), jnp.float32),
            pltpu.VMEM((n // _KB, rows // _NW), jnp.float32),
            pltpu.VMEM((_SG, _CAP), jnp.float32),
            pltpu.VMEM((_SG, _CAP), jnp.int32),
            pltpu.VMEM((_SG,), jnp.int32),
            pltpu.VMEM((rows // _NW, _K), jnp.int32),
            pltpu.SemaphoreType.DMA,
            pltpu.SemaphoreType.DMA,
        ],
    )(_sc_topk_kernel)
    nn_idx = sc_topk(dist_t, tau_p).reshape(b, n, _K)

    center_idx = jnp.broadcast_to(
        jnp.arange(n, dtype=jnp.int32)[None, :, None], (b, n, _K)
    )
    return jnp.stack((nn_idx, center_idx), axis=0)

# --- scband reference (transcript-rebuilt; emitter-appended) ---
"""Pipeline reference for scband-dense-dilated-knn-graph-8031588843840 (READ-ONLY COPY).

The authoritative reference and input builder live on the scoring server;
editing this copy changes nothing except your own understanding.
"""

import jax, jax.numpy as jnp
import numpy as np

K = 16
DILATION = 1


def setup_inputs(seed: int = 0):
    key = jax.random.key(seed)
    k1, k2 = jax.random.split(key)
    x = jax.random.normal(k1, (2, 64, 4096, 1), dtype=jnp.float32)
    y = jax.random.normal(k2, (2, 64, 4096, 1), dtype=jnp.float32)
    return {"x": x, "y": y}


def _normalize(t):
    # F.normalize(t, p=2.0, dim=1)
    n = jnp.sqrt(jnp.sum(t * t, axis=1, keepdims=True))
    return t / jnp.maximum(n, 1e-12)


def reference(x, y):
    x = _normalize(x)
    y = _normalize(y)
    # x.transpose(2, 1).squeeze(-1): (B, C, N, 1) -> (B, N, C)
    xf = jnp.squeeze(jnp.transpose(x, (0, 2, 1, 3)), -1)
    yf = jnp.squeeze(jnp.transpose(y, (0, 2, 1, 3)), -1)
    B, N, C = xf.shape
    # xy_pairwise_distance
    xy_inner = -2.0 * jnp.matmul(xf, jnp.swapaxes(yf, 2, 1))
    x_square = jnp.sum(xf * xf, axis=-1, keepdims=True)
    y_square = jnp.sum(yf * yf, axis=-1, keepdims=True)
    dist = x_square + xy_inner + jnp.swapaxes(y_square, 2, 1)
    # topk of -dist with k = K * DILATION
    _, nn_idx = jax.lax.top_k(-dist, K * DILATION)
    center_idx = jnp.broadcast_to(jnp.arange(N, dtype=nn_idx.dtype)[None, :, None], (B, N, K * DILATION))
    edge_index = jnp.stack((nn_idx, center_idx), axis=0)  # (2, B, N, k*d)
    # DenseDilated (non-stochastic): slice every `dilation`-th neighbor
    return edge_index[:, :, :, ::DILATION]

if __name__ == "__main__":
    import jax
    _d = setup_inputs()
    print(jax.jit(kernel)(*tuple(_d.values())))

</pallas_src>

<mosaic_0001>
#map = affine_map<(d0, d1) -> (0, 0, 0)>
#map1 = affine_map<(d0, d1) -> (0, 0, 0, 0)>
#map2 = affine_map<(d0, d1) -> (0, 0)>
module attributes {stable_mosaic.version = 14 : i64} {
  func.func @_sc_topk_kernel(%arg0: i32, %arg1: i32, %arg2: memref<2x4096x4096xf32, #tpu.memory_space<hbm>>, %arg3: memref<2x16x1x4096xf32, #tpu.memory_space<hbm>>, %arg4: memref<8192x16xi32, #tpu.memory_space<hbm>>, %arg5: memref<256x64xf32, #tpu.memory_space<vmem>>, %arg6: memref<256x64xf32, #tpu.memory_space<vmem>>, %arg7: memref<16x256xf32, #tpu.memory_space<vmem>>, %arg8: memref<64x448xf32, #tpu.memory_space<vmem>>, %arg9: memref<64x448xi32, #tpu.memory_space<vmem>>, %arg10: memref<64xi32, #tpu.memory_space<vmem>>, %arg11: memref<256x16xi32, #tpu.memory_space<vmem>>, %arg12: memref<!tpu.dma_semaphore, #tpu.memory_space<semaphore_mem>>, %arg13: memref<!tpu.dma_semaphore, #tpu.memory_space<semaphore_mem>>) attributes {dimension_semantics = [#tpu.dimension_semantics<core_parallel>, #tpu.dimension_semantics<subcore_parallel>], iteration_bounds = array<i64: 2, 16>, scalar_prefetch = 0 : i64, scratch_operands = 9 : i64, tpu.core_type = #tpu.core_type<sc_vector_subcore>, window_params = [{transform_indices = #map}, {transform_indices = #map1}, {transform_indices = #map2}]} {
    %mul3A = arith.constant 2 : i32
    %mul3A_0 = arith.muli %arg1, %mul3A : i32
    %add3A = arith.addi %mul3A_0, %arg0 : i32
    %jit3A = arith.constant 16 : i32
    %div3A = arith.divsi %add3A, %jit3A : i32
    %sign3A = arith.constant 0 : i32
    %sign3A_1 = arith.cmpi sgt, %add3A, %sign3A : i32
    %sign3A_2 = arith.extui %sign3A_1 : i1 to i32
    %sign3A_3 = arith.constant 0 : i32
    %sign3A_4 = arith.cmpi slt, %add3A, %sign3A_3 : i32
    %sign3A_5 = arith.extui %sign3A_4 : i1 to i32
    %sign3A_6 = arith.subi %sign3A_2, %sign3A_5 : i32
    %sign3A_7 = arith.constant 0 : i32
    %sign3A_8 = arith.cmpi sgt, %jit3A, %sign3A_7 : i32
    %sign3A_9 = arith.extui %sign3A_8 : i1 to i32
    %sign3A_10 = arith.constant 0 : i32
    %sign3A_11 = arith.cmpi slt, %jit3A, %sign3A_10 : i32
    %sign3A_12 = arith.extui %sign3A_11 : i1 to i32
    %sign3A_13 = arith.subi %sign3A_9, %sign3A_12 : i32
    %ne3A = arith.cmpi ne, %sign3A_6, %sign3A_13 : i32
    %rem3A = arith.remsi %add3A, %jit3A : i32
    %ne3A_14 = arith.constant 0 : i32
    %ne3A_15 = arith.cmpi ne, %rem3A, %ne3A_14 : i32
    %and3A = arith.andi %ne3A, %ne3A_15 : i1
    %sub3A = arith.constant 1 : i32
    %sub3A_16 = arith.subi %div3A, %sub3A : i32
    %select_n3A = arith.select %and3A, %sub3A_16, %div3A : i32
    %jit3A_17 = arith.constant 16 : i32
    %eq3A = arith.constant 0 : i32
    %eq3A_18 = arith.cmpi eq, %jit3A_17, %eq3A : i32
    %jit3A_19 = arith.constant 1 : i32
    %select_n3A_20 = arith.select %eq3A_18, %jit3A_19, %jit3A_17 : i32
    %rem3A_21 = arith.remsi %add3A, %select_n3A_20 : i32
    %ne3A_22 = arith.constant 0 : i32
    %ne3A_23 = arith.cmpi ne, %rem3A_21, %ne3A_22 : i32
    %lt3A = arith.constant 0 : i32
    %lt3A_24 = arith.cmpi slt, %rem3A_21, %lt3A : i32
    %lt3A_25 = arith.constant 0 : i32
    %lt3A_26 = arith.cmpi slt, %select_n3A_20, %lt3A_25 : i32
    %ne3A_27 = arith.xori %lt3A_24, %lt3A_26 : i1
    %and3A_28 = arith.andi %ne3A_27, %ne3A_23 : i1
    %add3A_29 = arith.addi %rem3A_21, %select_n3A_20 : i32
    %select_n3A_30 = arith.select %and3A_28, %add3A_29, %rem3A_21 : i32
    %mul3A_31 = arith.constant 256 : i32
    %mul3A_32 = arith.muli %select_n3A_30, %mul3A_31 : i32
    %run_scoped3A = arith.constant 0 : i32
    "tpu.region"() ({
      %run_scoped3A_49 = tpu.sem_alloc : memref<!tpu.dma_semaphore, #tpu.memory_space<semaphore_mem>>
      %dma_start3A_50 = arith.constant 0 : i32
      %dma_start3A_51 = tpu.memref_slice %arg3[%select_n3A, %dma_start3A_50, %run_scoped3A, %mul3A_32] : memref<2x16x1x4096xf32, #tpu.memory_space<hbm>> -> memref<1x16x1x256xf32, #tpu.memory_space<hbm>>
      %dma_start3A_52 = tpu.memref_squeeze %dma_start3A_51 : memref<1x16x1x256xf32, #tpu.memory_space<hbm>> -> memref<16x256xf32, #tpu.memory_space<hbm>>
      %dma_start3A_53 = arith.constant 0 : i32
      %dma_start3A_54 = tpu.memref_slice %arg3[%select_n3A, %dma_start3A_53, %run_scoped3A, %mul3A_32] : memref<2x16x1x4096xf32, #tpu.memory_space<hbm>> -> memref<1x16x1x256xf32, #tpu.memory_space<hbm>>
      %dma_start3A_55 = tpu.memref_squeeze %dma_start3A_54 : memref<1x16x1x256xf32, #tpu.memory_space<hbm>> -> memref<16x256xf32, #tpu.memory_space<hbm>>
      tpu.enqueue_dma source(%dma_start3A_55 : memref<16x256xf32, #tpu.memory_space<hbm>>) target(%arg7 : memref<16x256xf32, #tpu.memory_space<vmem>>) target_semaphore(%run_scoped3A_49 : memref<!tpu.dma_semaphore, #tpu.memory_space<semaphore_mem>>)
      %dma_wait3A = arith.constant 0 : i32
      %dma_wait3A_56 = tpu.memref_slice %arg3[%select_n3A, %dma_wait3A, %run_scoped3A, %mul3A_32] : memref<2x16x1x4096xf32, #tpu.memory_space<hbm>> -> memref<1x16x1x256xf32, #tpu.memory_space<hbm>>
      %dma_wait3A_57 = tpu.memref_squeeze %dma_wait3A_56 : memref<1x16x1x256xf32, #tpu.memory_space<hbm>> -> memref<16x256xf32, #tpu.memory_space<hbm>>
      %dma_wait3A_58 = arith.constant 0 : i32
      %dma_wait3A_59 = tpu.memref_slice %arg3[%select_n3A, %dma_wait3A_58, %run_scoped3A, %mul3A_32] : memref<2x16x1x4096xf32, #tpu.memory_space<hbm>> -> memref<1x16x1x256xf32, #tpu.memory_space<hbm>>
      %dma_wait3A_60 = tpu.memref_squeeze %dma_wait3A_59 : memref<1x16x1x256xf32, #tpu.memory_space<hbm>> -> memref<16x256xf32, #tpu.memory_space<hbm>>
      tpu.wait_dma2 semaphore(%run_scoped3A_49 : memref<!tpu.dma_semaphore, #tpu.memory_space<semaphore_mem>>) src(%dma_wait3A_60 : memref<16x256xf32, #tpu.memory_space<hbm>>) dst(%arg7 : memref<16x256xf32, #tpu.memory_space<vmem>>)
      tpu.yield
    }) : () -> ()
    %iota3A = tpu.iota {dimensions = array<i32: 0>} : vector<16xi32>
    %add3A_33 = arith.constant 0 : i32
    %add3A_34 = arith.addi %mul3A_32, %add3A_33 : i32
    %dma_start3A = arith.constant 0 : i32
    %dma_start3A_35 = tpu.memref_slice %arg2[%select_n3A, %dma_start3A, %add3A_34] : memref<2x4096x4096xf32, #tpu.memory_space<hbm>> -> memref<1x256x64xf32, #tpu.memory_space<hbm>>
    %dma_start3A_36 = tpu.memref_squeeze %dma_start3A_35 : memref<1x256x64xf32, #tpu.memory_space<hbm>> -> memref<256x64xf32, #tpu.memory_space<hbm>>
    %dma_start3A_37 = arith.constant 0 : i32
    %dma_start3A_38 = tpu.memref_slice %arg2[%select_n3A, %dma_start3A_37, %add3A_34] : memref<2x4096x4096xf32, #tpu.memory_space<hbm>> -> memref<1x256x64xf32, #tpu.memory_space<hbm>>
    %dma_start3A_39 = tpu.memref_squeeze %dma_start3A_38 : memref<1x256x64xf32, #tpu.memory_space<hbm>> -> memref<256x64xf32, #tpu.memory_space<hbm>>
    tpu.enqueue_dma source(%dma_start3A_39 : memref<256x64xf32, #tpu.memory_space<hbm>>) target(%arg5 : memref<256x64xf32, #tpu.memory_space<vmem>>) target_semaphore(%arg12 : memref<!tpu.dma_semaphore, #tpu.memory_space<semaphore_mem>>)
    %scan3A = arith.constant 0x7F800000 : f32
    %scan3A_40 = arith.constant 0 : i32
    %scan3A_41 = arith.constant 0 : i32
    %scan3A_42 = arith.constant 4 : i32
    %scan3A_43 = arith.addi %scan3A_41, %scan3A_42 : i32
    %scan3A_44 = arith.constant 1 : i32
    %scan3A_45 = scf.for %scan3A_49 = %scan3A_41 to %scan3A_43 step %scan3A_44 iter_args(%scan3A_50 = %scan3A_40) -> (i32)  : i32 {
      %mul3A_51 = arith.constant 64 : i32
      %mul3A_52 = arith.muli %scan3A_49, %mul3A_51 : i32
      %add3A_53 = arith.constant 0 : i32
      %add3A_54 = arith.addi %mul3A_52, %add3A_53 : i32
      %get3A = arith.constant 0 : i32
      %get3A_55 = arith.index_cast %get3A : i32 to index
      %get3A_56 = arith.index_cast %add3A_54 : i32 to index
      %get3A_57 = tpu.vector_load %arg7[%get3A_55, %get3A_56] {strides = array<i32>} : memref<16x256xf32, #tpu.memory_space<vmem>>, vector<16xf32>,
      %mul3A_58 = arith.constant 64 : i32
      %mul3A_59 = arith.muli %scan3A_49, %mul3A_58 : i32
      %add3A_60 = arith.constant 0 : i32
      %add3A_61 = arith.addi %mul3A_59, %add3A_60 : i32
      %get3A_62 = arith.constant 1 : i32
      %get3A_63 = arith.index_cast %get3A_62 : i32 to index
      %get3A_64 = arith.index_cast %add3A_61 : i32 to index
      %get3A_65 = tpu.vector_load %arg7[%get3A_63, %get3A_64] {strides = array<i32>} : memref<16x256xf32, #tpu.memory_space<vmem>>, vector<16xf32>,
      %max3A = arith.maximumf %get3A_57, %get3A_65 : vector<16xf32>
      %mul3A_66 = arith.constant 64 : i32
      %mul3A_67 = arith.muli %scan3A_49, %mul3A_66 : i32
      %add3A_68 = arith.constant 0 : i32
      %add3A_69 = arith.addi %mul3A_67, %add3A_68 : i32
      %get3A_70 = arith.constant 2 : i32
      %get3A_71 = arith.index_cast %get3A_70 : i32 to index
      %get3A_72 = arith.index_cast %add3A_69 : i32 to index
      %get3A_73 = tpu.vector_load %arg7[%get3A_71, %get3A_72] {strides = array<i32>} : memref<16x256xf32, #tpu.memory_space<vmem>>, vector<16xf32>,
      %max3A_74 = arith.maximumf %max3A, %get3A_73 : vector<16xf32>
      %mul3A_75 = arith.constant 64 : i32
      %mul3A_76 = arith.muli %scan3A_49, %mul3A_75 : i32
      %add3A_77 = arith.constant 0 : i32
      %add3A_78 = arith.addi %mul3A_76, %add3A_77 : i32
      %get3A_79 = arith.constant 3 : i32
      %get3A_80 = arith.index_cast %get3A_79 : i32 to index
      %get3A_81 = arith.index_cast %add3A_78 : i32 to index
      %get3A_82 = tpu.vector_load %arg7[%get3A_80, %get3A_81] {strides = array<i32>} : memref<16x256xf32, #tpu.memory_space<vmem>>, vector<16xf32>,
      %max3A_83 = arith.maximumf %max3A_74, %get3A_82 : vector<16xf32>
      %mul3A_84 = arith.constant 64 : i32
      %mul3A_85 = arith.muli %scan3A_49, %mul3A_84 : i32
      %add3A_86 = arith.constant 0 : i32
      %add3A_87 = arith.addi %mul3A_85, %add3A_86 : i32
      %get3A_88 = arith.constant 4 : i32
      %get3A_89 = arith.index_cast %get3A_88 : i32 to index
      %get3A_90 = arith.index_cast %add3A_87 : i32 to index
      %get3A_91 = tpu.vector_load %arg7[%get3A_89, %get3A_90] {strides = array<i32>} : memref<16x256xf32, #tpu.memory_space<vmem>>, vector<16xf32>,
      %max3A_92 = arith.maximumf %max3A_83, %get3A_91 : vector<16xf32>
      %mul3A_93 = arith.constant 64 : i32
      %mul3A_94 = arith.muli %scan3A_49, %mul3A_93 : i32
      %add3A_95 = arith.constant 0 : i32
      %add3A_96 = arith.addi %mul3A_94, %add3A_95 : i32
      %get3A_97 = arith.constant 5 : i32
      %get3A_98 = arith.index_cast %get3A_97 : i32 to index
      %get3A_99 = arith.index_cast %add3A_96 : i32 to index
      %get3A_100 = tpu.vector_load %arg7[%get3A_98, %get3A_99] {strides = array<i32>} : memref<16x256xf32, #tpu.memory_space<vmem>>, vector<16xf32>,
      %max3A_101 = arith.maximumf %max3A_92, %get3A_100 : vector<16xf32>
      %mul3A_102 = arith.constant 64 : i32
      %mul3A_103 = arith.muli %scan3A_49, %mul3A_102 : i32
      %add3A_104 = arith.constant 0 : i32
      %add3A_105 = arith.addi %mul3A_103, %add3A_104 : i32
      %get3A_106 = arith.constant 6 : i32
      %get3A_107 = arith.index_cast %get3A_106 : i32 to index
      %get3A_108 = arith.index_cast %add3A_105 : i32 to index
      %get3A_109 = tpu.vector_load %arg7[%get3A_107, %get3A_108] {strides = array<i32>} : memref<16x256xf32, #tpu.memory_space<vmem>>, vector<16xf32>,
      %max3A_110 = arith.maximumf %max3A_101, %get3A_109 : vector<16xf32>
      %mul3A_111 = arith.constant 64 : i32
      %mul3A_112 = arith.muli %scan3A_49, %mul3A_111 : i32
      %add3A_113 = arith.constant 0 : i32
      %add3A_114 = arith.addi %mul3A_112, %add3A_113 : i32
      %get3A_115 = arith.constant 7 : i32
      %get3A_116 = arith.index_cast %get3A_115 : i32 to index
      %get3A_117 = arith.index_cast %add3A_114 : i32 to index
      %get3A_118 = tpu.vector_load %arg7[%get3A_116, %get3A_117] {strides = array<i32>} : memref<16x256xf32, #tpu.memory_space<vmem>>, vector<16xf32>,
      %max3A_119 = arith.maximumf %max3A_110, %get3A_118 : vector<16xf32>
      %mul3A_120 = arith.constant 64 : i32
      %mul3A_121 = arith.muli %scan3A_49, %mul3A_120 : i32
      %add3A_122 = arith.constant 0 : i32
      %add3A_123 = arith.addi %mul3A_121, %add3A_122 : i32
      %get3A_124 = arith.constant 8 : i32
      %get3A_125 = arith.index_cast %get3A_124 : i32 to index
      %get3A_126 = arith.index_cast %add3A_123 : i32 to index
      %get3A_127 = tpu.vector_load %arg7[%get3A_125, %get3A_126] {strides = array<i32>} : memref<16x256xf32, #tpu.memory_space<vmem>>, vector<16xf32>,
      %max3A_128 = arith.maximumf %max3A_119, %get3A_127 : vector<16xf32>
      %mul3A_129 = arith.constant 64 : i32
      %mul3A_130 = arith.muli %scan3A_49, %mul3A_129 : i32
      %add3A_131 = arith.constant 0 : i32
      %add3A_132 = arith.addi %mul3A_130, %add3A_131 : i32
      %get3A_133 = arith.constant 9 : i32
      %get3A_134 = arith.index_cast %get3A_133 : i32 to index
      %get3A_135 = arith.index_cast %add3A_132 : i32 to index
      %get3A_136 = tpu.vector_load %arg7[%get3A_134, %get3A_135] {strides = array<i32>} : memref<16x256xf32, #tpu.memory_space<vmem>>, vector<16xf32>,
      %max3A_137 = arith.maximumf %max3A_128, %get3A_136 : vector<16xf32>
      %mul3A_138 = arith.constant 64 : i32
      %mul3A_139 = arith.muli %scan3A_49, %mul3A_138 : i32
      %add3A_140 = arith.constant 0 : i32
      %add3A_141 = arith.addi %mul3A_139, %add3A_140 : i32
      %get3A_142 = arith.constant 10 : i32
      %get3A_143 = arith.index_cast %get3A_142 : i32 to index
      %get3A_144 = arith.index_cast %add3A_141 : i32 to index
      %get3A_145 = tpu.vector_load %arg7[%get3A_143, %get3A_144] {strides = array<i32>} : memref<16x256xf32, #tpu.memory_space<vmem>>, vector<16xf32>,
      %max3A_146 = arith.maximumf %max3A_137, %get3A_145 : vector<16xf32>
      %mul3A_147 = arith.constant 64 : i32
      %mul3A_148 = arith.muli %scan3A_49, %mul3A_147 : i32
      %add3A_149 = arith.constant 0 : i32
      %add3A_150 = arith.addi %mul3A_148, %add3A_149 : i32
      %get3A_151 = arith.constant 11 : i32
      %get3A_152 = arith.index_cast %get3A_151 : i32 to index
      %get3A_153 = arith.index_cast %add3A_150 : i32 to index
      %get3A_154 = tpu.vector_load %arg7[%get3A_152, %get3A_153] {strides = array<i32>} : memref<16x256xf32, #tpu.memory_space<vmem>>, vector<16xf32>,
      %max3A_155 = arith.maximumf %max3A_146, %get3A_154 : vector<16xf32>
      %mul3A_156 = arith.constant 64 : i32
      %mul3A_157 = arith.muli %scan3A_49, %mul3A_156 : i32
      %add3A_158 = arith.constant 0 : i32
      %add3A_159 = arith.addi %mul3A_157, %add3A_158 : i32
      %get3A_160 = arith.constant 12 : i32
      %get3A_161 = arith.index_cast %get3A_160 : i32 to index
      %get3A_162 = arith.index_cast %add3A_159 : i32 to index
      %get3A_163 = tpu.vector_load %arg7[%get3A_161, %get3A_162] {strides = array<i32>} : memref<16x256xf32, #tpu.memory_space<vmem>>, vector<16xf32>,
      %max3A_164 = arith.maximumf %max3A_155, %get3A_163 : vector<16xf32>
      %mul3A_165 = arith.constant 64 : i32
      %mul3A_166 = arith.muli %scan3A_49, %mul3A_165 : i32
      %add3A_167 = arith.constant 0 : i32
      %add3A_168 = arith.addi %mul3A_166, %add3A_167 : i32
      %get3A_169 = arith.constant 13 : i32
      %get3A_170 = arith.index_cast %get3A_169 : i32 to index
      %get3A_171 = arith.index_cast %add3A_168 : i32 to index
      %get3A_172 = tpu.vector_load %arg7[%get3A_170, %get3A_171] {strides = array<i32>} : memref<16x256xf32, #tpu.memory_space<vmem>>, vector<16xf32>,
      %max3A_173 = arith.maximumf %max3A_164, %get3A_172 : vector<16xf32>
      %mul3A_174 = arith.constant 64 : i32
      %mul3A_175 = arith.muli %scan3A_49, %mul3A_174 : i32
      %add3A_176 = arith.constant 0 : i32
      %add3A_177 = arith.addi %mul3A_175, %add3A_176 : i32
      %get3A_178 = arith.constant 14 : i32
      %get3A_179 = arith.index_cast %get3A_178 : i32 to index
      %get3A_180 = arith.index_cast %add3A_177 : i32 to index
      %get3A_181 = tpu.vector_load %arg7[%get3A_179, %get3A_180] {strides = array<i32>} : memref<16x256xf32, #tpu.memory_space<vmem>>, vector<16xf32>,
      %max3A_182 = arith.maximumf %max3A_173, %get3A_181 : vector<16xf32>
      %mul3A_183 = arith.constant 64 : i32
      %mul3A_184 = arith.muli %scan3A_49, %mul3A_183 : i32
      %add3A_185 = arith.constant 0 : i32
      %add3A_186 = arith.addi %mul3A_184, %add3A_185 : i32
      %get3A_187 = arith.constant 15 : i32
      %get3A_188 = arith.index_cast %get3A_187 : i32 to index
      %get3A_189 = arith.index_cast %add3A_186 : i32 to index
      %get3A_190 = tpu.vector_load %arg7[%get3A_188, %get3A_189] {strides = array<i32>} : memref<16x256xf32, #tpu.memory_space<vmem>>, vector<16xf32>,
      %max3A_191 = arith.maximumf %max3A_182, %get3A_190 : vector<16xf32>
      %mul3A_192 = arith.constant 64 : i32
      %mul3A_193 = arith.muli %scan3A_49, %mul3A_192 : i32
      %add3A_194 = arith.constant 16 : i32
      %add3A_195 = arith.addi %mul3A_193, %add3A_194 : i32
      %get3A_196 = arith.constant 0 : i32
      %get3A_197 = arith.index_cast %get3A_196 : i32 to index
      %get3A_198 = arith.index_cast %add3A_195 : i32 to index
      %get3A_199 = tpu.vector_load %arg7[%get3A_197, %get3A_198] {strides = array<i32>} : memref<16x256xf32, #tpu.memory_space<vmem>>, vector<16xf32>,
      %mul3A_200 = arith.constant 64 : i32
      %mul3A_201 = arith.muli %scan3A_49, %mul3A_200 : i32
      %add3A_202 = arith.constant 16 : i32
      %add3A_203 = arith.addi %mul3A_201, %add3A_202 : i32
      %get3A_204 = arith.constant 1 : i32
      %get3A_205 = arith.index_cast %get3A_204 : i32 to index
      %get3A_206 = arith.index_cast %add3A_203 : i32 to index
      %get3A_207 = tpu.vector_load %arg7[%get3A_205, %get3A_206] {strides = array<i32>} : memref<16x256xf32, #tpu.memory_space<vmem>>, vector<16xf32>,
      %max3A_208 = arith.maximumf %get3A_199, %get3A_207 : vector<16xf32>
      %mul3A_209 = arith.constant 64 : i32
      %mul3A_210 = arith.muli %scan3A_49, %mul3A_209 : i32
      %add3A_211 = arith.constant 16 : i32
      %add3A_212 = arith.addi %mul3A_210, %add3A_211 : i32
      %get3A_213 = arith.constant 2 : i32
      %get3A_214 = arith.index_cast %get3A_213 : i32 to index
      %get3A_215 = arith.index_cast %add3A_212 : i32 to index
      %get3A_216 = tpu.vector_load %arg7[%get3A_214, %get3A_215] {strides = array<i32>} : memref<16x256xf32, #tpu.memory_space<vmem>>, vector<16xf32>,
      %max3A_217 = arith.maximumf %max3A_208, %get3A_216 : vector<16xf32>
      %mul3A_218 = arith.constant 64 : i32
      %mul3A_219 = arith.muli %scan3A_49, %mul3A_218 : i32
      %add3A_220 = arith.constant 16 : i32
      %add3A_221 = arith.addi %mul3A_219, %add3A_220 : i32
      %get3A_222 = arith.constant 3 : i32
      %get3A_223 = arith.index_cast %get3A_222 : i32 to index
      %get3A_224 = arith.index_cast %add3A_221 : i32 to index
      %get3A_225 = tpu.vector_load %arg7[%get3A_223, %get3A_224] {strides = array<i32>} : memref<16x256xf32, #tpu.memory_space<vmem>>, vector<16xf32>,
      %max3A_226 = arith.maximumf %max3A_217, %get3A_225 : vector<16xf32>
      %mul3A_227 = arith.constant 64 : i32
      %mul3A_228 = arith.muli %scan3A_49, %mul3A_227 : i32
      %add3A_229 = arith.constant 16 : i32
      %add3A_230 = arith.addi %mul3A_228, %add3A_229 : i32
      %get3A_231 = arith.constant 4 : i32
      %get3A_232 = arith.index_cast %get3A_231 : i32 to index
      %get3A_233 = arith.index_cast %add3A_230 : i32 to index
      %get3A_234 = tpu.vector_load %arg7[%get3A_232, %get3A_233] {strides = array<i32>} : memref<16x256xf32, #tpu.memory_space<vmem>>, vector<16xf32>,
      %max3A_235 = arith.maximumf %max3A_226, %get3A_234 : vector<16xf32>
      %mul3A_236 = arith.constant 64 : i32
      %mul3A_237 = arith.muli %scan3A_49, %mul3A_236 : i32
      %add3A_238 = arith.constant 16 : i32
      %add3A_239 = arith.addi %mul3A_237, %add3A_238 : i32
      %get3A_240 = arith.constant 5 : i32
      %get3A_241 = arith.index_cast %get3A_240 : i32 to index
      %get3A_242 = arith.index_cast %add3A_239 : i32 to index
      %get3A_243 = tpu.vector_load %arg7[%get3A_241, %get3A_242] {strides = array<i32>} : memref<16x256xf32, #tpu.memory_space<vmem>>, vector<16xf32>,
      %max3A_244 = arith.maximumf %max3A_235, %get3A_243 : vector<16xf32>
      %mul3A_245 = arith.constant 64 : i32
      %mul3A_246 = arith.muli %scan3A_49, %mul3A_245 : i32
      %add3A_247 = arith.constant 16 : i32
      %add3A_248 = arith.addi %mul3A_246, %add3A_247 : i32
      %get3A_249 = arith.constant 6 : i32
      %get3A_250 = arith.index_cast %get3A_249 : i32 to index
      %get3A_251 = arith.index_cast %add3A_248 : i32 to index
      %get3A_252 = tpu.vector_load %arg7[%get3A_250, %get3A_251] {strides = array<i32>} : memref<16x256xf32, #tpu.memory_space<vmem>>, vector<16xf32>,
      %max3A_253 = arith.maximumf %max3A_244, %get3A_252 : vector<16xf32>
      %mul3A_254 = arith.constant 64 : i32
      %mul3A_255 = arith.muli %scan3A_49, %mul3A_254 : i32
      %add3A_256 = arith.constant 16 : i32
      %add3A_257 = arith.addi %mul3A_255, %add3A_256 : i32
      %get3A_258 = arith.constant 7 : i32
      %get3A_259 = arith.index_cast %get3A_258 : i32 to index
      %get3A_260 = arith.index_cast %add3A_257 : i32 to index
      %get3A_261 = tpu.vector_load %arg7[%get3A_259, %get3A_260] {strides = array<i32>} : memref<16x256xf32, #tpu.memory_space<vmem>>, vector<16xf32>,
      %max3A_262 = arith.maximumf %max3A_253, %get3A_261 : vector<16xf32>
      %mul3A_263 = arith.constant 64 : i32
      %mul3A_264 = arith.muli %scan3A_49, %mul3A_263 : i32
      %add3A_265 = arith.constant 16 : i32
      %add3A_266 = arith.addi %mul3A_264, %add3A_265 : i32
      %get3A_267 = arith.constant 8 : i32
      %get3A_268 = arith.index_cast %get3A_267 : i32 to index
      %get3A_269 = arith.index_cast %add3A_266 : i32 to index
      %get3A_270 = tpu.vector_load %arg7[%get3A_268, %get3A_269] {strides = array<i32>} : memref<16x256xf32, #tpu.memory_space<vmem>>, vector<16xf32>,
      %max3A_271 = arith.maximumf %max3A_262, %get3A_270 : vector<16xf32>
      %mul3A_272 = arith.constant 64 : i32
      %mul3A_273 = arith.muli %scan3A_49, %mul3A_272 : i32
      %add3A_274 = arith.constant 16 : i32
      %add3A_275 = arith.addi %mul3A_273, %add3A_274 : i32
      %get3A_276 = arith.constant 9 : i32
      %get3A_277 = arith.index_cast %get3A_276 : i32 to index
      %get3A_278 = arith.index_cast %add3A_275 : i32 to index
      %get3A_279 = tpu.vector_load %arg7[%get3A_277, %get3A_278] {strides = array<i32>} : memref<16x256xf32, #tpu.memory_space<vmem>>, vector<16xf32>,
      %max3A_280 = arith.maximumf %max3A_271, %get3A_279 : vector<16xf32>
      %mul3A_281 = arith.constant 64 : i32
      %mul3A_282 = arith.muli %scan3A_49, %mul3A_281 : i32
      %add3A_283 = arith.constant 16 : i32
      %add3A_284 = arith.addi %mul3A_282, %add3A_283 : i32
      %get3A_285 = arith.constant 10 : i32
      %get3A_286 = arith.index_cast %get3A_285 : i32 to index
      %get3A_287 = arith.index_cast %add3A_284 : i32 to index
      %get3A_288 = tpu.vector_load %arg7[%get3A_286, %get3A_287] {strides = array<i32>} : memref<16x256xf32, #tpu.memory_space<vmem>>, vector<16xf32>,
      %max3A_289 = arith.maximumf %max3A_280, %get3A_288 : vector<16xf32>
      %mul3A_290 = arith.constant 64 : i32
      %mul3A_291 = arith.muli %scan3A_49, %mul3A_290 : i32
      %add3A_292 = arith.constant 16 : i32
      %add3A_293 = arith.addi %mul3A_291, %add3A_292 : i32
      %get3A_294 = arith.constant 11 : i32
      %get3A_295 = arith.index_cast %get3A_294 : i32 to index
      %get3A_296 = arith.index_cast %add3A_293 : i32 to index
      %get3A_297 = tpu.vector_load %arg7[%get3A_295, %get3A_296] {strides = array<i32>} : memref<16x256xf32, #tpu.memory_space<vmem>>, vector<16xf32>,
      %max3A_298 = arith.maximumf %max3A_289, %get3A_297 : vector<16xf32>
      %mul3A_299 = arith.constant 64 : i32
      %mul3A_300 = arith.muli %scan3A_49, %mul3A_299 : i32
      %add3A_301 = arith.constant 16 : i32
      %add3A_302 = arith.addi %mul3A_300, %add3A_301 : i32
      %get3A_303 = arith.constant 12 : i32
      %get3A_304 = arith.index_cast %get3A_303 : i32 to index
      %get3A_305 = arith.index_cast %add3A_302 : i32 to index
      %get3A_306 = tpu.vector_load %arg7[%get3A_304, %get3A_305] {strides = array<i32>} : memref<16x256xf32, #tpu.memory_space<vmem>>, vector<16xf32>,
      %max3A_307 = arith.maximumf %max3A_298, %get3A_306 : vector<16xf32>
      %mul3A_308 = arith.constant 64 : i32
      %mul3A_309 = arith.muli %scan3A_49, %mul3A_308 : i32
      %add3A_310 = arith.constant 16 : i32
      %add3A_311 = arith.addi %mul3A_309, %add3A_310 : i32
      %get3A_312 = arith.constant 13 : i32
      %get3A_313 = arith.index_cast %get3A_312 : i32 to index
      %get3A_314 = arith.index_cast %add3A_311 : i32 to index
      %get3A_315 = tpu.vector_load %arg7[%get3A_313, %get3A_314] {strides = array<i32>} : memref<16x256xf32, #tpu.memory_space<vmem>>, vector<16xf32>,
      %max3A_316 = arith.maximumf %max3A_307, %get3A_315 : vector<16xf32>
      %mul3A_317 = arith.constant 64 : i32
      %mul3A_318 = arith.muli %scan3A_49, %mul3A_317 : i32
      %add3A_319 = arith.constant 16 : i32
      %add3A_320 = arith.addi %mul3A_318, %add3A_319 : i32
      %get3A_321 = arith.constant 14 : i32
      %get3A_322 = arith.index_cast %get3A_321 : i32 to index
      %get3A_323 = arith.index_cast %add3A_320 : i32 to index
      %get3A_324 = tpu.vector_load %arg7[%get3A_322, %get3A_323] {strides = array<i32>} : memref<16x256xf32, #tpu.memory_space<vmem>>, vector<16xf32>,
      %max3A_325 = arith.maximumf %max3A_316, %get3A_324 : vector<16xf32>
      %mul3A_326 = arith.constant 64 : i32
      %mul3A_327 = arith.muli %scan3A_49, %mul3A_326 : i32
      %add3A_328 = arith.constant 16 : i32
      %add3A_329 = arith.addi %mul3A_327, %add3A_328 : i32
      %get3A_330 = arith.constant 15 : i32
      %get3A_331 = arith.index_cast %get3A_330 : i32 to index
      %get3A_332 = arith.index_cast %add3A_329 : i32 to index
      %get3A_333 = tpu.vector_load %arg7[%get3A_331, %get3A_332] {strides = array<i32>} : memref<16x256xf32, #tpu.memory_space<vmem>>, vector<16xf32>,
      %max3A_334 = arith.maximumf %max3A_325, %get3A_333 : vector<16xf32>
      %mul3A_335 = arith.constant 64 : i32
      %mul3A_336 = arith.muli %scan3A_49, %mul3A_335 : i32
      %add3A_337 = arith.constant 32 : i32
      %add3A_338 = arith.addi %mul3A_336, %add3A_337 : i32
      %get3A_339 = arith.constant 0 : i32
      %get3A_340 = arith.index_cast %get3A_339 : i32 to index
      %get3A_341 = arith.index_cast %add3A_338 : i32 to index
      %get3A_342 = tpu.vector_load %arg7[%get3A_340, %get3A_341] {strides = array<i32>} : memref<16x256xf32, #tpu.memory_space<vmem>>, vector<16xf32>,
      %mul3A_343 = arith.constant 64 : i32
      %mul3A_344 = arith.muli %scan3A_49, %mul3A_343 : i32
      %add3A_345 = arith.constant 32 : i32
      %add3A_346 = arith.addi %mul3A_344, %add3A_345 : i32
      %get3A_347 = arith.constant 1 : i32
      %get3A_348 = arith.index_cast %get3A_347 : i32 to index
      %get3A_349 = arith.index_cast %add3A_346 : i32 to index
      %get3A_350 = tpu.vector_load %arg7[%get3A_348, %get3A_349] {strides = array<i32>} : memref<16x256xf32, #tpu.memory_space<vmem>>, vector<16xf32>,
      %max3A_351 = arith.maximumf %get3A_342, %get3A_350 : vector<16xf32>
      %mul3A_352 = arith.constant 64 : i32
      %mul3A_353 = arith.muli %scan3A_49, %mul3A_352 : i32
      %add3A_354 = arith.constant 32 : i32
      %add3A_355 = arith.addi %mul3A_353, %add3A_354 : i32
      %get3A_356 = arith.constant 2 : i32
      %get3A_357 = arith.index_cast %get3A_356 : i32 to index
      %get3A_358 = arith.index_cast %add3A_355 : i32 to index
      %get3A_359 = tpu.vector_load %arg7[%get3A_357, %get3A_358] {strides = array<i32>} : memref<16x256xf32, #tpu.memory_space<vmem>>, vector<16xf32>,
      %max3A_360 = arith.maximumf %max3A_351, %get3A_359 : vector<16xf32>
      %mul3A_361 = arith.constant 64 : i32
      %mul3A_362 = arith.muli %scan3A_49, %mul3A_361 : i32
      %add3A_363 = arith.constant 32 : i32
      %add3A_364 = arith.addi %mul3A_362, %add3A_363 : i32
      %get3A_365 = arith.constant 3 : i32
      %get3A_366 = arith.index_cast %get3A_365 : i32 to index
      %get3A_367 = arith.index_cast %add3A_364 : i32 to index
      %get3A_368 = tpu.vector_load %arg7[%get3A_366, %get3A_367] {strides = array<i32>} : memref<16x256xf32, #tpu.memory_space<vmem>>, vector<16xf32>,
      %max3A_369 = arith.maximumf %max3A_360, %get3A_368 : vector<16xf32>
      %mul3A_370 = arith.constant 64 : i32
      %mul3A_371 = arith.muli %scan3A_49, %mul3A_370 : i32
      %add3A_372 = arith.constant 32 : i32
      %add3A_373 = arith.addi %mul3A_371, %add3A_372 : i32
      %get3A_374 = arith.constant 4 : i32
      %get3A_375 = arith.index_cast %get3A_374 : i32 to index
      %get3A_376 = arith.index_cast %add3A_373 : i32 to index
      %get3A_377 = tpu.vector_load %arg7[%get3A_375, %get3A_376] {strides = array<i32>} : memref<16x256xf32, #tpu.memory_space<vmem>>, vector<16xf32>,
      %max3A_378 = arith.maximumf %max3A_369, %get3A_377 : vector<16xf32>
      %mul3A_379 = arith.constant 64 : i32
      %mul3A_380 = arith.muli %scan3A_49, %mul3A_379 : i32
      %add3A_381 = arith.constant 32 : i32
      %add3A_382 = arith.addi %mul3A_380, %add3A_381 : i32
      %get3A_383 = arith.constant 5 : i32
      %get3A_384 = arith.index_cast %get3A_383 : i32 to index
      %get3A_385 = arith.index_cast %add3A_382 : i32 to index
      %get3A_386 = tpu.vector_load %arg7[%get3A_384, %get3A_385] {strides = array<i32>} : memref<16x256xf32, #tpu.memory_space<vmem>>, vector<16xf32>,
      %max3A_387 = arith.maximumf %max3A_378, %get3A_386 : vector<16xf32>
      %mul3A_388 = arith.constant 64 : i32
      %mul3A_389 = arith.muli %scan3A_49, %mul3A_388 : i32
      %add3A_390 = arith.constant 32 : i32
      %add3A_391 = arith.addi %mul3A_389, %add3A_390 : i32
      %get3A_392 = arith.constant 6 : i32
      %get3A_393 = arith.index_cast %get3A_392 : i32 to index
      %get3A_394 = arith.index_cast %add3A_391 : i32 to index
      %get3A_395 = tpu.vector_load %arg7[%get3A_393, %get3A_394] {strides = array<i32>} : memref<16x256xf32, #tpu.memory_space<vmem>>, vector<16xf32>,
      %max3A_396 = arith.maximumf %max3A_387, %get3A_395 : vector<16xf32>
      %mul3A_397 = arith.constant 64 : i32
      %mul3A_398 = arith.muli %scan3A_49, %mul3A_397 : i32
      %add3A_399 = arith.constant 32 : i32
      %add3A_400 = arith.addi %mul3A_398, %add3A_399 : i32
      %get3A_401 = arith.constant 7 : i32
      %get3A_402 = arith.index_cast %get3A_401 : i32 to index
      %get3A_403 = arith.index_cast %add3A_400 : i32 to index
      %get3A_404 = tpu.vector_load %arg7[%get3A_402, %get3A_403] {strides = array<i32>} : memref<16x256xf32, #tpu.memory_space<vmem>>, vector<16xf32>,
      %max3A_405 = arith.maximumf %max3A_396, %get3A_404 : vector<16xf32>
      %mul3A_406 = arith.constant 64 : i32
      %mul3A_407 = arith.muli %scan3A_49, %mul3A_406 : i32
      %add3A_408 = arith.constant 32 : i32
      %add3A_409 = arith.addi %mul3A_407, %add3A_408 : i32
      %get3A_410 = arith.constant 8 : i32
      %get3A_411 = arith.index_cast %get3A_410 : i32 to index
      %get3A_412 = arith.index_cast %add3A_409 : i32 to index
      %get3A_413 = tpu.vector_load %arg7[%get3A_411, %get3A_412] {strides = array<i32>} : memref<16x256xf32, #tpu.memory_space<vmem>>, vector<16xf32>,
      %max3A_414 = arith.maximumf %max3A_405, %get3A_413 : vector<16xf32>
      %mul3A_415 = arith.constant 64 : i32
      %mul3A_416 = arith.muli %scan3A_49, %mul3A_415 : i32
      %add3A_417 = arith.constant 32 : i32
      %add3A_418 = arith.addi %mul3A_416, %add3A_417 : i32
      %get3A_419 = arith.constant 9 : i32
      %get3A_420 = arith.index_cast %get3A_419 : i32 to index
      %get3A_421 = arith.index_cast %add3A_418 : i32 to index
      %get3A_422 = tpu.vector_load %arg7[%get3A_420, %get3A_421] {strides = array<i32>} : memref<16x256xf32, #tpu.memory_space<vmem>>, vector<16xf32>,
      %max3A_423 = arith.maximumf %max3A_414, %get3A_422 : vector<16xf32>
      %mul3A_424 = arith.constant 64 : i32
      %mul3A_425 = arith.muli %scan3A_49, %mul3A_424 : i32
      %add3A_426 = arith.constant 32 : i32
      %add3A_427 = arith.addi %mul3A_425, %add3A_426 : i32
      %get3A_428 = arith.constant 10 : i32
      %get3A_429 = arith.index_cast %get3A_428 : i32 to index
      %get3A_430 = arith.index_cast %add3A_427 : i32 to index
      %get3A_431 = tpu.vector_load %arg7[%get3A_429, %get3A_430] {strides = array<i32>} : memref<16x256xf32, #tpu.memory_space<vmem>>, vector<16xf32>,
      %max3A_432 = arith.maximumf %max3A_423, %get3A_431 : vector<16xf32>
      %mul3A_433 = arith.constant 64 : i32
      %mul3A_434 = arith.muli %scan3A_49, %mul3A_433 : i32
      %add3A_435 = arith.constant 32 : i32
      %add3A_436 = arith.addi %mul3A_434, %add3A_435 : i32
      %get3A_437 = arith.constant 11 : i32
      %get3A_438 = arith.index_cast %get3A_437 : i32 to index
      %get3A_439 = arith.index_cast %add3A_436 : i32 to index
      %get3A_440 = tpu.vector_load %arg7[%get3A_438, %get3A_439] {strides = array<i32>} : memref<16x256xf32, #tpu.memory_space<vmem>>, vector<16xf32>,
      %max3A_441 = arith.maximumf %max3A_432, %get3A_440 : vector<16xf32>
      %mul3A_442 = arith.constant 64 : i32
      %mul3A_443 = arith.muli %scan3A_49, %mul3A_442 : i32
      %add3A_444 = arith.constant 32 : i32
      %add3A_445 = arith.addi %mul3A_443, %add3A_444 : i32
      %get3A_446 = arith.constant 12 : i32
      %get3A_447 = arith.index_cast %get3A_446 : i32 to index
      %get3A_448 = arith.index_cast %add3A_445 : i32 to index
      %get3A_449 = tpu.vector_load %arg7[%get3A_447, %get3A_448] {strides = array<i32>} : memref<16x256xf32, #tpu.memory_space<vmem>>, vector<16xf32>,
      %max3A_450 = arith.maximumf %max3A_441, %get3A_449 : vector<16xf32>
      %mul3A_451 = arith.constant 64 : i32
      %mul3A_452 = arith.muli %scan3A_49, %mul3A_451 : i32
      %add3A_453 = arith.constant 32 : i32
      %add3A_454 = arith.addi %mul3A_452, %add3A_453 : i32
      %get3A_455 = arith.constant 13 : i32
      %get3A_456 = arith.index_cast %get3A_455 : i32 to index
      %get3A_457 = arith.index_cast %add3A_454 : i32 to index
      %get3A_458 = tpu.vector_load %arg7[%get3A_456, %get3A_457] {strides = array<i32>} : memref<16x256xf32, #tpu.memory_space<vmem>>, vector<16xf32>,
      %max3A_459 = arith.maximumf %max3A_450, %get3A_458 : vector<16xf32>
      %mul3A_460 = arith.constant 64 : i32
      %mul3A_461 = arith.muli %scan3A_49, %mul3A_460 : i32
      %add3A_462 = arith.constant 32 : i32
      %add3A_463 = arith.addi %mul3A_461, %add3A_462 : i32
      %get3A_464 = arith.constant 14 : i32
      %get3A_465 = arith.index_cast %get3A_464 : i32 to index
      %get3A_466 = arith.index_cast %add3A_463 : i32 to index
      %get3A_467 = tpu.vector_load %arg7[%get3A_465, %get3A_466] {strides = array<i32>} : memref<16x256xf32, #tpu.memory_space<vmem>>, vector<16xf32>,
      %max3A_468 = arith.maximumf %max3A_459, %get3A_467 : vector<16xf32>
      %mul3A_469 = arith.constant 64 : i32
      %mul3A_470 = arith.muli %scan3A_49, %mul3A_469 : i32
      %add3A_471 = arith.constant 32 : i32
      %add3A_472 = arith.addi %mul3A_470, %add3A_471 : i32
      %get3A_473 = arith.constant 15 : i32
      %get3A_474 = arith.index_cast %get3A_473 : i32 to index
      %get3A_475 = arith.index_cast %add3A_472 : i32 to index
      %get3A_476 = tpu.vector_load %arg7[%get3A_474, %get3A_475] {strides = array<i32>} : memref<16x256xf32, #tpu.memory_space<vmem>>, vector<16xf32>,
      %max3A_477 = arith.maximumf %max3A_468, %get3A_476 : vector<16xf32>
      %mul3A_478 = arith.constant 64 : i32
      %mul3A_479 = arith.muli %scan3A_49, %mul3A_478 : i32
      %add3A_480 = arith.constant 48 : i32
      %add3A_481 = arith.addi %mul3A_479, %add3A_480 : i32
      %get3A_482 = arith.constant 0 : i32
      %get3A_483 = arith.index_cast %get3A_482 : i32 to index
      %get3A_484 = arith.index_cast %add3A_481 : i32 to index
      %get3A_485 = tpu.vector_load %arg7[%get3A_483, %get3A_484] {strides = array<i32>} : memref<16x256xf32, #tpu.memory_space<vmem>>, vector<16xf32>,
      %mul3A_486 = arith.constant 64 : i32
      %mul3A_487 = arith.muli %scan3A_49, %mul3A_486 : i32
      %add3A_488 = arith.constant 48 : i32
      %add3A_489 = arith.addi %mul3A_487, %add3A_488 : i32
      %get3A_490 = arith.constant 1 : i32
      %get3A_491 = arith.index_cast %get3A_490 : i32 to index
      %get3A_492 = arith.index_cast %add3A_489 : i32 to index
      %get3A_493 = tpu.vector_load %arg7[%get3A_491, %get3A_492] {strides = array<i32>} : memref<16x256xf32, #tpu.memory_space<vmem>>, vector<16xf32>,
      %max3A_494 = arith.maximumf %get3A_485, %get3A_493 : vector<16xf32>
      %mul3A_495 = arith.constant 64 : i32
      %mul3A_496 = arith.muli %scan3A_49, %mul3A_495 : i32
      %add3A_497 = arith.constant 48 : i32
      %add3A_498 = arith.addi %mul3A_496, %add3A_497 : i32
      %get3A_499 = arith.constant 2 : i32
      %get3A_500 = arith.index_cast %get3A_499 : i32 to index
      %get3A_501 = arith.index_cast %add3A_498 : i32 to index
      %get3A_502 = tpu.vector_load %arg7[%get3A_500, %get3A_501] {strides = array<i32>} : memref<16x256xf32, #tpu.memory_space<vmem>>, vector<16xf32>,
      %max3A_503 = arith.maximumf %max3A_494, %get3A_502 : vector<16xf32>
      %mul3A_504 = arith.constant 64 : i32
      %mul3A_505 = arith.muli %scan3A_49, %mul3A_504 : i32
      %add3A_506 = arith.constant 48 : i32
      %add3A_507 = arith.addi %mul3A_505, %add3A_506 : i32
      %get3A_508 = arith.constant 3 : i32
      %get3A_509 = arith.index_cast %get3A_508 : i32 to index
      %get3A_510 = arith.index_cast %add3A_507 : i32 to index
      %get3A_511 = tpu.vector_load %arg7[%get3A_509, %get3A_510] {strides = array<i32>} : memref<16x256xf32, #tpu.memory_space<vmem>>, vector<16xf32>,
      %max3A_512 = arith.maximumf %max3A_503, %get3A_511 : vector<16xf32>
      %mul3A_513 = arith.constant 64 : i32
      %mul3A_514 = arith.muli %scan3A_49, %mul3A_513 : i32
      %add3A_515 = arith.constant 48 : i32
      %add3A_516 = arith.addi %mul3A_514, %add3A_515 : i32
      %get3A_517 = arith.constant 4 : i32
      %get3A_518 = arith.index_cast %get3A_517 : i32 to index
      %get3A_519 = arith.index_cast %add3A_516 : i32 to index
      %get3A_520 = tpu.vector_load %arg7[%get3A_518, %get3A_519] {strides = array<i32>} : memref<16x256xf32, #tpu.memory_space<vmem>>, vector<16xf32>,
      %max3A_521 = arith.maximumf %max3A_512, %get3A_520 : vector<16xf32>
      %mul3A_522 = arith.constant 64 : i32
      %mul3A_523 = arith.muli %scan3A_49, %mul3A_522 : i32
      %add3A_524 = arith.constant 48 : i32
      %add3A_525 = arith.addi %mul3A_523, %add3A_524 : i32
      %get3A_526 = arith.constant 5 : i32
      %get3A_527 = arith.index_cast %get3A_526 : i32 to index
      %get3A_528 = arith.index_cast %add3A_525 : i32 to index
      %get3A_529 = tpu.vector_load %arg7[%get3A_527, %get3A_528] {strides = array<i32>} : memref<16x256xf32, #tpu.memory_space<vmem>>, vector<16xf32>,
      %max3A_530 = arith.maximumf %max3A_521, %get3A_529 : vector<16xf32>
      %mul3A_531 = arith.constant 64 : i32
      %mul3A_532 = arith.muli %scan3A_49, %mul3A_531 : i32
      %add3A_533 = arith.constant 48 : i32
      %add3A_534 = arith.addi %mul3A_532, %add3A_533 : i32
      %get3A_535 = arith.constant 6 : i32
      %get3A_536 = arith.index_cast %get3A_535 : i32 to index
      %get3A_537 = arith.index_cast %add3A_534 : i32 to index
      %get3A_538 = tpu.vector_load %arg7[%get3A_536, %get3A_537] {strides = array<i32>} : memref<16x256xf32, #tpu.memory_space<vmem>>, vector<16xf32>,
      %max3A_539 = arith.maximumf %max3A_530, %get3A_538 : vector<16xf32>
      %mul3A_540 = arith.constant 64 : i32
      %mul3A_541 = arith.muli %scan3A_49, %mul3A_540 : i32
      %add3A_542 = arith.constant 48 : i32
      %add3A_543 = arith.addi %mul3A_541, %add3A_542 : i32
      %get3A_544 = arith.constant 7 : i32
      %get3A_545 = arith.index_cast %get3A_544 : i32 to index
      %get3A_546 = arith.index_cast %add3A_543 : i32 to index
      %get3A_547 = tpu.vector_load %arg7[%get3A_545, %get3A_546] {strides = array<i32>} : memref<16x256xf32, #tpu.memory_space<vmem>>, vector<16xf32>,
      %max3A_548 = arith.maximumf %max3A_539, %get3A_547 : vector<16xf32>
      %mul3A_549 = arith.constant 64 : i32
      %mul3A_550 = arith.muli %scan3A_49, %mul3A_549 : i32
      %add3A_551 = arith.constant 48 : i32
      %add3A_552 = arith.addi %mul3A_550, %add3A_551 : i32
      %get3A_553 = arith.constant 8 : i32
      %get3A_554 = arith.index_cast %get3A_553 : i32 to index
      %get3A_555 = arith.index_cast %add3A_552 : i32 to index
      %get3A_556 = tpu.vector_load %arg7[%get3A_554, %get3A_555] {strides = array<i32>} : memref<16x256xf32, #tpu.memory_space<vmem>>, vector<16xf32>,
      %max3A_557 = arith.maximumf %max3A_548, %get3A_556 : vector<16xf32>
      %mul3A_558 = arith.constant 64 : i32
      %mul3A_559 = arith.muli %scan3A_49, %mul3A_558 : i32
      %add3A_560 = arith.constant 48 : i32
      %add3A_561 = arith.addi %mul3A_559, %add3A_560 : i32
      %get3A_562 = arith.constant 9 : i32
      %get3A_563 = arith.index_cast %get3A_562 : i32 to index
      %get3A_564 = arith.index_cast %add3A_561 : i32 to index
      %get3A_565 = tpu.vector_load %arg7[%get3A_563, %get3A_564] {strides = array<i32>} : memref<16x256xf32, #tpu.memory_space<vmem>>, vector<16xf32>,
      %max3A_566 = arith.maximumf %max3A_557, %get3A_565 : vector<16xf32>
      %mul3A_567 = arith.constant 64 : i32
      %mul3A_568 = arith.muli %scan3A_49, %mul3A_567 : i32
      %add3A_569 = arith.constant 48 : i32
      %add3A_570 = arith.addi %mul3A_568, %add3A_569 : i32
      %get3A_571 = arith.constant 10 : i32
      %get3A_572 = arith.index_cast %get3A_571 : i32 to index
      %get3A_573 = arith.index_cast %add3A_570 : i32 to index
      %get3A_574 = tpu.vector_load %arg7[%get3A_572, %get3A_573] {strides = array<i32>} : memref<16x256xf32, #tpu.memory_space<vmem>>, vector<16xf32>,
      %max3A_575 = arith.maximumf %max3A_566, %get3A_574 : vector<16xf32>
      %mul3A_576 = arith.constant 64 : i32
      %mul3A_577 = arith.muli %scan3A_49, %mul3A_576 : i32
      %add3A_578 = arith.constant 48 : i32
      %add3A_579 = arith.addi %mul3A_577, %add3A_578 : i32
      %get3A_580 = arith.constant 11 : i32
      %get3A_581 = arith.index_cast %get3A_580 : i32 to index
      %get3A_582 = arith.index_cast %add3A_579 : i32 to index
      %get3A_583 = tpu.vector_load %arg7[%get3A_581, %get3A_582] {strides = array<i32>} : memref<16x256xf32, #tpu.memory_space<vmem>>, vector<16xf32>,
      %max3A_584 = arith.maximumf %max3A_575, %get3A_583 : vector<16xf32>
      %mul3A_585 = arith.constant 64 : i32
      %mul3A_586 = arith.muli %scan3A_49, %mul3A_585 : i32
      %add3A_587 = arith.constant 48 : i32
      %add3A_588 = arith.addi %mul3A_586, %add3A_587 : i32
      %get3A_589 = arith.constant 12 : i32
      %get3A_590 = arith.index_cast %get3A_589 : i32 to index
      %get3A_591 = arith.index_cast %add3A_588 : i32 to index
      %get3A_592 = tpu.vector_load %arg7[%get3A_590, %get3A_591] {strides = array<i32>} : memref<16x256xf32, #tpu.memory_space<vmem>>, vector<16xf32>,
      %max3A_593 = arith.maximumf %max3A_584, %get3A_592 : vector<16xf32>
      %mul3A_594 = arith.constant 64 : i32
      %mul3A_595 = arith.muli %scan3A_49, %mul3A_594 : i32
      %add3A_596 = arith.constant 48 : i32
      %add3A_597 = arith.addi %mul3A_595, %add3A_596 : i32
      %get3A_598 = arith.constant 13 : i32
      %get3A_599 = arith.index_cast %get3A_598 : i32 to index
      %get3A_600 = arith.index_cast %add3A_597 : i32 to index
      %get3A_601 = tpu.vector_load %arg7[%get3A_599, %get3A_600] {strides = array<i32>} : memref<16x256xf32, #tpu.memory_space<vmem>>, vector<16xf32>,
      %max3A_602 = arith.maximumf %max3A_593, %get3A_601 : vector<16xf32>
      %mul3A_603 = arith.constant 64 : i32
      %mul3A_604 = arith.muli %scan3A_49, %mul3A_603 : i32
      %add3A_605 = arith.constant 48 : i32
      %add3A_606 = arith.addi %mul3A_604, %add3A_605 : i32
      %get3A_607 = arith.constant 14 : i32
      %get3A_608 = arith.index_cast %get3A_607 : i32 to index
      %get3A_609 = arith.index_cast %add3A_606 : i32 to index
      %get3A_610 = tpu.vector_load %arg7[%get3A_608, %get3A_609] {strides = array<i32>} : memref<16x256xf32, #tpu.memory_space<vmem>>, vector<16xf32>,
      %max3A_611 = arith.maximumf %max3A_602, %get3A_610 : vector<16xf32>
      %mul3A_612 = arith.constant 64 : i32
      %mul3A_613 = arith.muli %scan3A_49, %mul3A_612 : i32
      %add3A_614 = arith.constant 48 : i32
      %add3A_615 = arith.addi %mul3A_613, %add3A_614 : i32
      %get3A_616 = arith.constant 15 : i32
      %get3A_617 = arith.index_cast %get3A_616 : i32 to index
      %get3A_618 = arith.index_cast %add3A_615 : i32 to index
      %get3A_619 = tpu.vector_load %arg7[%get3A_617, %get3A_618] {strides = array<i32>} : memref<16x256xf32, #tpu.memory_space<vmem>>, vector<16xf32>,
      %max3A_620 = arith.maximumf %max3A_611, %get3A_619 : vector<16xf32>
      %broadcast_in_dim3A = arith.constant 0 : i32
      %broadcast_in_dim3A_621 = vector.broadcast %broadcast_in_dim3A : i32 to vector<16xi32>
      %broadcast_in_dim3A_622 = arith.constant 0 : i32
      %broadcast_in_dim3A_623 = vector.broadcast %broadcast_in_dim3A_622 : i32 to vector<16xi32>
      %dma_wait3A = arith.constant 0 : i32
      %dma_wait3A_624 = arith.constant 0 : i32
      %dma_wait3A_625 = tpu.memref_slice %arg2[%select_n3A, %dma_wait3A, %dma_wait3A_624] : memref<2x4096x4096xf32, #tpu.memory_space<hbm>> -> memref<1x256x64xf32, #tpu.memory_space<hbm>>
      %dma_wait3A_626 = tpu.memref_squeeze %dma_wait3A_625 : memref<1x256x64xf32, #tpu.memory_space<hbm>> -> memref<256x64xf32, #tpu.memory_space<hbm>>
      %dma_wait3A_627 = arith.constant 0 : i32
      %dma_wait3A_628 = arith.constant 0 : i32
      %dma_wait3A_629 = tpu.memref_slice %arg2[%select_n3A, %dma_wait3A_627, %dma_wait3A_628] : memref<2x4096x4096xf32, #tpu.memory_space<hbm>> -> memref<1x256x64xf32, #tpu.memory_space<hbm>>
      %dma_wait3A_630 = tpu.memref_squeeze %dma_wait3A_629 : memref<1x256x64xf32, #tpu.memory_space<hbm>> -> memref<256x64xf32, #tpu.memory_space<hbm>>
      tpu.wait_dma2 semaphore(%arg12 : memref<!tpu.dma_semaphore, #tpu.memory_space<semaphore_mem>>) src(%dma_wait3A_630 : memref<256x64xf32, #tpu.memory_space<hbm>>) dst(%arg5 : memref<256x64xf32, #tpu.memory_space<vmem>>)
      %mul3A_631 = arith.constant 64 : i32
      %mul3A_632 = arith.muli %scan3A_49, %mul3A_631 : i32
      %add3A_633 = arith.addi %mul3A_32, %mul3A_632 : i32
      %dma_start3A_634 = arith.constant 256 : i32
      %dma_start3A_635 = tpu.memref_slice %arg2[%select_n3A, %dma_start3A_634, %add3A_633] : memref<2x4096x4096xf32, #tpu.memory_space<hbm>> -> memref<1x256x64xf32, #tpu.memory_space<hbm>>
      %dma_start3A_636 = tpu.memref_squeeze %dma_start3A_635 : memref<1x256x64xf32, #tpu.memory_space<hbm>> -> memref<256x64xf32, #tpu.memory_space<hbm>>
      %dma_start3A_637 = arith.constant 256 : i32
      %dma_start3A_638 = tpu.memref_slice %arg2[%select_n3A, %dma_start3A_637, %add3A_633] : memref<2x4096x4096xf32, #tpu.memory_space<hbm>> -> memref<1x256x64xf32, #tpu.memory_space<hbm>>
      %dma_start3A_639 = tpu.memref_squeeze %dma_start3A_638 : memref<1x256x64xf32, #tpu.memory_space<hbm>> -> memref<256x64xf32, #tpu.memory_space<hbm>>
      tpu.enqueue_dma source(%dma_start3A_639 : memref<256x64xf32, #tpu.memory_space<hbm>>) target(%arg6 : memref<256x64xf32, #tpu.memory_space<vmem>>) target_semaphore(%arg13 : memref<!tpu.dma_semaphore, #tpu.memory_space<semaphore_mem>>)
      %parallel_loop3A = arith.constant 0 : i32
      %parallel_loop3A_640 = arith.constant 256 : i32
      %parallel_loop3A_641 = arith.constant 1 : i32
      %parallel_loop3A_642:5 = scf.for %parallel_loop3A_976 = %parallel_loop3A to %parallel_loop3A_640 step %parallel_loop3A_641 iter_args(%parallel_loop3A_977 = %broadcast_in_dim3A_621, %parallel_loop3A_978 = %broadcast_in_dim3A_621, %parallel_loop3A_979 = %broadcast_in_dim3A_621, %parallel_loop3A_980 = %broadcast_in_dim3A_621, %parallel_loop3A_981 = %broadcast_in_dim3A_623) -> (vector<16xi32>, vector<16xi32>, vector<16xi32>, vector<16xi32>, vector<16xi32>)  : i32 {
        %parallel_loop3A_982 = arith.index_cast %parallel_loop3A_976 : i32 to index
        %parallel_loop3A_983 = arith.constant 0 : index
        %parallel_loop3A_984 = tpu.vector_load %arg5[%parallel_loop3A_982, %parallel_loop3A_983] {strides = array<i32>} : memref<256x64xf32, #tpu.memory_space<vmem>>, vector<16xf32>,
        %parallel_loop3A_985 = arith.cmpf ole, %parallel_loop3A_984, %max3A_191 : vector<16xf32>
        %parallel_loop3A_986 = arith.constant 447 : i32
        %parallel_loop3A_987 = vector.broadcast %parallel_loop3A_986 : i32 to vector<16xi32>
        %parallel_loop3A_988 = arith.minsi %parallel_loop3A_977, %parallel_loop3A_987 : vector<16xi32>
        %parallel_loop3A_989 = arith.constant 0 : i32
        %parallel_loop3A_990 = vector.broadcast %parallel_loop3A_989 : i32 to vector<16xi32>
        %parallel_loop3A_991 = arith.addi %iota3A, %parallel_loop3A_990 : vector<16xi32>
        tpu.vector_store_idx %arg8[%parallel_loop3A_991, %parallel_loop3A_988], %parallel_loop3A_984 masked %parallel_loop3A_985 : memref<64x448xf32, #tpu.memory_space<vmem>>[vector<16xi32>, vector<16xi32>], vector<16xf32>, vector<16xi1>
        tpu.vector_store_idx %arg9[%parallel_loop3A_991, %parallel_loop3A_988], %parallel_loop3A_981 masked %parallel_loop3A_985 : memref<64x448xi32, #tpu.memory_space<vmem>>[vector<16xi32>, vector<16xi32>], vector<16xi32>, vector<16xi1>
        %parallel_loop3A_992 = arith.extui %parallel_loop3A_985 : vector<16xi1> to vector<16xi32>
        %parallel_loop3A_993 = arith.addi %parallel_loop3A_977, %parallel_loop3A_992 : vector<16xi32>
        %parallel_loop3A_994 = arith.index_cast %parallel_loop3A_976 : i32 to index
        %parallel_loop3A_995 = arith.constant 16 : index
        %parallel_loop3A_996 = tpu.vector_load %arg5[%parallel_loop3A_994, %parallel_loop3A_995] {strides = array<i32>} : memref<256x64xf32, #tpu.memory_space<vmem>>, vector<16xf32>,
        %parallel_loop3A_997 = arith.cmpf ole, %parallel_loop3A_996, %max3A_334 : vector<16xf32>
        %parallel_loop3A_998 = arith.constant 447 : i32
        %parallel_loop3A_999 = vector.broadcast %parallel_loop3A_998 : i32 to vector<16xi32>
        %parallel_loop3A_1000 = arith.minsi %parallel_loop3A_978, %parallel_loop3A_999 : vector<16xi32>
        %parallel_loop3A_1001 = arith.constant 16 : i32
        %parallel_loop3A_1002 = vector.broadcast %parallel_loop3A_1001 : i32 to vector<16xi32>
        %parallel_loop3A_1003 = arith.addi %iota3A, %parallel_loop3A_1002 : vector<16xi32>
        tpu.vector_store_idx %arg8[%parallel_loop3A_1003, %parallel_loop3A_1000], %parallel_loop3A_996 masked %parallel_loop3A_997 : memref<64x448xf32, #tpu.memory_space<vmem>>[vector<16xi32>, vector<16xi32>], vector<16xf32>, vector<16xi1>
        tpu.vector_store_idx %arg9[%parallel_loop3A_1003, %parallel_loop3A_1000], %parallel_loop3A_981 masked %parallel_loop3A_997 : memref<64x448xi32, #tpu.memory_space<vmem>>[vector<16xi32>, vector<16xi32>], vector<16xi32>, vector<16xi1>
        %parallel_loop3A_1004 = arith.extui %parallel_loop3A_997 : vector<16xi1> to vector<16xi32>
        %parallel_loop3A_1005 = arith.addi %parallel_loop3A_978, %parallel_loop3A_1004 : vector<16xi32>
        %parallel_loop3A_1006 = arith.index_cast %parallel_loop3A_976 : i32 to index
        %parallel_loop3A_1007 = arith.constant 32 : index
        %parallel_loop3A_1008 = tpu.vector_load %arg5[%parallel_loop3A_1006, %parallel_loop3A_1007] {strides = array<i32>} : memref<256x64xf32, #tpu.memory_space<vmem>>, vector<16xf32>,
        %parallel_loop3A_1009 = arith.cmpf ole, %parallel_loop3A_1008, %max3A_477 : vector<16xf32>
        %parallel_loop3A_1010 = arith.constant 447 : i32
        %parallel_loop3A_1011 = vector.broadcast %parallel_loop3A_1010 : i32 to vector<16xi32>
        %parallel_loop3A_1012 = arith.minsi %parallel_loop3A_979, %parallel_loop3A_1011 : vector<16xi32>
        %parallel_loop3A_1013 = arith.constant 32 : i32
        %parallel_loop3A_1014 = vector.broadcast %parallel_loop3A_1013 : i32 to vector<16xi32>
        %parallel_loop3A_1015 = arith.addi %iota3A, %parallel_loop3A_1014 : vector<16xi32>
        tpu.vector_store_idx %arg8[%parallel_loop3A_1015, %parallel_loop3A_1012], %parallel_loop3A_1008 masked %parallel_loop3A_1009 : memref<64x448xf32, #tpu.memory_space<vmem>>[vector<16xi32>, vector<16xi32>], vector<16xf32>, vector<16xi1>
        tpu.vector_store_idx %arg9[%parallel_loop3A_1015, %parallel_loop3A_1012], %parallel_loop3A_981 masked %parallel_loop3A_1009 : memref<64x448xi32, #tpu.memory_space<vmem>>[vector<16xi32>, vector<16xi32>], vector<16xi32>, vector<16xi1>
        %parallel_loop3A_1016 = arith.extui %parallel_loop3A_1009 : vector<16xi1> to vector<16xi32>
        %parallel_loop3A_1017 = arith.addi %parallel_loop3A_979, %parallel_loop3A_1016 : vector<16xi32>
        %parallel_loop3A_1018 = arith.index_cast %parallel_loop3A_976 : i32 to index
        %parallel_loop3A_1019 = arith.constant 48 : index
        %parallel_loop3A_1020 = tpu.vector_load %arg5[%parallel_loop3A_1018, %parallel_loop3A_1019] {strides = array<i32>} : memref<256x64xf32, #tpu.memory_space<vmem>>, vector<16xf32>,
        %parallel_loop3A_1021 = arith.cmpf ole, %parallel_loop3A_1020, %max3A_620 : vector<16xf32>
        %parallel_loop3A_1022 = arith.constant 447 : i32
        %parallel_loop3A_1023 = vector.broadcast %parallel_loop3A_1022 : i32 to vector<16xi32>
        %parallel_loop3A_1024 = arith.minsi %parallel_loop3A_980, %parallel_loop3A_1023 : vector<16xi32>
        %parallel_loop3A_1025 = arith.constant 48 : i32
        %parallel_loop3A_1026 = vector.broadcast %parallel_loop3A_1025 : i32 to vector<16xi32>
        %parallel_loop3A_1027 = arith.addi %iota3A, %parallel_loop3A_1026 : vector<16xi32>
        tpu.vector_store_idx %arg8[%parallel_loop3A_1027, %parallel_loop3A_1024], %parallel_loop3A_1020 masked %parallel_loop3A_1021 : memref<64x448xf32, #tpu.memory_space<vmem>>[vector<16xi32>, vector<16xi32>], vector<16xf32>, vector<16xi1>
        tpu.vector_store_idx %arg9[%parallel_loop3A_1027, %parallel_loop3A_1024], %parallel_loop3A_981 masked %parallel_loop3A_1021 : memref<64x448xi32, #tpu.memory_space<vmem>>[vector<16xi32>, vector<16xi32>], vector<16xi32>, vector<16xi1>
        %parallel_loop3A_1028 = arith.extui %parallel_loop3A_1021 : vector<16xi1> to vector<16xi32>
        %parallel_loop3A_1029 = arith.addi %parallel_loop3A_980, %parallel_loop3A_1028 : vector<16xi32>
        %parallel_loop3A_1030 = arith.constant 1 : i32
        %parallel_loop3A_1031 = vector.broadcast %parallel_loop3A_1030 : i32 to vector<16xi32>
        %parallel_loop3A_1032 = arith.addi %parallel_loop3A_981, %parallel_loop3A_1031 : vector<16xi32>
        scf.yield %parallel_loop3A_993, %parallel_loop3A_1005, %parallel_loop3A_1017, %parallel_loop3A_1029, %parallel_loop3A_1032 : vector<16xi32>, vector<16xi32>, vector<16xi32>, vector<16xi32>, vector<16xi32>
      } {sc.loop_unroll_factor = 8 : i64, sc.parallel_access}
      %dma_wait3A_643 = arith.constant 0 : i32
      %dma_wait3A_644 = arith.constant 0 : i32
      %dma_wait3A_645 = tpu.memref_slice %arg2[%select_n3A, %dma_wait3A_643, %dma_wait3A_644] : memref<2x4096x4096xf32, #tpu.memory_space<hbm>> -> memref<1x256x64xf32, #tpu.memory_space<hbm>>
      %dma_wait3A_646 = tpu.memref_squeeze %dma_wait3A_645 : memref<1x256x64xf32, #tpu.memory_space<hbm>> -> memref<256x64xf32, #tpu.memory_space<hbm>>
      %dma_wait3A_647 = arith.constant 0 : i32
      %dma_wait3A_648 = arith.constant 0 : i32
      %dma_wait3A_649 = tpu.memref_slice %arg2[%select_n3A, %dma_wait3A_647, %dma_wait3A_648] : memref<2x4096x4096xf32, #tpu.memory_space<hbm>> -> memref<1x256x64xf32, #tpu.memory_space<hbm>>
      %dma_wait3A_650 = tpu.memref_squeeze %dma_wait3A_649 : memref<1x256x64xf32, #tpu.memory_space<hbm>> -> memref<256x64xf32, #tpu.memory_space<hbm>>
      tpu.wait_dma2 semaphore(%arg13 : memref<!tpu.dma_semaphore, #tpu.memory_space<semaphore_mem>>) src(%dma_wait3A_650 : memref<256x64xf32, #tpu.memory_space<hbm>>) dst(%arg6 : memref<256x64xf32, #tpu.memory_space<vmem>>)
      %mul3A_651 = arith.constant 64 : i32
      %mul3A_652 = arith.muli %scan3A_49, %mul3A_651 : i32
      %add3A_653 = arith.addi %mul3A_32, %mul3A_652 : i32
      %dma_start3A_654 = arith.constant 512 : i32
      %dma_start3A_655 = tpu.memref_slice %arg2[%select_n3A, %dma_start3A_654, %add3A_653] : memref<2x4096x4096xf32, #tpu.memory_space<hbm>> -> memref<1x256x64xf32, #tpu.memory_space<hbm>>
      %dma_start3A_656 = tpu.memref_squeeze %dma_start3A_655 : memref<1x256x64xf32, #tpu.memory_space<hbm>> -> memref<256x64xf32, #tpu.memory_space<hbm>>
      %dma_start3A_657 = arith.constant 512 : i32
      %dma_start3A_658 = tpu.memref_slice %arg2[%select_n3A, %dma_start3A_657, %add3A_653] : memref<2x4096x4096xf32, #tpu.memory_space<hbm>> -> memref<1x256x64xf32, #tpu.memory_space<hbm>>
      %dma_start3A_659 = tpu.memref_squeeze %dma_start3A_658 : memref<1x256x64xf32, #tpu.memory_space<hbm>> -> memref<256x64xf32, #tpu.memory_space<hbm>>
      tpu.enqueue_dma source(%dma_start3A_659 : memref<256x64xf32, #tpu.memory_space<hbm>>) target(%arg5 : memref<256x64xf32, #tpu.memory_space<vmem>>) target_semaphore(%arg12 : memref<!tpu.dma_semaphore, #tpu.memory_space<semaphore_mem>>)
      %parallel_loop3A_660 = arith.constant 0 : i32
      %parallel_loop3A_661 = arith.constant 256 : i32
      %parallel_loop3A_662 = arith.constant 1 : i32
      %parallel_loop3A_663:5 = scf.for %parallel_loop3A_976 = %parallel_loop3A_660 to %parallel_loop3A_661 step %parallel_loop3A_662 iter_args(%parallel_loop3A_977 = %parallel_loop3A_642#0, %parallel_loop3A_978 = %parallel_loop3A_642#1, %parallel_loop3A_979 = %parallel_loop3A_642#2, %parallel_loop3A_980 = %parallel_loop3A_642#3, %parallel_loop3A_981 = %parallel_loop3A_642#4) -> (vector<16xi32>, vector<16xi32>, vector<16xi32>, vector<16xi32>, vector<16xi32>)  : i32 {
        %parallel_loop3A_982 = arith.index_cast %parallel_loop3A_976 : i32 to index
        %parallel_loop3A_983 = arith.constant 0 : index
        %parallel_loop3A_984 = tpu.vector_load %arg6[%parallel_loop3A_982, %parallel_loop3A_983] {strides = array<i32>} : memref<256x64xf32, #tpu.memory_space<vmem>>, vector<16xf32>,
        %parallel_loop3A_985 = arith.cmpf ole, %parallel_loop3A_984, %max3A_191 : vector<16xf32>
        %parallel_loop3A_986 = arith.constant 447 : i32
        %parallel_loop3A_987 = vector.broadcast %parallel_loop3A_986 : i32 to vector<16xi32>
        %parallel_loop3A_988 = arith.minsi %parallel_loop3A_977, %parallel_loop3A_987 : vector<16xi32>
        %parallel_loop3A_989 = arith.constant 0 : i32
        %parallel_loop3A_990 = vector.broadcast %parallel_loop3A_989 : i32 to vector<16xi32>
        %parallel_loop3A_991 = arith.addi %iota3A, %parallel_loop3A_990 : vector<16xi32>
        tpu.vector_store_idx %arg8[%parallel_loop3A_991, %parallel_loop3A_988], %parallel_loop3A_984 masked %parallel_loop3A_985 : memref<64x448xf32, #tpu.memory_space<vmem>>[vector<16xi32>, vector<16xi32>], vector<16xf32>, vector<16xi1>
        tpu.vector_store_idx %arg9[%parallel_loop3A_991, %parallel_loop3A_988], %parallel_loop3A_981 masked %parallel_loop3A_985 : memref<64x448xi32, #tpu.memory_space<vmem>>[vector<16xi32>, vector<16xi32>], vector<16xi32>, vector<16xi1>
        %parallel_loop3A_992 = arith.extui %parallel_loop3A_985 : vector<16xi1> to vector<16xi32>
        %parallel_loop3A_993 = arith.addi %parallel_loop3A_977, %parallel_loop3A_992 : vector<16xi32>
        %parallel_loop3A_994 = arith.index_cast %parallel_loop3A_976 : i32 to index
        %parallel_loop3A_995 = arith.constant 16 : index
        %parallel_loop3A_996 = tpu.vector_load %arg6[%parallel_loop3A_994, %parallel_loop3A_995] {strides = array<i32>} : memref<256x64xf32, #tpu.memory_space<vmem>>, vector<16xf32>,
        %parallel_loop3A_997 = arith.cmpf ole, %parallel_loop3A_996, %max3A_334 : vector<16xf32>
        %parallel_loop3A_998 = arith.constant 447 : i32
        %parallel_loop3A_999 = vector.broadcast %parallel_loop3A_998 : i32 to vector<16xi32>
        %parallel_loop3A_1000 = arith.minsi %parallel_loop3A_978, %parallel_loop3A_999 : vector<16xi32>
        %parallel_loop3A_1001 = arith.constant 16 : i32
        %parallel_loop3A_1002 = vector.broadcast %parallel_loop3A_1001 : i32 to vector<16xi32>
        %parallel_loop3A_1003 = arith.addi %iota3A, %parallel_loop3A_1002 : vector<16xi32>
        tpu.vector_store_idx %arg8[%parallel_loop3A_1003, %parallel_loop3A_1000], %parallel_loop3A_996 masked %parallel_loop3A_997 : memref<64x448xf32, #tpu.memory_space<vmem>>[vector<16xi32>, vector<16xi32>], vector<16xf32>, vector<16xi1>
        tpu.vector_store_idx %arg9[%parallel_loop3A_1003, %parallel_loop3A_1000], %parallel_loop3A_981 masked %parallel_loop3A_997 : memref<64x448xi32, #tpu.memory_space<vmem>>[vector<16xi32>, vector<16xi32>], vector<16xi32>, vector<16xi1>
        %parallel_loop3A_1004 = arith.extui %parallel_loop3A_997 : vector<16xi1> to vector<16xi32>
        %parallel_loop3A_1005 = arith.addi %parallel_loop3A_978, %parallel_loop3A_1004 : vector<16xi32>
        %parallel_loop3A_1006 = arith.index_cast %parallel_loop3A_976 : i32 to index
        %parallel_loop3A_1007 = arith.constant 32 : index
        %parallel_loop3A_1008 = tpu.vector_load %arg6[%parallel_loop3A_1006, %parallel_loop3A_1007] {strides = array<i32>} : memref<256x64xf32, #tpu.memory_space<vmem>>, vector<16xf32>,
        %parallel_loop3A_1009 = arith.cmpf ole, %parallel_loop3A_1008, %max3A_477 : vector<16xf32>
        %parallel_loop3A_1010 = arith.constant 447 : i32
        %parallel_loop3A_1011 = vector.broadcast %parallel_loop3A_1010 : i32 to vector<16xi32>
        %parallel_loop3A_1012 = arith.minsi %parallel_loop3A_979, %parallel_loop3A_1011 : vector<16xi32>
        %parallel_loop3A_1013 = arith.constant 32 : i32
        %parallel_loop3A_1014 = vector.broadcast %parallel_loop3A_1013 : i32 to vector<16xi32>
        %parallel_loop3A_1015 = arith.addi %iota3A, %parallel_loop3A_1014 : vector<16xi32>
        tpu.vector_store_idx %arg8[%parallel_loop3A_1015, %parallel_loop3A_1012], %parallel_loop3A_1008 masked %parallel_loop3A_1009 : memref<64x448xf32, #tpu.memory_space<vmem>>[vector<16xi32>, vector<16xi32>], vector<16xf32>, vector<16xi1>
        tpu.vector_store_idx %arg9[%parallel_loop3A_1015, %parallel_loop3A_1012], %parallel_loop3A_981 masked %parallel_loop3A_1009 : memref<64x448xi32, #tpu.memory_space<vmem>>[vector<16xi32>, vector<16xi32>], vector<16xi32>, vector<16xi1>
        %parallel_loop3A_1016 = arith.extui %parallel_loop3A_1009 : vector<16xi1> to vector<16xi32>
        %parallel_loop3A_1017 = arith.addi %parallel_loop3A_979, %parallel_loop3A_1016 : vector<16xi32>
        %parallel_loop3A_1018 = arith.index_cast %parallel_loop3A_976 : i32 to index
        %parallel_loop3A_1019 = arith.constant 48 : index
        %parallel_loop3A_1020 = tpu.vector_load %arg6[%parallel_loop3A_1018, %parallel_loop3A_1019] {strides = array<i32>} : memref<256x64xf32, #tpu.memory_space<vmem>>, vector<16xf32>,
        %parallel_loop3A_1021 = arith.cmpf ole, %parallel_loop3A_1020, %max3A_620 : vector<16xf32>
        %parallel_loop3A_1022 = arith.constant 447 : i32
        %parallel_loop3A_1023 = vector.broadcast %parallel_loop3A_1022 : i32 to vector<16xi32>
        %parallel_loop3A_1024 = arith.minsi %parallel_loop3A_980, %parallel_loop3A_1023 : vector<16xi32>
        %parallel_loop3A_1025 = arith.constant 48 : i32
        %parallel_loop3A_1026 = vector.broadcast %parallel_loop3A_1025 : i32 to vector<16xi32>
        %parallel_loop3A_1027 = arith.addi %iota3A, %parallel_loop3A_1026 : vector<16xi32>
        tpu.vector_store_idx %arg8[%parallel_loop3A_1027, %parallel_loop3A_1024], %parallel_loop3A_1020 masked %parallel_loop3A_1021 : memref<64x448xf32, #tpu.memory_space<vmem>>[vector<16xi32>, vector<16xi32>], vector<16xf32>, vector<16xi1>
        tpu.vector_store_idx %arg9[%parallel_loop3A_1027, %parallel_loop3A_1024], %parallel_loop3A_981 masked %parallel_loop3A_1021 : memref<64x448xi32, #tpu.memory_space<vmem>>[vector<16xi32>, vector<16xi32>], vector<16xi32>, vector<16xi1>
        %parallel_loop3A_1028 = arith.extui %parallel_loop3A_1021 : vector<16xi1> to vector<16xi32>
        %parallel_loop3A_1029 = arith.addi %parallel_loop3A_980, %parallel_loop3A_1028 : vector<16xi32>
        %parallel_loop3A_1030 = arith.constant 1 : i32
        %parallel_loop3A_1031 = vector.broadcast %parallel_loop3A_1030 : i32 to vector<16xi32>
        %parallel_loop3A_1032 = arith.addi %parallel_loop3A_981, %parallel_loop3A_1031 : vector<16xi32>
        scf.yield %parallel_loop3A_993, %parallel_loop3A_1005, %parallel_loop3A_1017, %parallel_loop3A_1029, %parallel_loop3A_1032 : vector<16xi32>, vector<16xi32>, vector<16xi32>, vector<16xi32>, vector<16xi32>
      } {sc.loop_unroll_factor = 8 : i64, sc.parallel_access}
      %dma_wait3A_664 = arith.constant 0 : i32
      %dma_wait3A_665 = arith.constant 0 : i32
      %dma_wait3A_666 = tpu.memref_slice %arg2[%select_n3A, %dma_wait3A_664, %dma_wait3A_665] : memref<2x4096x4096xf32, #tpu.memory_space<hbm>> -> memref<1x256x64xf32, #tpu.memory_space<hbm>>
      %dma_wait3A_667 = tpu.memref_squeeze %dma_wait3A_666 : memref<1x256x64xf32, #tpu.memory_space<hbm>> -> memref<256x64xf32, #tpu.memory_space<hbm>>
      %dma_wait3A_668 = arith.constant 0 : i32
      %dma_wait3A_669 = arith.constant 0 : i32
      %dma_wait3A_670 = tpu.memref_slice %arg2[%select_n3A, %dma_wait3A_668, %dma_wait3A_669] : memref<2x4096x4096xf32, #tpu.memory_space<hbm>> -> memref<1x256x64xf32, #tpu.memory_space<hbm>>
      %dma_wait3A_671 = tpu.memref_squeeze %dma_wait3A_670 : memref<1x256x64xf32, #tpu.memory_space<hbm>> -> memref<256x64xf32, #tpu.memory_space<hbm>>
      tpu.wait_dma2 semaphore(%arg12 : memref<!tpu.dma_semaphore, #tpu.memory_space<semaphore_mem>>) src(%dma_wait3A_671 : memref<256x64xf32, #tpu.memory_space<hbm>>) dst(%arg5 : memref<256x64xf32, #tpu.memory_space<vmem>>)
      %mul3A_672 = arith.constant 64 : i32
      %mul3A_673 = arith.muli %scan3A_49, %mul3A_672 : i32
      %add3A_674 = arith.addi %mul3A_32, %mul3A_673 : i32
      %dma_start3A_675 = arith.constant 768 : i32
      %dma_start3A_676 = tpu.memref_slice %arg2[%select_n3A, %dma_start3A_675, %add3A_674] : memref<2x4096x4096xf32, #tpu.memory_space<hbm>> -> memref<1x256x64xf32, #tpu.memory_space<hbm>>
      %dma_start3A_677 = tpu.memref_squeeze %dma_start3A_676 : memref<1x256x64xf32, #tpu.memory_space<hbm>> -> memref<256x64xf32, #tpu.memory_space<hbm>>
      %dma_start3A_678 = arith.constant 768 : i32
      %dma_start3A_679 = tpu.memref_slice %arg2[%select_n3A, %dma_start3A_678, %add3A_674] : memref<2x4096x4096xf32, #tpu.memory_space<hbm>> -> memref<1x256x64xf32, #tpu.memory_space<hbm>>
      %dma_start3A_680 = tpu.memref_squeeze %dma_start3A_679 : memref<1x256x64xf32, #tpu.memory_space<hbm>> -> memref<256x64xf32, #tpu.memory_space<hbm>>
      tpu.enqueue_dma source(%dma_start3A_680 : memref<256x64xf32, #tpu.memory_space<hbm>>) target(%arg6 : memref<256x64xf32, #tpu.memory_space<vmem>>) target_semaphore(%arg13 : memref<!tpu.dma_semaphore, #tpu.memory_space<semaphore_mem>>)
      %parallel_loop3A_681 = arith.constant 0 : i32
      %parallel_loop3A_682 = arith.constant 256 : i32
      %parallel_loop3A_683 = arith.constant 1 : i32
      %parallel_loop3A_684:5 = scf.for %parallel_loop3A_976 = %parallel_loop3A_681 to %parallel_loop3A_682 step %parallel_loop3A_683 iter_args(%parallel_loop3A_977 = %parallel_loop3A_663#0, %parallel_loop3A_978 = %parallel_loop3A_663#1, %parallel_loop3A_979 = %parallel_loop3A_663#2, %parallel_loop3A_980 = %parallel_loop3A_663#3, %parallel_loop3A_981 = %parallel_loop3A_663#4) -> (vector<16xi32>, vector<16xi32>, vector<16xi32>, vector<16xi32>, vector<16xi32>)  : i32 {
        %parallel_loop3A_982 = arith.index_cast %parallel_loop3A_976 : i32 to index
        %parallel_loop3A_983 = arith.constant 0 : index
        %parallel_loop3A_984 = tpu.vector_load %arg5[%parallel_loop3A_982, %parallel_loop3A_983] {strides = array<i32>} : memref<256x64xf32, #tpu.memory_space<vmem>>, vector<16xf32>,
        %parallel_loop3A_985 = arith.cmpf ole, %parallel_loop3A_984, %max3A_191 : vector<16xf32>
        %parallel_loop3A_986 = arith.constant 447 : i32
        %parallel_loop3A_987 = vector.broadcast %parallel_loop3A_986 : i32 to vector<16xi32>
        %parallel_loop3A_988 = arith.minsi %parallel_loop3A_977, %parallel_loop3A_987 : vector<16xi32>
        %parallel_loop3A_989 = arith.constant 0 : i32
        %parallel_loop3A_990 = vector.broadcast %parallel_loop3A_989 : i32 to vector<16xi32>
        %parallel_loop3A_991 = arith.addi %iota3A, %parallel_loop3A_990 : vector<16xi32>
        tpu.vector_store_idx %arg8[%parallel_loop3A_991, %parallel_loop3A_988], %parallel_loop3A_984 masked %parallel_loop3A_985 : memref<64x448xf32, #tpu.memory_space<vmem>>[vector<16xi32>, vector<16xi32>], vector<16xf32>, vector<16xi1>
        tpu.vector_store_idx %arg9[%parallel_loop3A_991, %parallel_loop3A_988], %parallel_loop3A_981 masked %parallel_loop3A_985 : memref<64x448xi32, #tpu.memory_space<vmem>>[vector<16xi32>, vector<16xi32>], vector<16xi32>, vector<16xi1>
        %parallel_loop3A_992 = arith.extui %parallel_loop3A_985 : vector<16xi1> to vector<16xi32>
        %parallel_loop3A_993 = arith.addi %parallel_loop3A_977, %parallel_loop3A_992 : vector<16xi32>
        %parallel_loop3A_994 = arith.index_cast %parallel_loop3A_976 : i32 to index
        %parallel_loop3A_995 = arith.constant 16 : index
        %parallel_loop3A_996 = tpu.vector_load %arg5[%parallel_loop3A_994, %parallel_loop3A_995] {strides = array<i32>} : memref<256x64xf32, #tpu.memory_space<vmem>>, vector<16xf32>,
        %parallel_loop3A_997 = arith.cmpf ole, %parallel_loop3A_996, %max3A_334 : vector<16xf32>
        %parallel_loop3A_998 = arith.constant 447 : i32
        %parallel_loop3A_999 = vector.broadcast %parallel_loop3A_998 : i32 to vector<16xi32>
        %parallel_loop3A_1000 = arith.minsi %parallel_loop3A_978, %parallel_loop3A_999 : vector<16xi32>
        %parallel_loop3A_1001 = arith.constant 16 : i32
        %parallel_loop3A_1002 = vector.broadcast %parallel_loop3A_1001 : i32 to vector<16xi32>
        %parallel_loop3A_1003 = arith.addi %iota3A, %parallel_loop3A_1002 : vector<16xi32>
        tpu.vector_store_idx %arg8[%parallel_loop3A_1003, %parallel_loop3A_1000], %parallel_loop3A_996 masked %parallel_loop3A_997 : memref<64x448xf32, #tpu.memory_space<vmem>>[vector<16xi32>, vector<16xi32>], vector<16xf32>, vector<16xi1>
        tpu.vector_store_idx %arg9[%parallel_loop3A_1003, %parallel_loop3A_1000], %parallel_loop3A_981 masked %parallel_loop3A_997 : memref<64x448xi32, #tpu.memory_space<vmem>>[vector<16xi32>, vector<16xi32>], vector<16xi32>, vector<16xi1>
        %parallel_loop3A_1004 = arith.extui %parallel_loop3A_997 : vector<16xi1> to vector<16xi32>
        %parallel_loop3A_1005 = arith.addi %parallel_loop3A_978, %parallel_loop3A_1004 : vector<16xi32>
        %parallel_loop3A_1006 = arith.index_cast %parallel_loop3A_976 : i32 to index
        %parallel_loop3A_1007 = arith.constant 32 : index
        %parallel_loop3A_1008 = tpu.vector_load %arg5[%parallel_loop3A_1006, %parallel_loop3A_1007] {strides = array<i32>} : memref<256x64xf32, #tpu.memory_space<vmem>>, vector<16xf32>,
        %parallel_loop3A_1009 = arith.cmpf ole, %parallel_loop3A_1008, %max3A_477 : vector<16xf32>
        %parallel_loop3A_1010 = arith.constant 447 : i32
        %parallel_loop3A_1011 = vector.broadcast %parallel_loop3A_1010 : i32 to vector<16xi32>
        %parallel_loop3A_1012 = arith.minsi %parallel_loop3A_979, %parallel_loop3A_1011 : vector<16xi32>
        %parallel_loop3A_1013 = arith.constant 32 : i32
        %parallel_loop3A_1014 = vector.broadcast %parallel_loop3A_1013 : i32 to vector<16xi32>
        %parallel_loop3A_1015 = arith.addi %iota3A, %parallel_loop3A_1014 : vector<16xi32>
        tpu.vector_store_idx %arg8[%parallel_loop3A_1015, %parallel_loop3A_1012], %parallel_loop3A_1008 masked %parallel_loop3A_1009 : memref<64x448xf32, #tpu.memory_space<vmem>>[vector<16xi32>, vector<16xi32>], vector<16xf32>, vector<16xi1>
        tpu.vector_store_idx %arg9[%parallel_loop3A_1015, %parallel_loop3A_1012], %parallel_loop3A_981 masked %parallel_loop3A_1009 : memref<64x448xi32, #tpu.memory_space<vmem>>[vector<16xi32>, vector<16xi32>], vector<16xi32>, vector<16xi1>
        %parallel_loop3A_1016 = arith.extui %parallel_loop3A_1009 : vector<16xi1> to vector<16xi32>
        %parallel_loop3A_1017 = arith.addi %parallel_loop3A_979, %parallel_loop3A_1016 : vector<16xi32>
        %parallel_loop3A_1018 = arith.index_cast %parallel_loop3A_976 : i32 to index
        %parallel_loop3A_1019 = arith.constant 48 : index
        %parallel_loop3A_1020 = tpu.vector_load %arg5[%parallel_loop3A_1018, %parallel_loop3A_1019] {strides = array<i32>} : memref<256x64xf32, #tpu.memory_space<vmem>>, vector<16xf32>,
        %parallel_loop3A_1021 = arith.cmpf ole, %parallel_loop3A_1020, %max3A_620 : vector<16xf32>
        %parallel_loop3A_1022 = arith.constant 447 : i32
        %parallel_loop3A_1023 = vector.broadcast %parallel_loop3A_1022 : i32 to vector<16xi32>
        %parallel_loop3A_1024 = arith.minsi %parallel_loop3A_980, %parallel_loop3A_1023 : vector<16xi32>
        %parallel_loop3A_1025 = arith.constant 48 : i32
        %parallel_loop3A_1026 = vector.broadcast %parallel_loop3A_1025 : i32 to vector<16xi32>
        %parallel_loop3A_1027 = arith.addi %iota3A, %parallel_loop3A_1026 : vector<16xi32>
        tpu.vector_store_idx %arg8[%parallel_loop3A_1027, %parallel_loop3A_1024], %parallel_loop3A_1020 masked %parallel_loop3A_1021 : memref<64x448xf32, #tpu.memory_space<vmem>>[vector<16xi32>, vector<16xi32>], vector<16xf32>, vector<16xi1>
        tpu.vector_store_idx %arg9[%parallel_loop3A_1027, %parallel_loop3A_1024], %parallel_loop3A_981 masked %parallel_loop3A_1021 : memref<64x448xi32, #tpu.memory_space<vmem>>[vector<16xi32>, vector<16xi32>], vector<16xi32>, vector<16xi1>
        %parallel_loop3A_1028 = arith.extui %parallel_loop3A_1021 : vector<16xi1> to vector<16xi32>
        %parallel_loop3A_1029 = arith.addi %parallel_loop3A_980, %parallel_loop3A_1028 : vector<16xi32>
        %parallel_loop3A_1030 = arith.constant 1 : i32
        %parallel_loop3A_1031 = vector.broadcast %parallel_loop3A_1030 : i32 to vector<16xi32>
        %parallel_loop3A_1032 = arith.addi %parallel_loop3A_981, %parallel_loop3A_1031 : vector<16xi32>
        scf.yield %parallel_loop3A_993, %parallel_loop3A_1005, %parallel_loop3A_1017, %parallel_loop3A_1029, %parallel_loop3A_1032 : vector<16xi32>, vector<16xi32>, vector<16xi32>, vector<16xi32>, vector<16xi32>
      } {sc.loop_unroll_factor = 8 : i64, sc.parallel_access}
      %dma_wait3A_685 = arith.constant 0 : i32
      %dma_wait3A_686 = arith.constant 0 : i32
      %dma_wait3A_687 = tpu.memref_slice %arg2[%select_n3A, %dma_wait3A_685, %dma_wait3A_686] : memref<2x4096x4096xf32, #tpu.memory_space<hbm>> -> memref<1x256x64xf32, #tpu.memory_space<hbm>>
      %dma_wait3A_688 = tpu.memref_squeeze %dma_wait3A_687 : memref<1x256x64xf32, #tpu.memory_space<hbm>> -> memref<256x64xf32, #tpu.memory_space<hbm>>
      %dma_wait3A_689 = arith.constant 0 : i32
      %dma_wait3A_690 = arith.constant 0 : i32
      %dma_wait3A_691 = tpu.memref_slice %arg2[%select_n3A, %dma_wait3A_689, %dma_wait3A_690] : memref<2x4096x4096xf32, #tpu.memory_space<hbm>> -> memref<1x256x64xf32, #tpu.memory_space<hbm>>
      %dma_wait3A_692 = tpu.memref_squeeze %dma_wait3A_691 : memref<1x256x64xf32, #tpu.memory_space<hbm>> -> memref<256x64xf32, #tpu.memory_space<hbm>>
      tpu.wait_dma2 semaphore(%arg13 : memref<!tpu.dma_semaphore, #tpu.memory_space<semaphore_mem>>) src(%dma_wait3A_692 : memref<256x64xf32, #tpu.memory_space<hbm>>) dst(%arg6 : memref<256x64xf32, #tpu.memory_space<vmem>>)
      %mul3A_693 = arith.constant 64 : i32
      %mul3A_694 = arith.muli %scan3A_49, %mul3A_693 : i32
      %add3A_695 = arith.addi %mul3A_32, %mul3A_694 : i32
      %dma_start3A_696 = arith.constant 1024 : i32
      %dma_start3A_697 = tpu.memref_slice %arg2[%select_n3A, %dma_start3A_696, %add3A_695] : memref<2x4096x4096xf32, #tpu.memory_space<hbm>> -> memref<1x256x64xf32, #tpu.memory_space<hbm>>
      %dma_start3A_698 = tpu.memref_squeeze %dma_start3A_697 : memref<1x256x64xf32, #tpu.memory_space<hbm>> -> memref<256x64xf32, #tpu.memory_space<hbm>>
      %dma_start3A_699 = arith.constant 1024 : i32
      %dma_start3A_700 = tpu.memref_slice %arg2[%select_n3A, %dma_start3A_699, %add3A_695] : memref<2x4096x4096xf32, #tpu.memory_space<hbm>> -> memref<1x256x64xf32, #tpu.memory_space<hbm>>
      %dma_start3A_701 = tpu.memref_squeeze %dma_start3A_700 : memref<1x256x64xf32, #tpu.memory_space<hbm>> -> memref<256x64xf32, #tpu.memory_space<hbm>>
      tpu.enqueue_dma source(%dma_start3A_701 : memref<256x64xf32, #tpu.memory_space<hbm>>) target(%arg5 : memref<256x64xf32, #tpu.memory_space<vmem>>) target_semaphore(%arg12 : memref<!tpu.dma_semaphore, #tpu.memory_space<semaphore_mem>>)
      %parallel_loop3A_702 = arith.constant 0 : i32
      %parallel_loop3A_703 = arith.constant 256 : i32
      %parallel_loop3A_704 = arith.constant 1 : i32
      %parallel_loop3A_705:5 = scf.for %parallel_loop3A_976 = %parallel_loop3A_702 to %parallel_loop3A_703 step %parallel_loop3A_704 iter_args(%parallel_loop3A_977 = %parallel_loop3A_684#0, %parallel_loop3A_978 = %parallel_loop3A_684#1, %parallel_loop3A_979 = %parallel_loop3A_684#2, %parallel_loop3A_980 = %parallel_loop3A_684#3, %parallel_loop3A_981 = %parallel_loop3A_684#4) -> (vector<16xi32>, vector<16xi32>, vector<16xi32>, vector<16xi32>, vector<16xi32>)  : i32 {
        %parallel_loop3A_982 = arith.index_cast %parallel_loop3A_976 : i32 to index
        %parallel_loop3A_983 = arith.constant 0 : index
        %parallel_loop3A_984 = tpu.vector_load %arg6[%parallel_loop3A_982, %parallel_loop3A_983] {strides = array<i32>} : memref<256x64xf32, #tpu.memory_space<vmem>>, vector<16xf32>,
        %parallel_loop3A_985 = arith.cmpf ole, %parallel_loop3A_984, %max3A_191 : vector<16xf32>
        %parallel_loop3A_986 = arith.constant 447 : i32
        %parallel_loop3A_987 = vector.broadcast %parallel_loop3A_986 : i32 to vector<16xi32>
        %parallel_loop3A_988 = arith.minsi %parallel_loop3A_977, %parallel_loop3A_987 : vector<16xi32>
        %parallel_loop3A_989 = arith.constant 0 : i32
        %parallel_loop3A_990 = vector.broadcast %parallel_loop3A_989 : i32 to vector<16xi32>
        %parallel_loop3A_991 = arith.addi %iota3A, %parallel_loop3A_990 : vector<16xi32>
        tpu.vector_store_idx %arg8[%parallel_loop3A_991, %parallel_loop3A_988], %parallel_loop3A_984 masked %parallel_loop3A_985 : memref<64x448xf32, #tpu.memory_space<vmem>>[vector<16xi32>, vector<16xi32>], vector<16xf32>, vector<16xi1>
        tpu.vector_store_idx %arg9[%parallel_loop3A_991, %parallel_loop3A_988], %parallel_loop3A_981 masked %parallel_loop3A_985 : memref<64x448xi32, #tpu.memory_space<vmem>>[vector<16xi32>, vector<16xi32>], vector<16xi32>, vector<16xi1>
        %parallel_loop3A_992 = arith.extui %parallel_loop3A_985 : vector<16xi1> to vector<16xi32>
        %parallel_loop3A_993 = arith.addi %parallel_loop3A_977, %parallel_loop3A_992 : vector<16xi32>
        %parallel_loop3A_994 = arith.index_cast %parallel_loop3A_976 : i32 to index
        %parallel_loop3A_995 = arith.constant 16 : index
        %parallel_loop3A_996 = tpu.vector_load %arg6[%parallel_loop3A_994, %parallel_loop3A_995] {strides = array<i32>} : memref<256x64xf32, #tpu.memory_space<vmem>>, vector<16xf32>,
        %parallel_loop3A_997 = arith.cmpf ole, %parallel_loop3A_996, %max3A_334 : vector<16xf32>
        %parallel_loop3A_998 = arith.constant 447 : i32
        %parallel_loop3A_999 = vector.broadcast %parallel_loop3A_998 : i32 to vector<16xi32>
        %parallel_loop3A_1000 = arith.minsi %parallel_loop3A_978, %parallel_loop3A_999 : vector<16xi32>
        %parallel_loop3A_1001 = arith.constant 16 : i32
        %parallel_loop3A_1002 = vector.broadcast %parallel_loop3A_1001 : i32 to vector<16xi32>
        %parallel_loop3A_1003 = arith.addi %iota3A, %parallel_loop3A_1002 : vector<16xi32>
        tpu.vector_store_idx %arg8[%parallel_loop3A_1003, %parallel_loop3A_1000], %parallel_loop3A_996 masked %parallel_loop3A_997 : memref<64x448xf32, #tpu.memory_space<vmem>>[vector<16xi32>, vector<16xi32>], vector<16xf32>, vector<16xi1>
        tpu.vector_store_idx %arg9[%parallel_loop3A_1003, %parallel_loop3A_1000], %parallel_loop3A_981 masked %parallel_loop3A_997 : memref<64x448xi32, #tpu.memory_space<vmem>>[vector<16xi32>, vector<16xi32>], vector<16xi32>, vector<16xi1>
        %parallel_loop3A_1004 = arith.extui %parallel_loop3A_997 : vector<16xi1> to vector<16xi32>
        %parallel_loop3A_1005 = arith.addi %parallel_loop3A_978, %parallel_loop3A_1004 : vector<16xi32>
        %parallel_loop3A_1006 = arith.index_cast %parallel_loop3A_976 : i32 to index
        %parallel_loop3A_1007 = arith.constant 32 : index
        %parallel_loop3A_1008 = tpu.vector_load %arg6[%parallel_loop3A_1006, %parallel_loop3A_1007] {strides = array<i32>} : memref<256x64xf32, #tpu.memory_space<vmem>>, vector<16xf32>,
        %parallel_loop3A_1009 = arith.cmpf ole, %parallel_loop3A_1008, %max3A_477 : vector<16xf32>
        %parallel_loop3A_1010 = arith.constant 447 : i32
        %parallel_loop3A_1011 = vector.broadcast %parallel_loop3A_1010 : i32 to vector<16xi32>
        %parallel_loop3A_1012 = arith.minsi %parallel_loop3A_979, %parallel_loop3A_1011 : vector<16xi32>
        %parallel_loop3A_1013 = arith.constant 32 : i32
        %parallel_loop3A_1014 = vector.broadcast %parallel_loop3A_1013 : i32 to vector<16xi32>
        %parallel_loop3A_1015 = arith.addi %iota3A, %parallel_loop3A_1014 : vector<16xi32>
        tpu.vector_store_idx %arg8[%parallel_loop3A_1015, %parallel_loop3A_1012], %parallel_loop3A_1008 masked %parallel_loop3A_1009 : memref<64x448xf32, #tpu.memory_space<vmem>>[vector<16xi32>, vector<16xi32>], vector<16xf32>, vector<16xi1>
        tpu.vector_store_idx %arg9[%parallel_loop3A_1015, %parallel_loop3A_1012], %parallel_loop3A_981 masked %parallel_loop3A_1009 : memref<64x448xi32, #tpu.memory_space<vmem>>[vector<16xi32>, vector<16xi32>], vector<16xi32>, vector<16xi1>
        %parallel_loop3A_1016 = arith.extui %parallel_loop3A_1009 : vector<16xi1> to vector<16xi32>
        %parallel_loop3A_1017 = arith.addi %parallel_loop3A_979, %parallel_loop3A_1016 : vector<16xi32>
        %parallel_loop3A_1018 = arith.index_cast %parallel_loop3A_976 : i32 to index
        %parallel_loop3A_1019 = arith.constant 48 : index
        %parallel_loop3A_1020 = tpu.vector_load %arg6[%parallel_loop3A_1018, %parallel_loop3A_1019] {strides = array<i32>} : memref<256x64xf32, #tpu.memory_space<vmem>>, vector<16xf32>,
        %parallel_loop3A_1021 = arith.cmpf ole, %parallel_loop3A_1020, %max3A_620 : vector<16xf32>
        %parallel_loop3A_1022 = arith.constant 447 : i32
        %parallel_loop3A_1023 = vector.broadcast %parallel_loop3A_1022 : i32 to vector<16xi32>
        %parallel_loop3A_1024 = arith.minsi %parallel_loop3A_980, %parallel_loop3A_1023 : vector<16xi32>
        %parallel_loop3A_1025 = arith.constant 48 : i32
        %parallel_loop3A_1026 = vector.broadcast %parallel_loop3A_1025 : i32 to vector<16xi32>
        %parallel_loop3A_1027 = arith.addi %iota3A, %parallel_loop3A_1026 : vector<16xi32>
        tpu.vector_store_idx %arg8[%parallel_loop3A_1027, %parallel_loop3A_1024], %parallel_loop3A_1020 masked %parallel_loop3A_1021 : memref<64x448xf32, #tpu.memory_space<vmem>>[vector<16xi32>, vector<16xi32>], vector<16xf32>, vector<16xi1>
        tpu.vector_store_idx %arg9[%parallel_loop3A_1027, %parallel_loop3A_1024], %parallel_loop3A_981 masked %parallel_loop3A_1021 : memref<64x448xi32, #tpu.memory_space<vmem>>[vector<16xi32>, vector<16xi32>], vector<16xi32>, vector<16xi1>
        %parallel_loop3A_1028 = arith.extui %parallel_loop3A_1021 : vector<16xi1> to vector<16xi32>
        %parallel_loop3A_1029 = arith.addi %parallel_loop3A_980, %parallel_loop3A_1028 : vector<16xi32>
        %parallel_loop3A_1030 = arith.constant 1 : i32
        %parallel_loop3A_1031 = vector.broadcast %parallel_loop3A_1030 : i32 to vector<16xi32>
        %parallel_loop3A_1032 = arith.addi %parallel_loop3A_981, %parallel_loop3A_1031 : vector<16xi32>
        scf.yield %parallel_loop3A_993, %parallel_loop3A_1005, %parallel_loop3A_1017, %parallel_loop3A_1029, %parallel_loop3A_1032 : vector<16xi32>, vector<16xi32>, vector<16xi32>, vector<16xi32>, vector<16xi32>
      } {sc.loop_unroll_factor = 8 : i64, sc.parallel_access}
      %dma_wait3A_706 = arith.constant 0 : i32
      %dma_wait3A_707 = arith.constant 0 : i32
      %dma_wait3A_708 = tpu.memref_slice %arg2[%select_n3A, %dma_wait3A_706, %dma_wait3A_707] : memref<2x4096x4096xf32, #tpu.memory_space<hbm>> -> memref<1x256x64xf32, #tpu.memory_space<hbm>>
      %dma_wait3A_709 = tpu.memref_squeeze %dma_wait3A_708 : memref<1x256x64xf32, #tpu.memory_space<hbm>> -> memref<256x64xf32, #tpu.memory_space<hbm>>
      %dma_wait3A_710 = arith.constant 0 : i32
      %dma_wait3A_711 = arith.constant 0 : i32
      %dma_wait3A_712 = tpu.memref_slice %arg2[%select_n3A, %dma_wait3A_710, %dma_wait3A_711] : memref<2x4096x4096xf32, #tpu.memory_space<hbm>> -> memref<1x256x64xf32, #tpu.memory_space<hbm>>
      %dma_wait3A_713 = tpu.memref_squeeze %dma_wait3A_712 : memref<1x256x64xf32, #tpu.memory_space<hbm>> -> memref<256x64xf32, #tpu.memory_space<hbm>>
      tpu.wait_dma2 semaphore(%arg12 : memref<!tpu.dma_semaphore, #tpu.memory_space<semaphore_mem>>) src(%dma_wait3A_713 : memref<256x64xf32, #tpu.memory_space<hbm>>) dst(%arg5 : memref<256x64xf32, #tpu.memory_space<vmem>>)
      %mul3A_714 = arith.constant 64 : i32
      %mul3A_715 = arith.muli %scan3A_49, %mul3A_714 : i32
      %add3A_716 = arith.addi %mul3A_32, %mul3A_715 : i32
      %dma_start3A_717 = arith.constant 1280 : i32
      %dma_start3A_718 = tpu.memref_slice %arg2[%select_n3A, %dma_start3A_717, %add3A_716] : memref<2x4096x4096xf32, #tpu.memory_space<hbm>> -> memref<1x256x64xf32, #tpu.memory_space<hbm>>
      %dma_start3A_719 = tpu.memref_squeeze %dma_start3A_718 : memref<1x256x64xf32, #tpu.memory_space<hbm>> -> memref<256x64xf32, #tpu.memory_space<hbm>>
      %dma_start3A_720 = arith.constant 1280 : i32
      %dma_start3A_721 = tpu.memref_slice %arg2[%select_n3A, %dma_start3A_720, %add3A_716] : memref<2x4096x4096xf32, #tpu.memory_space<hbm>> -> memref<1x256x64xf32, #tpu.memory_space<hbm>>
      %dma_start3A_722 = tpu.memref_squeeze %dma_start3A_721 : memref<1x256x64xf32, #tpu.memory_space<hbm>> -> memref<256x64xf32, #tpu.memory_space<hbm>>
      tpu.enqueue_dma source(%dma_start3A_722 : memref<256x64xf32, #tpu.memory_space<hbm>>) target(%arg6 : memref<256x64xf32, #tpu.memory_space<vmem>>) target_semaphore(%arg13 : memref<!tpu.dma_semaphore, #tpu.memory_space<semaphore_mem>>)
      %parallel_loop3A_723 = arith.constant 0 : i32
      %parallel_loop3A_724 = arith.constant 256 : i32
      %parallel_loop3A_725 = arith.constant 1 : i32
      %parallel_loop3A_726:5 = scf.for %parallel_loop3A_976 = %parallel_loop3A_723 to %parallel_loop3A_724 step %parallel_loop3A_725 iter_args(%parallel_loop3A_977 = %parallel_loop3A_705#0, %parallel_loop3A_978 = %parallel_loop3A_705#1, %parallel_loop3A_979 = %parallel_loop3A_705#2, %parallel_loop3A_980 = %parallel_loop3A_705#3, %parallel_loop3A_981 = %parallel_loop3A_705#4) -> (vector<16xi32>, vector<16xi32>, vector<16xi32>, vector<16xi32>, vector<16xi32>)  : i32 {
        %parallel_loop3A_982 = arith.index_cast %parallel_loop3A_976 : i32 to index
        %parallel_loop3A_983 = arith.constant 0 : index
        %parallel_loop3A_984 = tpu.vector_load %arg5[%parallel_loop3A_982, %parallel_loop3A_983] {strides = array<i32>} : memref<256x64xf32, #tpu.memory_space<vmem>>, vector<16xf32>,
        %parallel_loop3A_985 = arith.cmpf ole, %parallel_loop3A_984, %max3A_191 : vector<16xf32>
        %parallel_loop3A_986 = arith.constant 447 : i32
        %parallel_loop3A_987 = vector.broadcast %parallel_loop3A_986 : i32 to vector<16xi32>
        %parallel_loop3A_988 = arith.minsi %parallel_loop3A_977, %parallel_loop3A_987 : vector<16xi32>
        %parallel_loop3A_989 = arith.constant 0 : i32
        %parallel_loop3A_990 = vector.broadcast %parallel_loop3A_989 : i32 to vector<16xi32>
        %parallel_loop3A_991 = arith.addi %iota3A, %parallel_loop3A_990 : vector<16xi32>
        tpu.vector_store_idx %arg8[%parallel_loop3A_991, %parallel_loop3A_988], %parallel_loop3A_984 masked %parallel_loop3A_985 : memref<64x448xf32, #tpu.memory_space<vmem>>[vector<16xi32>, vector<16xi32>], vector<16xf32>, vector<16xi1>
        tpu.vector_store_idx %arg9[%parallel_loop3A_991, %parallel_loop3A_988], %parallel_loop3A_981 masked %parallel_loop3A_985 : memref<64x448xi32, #tpu.memory_space<vmem>>[vector<16xi32>, vector<16xi32>], vector<16xi32>, vector<16xi1>
        %parallel_loop3A_992 = arith.extui %parallel_loop3A_985 : vector<16xi1> to vector<16xi32>
        %parallel_loop3A_993 = arith.addi %parallel_loop3A_977, %parallel_loop3A_992 : vector<16xi32>
        %parallel_loop3A_994 = arith.index_cast %parallel_loop3A_976 : i32 to index
        %parallel_loop3A_995 = arith.constant 16 : index
        %parallel_loop3A_996 = tpu.vector_load %arg5[%parallel_loop3A_994, %parallel_loop3A_995] {strides = array<i32>} : memref<256x64xf32, #tpu.memory_space<vmem>>, vector<16xf32>,
        %parallel_loop3A_997 = arith.cmpf ole, %parallel_loop3A_996, %max3A_334 : vector<16xf32>
        %parallel_loop3A_998 = arith.constant 447 : i32
        %parallel_loop3A_999 = vector.broadcast %parallel_loop3A_998 : i32 to vector<16xi32>
        %parallel_loop3A_1000 = arith.minsi %parallel_loop3A_978, %parallel_loop3A_999 : vector<16xi32>
        %parallel_loop3A_1001 = arith.constant 16 : i32
        %parallel_loop3A_1002 = vector.broadcast %parallel_loop3A_1001 : i32 to vector<16xi32>
        %parallel_loop3A_1003 = arith.addi %iota3A, %parallel_loop3A_1002 : vector<16xi32>
        tpu.vector_store_idx %arg8[%parallel_loop3A_1003, %parallel_loop3A_1000], %parallel_loop3A_996 masked %parallel_loop3A_997 : memref<64x448xf32, #tpu.memory_space<vmem>>[vector<16xi32>, vector<16xi32>], vector<16xf32>, vector<16xi1>
        tpu.vector_store_idx %arg9[%parallel_loop3A_1003, %parallel_loop3A_1000], %parallel_loop3A_981 masked %parallel_loop3A_997 : memref<64x448xi32, #tpu.memory_space<vmem>>[vector<16xi32>, vector<16xi32>], vector<16xi32>, vector<16xi1>
        %parallel_loop3A_1004 = arith.extui %parallel_loop3A_997 : vector<16xi1> to vector<16xi32>
        %parallel_loop3A_1005 = arith.addi %parallel_loop3A_978, %parallel_loop3A_1004 : vector<16xi32>
        %parallel_loop3A_1006 = arith.index_cast %parallel_loop3A_976 : i32 to index
        %parallel_loop3A_1007 = arith.constant 32 : index
        %parallel_loop3A_1008 = tpu.vector_load %arg5[%parallel_loop3A_1006, %parallel_loop3A_1007] {strides = array<i32>} : memref<256x64xf32, #tpu.memory_space<vmem>>, vector<16xf32>,
        %parallel_loop3A_1009 = arith.cmpf ole, %parallel_loop3A_1008, %max3A_477 : vector<16xf32>
        %parallel_loop3A_1010 = arith.constant 447 : i32
        %parallel_loop3A_1011 = vector.broadcast %parallel_loop3A_1010 : i32 to vector<16xi32>
        %parallel_loop3A_1012 = arith.minsi %parallel_loop3A_979, %parallel_loop3A_1011 : vector<16xi32>
        %parallel_loop3A_1013 = arith.constant 32 : i32
        %parallel_loop3A_1014 = vector.broadcast %parallel_loop3A_1013 : i32 to vector<16xi32>
        %parallel_loop3A_1015 = arith.addi %iota3A, %parallel_loop3A_1014 : vector<16xi32>
        tpu.vector_store_idx %arg8[%parallel_loop3A_1015, %parallel_loop3A_1012], %parallel_loop3A_1008 masked %parallel_loop3A_1009 : memref<64x448xf32, #tpu.memory_space<vmem>>[vector<16xi32>, vector<16xi32>], vector<16xf32>, vector<16xi1>
        tpu.vector_store_idx %arg9[%parallel_loop3A_1015, %parallel_loop3A_1012], %parallel_loop3A_981 masked %parallel_loop3A_1009 : memref<64x448xi32, #tpu.memory_space<vmem>>[vector<16xi32>, vector<16xi32>], vector<16xi32>, vector<16xi1>
        %parallel_loop3A_1016 = arith.extui %parallel_loop3A_1009 : vector<16xi1> to vector<16xi32>
        %parallel_loop3A_1017 = arith.addi %parallel_loop3A_979, %parallel_loop3A_1016 : vector<16xi32>
        %parallel_loop3A_1018 = arith.index_cast %parallel_loop3A_976 : i32 to index
        %parallel_loop3A_1019 = arith.constant 48 : index
        %parallel_loop3A_1020 = tpu.vector_load %arg5[%parallel_loop3A_1018, %parallel_loop3A_1019] {strides = array<i32>} : memref<256x64xf32, #tpu.memory_space<vmem>>, vector<16xf32>,
        %parallel_loop3A_1021 = arith.cmpf ole, %parallel_loop3A_1020, %max3A_620 : vector<16xf32>
        %parallel_loop3A_1022 = arith.constant 447 : i32
        %parallel_loop3A_1023 = vector.broadcast %parallel_loop3A_1022 : i32 to vector<16xi32>
        %parallel_loop3A_1024 = arith.minsi %parallel_loop3A_980, %parallel_loop3A_1023 : vector<16xi32>
        %parallel_loop3A_1025 = arith.constant 48 : i32
        %parallel_loop3A_1026 = vector.broadcast %parallel_loop3A_1025 : i32 to vector<16xi32>
        %parallel_loop3A_1027 = arith.addi %iota3A, %parallel_loop3A_1026 : vector<16xi32>
        tpu.vector_store_idx %arg8[%parallel_loop3A_1027, %parallel_loop3A_1024], %parallel_loop3A_1020 masked %parallel_loop3A_1021 : memref<64x448xf32, #tpu.memory_space<vmem>>[vector<16xi32>, vector<16xi32>], vector<16xf32>, vector<16xi1>
        tpu.vector_store_idx %arg9[%parallel_loop3A_1027, %parallel_loop3A_1024], %parallel_loop3A_981 masked %parallel_loop3A_1021 : memref<64x448xi32, #tpu.memory_space<vmem>>[vector<16xi32>, vector<16xi32>], vector<16xi32>, vector<16xi1>
        %parallel_loop3A_1028 = arith.extui %parallel_loop3A_1021 : vector<16xi1> to vector<16xi32>
        %parallel_loop3A_1029 = arith.addi %parallel_loop3A_980, %parallel_loop3A_1028 : vector<16xi32>
        %parallel_loop3A_1030 = arith.constant 1 : i32
        %parallel_loop3A_1031 = vector.broadcast %parallel_loop3A_1030 : i32 to vector<16xi32>
        %parallel_loop3A_1032 = arith.addi %parallel_loop3A_981, %parallel_loop3A_1031 : vector<16xi32>
        scf.yield %parallel_loop3A_993, %parallel_loop3A_1005, %parallel_loop3A_1017, %parallel_loop3A_1029, %parallel_loop3A_1032 : vector<16xi32>, vector<16xi32>, vector<16xi32>, vector<16xi32>, vector<16xi32>
      } {sc.loop_unroll_factor = 8 : i64, sc.parallel_access}
      %dma_wait3A_727 = arith.constant 0 : i32
      %dma_wait3A_728 = arith.constant 0 : i32
      %dma_wait3A_729 = tpu.memref_slice %arg2[%select_n3A, %dma_wait3A_727, %dma_wait3A_728] : memref<2x4096x4096xf32, #tpu.memory_space<hbm>> -> memref<1x256x64xf32, #tpu.memory_space<hbm>>
      %dma_wait3A_730 = tpu.memref_squeeze %dma_wait3A_729 : memref<1x256x64xf32, #tpu.memory_space<hbm>> -> memref<256x64xf32, #tpu.memory_space<hbm>>
      %dma_wait3A_731 = arith.constant 0 : i32
      %dma_wait3A_732 = arith.constant 0 : i32
      %dma_wait3A_733 = tpu.memref_slice %arg2[%select_n3A, %dma_wait3A_731, %dma_wait3A_732] : memref<2x4096x4096xf32, #tpu.memory_space<hbm>> -> memref<1x256x64xf32, #tpu.memory_space<hbm>>
      %dma_wait3A_734 = tpu.memref_squeeze %dma_wait3A_733 : memref<1x256x64xf32, #tpu.memory_space<hbm>> -> memref<256x64xf32, #tpu.memory_space<hbm>>
      tpu.wait_dma2 semaphore(%arg13 : memref<!tpu.dma_semaphore, #tpu.memory_space<semaphore_mem>>) src(%dma_wait3A_734 : memref<256x64xf32, #tpu.memory_space<hbm>>) dst(%arg6 : memref<256x64xf32, #tpu.memory_space<vmem>>)
      %mul3A_735 = arith.constant 64 : i32
      %mul3A_736 = arith.muli %scan3A_49, %mul3A_735 : i32
      %add3A_737 = arith.addi %mul3A_32, %mul3A_736 : i32
      %dma_start3A_738 = arith.constant 1536 : i32
      %dma_start3A_739 = tpu.memref_slice %arg2[%select_n3A, %dma_start3A_738, %add3A_737] : memref<2x4096x4096xf32, #tpu.memory_space<hbm>> -> memref<1x256x64xf32, #tpu.memory_space<hbm>>
      %dma_start3A_740 = tpu.memref_squeeze %dma_start3A_739 : memref<1x256x64xf32, #tpu.memory_space<hbm>> -> memref<256x64xf32, #tpu.memory_space<hbm>>
      %dma_start3A_741 = arith.constant 1536 : i32
      %dma_start3A_742 = tpu.memref_slice %arg2[%select_n3A, %dma_start3A_741, %add3A_737] : memref<2x4096x4096xf32, #tpu.memory_space<hbm>> -> memref<1x256x64xf32, #tpu.memory_space<hbm>>
      %dma_start3A_743 = tpu.memref_squeeze %dma_start3A_742 : memref<1x256x64xf32, #tpu.memory_space<hbm>> -> memref<256x64xf32, #tpu.memory_space<hbm>>
      tpu.enqueue_dma source(%dma_start3A_743 : memref<256x64xf32, #tpu.memory_space<hbm>>) target(%arg5 : memref<256x64xf32, #tpu.memory_space<vmem>>) target_semaphore(%arg12 : memref<!tpu.dma_semaphore, #tpu.memory_space<semaphore_mem>>)
      %parallel_loop3A_744 = arith.constant 0 : i32
      %parallel_loop3A_745 = arith.constant 256 : i32
      %parallel_loop3A_746 = arith.constant 1 : i32
      %parallel_loop3A_747:5 = scf.for %parallel_loop3A_976 = %parallel_loop3A_744 to %parallel_loop3A_745 step %parallel_loop3A_746 iter_args(%parallel_loop3A_977 = %parallel_loop3A_726#0, %parallel_loop3A_978 = %parallel_loop3A_726#1, %parallel_loop3A_979 = %parallel_loop3A_726#2, %parallel_loop3A_980 = %parallel_loop3A_726#3, %parallel_loop3A_981 = %parallel_loop3A_726#4) -> (vector<16xi32>, vector<16xi32>, vector<16xi32>, vector<16xi32>, vector<16xi32>)  : i32 {
        %parallel_loop3A_982 = arith.index_cast %parallel_loop3A_976 : i32 to index
        %parallel_loop3A_983 = arith.constant 0 : index
        %parallel_loop3A_984 = tpu.vector_load %arg6[%parallel_loop3A_982, %parallel_loop3A_983] {strides = array<i32>} : memref<256x64xf32, #tpu.memory_space<vmem>>, vector<16xf32>,
        %parallel_loop3A_985 = arith.cmpf ole, %parallel_loop3A_984, %max3A_191 : vector<16xf32>
        %parallel_loop3A_986 = arith.constant 447 : i32
        %parallel_loop3A_987 = vector.broadcast %parallel_loop3A_986 : i32 to vector<16xi32>
        %parallel_loop3A_988 = arith.minsi %parallel_loop3A_977, %parallel_loop3A_987 : vector<16xi32>
        %parallel_loop3A_989 = arith.constant 0 : i32
        %parallel_loop3A_990 = vector.broadcast %parallel_loop3A_989 : i32 to vector<16xi32>
        %parallel_loop3A_991 = arith.addi %iota3A, %parallel_loop3A_990 : vector<16xi32>
        tpu.vector_store_idx %arg8[%parallel_loop3A_991, %parallel_loop3A_988], %parallel_loop3A_984 masked %parallel_loop3A_985 : memref<64x448xf32, #tpu.memory_space<vmem>>[vector<16xi32>, vector<16xi32>], vector<16xf32>, vector<16xi1>
        tpu.vector_store_idx %arg9[%parallel_loop3A_991, %parallel_loop3A_988], %parallel_loop3A_981 masked %parallel_loop3A_985 : memref<64x448xi32, #tpu.memory_space<vmem>>[vector<16xi32>, vector<16xi32>], vector<16xi32>, vector<16xi1>
        %parallel_loop3A_992 = arith.extui %parallel_loop3A_985 : vector<16xi1> to vector<16xi32>
        %parallel_loop3A_993 = arith.addi %parallel_loop3A_977, %parallel_loop3A_992 : vector<16xi32>
        %parallel_loop3A_994 = arith.index_cast %parallel_loop3A_976 : i32 to index
        %parallel_loop3A_995 = arith.constant 16 : index
        %parallel_loop3A_996 = tpu.vector_load %arg6[%parallel_loop3A_994, %parallel_loop3A_995] {strides = array<i32>} : memref<256x64xf32, #tpu.memory_space<vmem>>, vector<16xf32>,
        %parallel_loop3A_997 = arith.cmpf ole, %parallel_loop3A_996, %max3A_334 : vector<16xf32>
        %parallel_loop3A_998 = arith.constant 447 : i32
        %parallel_loop3A_999 = vector.broadcast %parallel_loop3A_998 : i32 to vector<16xi32>
        %parallel_loop3A_1000 = arith.minsi %parallel_loop3A_978, %parallel_loop3A_999 : vector<16xi32>
        %parallel_loop3A_1001 = arith.constant 16 : i32
        %parallel_loop3A_1002 = vector.broadcast %parallel_loop3A_1001 : i32 to vector<16xi32>
        %parallel_loop3A_1003 = arith.addi %iota3A, %parallel_loop3A_1002 : vector<16xi32>
        tpu.vector_store_idx %arg8[%parallel_loop3A_1003, %parallel_loop3A_1000], %parallel_loop3A_996 masked %parallel_loop3A_997 : memref<64x448xf32, #tpu.memory_space<vmem>>[vector<16xi32>, vector<16xi32>], vector<16xf32>, vector<16xi1>
        tpu.vector_store_idx %arg9[%parallel_loop3A_1003, %parallel_loop3A_1000], %parallel_loop3A_981 masked %parallel_loop3A_997 : memref<64x448xi32, #tpu.memory_space<vmem>>[vector<16xi32>, vector<16xi32>], vector<16xi32>, vector<16xi1>
        %parallel_loop3A_1004 = arith.extui %parallel_loop3A_997 : vector<16xi1> to vector<16xi32>
        %parallel_loop3A_1005 = arith.addi %parallel_loop3A_978, %parallel_loop3A_1004 : vector<16xi32>
        %parallel_loop3A_1006 = arith.index_cast %parallel_loop3A_976 : i32 to index
        %parallel_loop3A_1007 = arith.constant 32 : index
        %parallel_loop3A_1008 = tpu.vector_load %arg6[%parallel_loop3A_1006, %parallel_loop3A_1007] {strides = array<i32>} : memref<256x64xf32, #tpu.memory_space<vmem>>, vector<16xf32>,
        %parallel_loop3A_1009 = arith.cmpf ole, %parallel_loop3A_1008, %max3A_477 : vector<16xf32>
        %parallel_loop3A_1010 = arith.constant 447 : i32
        %parallel_loop3A_1011 = vector.broadcast %parallel_loop3A_1010 : i32 to vector<16xi32>
        %parallel_loop3A_1012 = arith.minsi %parallel_loop3A_979, %parallel_loop3A_1011 : vector<16xi32>
        %parallel_loop3A_1013 = arith.constant 32 : i32
        %parallel_loop3A_1014 = vector.broadcast %parallel_loop3A_1013 : i32 to vector<16xi32>
        %parallel_loop3A_1015 = arith.addi %iota3A, %parallel_loop3A_1014 : vector<16xi32>
        tpu.vector_store_idx %arg8[%parallel_loop3A_1015, %parallel_loop3A_1012], %parallel_loop3A_1008 masked %parallel_loop3A_1009 : memref<64x448xf32, #tpu.memory_space<vmem>>[vector<16xi32>, vector<16xi32>], vector<16xf32>, vector<16xi1>
        tpu.vector_store_idx %arg9[%parallel_loop3A_1015, %parallel_loop3A_1012], %parallel_loop3A_981 masked %parallel_loop3A_1009 : memref<64x448xi32, #tpu.memory_space<vmem>>[vector<16xi32>, vector<16xi32>], vector<16xi32>, vector<16xi1>
        %parallel_loop3A_1016 = arith.extui %parallel_loop3A_1009 : vector<16xi1> to vector<16xi32>
        %parallel_loop3A_1017 = arith.addi %parallel_loop3A_979, %parallel_loop3A_1016 : vector<16xi32>
        %parallel_loop3A_1018 = arith.index_cast %parallel_loop3A_976 : i32 to index
        %parallel_loop3A_1019 = arith.constant 48 : index
        %parallel_loop3A_1020 = tpu.vector_load %arg6[%parallel_loop3A_1018, %parallel_loop3A_1019] {strides = array<i32>} : memref<256x64xf32, #tpu.memory_space<vmem>>, vector<16xf32>,
        %parallel_loop3A_1021 = arith.cmpf ole, %parallel_loop3A_1020, %max3A_620 : vector<16xf32>
        %parallel_loop3A_1022 = arith.constant 447 : i32
        %parallel_loop3A_1023 = vector.broadcast %parallel_loop3A_1022 : i32 to vector<16xi32>
        %parallel_loop3A_1024 = arith.minsi %parallel_loop3A_980, %parallel_loop3A_1023 : vector<16xi32>
        %parallel_loop3A_1025 = arith.constant 48 : i32
        %parallel_loop3A_1026 = vector.broadcast %parallel_loop3A_1025 : i32 to vector<16xi32>
        %parallel_loop3A_1027 = arith.addi %iota3A, %parallel_loop3A_1026 : vector<16xi32>
        tpu.vector_store_idx %arg8[%parallel_loop3A_1027, %parallel_loop3A_1024], %parallel_loop3A_1020 masked %parallel_loop3A_1021 : memref<64x448xf32, #tpu.memory_space<vmem>>[vector<16xi32>, vector<16xi32>], vector<16xf32>, vector<16xi1>
        tpu.vector_store_idx %arg9[%parallel_loop3A_1027, %parallel_loop3A_1024], %parallel_loop3A_981 masked %parallel_loop3A_1021 : memref<64x448xi32, #tpu.memory_space<vmem>>[vector<16xi32>, vector<16xi32>], vector<16xi32>, vector<16xi1>
        %parallel_loop3A_1028 = arith.extui %parallel_loop3A_1021 : vector<16xi1> to vector<16xi32>
        %parallel_loop3A_1029 = arith.addi %parallel_loop3A_980, %parallel_loop3A_1028 : vector<16xi32>
        %parallel_loop3A_1030 = arith.constant 1 : i32
        %parallel_loop3A_1031 = vector.broadcast %parallel_loop3A_1030 : i32 to vector<16xi32>
        %parallel_loop3A_1032 = arith.addi %parallel_loop3A_981, %parallel_loop3A_1031 : vector<16xi32>
        scf.yield %parallel_loop3A_993, %parallel_loop3A_1005, %parallel_loop3A_1017, %parallel_loop3A_1029, %parallel_loop3A_1032 : vector<16xi32>, vector<16xi32>, vector<16xi32>, vector<16xi32>, vector<16xi32>
      } {sc.loop_unroll_factor = 8 : i64, sc.parallel_access}
      %dma_wait3A_748 = arith.constant 0 : i32
      %dma_wait3A_749 = arith.constant 0 : i32
      %dma_wait3A_750 = tpu.memref_slice %arg2[%select_n3A, %dma_wait3A_748, %dma_wait3A_749] : memref<2x4096x4096xf32, #tpu.memory_space<hbm>> -> memref<1x256x64xf32, #tpu.memory_space<hbm>>
      %dma_wait3A_751 = tpu.memref_squeeze %dma_wait3A_750 : memref<1x256x64xf32, #tpu.memory_space<hbm>> -> memref<256x64xf32, #tpu.memory_space<hbm>>
      %dma_wait3A_752 = arith.constant 0 : i32
      %dma_wait3A_753 = arith.constant 0 : i32
      %dma_wait3A_754 = tpu.memref_slice %arg2[%select_n3A, %dma_wait3A_752, %dma_wait3A_753] : memref<2x4096x4096xf32, #tpu.memory_space<hbm>> -> memref<1x256x64xf32, #tpu.memory_space<hbm>>
      %dma_wait3A_755 = tpu.memref_squeeze %dma_wait3A_754 : memref<1x256x64xf32, #tpu.memory_space<hbm>> -> memref<256x64xf32, #tpu.memory_space<hbm>>
      tpu.wait_dma2 semaphore(%arg12 : memref<!tpu.dma_semaphore, #tpu.memory_space<semaphore_mem>>) src(%dma_wait3A_755 : memref<256x64xf32, #tpu.memory_space<hbm>>) dst(%arg5 : memref<256x64xf32, #tpu.memory_space<vmem>>)
      %mul3A_756 = arith.constant 64 : i32
      %mul3A_757 = arith.muli %scan3A_49, %mul3A_756 : i32
      %add3A_758 = arith.addi %mul3A_32, %mul3A_757 : i32
      %dma_start3A_759 = arith.constant 1792 : i32
      %dma_start3A_760 = tpu.memref_slice %arg2[%select_n3A, %dma_start3A_759, %add3A_758] : memref<2x4096x4096xf32, #tpu.memory_space<hbm>> -> memref<1x256x64xf32, #tpu.memory_space<hbm>>
      %dma_start3A_761 = tpu.memref_squeeze %dma_start3A_760 : memref<1x256x64xf32, #tpu.memory_space<hbm>> -> memref<256x64xf32, #tpu.memory_space<hbm>>
      %dma_start3A_762 = arith.constant 1792 : i32
      %dma_start3A_763 = tpu.memref_slice %arg2[%select_n3A, %dma_start3A_762, %add3A_758] : memref<2x4096x4096xf32, #tpu.memory_space<hbm>> -> memref<1x256x64xf32, #tpu.memory_space<hbm>>
      %dma_start3A_764 = tpu.memref_squeeze %dma_start3A_763 : memref<1x256x64xf32, #tpu.memory_space<hbm>> -> memref<256x64xf32, #tpu.memory_space<hbm>>
      tpu.enqueue_dma source(%dma_start3A_764 : memref<256x64xf32, #tpu.memory_space<hbm>>) target(%arg6 : memref<256x64xf32, #tpu.memory_space<vmem>>) target_semaphore(%arg13 : memref<!tpu.dma_semaphore, #tpu.memory_space<semaphore_mem>>)
      %parallel_loop3A_765 = arith.constant 0 : i32
      %parallel_loop3A_766 = arith.constant 256 : i32
      %parallel_loop3A_767 = arith.constant 1 : i32
      %parallel_loop3A_768:5 = scf.for %parallel_loop3A_976 = %parallel_loop3A_765 to %parallel_loop3A_766 step %parallel_loop3A_767 iter_args(%parallel_loop3A_977 = %parallel_loop3A_747#0, %parallel_loop3A_978 = %parallel_loop3A_747#1, %parallel_loop3A_979 = %parallel_loop3A_747#2, %parallel_loop3A_980 = %parallel_loop3A_747#3, %parallel_loop3A_981 = %parallel_loop3A_747#4) -> (vector<16xi32>, vector<16xi32>, vector<16xi32>, vector<16xi32>, vector<16xi32>)  : i32 {
        %parallel_loop3A_982 = arith.index_cast %parallel_loop3A_976 : i32 to index
        %parallel_loop3A_983 = arith.constant 0 : index
        %parallel_loop3A_984 = tpu.vector_load %arg5[%parallel_loop3A_982, %parallel_loop3A_983] {strides = array<i32>} : memref<256x64xf32, #tpu.memory_space<vmem>>, vector<16xf32>,
        %parallel_loop3A_985 = arith.cmpf ole, %parallel_loop3A_984, %max3A_191 : vector<16xf32>
        %parallel_loop3A_986 = arith.constant 447 : i32
        %parallel_loop3A_987 = vector.broadcast %parallel_loop3A_986 : i32 to vector<16xi32>
        %parallel_loop3A_988 = arith.minsi %parallel_loop3A_977, %parallel_loop3A_987 : vector<16xi32>
        %parallel_loop3A_989 = arith.constant 0 : i32
        %parallel_loop3A_990 = vector.broadcast %parallel_loop3A_989 : i32 to vector<16xi32>
        %parallel_loop3A_991 = arith.addi %iota3A, %parallel_loop3A_990 : vector<16xi32>
        tpu.vector_store_idx %arg8[%parallel_loop3A_991, %parallel_loop3A_988], %parallel_loop3A_984 masked %parallel_loop3A_985 : memref<64x448xf32, #tpu.memory_space<vmem>>[vector<16xi32>, vector<16xi32>], vector<16xf32>, vector<16xi1>
        tpu.vector_store_idx %arg9[%parallel_loop3A_991, %parallel_loop3A_988], %parallel_loop3A_981 masked %parallel_loop3A_985 : memref<64x448xi32, #tpu.memory_space<vmem>>[vector<16xi32>, vector<16xi32>], vector<16xi32>, vector<16xi1>
        %parallel_loop3A_992 = arith.extui %parallel_loop3A_985 : vector<16xi1> to vector<16xi32>
        %parallel_loop3A_993 = arith.addi %parallel_loop3A_977, %parallel_loop3A_992 : vector<16xi32>
        %parallel_loop3A_994 = arith.index_cast %parallel_loop3A_976 : i32 to index
        %parallel_loop3A_995 = arith.constant 16 : index
        %parallel_loop3A_996 = tpu.vector_load %arg5[%parallel_loop3A_994, %parallel_loop3A_995] {strides = array<i32>} : memref<256x64xf32, #tpu.memory_space<vmem>>, vector<16xf32>,
        %parallel_loop3A_997 = arith.cmpf ole, %parallel_loop3A_996, %max3A_334 : vector<16xf32>
        %parallel_loop3A_998 = arith.constant 447 : i32
        %parallel_loop3A_999 = vector.broadcast %parallel_loop3A_998 : i32 to vector<16xi32>
        %parallel_loop3A_1000 = arith.minsi %parallel_loop3A_978, %parallel_loop3A_999 : vector<16xi32>
        %parallel_loop3A_1001 = arith.constant 16 : i32
        %parallel_loop3A_1002 = vector.broadcast %parallel_loop3A_1001 : i32 to vector<16xi32>
        %parallel_loop3A_1003 = arith.addi %iota3A, %parallel_loop3A_1002 : vector<16xi32>
        tpu.vector_store_idx %arg8[%parallel_loop3A_1003, %parallel_loop3A_1000], %parallel_loop3A_996 masked %parallel_loop3A_997 : memref<64x448xf32, #tpu.memory_space<vmem>>[vector<16xi32>, vector<16xi32>], vector<16xf32>, vector<16xi1>
        tpu.vector_store_idx %arg9[%parallel_loop3A_1003, %parallel_loop3A_1000], %parallel_loop3A_981 masked %parallel_loop3A_997 : memref<64x448xi32, #tpu.memory_space<vmem>>[vector<16xi32>, vector<16xi32>], vector<16xi32>, vector<16xi1>
        %parallel_loop3A_1004 = arith.extui %parallel_loop3A_997 : vector<16xi1> to vector<16xi32>
        %parallel_loop3A_1005 = arith.addi %parallel_loop3A_978, %parallel_loop3A_1004 : vector<16xi32>
        %parallel_loop3A_1006 = arith.index_cast %parallel_loop3A_976 : i32 to index
        %parallel_loop3A_1007 = arith.constant 32 : index
        %parallel_loop3A_1008 = tpu.vector_load %arg5[%parallel_loop3A_1006, %parallel_loop3A_1007] {strides = array<i32>} : memref<256x64xf32, #tpu.memory_space<vmem>>, vector<16xf32>,
        %parallel_loop3A_1009 = arith.cmpf ole, %parallel_loop3A_1008, %max3A_477 : vector<16xf32>
        %parallel_loop3A_1010 = arith.constant 447 : i32
        %parallel_loop3A_1011 = vector.broadcast %parallel_loop3A_1010 : i32 to vector<16xi32>
        %parallel_loop3A_1012 = arith.minsi %parallel_loop3A_979, %parallel_loop3A_1011 : vector<16xi32>
        %parallel_loop3A_1013 = arith.constant 32 : i32
        %parallel_loop3A_1014 = vector.broadcast %parallel_loop3A_1013 : i32 to vector<16xi32>
        %parallel_loop3A_1015 = arith.addi %iota3A, %parallel_loop3A_1014 : vector<16xi32>
        tpu.vector_store_idx %arg8[%parallel_loop3A_1015, %parallel_loop3A_1012], %parallel_loop3A_1008 masked %parallel_loop3A_1009 : memref<64x448xf32, #tpu.memory_space<vmem>>[vector<16xi32>, vector<16xi32>], vector<16xf32>, vector<16xi1>
        tpu.vector_store_idx %arg9[%parallel_loop3A_1015, %parallel_loop3A_1012], %parallel_loop3A_981 masked %parallel_loop3A_1009 : memref<64x448xi32, #tpu.memory_space<vmem>>[vector<16xi32>, vector<16xi32>], vector<16xi32>, vector<16xi1>
        %parallel_loop3A_1016 = arith.extui %parallel_loop3A_1009 : vector<16xi1> to vector<16xi32>
        %parallel_loop3A_1017 = arith.addi %parallel_loop3A_979, %parallel_loop3A_1016 : vector<16xi32>
        %parallel_loop3A_1018 = arith.index_cast %parallel_loop3A_976 : i32 to index
        %parallel_loop3A_1019 = arith.constant 48 : index
        %parallel_loop3A_1020 = tpu.vector_load %arg5[%parallel_loop3A_1018, %parallel_loop3A_1019] {strides = array<i32>} : memref<256x64xf32, #tpu.memory_space<vmem>>, vector<16xf32>,
        %parallel_loop3A_1021 = arith.cmpf ole, %parallel_loop3A_1020, %max3A_620 : vector<16xf32>
        %parallel_loop3A_1022 = arith.constant 447 : i32
        %parallel_loop3A_1023 = vector.broadcast %parallel_loop3A_1022 : i32 to vector<16xi32>
        %parallel_loop3A_1024 = arith.minsi %parallel_loop3A_980, %parallel_loop3A_1023 : vector<16xi32>
        %parallel_loop3A_1025 = arith.constant 48 : i32
        %parallel_loop3A_1026 = vector.broadcast %parallel_loop3A_1025 : i32 to vector<16xi32>
        %parallel_loop3A_1027 = arith.addi %iota3A, %parallel_loop3A_1026 : vector<16xi32>
        tpu.vector_store_idx %arg8[%parallel_loop3A_1027, %parallel_loop3A_1024], %parallel_loop3A_1020 masked %parallel_loop3A_1021 : memref<64x448xf32, #tpu.memory_space<vmem>>[vector<16xi32>, vector<16xi32>], vector<16xf32>, vector<16xi1>
        tpu.vector_store_idx %arg9[%parallel_loop3A_1027, %parallel_loop3A_1024], %parallel_loop3A_981 masked %parallel_loop3A_1021 : memref<64x448xi32, #tpu.memory_space<vmem>>[vector<16xi32>, vector<16xi32>], vector<16xi32>, vector<16xi1>
        %parallel_loop3A_1028 = arith.extui %parallel_loop3A_1021 : vector<16xi1> to vector<16xi32>
        %parallel_loop3A_1029 = arith.addi %parallel_loop3A_980, %parallel_loop3A_1028 : vector<16xi32>
        %parallel_loop3A_1030 = arith.constant 1 : i32
        %parallel_loop3A_1031 = vector.broadcast %parallel_loop3A_1030 : i32 to vector<16xi32>
        %parallel_loop3A_1032 = arith.addi %parallel_loop3A_981, %parallel_loop3A_1031 : vector<16xi32>
        scf.yield %parallel_loop3A_993, %parallel_loop3A_1005, %parallel_loop3A_1017, %parallel_loop3A_1029, %parallel_loop3A_1032 : vector<16xi32>, vector<16xi32>, vector<16xi32>, vector<16xi32>, vector<16xi32>
      } {sc.loop_unroll_factor = 8 : i64, sc.parallel_access}
      %dma_wait3A_769 = arith.constant 0 : i32
      %dma_wait3A_770 = arith.constant 0 : i32
      %dma_wait3A_771 = tpu.memref_slice %arg2[%select_n3A, %dma_wait3A_769, %dma_wait3A_770] : memref<2x4096x4096xf32, #tpu.memory_space<hbm>> -> memref<1x256x64xf32, #tpu.memory_space<hbm>>
      %dma_wait3A_772 = tpu.memref_squeeze %dma_wait3A_771 : memref<1x256x64xf32, #tpu.memory_space<hbm>> -> memref<256x64xf32, #tpu.memory_space<hbm>>
      %dma_wait3A_773 = arith.constant 0 : i32
      %dma_wait3A_774 = arith.constant 0 : i32
      %dma_wait3A_775 = tpu.memref_slice %arg2[%select_n3A, %dma_wait3A_773, %dma_wait3A_774] : memref<2x4096x4096xf32, #tpu.memory_space<hbm>> -> memref<1x256x64xf32, #tpu.memory_space<hbm>>
      %dma_wait3A_776 = tpu.memref_squeeze %dma_wait3A_775 : memref<1x256x64xf32, #tpu.memory_space<hbm>> -> memref<256x64xf32, #tpu.memory_space<hbm>>
      tpu.wait_dma2 semaphore(%arg13 : memref<!tpu.dma_semaphore, #tpu.memory_space<semaphore_mem>>) src(%dma_wait3A_776 : memref<256x64xf32, #tpu.memory_space<hbm>>) dst(%arg6 : memref<256x64xf32, #tpu.memory_space<vmem>>)
      %mul3A_777 = arith.constant 64 : i32
      %mul3A_778 = arith.muli %scan3A_49, %mul3A_777 : i32
      %add3A_779 = arith.addi %mul3A_32, %mul3A_778 : i32
      %dma_start3A_780 = arith.constant 2048 : i32
      %dma_start3A_781 = tpu.memref_slice %arg2[%select_n3A, %dma_start3A_780, %add3A_779] : memref<2x4096x4096xf32, #tpu.memory_space<hbm>> -> memref<1x256x64xf32, #tpu.memory_space<hbm>>
      %dma_start3A_782 = tpu.memref_squeeze %dma_start3A_781 : memref<1x256x64xf32, #tpu.memory_space<hbm>> -> memref<256x64xf32, #tpu.memory_space<hbm>>
      %dma_start3A_783 = arith.constant 2048 : i32
      %dma_start3A_784 = tpu.memref_slice %arg2[%select_n3A, %dma_start3A_783, %add3A_779] : memref<2x4096x4096xf32, #tpu.memory_space<hbm>> -> memref<1x256x64xf32, #tpu.memory_space<hbm>>
      %dma_start3A_785 = tpu.memref_squeeze %dma_start3A_784 : memref<1x256x64xf32, #tpu.memory_space<hbm>> -> memref<256x64xf32, #tpu.memory_space<hbm>>
      tpu.enqueue_dma source(%dma_start3A_785 : memref<256x64xf32, #tpu.memory_space<hbm>>) target(%arg5 : memref<256x64xf32, #tpu.memory_space<vmem>>) target_semaphore(%arg12 : memref<!tpu.dma_semaphore, #tpu.memory_space<semaphore_mem>>)
      %parallel_loop3A_786 = arith.constant 0 : i32
      %parallel_loop3A_787 = arith.constant 256 : i32
      %parallel_loop3A_788 = arith.constant 1 : i32
      %parallel_loop3A_789:5 = scf.for %parallel_loop3A_976 = %parallel_loop3A_786 to %parallel_loop3A_787 step %parallel_loop3A_788 iter_args(%parallel_loop3A_977 = %parallel_loop3A_768#0, %parallel_loop3A_978 = %parallel_loop3A_768#1, %parallel_loop3A_979 = %parallel_loop3A_768#2, %parallel_loop3A_980 = %parallel_loop3A_768#3, %parallel_loop3A_981 = %parallel_loop3A_768#4) -> (vector<16xi32>, vector<16xi32>, vector<16xi32>, vector<16xi32>, vector<16xi32>)  : i32 {
        %parallel_loop3A_982 = arith.index_cast %parallel_loop3A_976 : i32 to index
        %parallel_loop3A_983 = arith.constant 0 : index
        %parallel_loop3A_984 = tpu.vector_load %arg6[%parallel_loop3A_982, %parallel_loop3A_983] {strides = array<i32>} : memref<256x64xf32, #tpu.memory_space<vmem>>, vector<16xf32>,
        %parallel_loop3A_985 = arith.cmpf ole, %parallel_loop3A_984, %max3A_191 : vector<16xf32>
        %parallel_loop3A_986 = arith.constant 447 : i32
        %parallel_loop3A_987 = vector.broadcast %parallel_loop3A_986 : i32 to vector<16xi32>
        %parallel_loop3A_988 = arith.minsi %parallel_loop3A_977, %parallel_loop3A_987 : vector<16xi32>
        %parallel_loop3A_989 = arith.constant 0 : i32
        %parallel_loop3A_990 = vector.broadcast %parallel_loop3A_989 : i32 to vector<16xi32>
        %parallel_loop3A_991 = arith.addi %iota3A, %parallel_loop3A_990 : vector<16xi32>
        tpu.vector_store_idx %arg8[%parallel_loop3A_991, %parallel_loop3A_988], %parallel_loop3A_984 masked %parallel_loop3A_985 : memref<64x448xf32, #tpu.memory_space<vmem>>[vector<16xi32>, vector<16xi32>], vector<16xf32>, vector<16xi1>
        tpu.vector_store_idx %arg9[%parallel_loop3A_991, %parallel_loop3A_988], %parallel_loop3A_981 masked %parallel_loop3A_985 : memref<64x448xi32, #tpu.memory_space<vmem>>[vector<16xi32>, vector<16xi32>], vector<16xi32>, vector<16xi1>
        %parallel_loop3A_992 = arith.extui %parallel_loop3A_985 : vector<16xi1> to vector<16xi32>
        %parallel_loop3A_993 = arith.addi %parallel_loop3A_977, %parallel_loop3A_992 : vector<16xi32>
        %parallel_loop3A_994 = arith.index_cast %parallel_loop3A_976 : i32 to index
        %parallel_loop3A_995 = arith.constant 16 : index
        %parallel_loop3A_996 = tpu.vector_load %arg6[%parallel_loop3A_994, %parallel_loop3A_995] {strides = array<i32>} : memref<256x64xf32, #tpu.memory_space<vmem>>, vector<16xf32>,
        %parallel_loop3A_997 = arith.cmpf ole, %parallel_loop3A_996, %max3A_334 : vector<16xf32>
        %parallel_loop3A_998 = arith.constant 447 : i32
        %parallel_loop3A_999 = vector.broadcast %parallel_loop3A_998 : i32 to vector<16xi32>
        %parallel_loop3A_1000 = arith.minsi %parallel_loop3A_978, %parallel_loop3A_999 : vector<16xi32>
        %parallel_loop3A_1001 = arith.constant 16 : i32
        %parallel_loop3A_1002 = vector.broadcast %parallel_loop3A_1001 : i32 to vector<16xi32>
        %parallel_loop3A_1003 = arith.addi %iota3A, %parallel_loop3A_1002 : vector<16xi32>
        tpu.vector_store_idx %arg8[%parallel_loop3A_1003, %parallel_loop3A_1000], %parallel_loop3A_996 masked %parallel_loop3A_997 : memref<64x448xf32, #tpu.memory_space<vmem>>[vector<16xi32>, vector<16xi32>], vector<16xf32>, vector<16xi1>
        tpu.vector_store_idx %arg9[%parallel_loop3A_1003, %parallel_loop3A_1000], %parallel_loop3A_981 masked %parallel_loop3A_997 : memref<64x448xi32, #tpu.memory_space<vmem>>[vector<16xi32>, vector<16xi32>], vector<16xi32>, vector<16xi1>
        %parallel_loop3A_1004 = arith.extui %parallel_loop3A_997 : vector<16xi1> to vector<16xi32>
        %parallel_loop3A_1005 = arith.addi %parallel_loop3A_978, %parallel_loop3A_1004 : vector<16xi32>
        %parallel_loop3A_1006 = arith.index_cast %parallel_loop3A_976 : i32 to index
        %parallel_loop3A_1007 = arith.constant 32 : index
        %parallel_loop3A_1008 = tpu.vector_load %arg6[%parallel_loop3A_1006, %parallel_loop3A_1007] {strides = array<i32>} : memref<256x64xf32, #tpu.memory_space<vmem>>, vector<16xf32>,
        %parallel_loop3A_1009 = arith.cmpf ole, %parallel_loop3A_1008, %max3A_477 : vector<16xf32>
        %parallel_loop3A_1010 = arith.constant 447 : i32
        %parallel_loop3A_1011 = vector.broadcast %parallel_loop3A_1010 : i32 to vector<16xi32>
        %parallel_loop3A_1012 = arith.minsi %parallel_loop3A_979, %parallel_loop3A_1011 : vector<16xi32>
        %parallel_loop3A_1013 = arith.constant 32 : i32
        %parallel_loop3A_1014 = vector.broadcast %parallel_loop3A_1013 : i32 to vector<16xi32>
        %parallel_loop3A_1015 = arith.addi %iota3A, %parallel_loop3A_1014 : vector<16xi32>
        tpu.vector_store_idx %arg8[%parallel_loop3A_1015, %parallel_loop3A_1012], %parallel_loop3A_1008 masked %parallel_loop3A_1009 : memref<64x448xf32, #tpu.memory_space<vmem>>[vector<16xi32>, vector<16xi32>], vector<16xf32>, vector<16xi1>
        tpu.vector_store_idx %arg9[%parallel_loop3A_1015, %parallel_loop3A_1012], %parallel_loop3A_981 masked %parallel_loop3A_1009 : memref<64x448xi32, #tpu.memory_space<vmem>>[vector<16xi32>, vector<16xi32>], vector<16xi32>, vector<16xi1>
        %parallel_loop3A_1016 = arith.extui %parallel_loop3A_1009 : vector<16xi1> to vector<16xi32>
        %parallel_loop3A_1017 = arith.addi %parallel_loop3A_979, %parallel_loop3A_1016 : vector<16xi32>
        %parallel_loop3A_1018 = arith.index_cast %parallel_loop3A_976 : i32 to index
        %parallel_loop3A_1019 = arith.constant 48 : index
        %parallel_loop3A_1020 = tpu.vector_load %arg6[%parallel_loop3A_1018, %parallel_loop3A_1019] {strides = array<i32>} : memref<256x64xf32, #tpu.memory_space<vmem>>, vector<16xf32>,
        %parallel_loop3A_1021 = arith.cmpf ole, %parallel_loop3A_1020, %max3A_620 : vector<16xf32>
        %parallel_loop3A_1022 = arith.constant 447 : i32
        %parallel_loop3A_1023 = vector.broadcast %parallel_loop3A_1022 : i32 to vector<16xi32>
        %parallel_loop3A_1024 = arith.minsi %parallel_loop3A_980, %parallel_loop3A_1023 : vector<16xi32>
        %parallel_loop3A_1025 = arith.constant 48 : i32
        %parallel_loop3A_1026 = vector.broadcast %parallel_loop3A_1025 : i32 to vector<16xi32>
        %parallel_loop3A_1027 = arith.addi %iota3A, %parallel_loop3A_1026 : vector<16xi32>
        tpu.vector_store_idx %arg8[%parallel_loop3A_1027, %parallel_loop3A_1024], %parallel_loop3A_1020 masked %parallel_loop3A_1021 : memref<64x448xf32, #tpu.memory_space<vmem>>[vector<16xi32>, vector<16xi32>], vector<16xf32>, vector<16xi1>
        tpu.vector_store_idx %arg9[%parallel_loop3A_1027, %parallel_loop3A_1024], %parallel_loop3A_981 masked %parallel_loop3A_1021 : memref<64x448xi32, #tpu.memory_space<vmem>>[vector<16xi32>, vector<16xi32>], vector<16xi32>, vector<16xi1>
        %parallel_loop3A_1028 = arith.extui %parallel_loop3A_1021 : vector<16xi1> to vector<16xi32>
        %parallel_loop3A_1029 = arith.addi %parallel_loop3A_980, %parallel_loop3A_1028 : vector<16xi32>
        %parallel_loop3A_1030 = arith.constant 1 : i32
        %parallel_loop3A_1031 = vector.broadcast %parallel_loop3A_1030 : i32 to vector<16xi32>
        %parallel_loop3A_1032 = arith.addi %parallel_loop3A_981, %parallel_loop3A_1031 : vector<16xi32>
        scf.yield %parallel_loop3A_993, %parallel_loop3A_1005, %parallel_loop3A_1017, %parallel_loop3A_1029, %parallel_loop3A_1032 : vector<16xi32>, vector<16xi32>, vector<16xi32>, vector<16xi32>, vector<16xi32>
      } {sc.loop_unroll_factor = 8 : i64, sc.parallel_access}
      %dma_wait3A_790 = arith.constant 0 : i32
      %dma_wait3A_791 = arith.constant 0 : i32
      %dma_wait3A_792 = tpu.memref_slice %arg2[%select_n3A, %dma_wait3A_790, %dma_wait3A_791] : memref<2x4096x4096xf32, #tpu.memory_space<hbm>> -> memref<1x256x64xf32, #tpu.memory_space<hbm>>
      %dma_wait3A_793 = tpu.memref_squeeze %dma_wait3A_792 : memref<1x256x64xf32, #tpu.memory_space<hbm>> -> memref<256x64xf32, #tpu.memory_space<hbm>>
      %dma_wait3A_794 = arith.constant 0 : i32
      %dma_wait3A_795 = arith.constant 0 : i32
      %dma_wait3A_796 = tpu.memref_slice %arg2[%select_n3A, %dma_wait3A_794, %dma_wait3A_795] : memref<2x4096x4096xf32, #tpu.memory_space<hbm>> -> memref<1x256x64xf32, #tpu.memory_space<hbm>>
      %dma_wait3A_797 = tpu.memref_squeeze %dma_wait3A_796 : memref<1x256x64xf32, #tpu.memory_space<hbm>> -> memref<256x64xf32, #tpu.memory_space<hbm>>
      tpu.wait_dma2 semaphore(%arg12 : memref<!tpu.dma_semaphore, #tpu.memory_space<semaphore_mem>>) src(%dma_wait3A_797 : memref<256x64xf32, #tpu.memory_space<hbm>>) dst(%arg5 : memref<256x64xf32, #tpu.memory_space<vmem>>)
      %mul3A_798 = arith.constant 64 : i32
      %mul3A_799 = arith.muli %scan3A_49, %mul3A_798 : i32
      %add3A_800 = arith.addi %mul3A_32, %mul3A_799 : i32
      %dma_start3A_801 = arith.constant 2304 : i32
      %dma_start3A_802 = tpu.memref_slice %arg2[%select_n3A, %dma_start3A_801, %add3A_800] : memref<2x4096x4096xf32, #tpu.memory_space<hbm>> -> memref<1x256x64xf32, #tpu.memory_space<hbm>>
      %dma_start3A_803 = tpu.memref_squeeze %dma_start3A_802 : memref<1x256x64xf32, #tpu.memory_space<hbm>> -> memref<256x64xf32, #tpu.memory_space<hbm>>
      %dma_start3A_804 = arith.constant 2304 : i32
      %dma_start3A_805 = tpu.memref_slice %arg2[%select_n3A, %dma_start3A_804, %add3A_800] : memref<2x4096x4096xf32, #tpu.memory_space<hbm>> -> memref<1x256x64xf32, #tpu.memory_space<hbm>>
      %dma_start3A_806 = tpu.memref_squeeze %dma_start3A_805 : memref<1x256x64xf32, #tpu.memory_space<hbm>> -> memref<256x64xf32, #tpu.memory_space<hbm>>
      tpu.enqueue_dma source(%dma_start3A_806 : memref<256x64xf32, #tpu.memory_space<hbm>>) target(%arg6 : memref<256x64xf32, #tpu.memory_space<vmem>>) target_semaphore(%arg13 : memref<!tpu.dma_semaphore, #tpu.memory_space<semaphore_mem>>)
      %parallel_loop3A_807 = arith.constant 0 : i32
      %parallel_loop3A_808 = arith.constant 256 : i32
      %parallel_loop3A_809 = arith.constant 1 : i32
      %parallel_loop3A_810:5 = scf.for %parallel_loop3A_976 = %parallel_loop3A_807 to %parallel_loop3A_808 step %parallel_loop3A_809 iter_args(%parallel_loop3A_977 = %parallel_loop3A_789#0, %parallel_loop3A_978 = %parallel_loop3A_789#1, %parallel_loop3A_979 = %parallel_loop3A_789#2, %parallel_loop3A_980 = %parallel_loop3A_789#3, %parallel_loop3A_981 = %parallel_loop3A_789#4) -> (vector<16xi32>, vector<16xi32>, vector<16xi32>, vector<16xi32>, vector<16xi32>)  : i32 {
        %parallel_loop3A_982 = arith.index_cast %parallel_loop3A_976 : i32 to index
        %parallel_loop3A_983 = arith.constant 0 : index
        %parallel_loop3A_984 = tpu.vector_load %arg5[%parallel_loop3A_982, %parallel_loop3A_983] {strides = array<i32>} : memref<256x64xf32, #tpu.memory_space<vmem>>, vector<16xf32>,
        %parallel_loop3A_985 = arith.cmpf ole, %parallel_loop3A_984, %max3A_191 : vector<16xf32>
        %parallel_loop3A_986 = arith.constant 447 : i32
        %parallel_loop3A_987 = vector.broadcast %parallel_loop3A_986 : i32 to vector<16xi32>
        %parallel_loop3A_988 = arith.minsi %parallel_loop3A_977, %parallel_loop3A_987 : vector<16xi32>
        %parallel_loop3A_989 = arith.constant 0 : i32
        %parallel_loop3A_990 = vector.broadcast %parallel_loop3A_989 : i32 to vector<16xi32>
        %parallel_loop3A_991 = arith.addi %iota3A, %parallel_loop3A_990 : vector<16xi32>
        tpu.vector_store_idx %arg8[%parallel_loop3A_991, %parallel_loop3A_988], %parallel_loop3A_984 masked %parallel_loop3A_985 : memref<64x448xf32, #tpu.memory_space<vmem>>[vector<16xi32>, vector<16xi32>], vector<16xf32>, vector<16xi1>
        tpu.vector_store_idx %arg9[%parallel_loop3A_991, %parallel_loop3A_988], %parallel_loop3A_981 masked %parallel_loop3A_985 : memref<64x448xi32, #tpu.memory_space<vmem>>[vector<16xi32>, vector<16xi32>], vector<16xi32>, vector<16xi1>
        %parallel_loop3A_992 = arith.extui %parallel_loop3A_985 : vector<16xi1> to vector<16xi32>
        %parallel_loop3A_993 = arith.addi %parallel_loop3A_977, %parallel_loop3A_992 : vector<16xi32>
        %parallel_loop3A_994 = arith.index_cast %parallel_loop3A_976 : i32 to index
        %parallel_loop3A_995 = arith.constant 16 : index
        %parallel_loop3A_996 = tpu.vector_load %arg5[%parallel_loop3A_994, %parallel_loop3A_995] {strides = array<i32>} : memref<256x64xf32, #tpu.memory_space<vmem>>, vector<16xf32>,
        %parallel_loop3A_997 = arith.cmpf ole, %parallel_loop3A_996, %max3A_334 : vector<16xf32>
        %parallel_loop3A_998 = arith.constant 447 : i32
        %parallel_loop3A_999 = vector.broadcast %parallel_loop3A_998 : i32 to vector<16xi32>
        %parallel_loop3A_1000 = arith.minsi %parallel_loop3A_978, %parallel_loop3A_999 : vector<16xi32>
        %parallel_loop3A_1001 = arith.constant 16 : i32
        %parallel_loop3A_1002 = vector.broadcast %parallel_loop3A_1001 : i32 to vector<16xi32>
        %parallel_loop3A_1003 = arith.addi %iota3A, %parallel_loop3A_1002 : vector<16xi32>
        tpu.vector_store_idx %arg8[%parallel_loop3A_1003, %parallel_loop3A_1000], %parallel_loop3A_996 masked %parallel_loop3A_997 : memref<64x448xf32, #tpu.memory_space<vmem>>[vector<16xi32>, vector<16xi32>], vector<16xf32>, vector<16xi1>
        tpu.vector_store_idx %arg9[%parallel_loop3A_1003, %parallel_loop3A_1000], %parallel_loop3A_981 masked %parallel_loop3A_997 : memref<64x448xi32, #tpu.memory_space<vmem>>[vector<16xi32>, vector<16xi32>], vector<16xi32>, vector<16xi1>
        %parallel_loop3A_1004 = arith.extui %parallel_loop3A_997 : vector<16xi1> to vector<16xi32>
        %parallel_loop3A_1005 = arith.addi %parallel_loop3A_978, %parallel_loop3A_1004 : vector<16xi32>
        %parallel_loop3A_1006 = arith.index_cast %parallel_loop3A_976 : i32 to index
        %parallel_loop3A_1007 = arith.constant 32 : index
        %parallel_loop3A_1008 = tpu.vector_load %arg5[%parallel_loop3A_1006, %parallel_loop3A_1007] {strides = array<i32>} : memref<256x64xf32, #tpu.memory_space<vmem>>, vector<16xf32>,
        %parallel_loop3A_1009 = arith.cmpf ole, %parallel_loop3A_1008, %max3A_477 : vector<16xf32>
        %parallel_loop3A_1010 = arith.constant 447 : i32
        %parallel_loop3A_1011 = vector.broadcast %parallel_loop3A_1010 : i32 to vector<16xi32>
        %parallel_loop3A_1012 = arith.minsi %parallel_loop3A_979, %parallel_loop3A_1011 : vector<16xi32>
        %parallel_loop3A_1013 = arith.constant 32 : i32
        %parallel_loop3A_1014 = vector.broadcast %parallel_loop3A_1013 : i32 to vector<16xi32>
        %parallel_loop3A_1015 = arith.addi %iota3A, %parallel_loop3A_1014 : vector<16xi32>
        tpu.vector_store_idx %arg8[%parallel_loop3A_1015, %parallel_loop3A_1012], %parallel_loop3A_1008 masked %parallel_loop3A_1009 : memref<64x448xf32, #tpu.memory_space<vmem>>[vector<16xi32>, vector<16xi32>], vector<16xf32>, vector<16xi1>
        tpu.vector_store_idx %arg9[%parallel_loop3A_1015, %parallel_loop3A_1012], %parallel_loop3A_981 masked %parallel_loop3A_1009 : memref<64x448xi32, #tpu.memory_space<vmem>>[vector<16xi32>, vector<16xi32>], vector<16xi32>, vector<16xi1>
        %parallel_loop3A_1016 = arith.extui %parallel_loop3A_1009 : vector<16xi1> to vector<16xi32>
        %parallel_loop3A_1017 = arith.addi %parallel_loop3A_979, %parallel_loop3A_1016 : vector<16xi32>
        %parallel_loop3A_1018 = arith.index_cast %parallel_loop3A_976 : i32 to index
        %parallel_loop3A_1019 = arith.constant 48 : index
        %parallel_loop3A_1020 = tpu.vector_load %arg5[%parallel_loop3A_1018, %parallel_loop3A_1019] {strides = array<i32>} : memref<256x64xf32, #tpu.memory_space<vmem>>, vector<16xf32>,
        %parallel_loop3A_1021 = arith.cmpf ole, %parallel_loop3A_1020, %max3A_620 : vector<16xf32>
        %parallel_loop3A_1022 = arith.constant 447 : i32
        %parallel_loop3A_1023 = vector.broadcast %parallel_loop3A_1022 : i32 to vector<16xi32>
        %parallel_loop3A_1024 = arith.minsi %parallel_loop3A_980, %parallel_loop3A_1023 : vector<16xi32>
        %parallel_loop3A_1025 = arith.constant 48 : i32
        %parallel_loop3A_1026 = vector.broadcast %parallel_loop3A_1025 : i32 to vector<16xi32>
        %parallel_loop3A_1027 = arith.addi %iota3A, %parallel_loop3A_1026 : vector<16xi32>
        tpu.vector_store_idx %arg8[%parallel_loop3A_1027, %parallel_loop3A_1024], %parallel_loop3A_1020 masked %parallel_loop3A_1021 : memref<64x448xf32, #tpu.memory_space<vmem>>[vector<16xi32>, vector<16xi32>], vector<16xf32>, vector<16xi1>
        tpu.vector_store_idx %arg9[%parallel_loop3A_1027, %parallel_loop3A_1024], %parallel_loop3A_981 masked %parallel_loop3A_1021 : memref<64x448xi32, #tpu.memory_space<vmem>>[vector<16xi32>, vector<16xi32>], vector<16xi32>, vector<16xi1>
        %parallel_loop3A_1028 = arith.extui %parallel_loop3A_1021 : vector<16xi1> to vector<16xi32>
        %parallel_loop3A_1029 = arith.addi %parallel_loop3A_980, %parallel_loop3A_1028 : vector<16xi32>
        %parallel_loop3A_1030 = arith.constant 1 : i32
        %parallel_loop3A_1031 = vector.broadcast %parallel_loop3A_1030 : i32 to vector<16xi32>
        %parallel_loop3A_1032 = arith.addi %parallel_loop3A_981, %parallel_loop3A_1031 : vector<16xi32>
        scf.yield %parallel_loop3A_993, %parallel_loop3A_1005, %parallel_loop3A_1017, %parallel_loop3A_1029, %parallel_loop3A_1032 : vector<16xi32>, vector<16xi32>, vector<16xi32>, vector<16xi32>, vector<16xi32>
      } {sc.loop_unroll_factor = 8 : i64, sc.parallel_access}
      %dma_wait3A_811 = arith.constant 0 : i32
      %dma_wait3A_812 = arith.constant 0 : i32
      %dma_wait3A_813 = tpu.memref_slice %arg2[%select_n3A, %dma_wait3A_811, %dma_wait3A_812] : memref<2x4096x4096xf32, #tpu.memory_space<hbm>> -> memref<1x256x64xf32, #tpu.memory_space<hbm>>
      %dma_wait3A_814 = tpu.memref_squeeze %dma_wait3A_813 : memref<1x256x64xf32, #tpu.memory_space<hbm>> -> memref<256x64xf32, #tpu.memory_space<hbm>>
      %dma_wait3A_815 = arith.constant 0 : i32
      %dma_wait3A_816 = arith.constant 0 : i32
      %dma_wait3A_817 = tpu.memref_slice %arg2[%select_n3A, %dma_wait3A_815, %dma_wait3A_816] : memref<2x4096x4096xf32, #tpu.memory_space<hbm>> -> memref<1x256x64xf32, #tpu.memory_space<hbm>>
      %dma_wait3A_818 = tpu.memref_squeeze %dma_wait3A_817 : memref<1x256x64xf32, #tpu.memory_space<hbm>> -> memref<256x64xf32, #tpu.memory_space<hbm>>
      tpu.wait_dma2 semaphore(%arg13 : memref<!tpu.dma_semaphore, #tpu.memory_space<semaphore_mem>>) src(%dma_wait3A_818 : memref<256x64xf32, #tpu.memory_space<hbm>>) dst(%arg6 : memref<256x64xf32, #tpu.memory_space<vmem>>)
      %mul3A_819 = arith.constant 64 : i32
      %mul3A_820 = arith.muli %scan3A_49, %mul3A_819 : i32
      %add3A_821 = arith.addi %mul3A_32, %mul3A_820 : i32
      %dma_start3A_822 = arith.constant 2560 : i32
      %dma_start3A_823 = tpu.memref_slice %arg2[%select_n3A, %dma_start3A_822, %add3A_821] : memref<2x4096x4096xf32, #tpu.memory_space<hbm>> -> memref<1x256x64xf32, #tpu.memory_space<hbm>>
      %dma_start3A_824 = tpu.memref_squeeze %dma_start3A_823 : memref<1x256x64xf32, #tpu.memory_space<hbm>> -> memref<256x64xf32, #tpu.memory_space<hbm>>
      %dma_start3A_825 = arith.constant 2560 : i32
      %dma_start3A_826 = tpu.memref_slice %arg2[%select_n3A, %dma_start3A_825, %add3A_821] : memref<2x4096x4096xf32, #tpu.memory_space<hbm>> -> memref<1x256x64xf32, #tpu.memory_space<hbm>>
      %dma_start3A_827 = tpu.memref_squeeze %dma_start3A_826 : memref<1x256x64xf32, #tpu.memory_space<hbm>> -> memref<256x64xf32, #tpu.memory_space<hbm>>
      tpu.enqueue_dma source(%dma_start3A_827 : memref<256x64xf32, #tpu.memory_space<hbm>>) target(%arg5 : memref<256x64xf32, #tpu.memory_space<vmem>>) target_semaphore(%arg12 : memref<!tpu.dma_semaphore, #tpu.memory_space<semaphore_mem>>)
      %parallel_loop3A_828 = arith.constant 0 : i32
      %parallel_loop3A_829 = arith.constant 256 : i32
      %parallel_loop3A_830 = arith.constant 1 : i32
      %parallel_loop3A_831:5 = scf.for %parallel_loop3A_976 = %parallel_loop3A_828 to %parallel_loop3A_829 step %parallel_loop3A_830 iter_args(%parallel_loop3A_977 = %parallel_loop3A_810#0, %parallel_loop3A_978 = %parallel_loop3A_810#1, %parallel_loop3A_979 = %parallel_loop3A_810#2, %parallel_loop3A_980 = %parallel_loop3A_810#3, %parallel_loop3A_981 = %parallel_loop3A_810#4) -> (vector<16xi32>, vector<16xi32>, vector<16xi32>, vector<16xi32>, vector<16xi32>)  : i32 {
        %parallel_loop3A_982 = arith.index_cast %parallel_loop3A_976 : i32 to index
        %parallel_loop3A_983 = arith.constant 0 : index
        %parallel_loop3A_984 = tpu.vector_load %arg6[%parallel_loop3A_982, %parallel_loop3A_983] {strides = array<i32>} : memref<256x64xf32, #tpu.memory_space<vmem>>, vector<16xf32>,
        %parallel_loop3A_985 = arith.cmpf ole, %parallel_loop3A_984, %max3A_191 : vector<16xf32>
        %parallel_loop3A_986 = arith.constant 447 : i32
        %parallel_loop3A_987 = vector.broadcast %parallel_loop3A_986 : i32 to vector<16xi32>
        %parallel_loop3A_988 = arith.minsi %parallel_loop3A_977, %parallel_loop3A_987 : vector<16xi32>
        %parallel_loop3A_989 = arith.constant 0 : i32
        %parallel_loop3A_990 = vector.broadcast %parallel_loop3A_989 : i32 to vector<16xi32>
        %parallel_loop3A_991 = arith.addi %iota3A, %parallel_loop3A_990 : vector<16xi32>
        tpu.vector_store_idx %arg8[%parallel_loop3A_991, %parallel_loop3A_988], %parallel_loop3A_984 masked %parallel_loop3A_985 : memref<64x448xf32, #tpu.memory_space<vmem>>[vector<16xi32>, vector<16xi32>], vector<16xf32>, vector<16xi1>
        tpu.vector_store_idx %arg9[%parallel_loop3A_991, %parallel_loop3A_988], %parallel_loop3A_981 masked %parallel_loop3A_985 : memref<64x448xi32, #tpu.memory_space<vmem>>[vector<16xi32>, vector<16xi32>], vector<16xi32>, vector<16xi1>
        %parallel_loop3A_992 = arith.extui %parallel_loop3A_985 : vector<16xi1> to vector<16xi32>
        %parallel_loop3A_993 = arith.addi %parallel_loop3A_977, %parallel_loop3A_992 : vector<16xi32>
        %parallel_loop3A_994 = arith.index_cast %parallel_loop3A_976 : i32 to index
        %parallel_loop3A_995 = arith.constant 16 : index
        %parallel_loop3A_996 = tpu.vector_load %arg6[%parallel_loop3A_994, %parallel_loop3A_995] {strides = array<i32>} : memref<256x64xf32, #tpu.memory_space<vmem>>, vector<16xf32>,
        %parallel_loop3A_997 = arith.cmpf ole, %parallel_loop3A_996, %max3A_334 : vector<16xf32>
        %parallel_loop3A_998 = arith.constant 447 : i32
        %parallel_loop3A_999 = vector.broadcast %parallel_loop3A_998 : i32 to vector<16xi32>
        %parallel_loop3A_1000 = arith.minsi %parallel_loop3A_978, %parallel_loop3A_999 : vector<16xi32>
        %parallel_loop3A_1001 = arith.constant 16 : i32
        %parallel_loop3A_1002 = vector.broadcast %parallel_loop3A_1001 : i32 to vector<16xi32>
        %parallel_loop3A_1003 = arith.addi %iota3A, %parallel_loop3A_1002 : vector<16xi32>
        tpu.vector_store_idx %arg8[%parallel_loop3A_1003, %parallel_loop3A_1000], %parallel_loop3A_996 masked %parallel_loop3A_997 : memref<64x448xf32, #tpu.memory_space<vmem>>[vector<16xi32>, vector<16xi32>], vector<16xf32>, vector<16xi1>
        tpu.vector_store_idx %arg9[%parallel_loop3A_1003, %parallel_loop3A_1000], %parallel_loop3A_981 masked %parallel_loop3A_997 : memref<64x448xi32, #tpu.memory_space<vmem>>[vector<16xi32>, vector<16xi32>], vector<16xi32>, vector<16xi1>
        %parallel_loop3A_1004 = arith.extui %parallel_loop3A_997 : vector<16xi1> to vector<16xi32>
        %parallel_loop3A_1005 = arith.addi %parallel_loop3A_978, %parallel_loop3A_1004 : vector<16xi32>
        %parallel_loop3A_1006 = arith.index_cast %parallel_loop3A_976 : i32 to index
        %parallel_loop3A_1007 = arith.constant 32 : index
        %parallel_loop3A_1008 = tpu.vector_load %arg6[%parallel_loop3A_1006, %parallel_loop3A_1007] {strides = array<i32>} : memref<256x64xf32, #tpu.memory_space<vmem>>, vector<16xf32>,
        %parallel_loop3A_1009 = arith.cmpf ole, %parallel_loop3A_1008, %max3A_477 : vector<16xf32>
        %parallel_loop3A_1010 = arith.constant 447 : i32
        %parallel_loop3A_1011 = vector.broadcast %parallel_loop3A_1010 : i32 to vector<16xi32>
        %parallel_loop3A_1012 = arith.minsi %parallel_loop3A_979, %parallel_loop3A_1011 : vector<16xi32>
        %parallel_loop3A_1013 = arith.constant 32 : i32
        %parallel_loop3A_1014 = vector.broadcast %parallel_loop3A_1013 : i32 to vector<16xi32>
        %parallel_loop3A_1015 = arith.addi %iota3A, %parallel_loop3A_1014 : vector<16xi32>
        tpu.vector_store_idx %arg8[%parallel_loop3A_1015, %parallel_loop3A_1012], %parallel_loop3A_1008 masked %parallel_loop3A_1009 : memref<64x448xf32, #tpu.memory_space<vmem>>[vector<16xi32>, vector<16xi32>], vector<16xf32>, vector<16xi1>
        tpu.vector_store_idx %arg9[%parallel_loop3A_1015, %parallel_loop3A_1012], %parallel_loop3A_981 masked %parallel_loop3A_1009 : memref<64x448xi32, #tpu.memory_space<vmem>>[vector<16xi32>, vector<16xi32>], vector<16xi32>, vector<16xi1>
        %parallel_loop3A_1016 = arith.extui %parallel_loop3A_1009 : vector<16xi1> to vector<16xi32>
        %parallel_loop3A_1017 = arith.addi %parallel_loop3A_979, %parallel_loop3A_1016 : vector<16xi32>
        %parallel_loop3A_1018 = arith.index_cast %parallel_loop3A_976 : i32 to index
        %parallel_loop3A_1019 = arith.constant 48 : index
        %parallel_loop3A_1020 = tpu.vector_load %arg6[%parallel_loop3A_1018, %parallel_loop3A_1019] {strides = array<i32>} : memref<256x64xf32, #tpu.memory_space<vmem>>, vector<16xf32>,
        %parallel_loop3A_1021 = arith.cmpf ole, %parallel_loop3A_1020, %max3A_620 : vector<16xf32>
        %parallel_loop3A_1022 = arith.constant 447 : i32
        %parallel_loop3A_1023 = vector.broadcast %parallel_loop3A_1022 : i32 to vector<16xi32>
        %parallel_loop3A_1024 = arith.minsi %parallel_loop3A_980, %parallel_loop3A_1023 : vector<16xi32>
        %parallel_loop3A_1025 = arith.constant 48 : i32
        %parallel_loop3A_1026 = vector.broadcast %parallel_loop3A_1025 : i32 to vector<16xi32>
        %parallel_loop3A_1027 = arith.addi %iota3A, %parallel_loop3A_1026 : vector<16xi32>
        tpu.vector_store_idx %arg8[%parallel_loop3A_1027, %parallel_loop3A_1024], %parallel_loop3A_1020 masked %parallel_loop3A_1021 : memref<64x448xf32, #tpu.memory_space<vmem>>[vector<16xi32>, vector<16xi32>], vector<16xf32>, vector<16xi1>
        tpu.vector_store_idx %arg9[%parallel_loop3A_1027, %parallel_loop3A_1024], %parallel_loop3A_981 masked %parallel_loop3A_1021 : memref<64x448xi32, #tpu.memory_space<vmem>>[vector<16xi32>, vector<16xi32>], vector<16xi32>, vector<16xi1>
        %parallel_loop3A_1028 = arith.extui %parallel_loop3A_1021 : vector<16xi1> to vector<16xi32>
        %parallel_loop3A_1029 = arith.addi %parallel_loop3A_980, %parallel_loop3A_1028 : vector<16xi32>
        %parallel_loop3A_1030 = arith.constant 1 : i32
        %parallel_loop3A_1031 = vector.broadcast %parallel_loop3A_1030 : i32 to vector<16xi32>
        %parallel_loop3A_1032 = arith.addi %parallel_loop3A_981, %parallel_loop3A_1031 : vector<16xi32>
        scf.yield %parallel_loop3A_993, %parallel_loop3A_1005, %parallel_loop3A_1017, %parallel_loop3A_1029, %parallel_loop3A_1032 : vector<16xi32>, vector<16xi32>, vector<16xi32>, vector<16xi32>, vector<16xi32>
      } {sc.loop_unroll_factor = 8 : i64, sc.parallel_access}
      %dma_wait3A_832 = arith.constant 0 : i32
      %dma_wait3A_833 = arith.constant 0 : i32
      %dma_wait3A_834 = tpu.memref_slice %arg2[%select_n3A, %dma_wait3A_832, %dma_wait3A_833] : memref<2x4096x4096xf32, #tpu.memory_space<hbm>> -> memref<1x256x64xf32, #tpu.memory_space<hbm>>
      %dma_wait3A_835 = tpu.memref_squeeze %dma_wait3A_834 : memref<1x256x64xf32, #tpu.memory_space<hbm>> -> memref<256x64xf32, #tpu.memory_space<hbm>>
      %dma_wait3A_836 = arith.constant 0 : i32
      %dma_wait3A_837 = arith.constant 0 : i32
      %dma_wait3A_838 = tpu.memref_slice %arg2[%select_n3A, %dma_wait3A_836, %dma_wait3A_837] : memref<2x4096x4096xf32, #tpu.memory_space<hbm>> -> memref<1x256x64xf32, #tpu.memory_space<hbm>>
      %dma_wait3A_839 = tpu.memref_squeeze %dma_wait3A_838 : memref<1x256x64xf32, #tpu.memory_space<hbm>> -> memref<256x64xf32, #tpu.memory_space<hbm>>
      tpu.wait_dma2 semaphore(%arg12 : memref<!tpu.dma_semaphore, #tpu.memory_space<semaphore_mem>>) src(%dma_wait3A_839 : memref<256x64xf32, #tpu.memory_space<hbm>>) dst(%arg5 : memref<256x64xf32, #tpu.memory_space<vmem>>)
      %mul3A_840 = arith.constant 64 : i32
      %mul3A_841 = arith.muli %scan3A_49, %mul3A_840 : i32
      %add3A_842 = arith.addi %mul3A_32, %mul3A_841 : i32
      %dma_start3A_843 = arith.constant 2816 : i32
      %dma_start3A_844 = tpu.memref_slice %arg2[%select_n3A, %dma_start3A_843, %add3A_842] : memref<2x4096x4096xf32, #tpu.memory_space<hbm>> -> memref<1x256x64xf32, #tpu.memory_space<hbm>>
      %dma_start3A_845 = tpu.memref_squeeze %dma_start3A_844 : memref<1x256x64xf32, #tpu.memory_space<hbm>> -> memref<256x64xf32, #tpu.memory_space<hbm>>
      %dma_start3A_846 = arith.constant 2816 : i32
      %dma_start3A_847 = tpu.memref_slice %arg2[%select_n3A, %dma_start3A_846, %add3A_842] : memref<2x4096x4096xf32, #tpu.memory_space<hbm>> -> memref<1x256x64xf32, #tpu.memory_space<hbm>>
      %dma_start3A_848 = tpu.memref_squeeze %dma_start3A_847 : memref<1x256x64xf32, #tpu.memory_space<hbm>> -> memref<256x64xf32, #tpu.memory_space<hbm>>
      tpu.enqueue_dma source(%dma_start3A_848 : memref<256x64xf32, #tpu.memory_space<hbm>>) target(%arg6 : memref<256x64xf32, #tpu.memory_space<vmem>>) target_semaphore(%arg13 : memref<!tpu.dma_semaphore, #tpu.memory_space<semaphore_mem>>)
      %parallel_loop3A_849 = arith.constant 0 : i32
      %parallel_loop3A_850 = arith.constant 256 : i32
      %parallel_loop3A_851 = arith.constant 1 : i32
      %parallel_loop3A_852:5 = scf.for %parallel_loop3A_976 = %parallel_loop3A_849 to %parallel_loop3A_850 step %parallel_loop3A_851 iter_args(%parallel_loop3A_977 = %parallel_loop3A_831#0, %parallel_loop3A_978 = %parallel_loop3A_831#1, %parallel_loop3A_979 = %parallel_loop3A_831#2, %parallel_loop3A_980 = %parallel_loop3A_831#3, %parallel_loop3A_981 = %parallel_loop3A_831#4) -> (vector<16xi32>, vector<16xi32>, vector<16xi32>, vector<16xi32>, vector<16xi32>)  : i32 {
        %parallel_loop3A_982 = arith.index_cast %parallel_loop3A_976 : i32 to index
        %parallel_loop3A_983 = arith.constant 0 : index
        %parallel_loop3A_984 = tpu.vector_load %arg5[%parallel_loop3A_982, %parallel_loop3A_983] {strides = array<i32>} : memref<256x64xf32, #tpu.memory_space<vmem>>, vector<16xf32>,
        %parallel_loop3A_985 = arith.cmpf ole, %parallel_loop3A_984, %max3A_191 : vector<16xf32>
        %parallel_loop3A_986 = arith.constant 447 : i32
        %parallel_loop3A_987 = vector.broadcast %parallel_loop3A_986 : i32 to vector<16xi32>
        %parallel_loop3A_988 = arith.minsi %parallel_loop3A_977, %parallel_loop3A_987 : vector<16xi32>
        %parallel_loop3A_989 = arith.constant 0 : i32
        %parallel_loop3A_990 = vector.broadcast %parallel_loop3A_989 : i32 to vector<16xi32>
        %parallel_loop3A_991 = arith.addi %iota3A, %parallel_loop3A_990 : vector<16xi32>
        tpu.vector_store_idx %arg8[%parallel_loop3A_991, %parallel_loop3A_988], %parallel_loop3A_984 masked %parallel_loop3A_985 : memref<64x448xf32, #tpu.memory_space<vmem>>[vector<16xi32>, vector<16xi32>], vector<16xf32>, vector<16xi1>
        tpu.vector_store_idx %arg9[%parallel_loop3A_991, %parallel_loop3A_988], %parallel_loop3A_981 masked %parallel_loop3A_985 : memref<64x448xi32, #tpu.memory_space<vmem>>[vector<16xi32>, vector<16xi32>], vector<16xi32>, vector<16xi1>
        %parallel_loop3A_992 = arith.extui %parallel_loop3A_985 : vector<16xi1> to vector<16xi32>
        %parallel_loop3A_993 = arith.addi %parallel_loop3A_977, %parallel_loop3A_992 : vector<16xi32>
        %parallel_loop3A_994 = arith.index_cast %parallel_loop3A_976 : i32 to index
        %parallel_loop3A_995 = arith.constant 16 : index
        %parallel_loop3A_996 = tpu.vector_load %arg5[%parallel_loop3A_994, %parallel_loop3A_995] {strides = array<i32>} : memref<256x64xf32, #tpu.memory_space<vmem>>, vector<16xf32>,
        %parallel_loop3A_997 = arith.cmpf ole, %parallel_loop3A_996, %max3A_334 : vector<16xf32>
        %parallel_loop3A_998 = arith.constant 447 : i32
        %parallel_loop3A_999 = vector.broadcast %parallel_loop3A_998 : i32 to vector<16xi32>
        %parallel_loop3A_1000 = arith.minsi %parallel_loop3A_978, %parallel_loop3A_999 : vector<16xi32>
        %parallel_loop3A_1001 = arith.constant 16 : i32
        %parallel_loop3A_1002 = vector.broadcast %parallel_loop3A_1001 : i32 to vector<16xi32>
        %parallel_loop3A_1003 = arith.addi %iota3A, %parallel_loop3A_1002 : vector<16xi32>
        tpu.vector_store_idx %arg8[%parallel_loop3A_1003, %parallel_loop3A_1000], %parallel_loop3A_996 masked %parallel_loop3A_997 : memref<64x448xf32, #tpu.memory_space<vmem>>[vector<16xi32>, vector<16xi32>], vector<16xf32>, vector<16xi1>
        tpu.vector_store_idx %arg9[%parallel_loop3A_1003, %parallel_loop3A_1000], %parallel_loop3A_981 masked %parallel_loop3A_997 : memref<64x448xi32, #tpu.memory_space<vmem>>[vector<16xi32>, vector<16xi32>], vector<16xi32>, vector<16xi1>
        %parallel_loop3A_1004 = arith.extui %parallel_loop3A_997 : vector<16xi1> to vector<16xi32>
        %parallel_loop3A_1005 = arith.addi %parallel_loop3A_978, %parallel_loop3A_1004 : vector<16xi32>
        %parallel_loop3A_1006 = arith.index_cast %parallel_loop3A_976 : i32 to index
        %parallel_loop3A_1007 = arith.constant 32 : index
        %parallel_loop3A_1008 = tpu.vector_load %arg5[%parallel_loop3A_1006, %parallel_loop3A_1007] {strides = array<i32>} : memref<256x64xf32, #tpu.memory_space<vmem>>, vector<16xf32>,
        %parallel_loop3A_1009 = arith.cmpf ole, %parallel_loop3A_1008, %max3A_477 : vector<16xf32>
        %parallel_loop3A_1010 = arith.constant 447 : i32
        %parallel_loop3A_1011 = vector.broadcast %parallel_loop3A_1010 : i32 to vector<16xi32>
        %parallel_loop3A_1012 = arith.minsi %parallel_loop3A_979, %parallel_loop3A_1011 : vector<16xi32>
        %parallel_loop3A_1013 = arith.constant 32 : i32
        %parallel_loop3A_1014 = vector.broadcast %parallel_loop3A_1013 : i32 to vector<16xi32>
        %parallel_loop3A_1015 = arith.addi %iota3A, %parallel_loop3A_1014 : vector<16xi32>
        tpu.vector_store_idx %arg8[%parallel_loop3A_1015, %parallel_loop3A_1012], %parallel_loop3A_1008 masked %parallel_loop3A_1009 : memref<64x448xf32, #tpu.memory_space<vmem>>[vector<16xi32>, vector<16xi32>], vector<16xf32>, vector<16xi1>
        tpu.vector_store_idx %arg9[%parallel_loop3A_1015, %parallel_loop3A_1012], %parallel_loop3A_981 masked %parallel_loop3A_1009 : memref<64x448xi32, #tpu.memory_space<vmem>>[vector<16xi32>, vector<16xi32>], vector<16xi32>, vector<16xi1>
        %parallel_loop3A_1016 = arith.extui %parallel_loop3A_1009 : vector<16xi1> to vector<16xi32>
        %parallel_loop3A_1017 = arith.addi %parallel_loop3A_979, %parallel_loop3A_1016 : vector<16xi32>
        %parallel_loop3A_1018 = arith.index_cast %parallel_loop3A_976 : i32 to index
        %parallel_loop3A_1019 = arith.constant 48 : index
        %parallel_loop3A_1020 = tpu.vector_load %arg5[%parallel_loop3A_1018, %parallel_loop3A_1019] {strides = array<i32>} : memref<256x64xf32, #tpu.memory_space<vmem>>, vector<16xf32>,
        %parallel_loop3A_1021 = arith.cmpf ole, %parallel_loop3A_1020, %max3A_620 : vector<16xf32>
        %parallel_loop3A_1022 = arith.constant 447 : i32
        %parallel_loop3A_1023 = vector.broadcast %parallel_loop3A_1022 : i32 to vector<16xi32>
        %parallel_loop3A_1024 = arith.minsi %parallel_loop3A_980, %parallel_loop3A_1023 : vector<16xi32>
        %parallel_loop3A_1025 = arith.constant 48 : i32
        %parallel_loop3A_1026 = vector.broadcast %parallel_loop3A_1025 : i32 to vector<16xi32>
        %parallel_loop3A_1027 = arith.addi %iota3A, %parallel_loop3A_1026 : vector<16xi32>
        tpu.vector_store_idx %arg8[%parallel_loop3A_1027, %parallel_loop3A_1024], %parallel_loop3A_1020 masked %parallel_loop3A_1021 : memref<64x448xf32, #tpu.memory_space<vmem>>[vector<16xi32>, vector<16xi32>], vector<16xf32>, vector<16xi1>
        tpu.vector_store_idx %arg9[%parallel_loop3A_1027, %parallel_loop3A_1024], %parallel_loop3A_981 masked %parallel_loop3A_1021 : memref<64x448xi32, #tpu.memory_space<vmem>>[vector<16xi32>, vector<16xi32>], vector<16xi32>, vector<16xi1>
        %parallel_loop3A_1028 = arith.extui %parallel_loop3A_1021 : vector<16xi1> to vector<16xi32>
        %parallel_loop3A_1029 = arith.addi %parallel_loop3A_980, %parallel_loop3A_1028 : vector<16xi32>
        %parallel_loop3A_1030 = arith.constant 1 : i32
        %parallel_loop3A_1031 = vector.broadcast %parallel_loop3A_1030 : i32 to vector<16xi32>
        %parallel_loop3A_1032 = arith.addi %parallel_loop3A_981, %parallel_loop3A_1031 : vector<16xi32>
        scf.yield %parallel_loop3A_993, %parallel_loop3A_1005, %parallel_loop3A_1017, %parallel_loop3A_1029, %parallel_loop3A_1032 : vector<16xi32>, vector<16xi32>, vector<16xi32>, vector<16xi32>, vector<16xi32>
      } {sc.loop_unroll_factor = 8 : i64, sc.parallel_access}
      %dma_wait3A_853 = arith.constant 0 : i32
      %dma_wait3A_854 = arith.constant 0 : i32
      %dma_wait3A_855 = tpu.memref_slice %arg2[%select_n3A, %dma_wait3A_853, %dma_wait3A_854] : memref<2x4096x4096xf32, #tpu.memory_space<hbm>> -> memref<1x256x64xf32, #tpu.memory_space<hbm>>
      %dma_wait3A_856 = tpu.memref_squeeze %dma_wait3A_855 : memref<1x256x64xf32, #tpu.memory_space<hbm>> -> memref<256x64xf32, #tpu.memory_space<hbm>>
      %dma_wait3A_857 = arith.constant 0 : i32
      %dma_wait3A_858 = arith.constant 0 : i32
      %dma_wait3A_859 = tpu.memref_slice %arg2[%select_n3A, %dma_wait3A_857, %dma_wait3A_858] : memref<2x4096x4096xf32, #tpu.memory_space<hbm>> -> memref<1x256x64xf32, #tpu.memory_space<hbm>>
      %dma_wait3A_860 = tpu.memref_squeeze %dma_wait3A_859 : memref<1x256x64xf32, #tpu.memory_space<hbm>> -> memref<256x64xf32, #tpu.memory_space<hbm>>
      tpu.wait_dma2 semaphore(%arg13 : memref<!tpu.dma_semaphore, #tpu.memory_space<semaphore_mem>>) src(%dma_wait3A_860 : memref<256x64xf32, #tpu.memory_space<hbm>>) dst(%arg6 : memref<256x64xf32, #tpu.memory_space<vmem>>)
      %mul3A_861 = arith.constant 64 : i32
      %mul3A_862 = arith.muli %scan3A_49, %mul3A_861 : i32
      %add3A_863 = arith.addi %mul3A_32, %mul3A_862 : i32
      %dma_start3A_864 = arith.constant 3072 : i32
      %dma_start3A_865 = tpu.memref_slice %arg2[%select_n3A, %dma_start3A_864, %add3A_863] : memref<2x4096x4096xf32, #tpu.memory_space<hbm>> -> memref<1x256x64xf32, #tpu.memory_space<hbm>>
      %dma_start3A_866 = tpu.memref_squeeze %dma_start3A_865 : memref<1x256x64xf32, #tpu.memory_space<hbm>> -> memref<256x64xf32, #tpu.memory_space<hbm>>
      %dma_start3A_867 = arith.constant 3072 : i32
      %dma_start3A_868 = tpu.memref_slice %arg2[%select_n3A, %dma_start3A_867, %add3A_863] : memref<2x4096x4096xf32, #tpu.memory_space<hbm>> -> memref<1x256x64xf32, #tpu.memory_space<hbm>>
      %dma_start3A_869 = tpu.memref_squeeze %dma_start3A_868 : memref<1x256x64xf32, #tpu.memory_space<hbm>> -> memref<256x64xf32, #tpu.memory_space<hbm>>
      tpu.enqueue_dma source(%dma_start3A_869 : memref<256x64xf32, #tpu.memory_space<hbm>>) target(%arg5 : memref<256x64xf32, #tpu.memory_space<vmem>>) target_semaphore(%arg12 : memref<!tpu.dma_semaphore, #tpu.memory_space<semaphore_mem>>)
      %parallel_loop3A_870 = arith.constant 0 : i32
      %parallel_loop3A_871 = arith.constant 256 : i32
      %parallel_loop3A_872 = arith.constant 1 : i32
      %parallel_loop3A_873:5 = scf.for %parallel_loop3A_976 = %parallel_loop3A_870 to %parallel_loop3A_871 step %parallel_loop3A_872 iter_args(%parallel_loop3A_977 = %parallel_loop3A_852#0, %parallel_loop3A_978 = %parallel_loop3A_852#1, %parallel_loop3A_979 = %parallel_loop3A_852#2, %parallel_loop3A_980 = %parallel_loop3A_852#3, %parallel_loop3A_981 = %parallel_loop3A_852#4) -> (vector<16xi32>, vector<16xi32>, vector<16xi32>, vector<16xi32>, vector<16xi32>)  : i32 {
        %parallel_loop3A_982 = arith.index_cast %parallel_loop3A_976 : i32 to index
        %parallel_loop3A_983 = arith.constant 0 : index
        %parallel_loop3A_984 = tpu.vector_load %arg6[%parallel_loop3A_982, %parallel_loop3A_983] {strides = array<i32>} : memref<256x64xf32, #tpu.memory_space<vmem>>, vector<16xf32>,
        %parallel_loop3A_985 = arith.cmpf ole, %parallel_loop3A_984, %max3A_191 : vector<16xf32>
        %parallel_loop3A_986 = arith.constant 447 : i32
        %parallel_loop3A_987 = vector.broadcast %parallel_loop3A_986 : i32 to vector<16xi32>
        %parallel_loop3A_988 = arith.minsi %parallel_loop3A_977, %parallel_loop3A_987 : vector<16xi32>
        %parallel_loop3A_989 = arith.constant 0 : i32
        %parallel_loop3A_990 = vector.broadcast %parallel_loop3A_989 : i32 to vector<16xi32>
        %parallel_loop3A_991 = arith.addi %iota3A, %parallel_loop3A_990 : vector<16xi32>
        tpu.vector_store_idx %arg8[%parallel_loop3A_991, %parallel_loop3A_988], %parallel_loop3A_984 masked %parallel_loop3A_985 : memref<64x448xf32, #tpu.memory_space<vmem>>[vector<16xi32>, vector<16xi32>], vector<16xf32>, vector<16xi1>
        tpu.vector_store_idx %arg9[%parallel_loop3A_991, %parallel_loop3A_988], %parallel_loop3A_981 masked %parallel_loop3A_985 : memref<64x448xi32, #tpu.memory_space<vmem>>[vector<16xi32>, vector<16xi32>], vector<16xi32>, vector<16xi1>
        %parallel_loop3A_992 = arith.extui %parallel_loop3A_985 : vector<16xi1> to vector<16xi32>
        %parallel_loop3A_993 = arith.addi %parallel_loop3A_977, %parallel_loop3A_992 : vector<16xi32>
        %parallel_loop3A_994 = arith.index_cast %parallel_loop3A_976 : i32 to index
        %parallel_loop3A_995 = arith.constant 16 : index
        %parallel_loop3A_996 = tpu.vector_load %arg6[%parallel_loop3A_994, %parallel_loop3A_995] {strides = array<i32>} : memref<256x64xf32, #tpu.memory_space<vmem>>, vector<16xf32>,
        %parallel_loop3A_997 = arith.cmpf ole, %parallel_loop3A_996, %max3A_334 : vector<16xf32>
        %parallel_loop3A_998 = arith.constant 447 : i32
        %parallel_loop3A_999 = vector.broadcast %parallel_loop3A_998 : i32 to vector<16xi32>
        %parallel_loop3A_1000 = arith.minsi %parallel_loop3A_978, %parallel_loop3A_999 : vector<16xi32>
        %parallel_loop3A_1001 = arith.constant 16 : i32
        %parallel_loop3A_1002 = vector.broadcast %parallel_loop3A_1001 : i32 to vector<16xi32>
        %parallel_loop3A_1003 = arith.addi %iota3A, %parallel_loop3A_1002 : vector<16xi32>
        tpu.vector_store_idx %arg8[%parallel_loop3A_1003, %parallel_loop3A_1000], %parallel_loop3A_996 masked %parallel_loop3A_997 : memref<64x448xf32, #tpu.memory_space<vmem>>[vector<16xi32>, vector<16xi32>], vector<16xf32>, vector<16xi1>
        tpu.vector_store_idx %arg9[%parallel_loop3A_1003, %parallel_loop3A_1000], %parallel_loop3A_981 masked %parallel_loop3A_997 : memref<64x448xi32, #tpu.memory_space<vmem>>[vector<16xi32>, vector<16xi32>], vector<16xi32>, vector<16xi1>
        %parallel_loop3A_1004 = arith.extui %parallel_loop3A_997 : vector<16xi1> to vector<16xi32>
        %parallel_loop3A_1005 = arith.addi %parallel_loop3A_978, %parallel_loop3A_1004 : vector<16xi32>
        %parallel_loop3A_1006 = arith.index_cast %parallel_loop3A_976 : i32 to index
        %parallel_loop3A_1007 = arith.constant 32 : index
        %parallel_loop3A_1008 = tpu.vector_load %arg6[%parallel_loop3A_1006, %parallel_loop3A_1007] {strides = array<i32>} : memref<256x64xf32, #tpu.memory_space<vmem>>, vector<16xf32>,
        %parallel_loop3A_1009 = arith.cmpf ole, %parallel_loop3A_1008, %max3A_477 : vector<16xf32>
        %parallel_loop3A_1010 = arith.constant 447 : i32
        %parallel_loop3A_1011 = vector.broadcast %parallel_loop3A_1010 : i32 to vector<16xi32>
        %parallel_loop3A_1012 = arith.minsi %parallel_loop3A_979, %parallel_loop3A_1011 : vector<16xi32>
        %parallel_loop3A_1013 = arith.constant 32 : i32
        %parallel_loop3A_1014 = vector.broadcast %parallel_loop3A_1013 : i32 to vector<16xi32>
        %parallel_loop3A_1015 = arith.addi %iota3A, %parallel_loop3A_1014 : vector<16xi32>
        tpu.vector_store_idx %arg8[%parallel_loop3A_1015, %parallel_loop3A_1012], %parallel_loop3A_1008 masked %parallel_loop3A_1009 : memref<64x448xf32, #tpu.memory_space<vmem>>[vector<16xi32>, vector<16xi32>], vector<16xf32>, vector<16xi1>
        tpu.vector_store_idx %arg9[%parallel_loop3A_1015, %parallel_loop3A_1012], %parallel_loop3A_981 masked %parallel_loop3A_1009 : memref<64x448xi32, #tpu.memory_space<vmem>>[vector<16xi32>, vector<16xi32>], vector<16xi32>, vector<16xi1>
        %parallel_loop3A_1016 = arith.extui %parallel_loop3A_1009 : vector<16xi1> to vector<16xi32>
        %parallel_loop3A_1017 = arith.addi %parallel_loop3A_979, %parallel_loop3A_1016 : vector<16xi32>
        %parallel_loop3A_1018 = arith.index_cast %parallel_loop3A_976 : i32 to index
        %parallel_loop3A_1019 = arith.constant 48 : index
        %parallel_loop3A_1020 = tpu.vector_load %arg6[%parallel_loop3A_1018, %parallel_loop3A_1019] {strides = array<i32>} : memref<256x64xf32, #tpu.memory_space<vmem>>, vector<16xf32>,
        %parallel_loop3A_1021 = arith.cmpf ole, %parallel_loop3A_1020, %max3A_620 : vector<16xf32>
        %parallel_loop3A_1022 = arith.constant 447 : i32
        %parallel_loop3A_1023 = vector.broadcast %parallel_loop3A_1022 : i32 to vector<16xi32>
        %parallel_loop3A_1024 = arith.minsi %parallel_loop3A_980, %parallel_loop3A_1023 : vector<16xi32>
        %parallel_loop3A_1025 = arith.constant 48 : i32
        %parallel_loop3A_1026 = vector.broadcast %parallel_loop3A_1025 : i32 to vector<16xi32>
        %parallel_loop3A_1027 = arith.addi %iota3A, %parallel_loop3A_1026 : vector<16xi32>
        tpu.vector_store_idx %arg8[%parallel_loop3A_1027, %parallel_loop3A_1024], %parallel_loop3A_1020 masked %parallel_loop3A_1021 : memref<64x448xf32, #tpu.memory_space<vmem>>[vector<16xi32>, vector<16xi32>], vector<16xf32>, vector<16xi1>
        tpu.vector_store_idx %arg9[%parallel_loop3A_1027, %parallel_loop3A_1024], %parallel_loop3A_981 masked %parallel_loop3A_1021 : memref<64x448xi32, #tpu.memory_space<vmem>>[vector<16xi32>, vector<16xi32>], vector<16xi32>, vector<16xi1>
        %parallel_loop3A_1028 = arith.extui %parallel_loop3A_1021 : vector<16xi1> to vector<16xi32>
        %parallel_loop3A_1029 = arith.addi %parallel_loop3A_980, %parallel_loop3A_1028 : vector<16xi32>
        %parallel_loop3A_1030 = arith.constant 1 : i32
        %parallel_loop3A_1031 = vector.broadcast %parallel_loop3A_1030 : i32 to vector<16xi32>
        %parallel_loop3A_1032 = arith.addi %parallel_loop3A_981, %parallel_loop3A_1031 : vector<16xi32>
        scf.yield %parallel_loop3A_993, %parallel_loop3A_1005, %parallel_loop3A_1017, %parallel_loop3A_1029, %parallel_loop3A_1032 : vector<16xi32>, vector<16xi32>, vector<16xi32>, vector<16xi32>, vector<16xi32>
      } {sc.loop_unroll_factor = 8 : i64, sc.parallel_access}
      %dma_wait3A_874 = arith.constant 0 : i32
      %dma_wait3A_875 = arith.constant 0 : i32
      %dma_wait3A_876 = tpu.memref_slice %arg2[%select_n3A, %dma_wait3A_874, %dma_wait3A_875] : memref<2x4096x4096xf32, #tpu.memory_space<hbm>> -> memref<1x256x64xf32, #tpu.memory_space<hbm>>
      %dma_wait3A_877 = tpu.memref_squeeze %dma_wait3A_876 : memref<1x256x64xf32, #tpu.memory_space<hbm>> -> memref<256x64xf32, #tpu.memory_space<hbm>>
      %dma_wait3A_878 = arith.constant 0 : i32
      %dma_wait3A_879 = arith.constant 0 : i32
      %dma_wait3A_880 = tpu.memref_slice %arg2[%select_n3A, %dma_wait3A_878, %dma_wait3A_879] : memref<2x4096x4096xf32, #tpu.memory_space<hbm>> -> memref<1x256x64xf32, #tpu.memory_space<hbm>>
      %dma_wait3A_881 = tpu.memref_squeeze %dma_wait3A_880 : memref<1x256x64xf32, #tpu.memory_space<hbm>> -> memref<256x64xf32, #tpu.memory_space<hbm>>
      tpu.wait_dma2 semaphore(%arg12 : memref<!tpu.dma_semaphore, #tpu.memory_space<semaphore_mem>>) src(%dma_wait3A_881 : memref<256x64xf32, #tpu.memory_space<hbm>>) dst(%arg5 : memref<256x64xf32, #tpu.memory_space<vmem>>)
      %mul3A_882 = arith.constant 64 : i32
      %mul3A_883 = arith.muli %scan3A_49, %mul3A_882 : i32
      %add3A_884 = arith.addi %mul3A_32, %mul3A_883 : i32
      %dma_start3A_885 = arith.constant 3328 : i32
      %dma_start3A_886 = tpu.memref_slice %arg2[%select_n3A, %dma_start3A_885, %add3A_884] : memref<2x4096x4096xf32, #tpu.memory_space<hbm>> -> memref<1x256x64xf32, #tpu.memory_space<hbm>>
      %dma_start3A_887 = tpu.memref_squeeze %dma_start3A_886 : memref<1x256x64xf32, #tpu.memory_space<hbm>> -> memref<256x64xf32, #tpu.memory_space<hbm>>
      %dma_start3A_888 = arith.constant 3328 : i32
      %dma_start3A_889 = tpu.memref_slice %arg2[%select_n3A, %dma_start3A_888, %add3A_884] : memref<2x4096x4096xf32, #tpu.memory_space<hbm>> -> memref<1x256x64xf32, #tpu.memory_space<hbm>>
      %dma_start3A_890 = tpu.memref_squeeze %dma_start3A_889 : memref<1x256x64xf32, #tpu.memory_space<hbm>> -> memref<256x64xf32, #tpu.memory_space<hbm>>
      tpu.enqueue_dma source(%dma_start3A_890 : memref<256x64xf32, #tpu.memory_space<hbm>>) target(%arg6 : memref<256x64xf32, #tpu.memory_space<vmem>>) target_semaphore(%arg13 : memref<!tpu.dma_semaphore, #tpu.memory_space<semaphore_mem>>)
      %parallel_loop3A_891 = arith.constant 0 : i32
      %parallel_loop3A_892 = arith.constant 256 : i32
      %parallel_loop3A_893 = arith.constant 1 : i32
      %parallel_loop3A_894:5 = scf.for %parallel_loop3A_976 = %parallel_loop3A_891 to %parallel_loop3A_892 step %parallel_loop3A_893 iter_args(%parallel_loop3A_977 = %parallel_loop3A_873#0, %parallel_loop3A_978 = %parallel_loop3A_873#1, %parallel_loop3A_979 = %parallel_loop3A_873#2, %parallel_loop3A_980 = %parallel_loop3A_873#3, %parallel_loop3A_981 = %parallel_loop3A_873#4) -> (vector<16xi32>, vector<16xi32>, vector<16xi32>, vector<16xi32>, vector<16xi32>)  : i32 {
        %parallel_loop3A_982 = arith.index_cast %parallel_loop3A_976 : i32 to index
        %parallel_loop3A_983 = arith.constant 0 : index
        %parallel_loop3A_984 = tpu.vector_load %arg5[%parallel_loop3A_982, %parallel_loop3A_983] {strides = array<i32>} : memref<256x64xf32, #tpu.memory_space<vmem>>, vector<16xf32>,
        %parallel_loop3A_985 = arith.cmpf ole, %parallel_loop3A_984, %max3A_191 : vector<16xf32>
        %parallel_loop3A_986 = arith.constant 447 : i32
        %parallel_loop3A_987 = vector.broadcast %parallel_loop3A_986 : i32 to vector<16xi32>
        %parallel_loop3A_988 = arith.minsi %parallel_loop3A_977, %parallel_loop3A_987 : vector<16xi32>
        %parallel_loop3A_989 = arith.constant 0 : i32
        %parallel_loop3A_990 = vector.broadcast %parallel_loop3A_989 : i32 to vector<16xi32>
        %parallel_loop3A_991 = arith.addi %iota3A, %parallel_loop3A_990 : vector<16xi32>
        tpu.vector_store_idx %arg8[%parallel_loop3A_991, %parallel_loop3A_988], %parallel_loop3A_984 masked %parallel_loop3A_985 : memref<64x448xf32, #tpu.memory_space<vmem>>[vector<16xi32>, vector<16xi32>], vector<16xf32>, vector<16xi1>
        tpu.vector_store_idx %arg9[%parallel_loop3A_991, %parallel_loop3A_988], %parallel_loop3A_981 masked %parallel_loop3A_985 : memref<64x448xi32, #tpu.memory_space<vmem>>[vector<16xi32>, vector<16xi32>], vector<16xi32>, vector<16xi1>
        %parallel_loop3A_992 = arith.extui %parallel_loop3A_985 : vector<16xi1> to vector<16xi32>
        %parallel_loop3A_993 = arith.addi %parallel_loop3A_977, %parallel_loop3A_992 : vector<16xi32>
        %parallel_loop3A_994 = arith.index_cast %parallel_loop3A_976 : i32 to index
        %parallel_loop3A_995 = arith.constant 16 : index
        %parallel_loop3A_996 = tpu.vector_load %arg5[%parallel_loop3A_994, %parallel_loop3A_995] {strides = array<i32>} : memref<256x64xf32, #tpu.memory_space<vmem>>, vector<16xf32>,
        %parallel_loop3A_997 = arith.cmpf ole, %parallel_loop3A_996, %max3A_334 : vector<16xf32>
        %parallel_loop3A_998 = arith.constant 447 : i32
        %parallel_loop3A_999 = vector.broadcast %parallel_loop3A_998 : i32 to vector<16xi32>
        %parallel_loop3A_1000 = arith.minsi %parallel_loop3A_978, %parallel_loop3A_999 : vector<16xi32>
        %parallel_loop3A_1001 = arith.constant 16 : i32
        %parallel_loop3A_1002 = vector.broadcast %parallel_loop3A_1001 : i32 to vector<16xi32>
        %parallel_loop3A_1003 = arith.addi %iota3A, %parallel_loop3A_1002 : vector<16xi32>
        tpu.vector_store_idx %arg8[%parallel_loop3A_1003, %parallel_loop3A_1000], %parallel_loop3A_996 masked %parallel_loop3A_997 : memref<64x448xf32, #tpu.memory_space<vmem>>[vector<16xi32>, vector<16xi32>], vector<16xf32>, vector<16xi1>
        tpu.vector_store_idx %arg9[%parallel_loop3A_1003, %parallel_loop3A_1000], %parallel_loop3A_981 masked %parallel_loop3A_997 : memref<64x448xi32, #tpu.memory_space<vmem>>[vector<16xi32>, vector<16xi32>], vector<16xi32>, vector<16xi1>
        %parallel_loop3A_1004 = arith.extui %parallel_loop3A_997 : vector<16xi1> to vector<16xi32>
        %parallel_loop3A_1005 = arith.addi %parallel_loop3A_978, %parallel_loop3A_1004 : vector<16xi32>
        %parallel_loop3A_1006 = arith.index_cast %parallel_loop3A_976 : i32 to index
        %parallel_loop3A_1007 = arith.constant 32 : index
        %parallel_loop3A_1008 = tpu.vector_load %arg5[%parallel_loop3A_1006, %parallel_loop3A_1007] {strides = array<i32>} : memref<256x64xf32, #tpu.memory_space<vmem>>, vector<16xf32>,
        %parallel_loop3A_1009 = arith.cmpf ole, %parallel_loop3A_1008, %max3A_477 : vector<16xf32>
        %parallel_loop3A_1010 = arith.constant 447 : i32
        %parallel_loop3A_1011 = vector.broadcast %parallel_loop3A_1010 : i32 to vector<16xi32>
        %parallel_loop3A_1012 = arith.minsi %parallel_loop3A_979, %parallel_loop3A_1011 : vector<16xi32>
        %parallel_loop3A_1013 = arith.constant 32 : i32
        %parallel_loop3A_1014 = vector.broadcast %parallel_loop3A_1013 : i32 to vector<16xi32>
        %parallel_loop3A_1015 = arith.addi %iota3A, %parallel_loop3A_1014 : vector<16xi32>
        tpu.vector_store_idx %arg8[%parallel_loop3A_1015, %parallel_loop3A_1012], %parallel_loop3A_1008 masked %parallel_loop3A_1009 : memref<64x448xf32, #tpu.memory_space<vmem>>[vector<16xi32>, vector<16xi32>], vector<16xf32>, vector<16xi1>
        tpu.vector_store_idx %arg9[%parallel_loop3A_1015, %parallel_loop3A_1012], %parallel_loop3A_981 masked %parallel_loop3A_1009 : memref<64x448xi32, #tpu.memory_space<vmem>>[vector<16xi32>, vector<16xi32>], vector<16xi32>, vector<16xi1>
        %parallel_loop3A_1016 = arith.extui %parallel_loop3A_1009 : vector<16xi1> to vector<16xi32>
        %parallel_loop3A_1017 = arith.addi %parallel_loop3A_979, %parallel_loop3A_1016 : vector<16xi32>
        %parallel_loop3A_1018 = arith.index_cast %parallel_loop3A_976 : i32 to index
        %parallel_loop3A_1019 = arith.constant 48 : index
        %parallel_loop3A_1020 = tpu.vector_load %arg5[%parallel_loop3A_1018, %parallel_loop3A_1019] {strides = array<i32>} : memref<256x64xf32, #tpu.memory_space<vmem>>, vector<16xf32>,
        %parallel_loop3A_1021 = arith.cmpf ole, %parallel_loop3A_1020, %max3A_620 : vector<16xf32>
        %parallel_loop3A_1022 = arith.constant 447 : i32
        %parallel_loop3A_1023 = vector.broadcast %parallel_loop3A_1022 : i32 to vector<16xi32>
        %parallel_loop3A_1024 = arith.minsi %parallel_loop3A_980, %parallel_loop3A_1023 : vector<16xi32>
        %parallel_loop3A_1025 = arith.constant 48 : i32
        %parallel_loop3A_1026 = vector.broadcast %parallel_loop3A_1025 : i32 to vector<16xi32>
        %parallel_loop3A_1027 = arith.addi %iota3A, %parallel_loop3A_1026 : vector<16xi32>
        tpu.vector_store_idx %arg8[%parallel_loop3A_1027, %parallel_loop3A_1024], %parallel_loop3A_1020 masked %parallel_loop3A_1021 : memref<64x448xf32, #tpu.memory_space<vmem>>[vector<16xi32>, vector<16xi32>], vector<16xf32>, vector<16xi1>
        tpu.vector_store_idx %arg9[%parallel_loop3A_1027, %parallel_loop3A_1024], %parallel_loop3A_981 masked %parallel_loop3A_1021 : memref<64x448xi32, #tpu.memory_space<vmem>>[vector<16xi32>, vector<16xi32>], vector<16xi32>, vector<16xi1>
        %parallel_loop3A_1028 = arith.extui %parallel_loop3A_1021 : vector<16xi1> to vector<16xi32>
        %parallel_loop3A_1029 = arith.addi %parallel_loop3A_980, %parallel_loop3A_1028 : vector<16xi32>
        %parallel_loop3A_1030 = arith.constant 1 : i32
        %parallel_loop3A_1031 = vector.broadcast %parallel_loop3A_1030 : i32 to vector<16xi32>
        %parallel_loop3A_1032 = arith.addi %parallel_loop3A_981, %parallel_loop3A_1031 : vector<16xi32>
        scf.yield %parallel_loop3A_993, %parallel_loop3A_1005, %parallel_loop3A_1017, %parallel_loop3A_1029, %parallel_loop3A_1032 : vector<16xi32>, vector<16xi32>, vector<16xi32>, vector<16xi32>, vector<16xi32>
      } {sc.loop_unroll_factor = 8 : i64, sc.parallel_access}
      %dma_wait3A_895 = arith.constant 0 : i32
      %dma_wait3A_896 = arith.constant 0 : i32
      %dma_wait3A_897 = tpu.memref_slice %arg2[%select_n3A, %dma_wait3A_895, %dma_wait3A_896] : memref<2x4096x4096xf32, #tpu.memory_space<hbm>> -> memref<1x256x64xf32, #tpu.memory_space<hbm>>
      %dma_wait3A_898 = tpu.memref_squeeze %dma_wait3A_897 : memref<1x256x64xf32, #tpu.memory_space<hbm>> -> memref<256x64xf32, #tpu.memory_space<hbm>>
      %dma_wait3A_899 = arith.constant 0 : i32
      %dma_wait3A_900 = arith.constant 0 : i32
      %dma_wait3A_901 = tpu.memref_slice %arg2[%select_n3A, %dma_wait3A_899, %dma_wait3A_900] : memref<2x4096x4096xf32, #tpu.memory_space<hbm>> -> memref<1x256x64xf32, #tpu.memory_space<hbm>>
      %dma_wait3A_902 = tpu.memref_squeeze %dma_wait3A_901 : memref<1x256x64xf32, #tpu.memory_space<hbm>> -> memref<256x64xf32, #tpu.memory_space<hbm>>
      tpu.wait_dma2 semaphore(%arg13 : memref<!tpu.dma_semaphore, #tpu.memory_space<semaphore_mem>>) src(%dma_wait3A_902 : memref<256x64xf32, #tpu.memory_space<hbm>>) dst(%arg6 : memref<256x64xf32, #tpu.memory_space<vmem>>)
      %mul3A_903 = arith.constant 64 : i32
      %mul3A_904 = arith.muli %scan3A_49, %mul3A_903 : i32
      %add3A_905 = arith.addi %mul3A_32, %mul3A_904 : i32
      %dma_start3A_906 = arith.constant 3584 : i32
      %dma_start3A_907 = tpu.memref_slice %arg2[%select_n3A, %dma_start3A_906, %add3A_905] : memref<2x4096x4096xf32, #tpu.memory_space<hbm>> -> memref<1x256x64xf32, #tpu.memory_space<hbm>>
      %dma_start3A_908 = tpu.memref_squeeze %dma_start3A_907 : memref<1x256x64xf32, #tpu.memory_space<hbm>> -> memref<256x64xf32, #tpu.memory_space<hbm>>
      %dma_start3A_909 = arith.constant 3584 : i32
      %dma_start3A_910 = tpu.memref_slice %arg2[%select_n3A, %dma_start3A_909, %add3A_905] : memref<2x4096x4096xf32, #tpu.memory_space<hbm>> -> memref<1x256x64xf32, #tpu.memory_space<hbm>>
      %dma_start3A_911 = tpu.memref_squeeze %dma_start3A_910 : memref<1x256x64xf32, #tpu.memory_space<hbm>> -> memref<256x64xf32, #tpu.memory_space<hbm>>
      tpu.enqueue_dma source(%dma_start3A_911 : memref<256x64xf32, #tpu.memory_space<hbm>>) target(%arg5 : memref<256x64xf32, #tpu.memory_space<vmem>>) target_semaphore(%arg12 : memref<!tpu.dma_semaphore, #tpu.memory_space<semaphore_mem>>)
      %parallel_loop3A_912 = arith.constant 0 : i32
      %parallel_loop3A_913 = arith.constant 256 : i32
      %parallel_loop3A_914 = arith.constant 1 : i32
      %parallel_loop3A_915:5 = scf.for %parallel_loop3A_976 = %parallel_loop3A_912 to %parallel_loop3A_913 step %parallel_loop3A_914 iter_args(%parallel_loop3A_977 = %parallel_loop3A_894#0, %parallel_loop3A_978 = %parallel_loop3A_894#1, %parallel_loop3A_979 = %parallel_loop3A_894#2, %parallel_loop3A_980 = %parallel_loop3A_894#3, %parallel_loop3A_981 = %parallel_loop3A_894#4) -> (vector<16xi32>, vector<16xi32>, vector<16xi32>, vector<16xi32>, vector<16xi32>)  : i32 {
        %parallel_loop3A_982 = arith.index_cast %parallel_loop3A_976 : i32 to index
        %parallel_loop3A_983 = arith.constant 0 : index
        %parallel_loop3A_984 = tpu.vector_load %arg6[%parallel_loop3A_982, %parallel_loop3A_983] {strides = array<i32>} : memref<256x64xf32, #tpu.memory_space<vmem>>, vector<16xf32>,
        %parallel_loop3A_985 = arith.cmpf ole, %parallel_loop3A_984, %max3A_191 : vector<16xf32>
        %parallel_loop3A_986 = arith.constant 447 : i32
        %parallel_loop3A_987 = vector.broadcast %parallel_loop3A_986 : i32 to vector<16xi32>
        %parallel_loop3A_988 = arith.minsi %parallel_loop3A_977, %parallel_loop3A_987 : vector<16xi32>
        %parallel_loop3A_989 = arith.constant 0 : i32
        %parallel_loop3A_990 = vector.broadcast %parallel_loop3A_989 : i32 to vector<16xi32>
        %parallel_loop3A_991 = arith.addi %iota3A, %parallel_loop3A_990 : vector<16xi32>
        tpu.vector_store_idx %arg8[%parallel_loop3A_991, %parallel_loop3A_988], %parallel_loop3A_984 masked %parallel_loop3A_985 : memref<64x448xf32, #tpu.memory_space<vmem>>[vector<16xi32>, vector<16xi32>], vector<16xf32>, vector<16xi1>
        tpu.vector_store_idx %arg9[%parallel_loop3A_991, %parallel_loop3A_988], %parallel_loop3A_981 masked %parallel_loop3A_985 : memref<64x448xi32, #tpu.memory_space<vmem>>[vector<16xi32>, vector<16xi32>], vector<16xi32>, vector<16xi1>
        %parallel_loop3A_992 = arith.extui %parallel_loop3A_985 : vector<16xi1> to vector<16xi32>
        %parallel_loop3A_993 = arith.addi %parallel_loop3A_977, %parallel_loop3A_992 : vector<16xi32>
        %parallel_loop3A_994 = arith.index_cast %parallel_loop3A_976 : i32 to index
        %parallel_loop3A_995 = arith.constant 16 : index
        %parallel_loop3A_996 = tpu.vector_load %arg6[%parallel_loop3A_994, %parallel_loop3A_995] {strides = array<i32>} : memref<256x64xf32, #tpu.memory_space<vmem>>, vector<16xf32>,
        %parallel_loop3A_997 = arith.cmpf ole, %parallel_loop3A_996, %max3A_334 : vector<16xf32>
        %parallel_loop3A_998 = arith.constant 447 : i32
        %parallel_loop3A_999 = vector.broadcast %parallel_loop3A_998 : i32 to vector<16xi32>
        %parallel_loop3A_1000 = arith.minsi %parallel_loop3A_978, %parallel_loop3A_999 : vector<16xi32>
        %parallel_loop3A_1001 = arith.constant 16 : i32
        %parallel_loop3A_1002 = vector.broadcast %parallel_loop3A_1001 : i32 to vector<16xi32>
        %parallel_loop3A_1003 = arith.addi %iota3A, %parallel_loop3A_1002 : vector<16xi32>
        tpu.vector_store_idx %arg8[%parallel_loop3A_1003, %parallel_loop3A_1000], %parallel_loop3A_996 masked %parallel_loop3A_997 : memref<64x448xf32, #tpu.memory_space<vmem>>[vector<16xi32>, vector<16xi32>], vector<16xf32>, vector<16xi1>
        tpu.vector_store_idx %arg9[%parallel_loop3A_1003, %parallel_loop3A_1000], %parallel_loop3A_981 masked %parallel_loop3A_997 : memref<64x448xi32, #tpu.memory_space<vmem>>[vector<16xi32>, vector<16xi32>], vector<16xi32>, vector<16xi1>
        %parallel_loop3A_1004 = arith.extui %parallel_loop3A_997 : vector<16xi1> to vector<16xi32>
        %parallel_loop3A_1005 = arith.addi %parallel_loop3A_978, %parallel_loop3A_1004 : vector<16xi32>
        %parallel_loop3A_1006 = arith.index_cast %parallel_loop3A_976 : i32 to index
        %parallel_loop3A_1007 = arith.constant 32 : index
        %parallel_loop3A_1008 = tpu.vector_load %arg6[%parallel_loop3A_1006, %parallel_loop3A_1007] {strides = array<i32>} : memref<256x64xf32, #tpu.memory_space<vmem>>, vector<16xf32>,
        %parallel_loop3A_1009 = arith.cmpf ole, %parallel_loop3A_1008, %max3A_477 : vector<16xf32>
        %parallel_loop3A_1010 = arith.constant 447 : i32
        %parallel_loop3A_1011 = vector.broadcast %parallel_loop3A_1010 : i32 to vector<16xi32>
        %parallel_loop3A_1012 = arith.minsi %parallel_loop3A_979, %parallel_loop3A_1011 : vector<16xi32>
        %parallel_loop3A_1013 = arith.constant 32 : i32
        %parallel_loop3A_1014 = vector.broadcast %parallel_loop3A_1013 : i32 to vector<16xi32>
        %parallel_loop3A_1015 = arith.addi %iota3A, %parallel_loop3A_1014 : vector<16xi32>
        tpu.vector_store_idx %arg8[%parallel_loop3A_1015, %parallel_loop3A_1012], %parallel_loop3A_1008 masked %parallel_loop3A_1009 : memref<64x448xf32, #tpu.memory_space<vmem>>[vector<16xi32>, vector<16xi32>], vector<16xf32>, vector<16xi1>
        tpu.vector_store_idx %arg9[%parallel_loop3A_1015, %parallel_loop3A_1012], %parallel_loop3A_981 masked %parallel_loop3A_1009 : memref<64x448xi32, #tpu.memory_space<vmem>>[vector<16xi32>, vector<16xi32>], vector<16xi32>, vector<16xi1>
        %parallel_loop3A_1016 = arith.extui %parallel_loop3A_1009 : vector<16xi1> to vector<16xi32>
        %parallel_loop3A_1017 = arith.addi %parallel_loop3A_979, %parallel_loop3A_1016 : vector<16xi32>
        %parallel_loop3A_1018 = arith.index_cast %parallel_loop3A_976 : i32 to index
        %parallel_loop3A_1019 = arith.constant 48 : index
        %parallel_loop3A_1020 = tpu.vector_load %arg6[%parallel_loop3A_1018, %parallel_loop3A_1019] {strides = array<i32>} : memref<256x64xf32, #tpu.memory_space<vmem>>, vector<16xf32>,
        %parallel_loop3A_1021 = arith.cmpf ole, %parallel_loop3A_1020, %max3A_620 : vector<16xf32>
        %parallel_loop3A_1022 = arith.constant 447 : i32
        %parallel_loop3A_1023 = vector.broadcast %parallel_loop3A_1022 : i32 to vector<16xi32>
        %parallel_loop3A_1024 = arith.minsi %parallel_loop3A_980, %parallel_loop3A_1023 : vector<16xi32>
        %parallel_loop3A_1025 = arith.constant 48 : i32
        %parallel_loop3A_1026 = vector.broadcast %parallel_loop3A_1025 : i32 to vector<16xi32>
        %parallel_loop3A_1027 = arith.addi %iota3A, %parallel_loop3A_1026 : vector<16xi32>
        tpu.vector_store_idx %arg8[%parallel_loop3A_1027, %parallel_loop3A_1024], %parallel_loop3A_1020 masked %parallel_loop3A_1021 : memref<64x448xf32, #tpu.memory_space<vmem>>[vector<16xi32>, vector<16xi32>], vector<16xf32>, vector<16xi1>
        tpu.vector_store_idx %arg9[%parallel_loop3A_1027, %parallel_loop3A_1024], %parallel_loop3A_981 masked %parallel_loop3A_1021 : memref<64x448xi32, #tpu.memory_space<vmem>>[vector<16xi32>, vector<16xi32>], vector<16xi32>, vector<16xi1>
        %parallel_loop3A_1028 = arith.extui %parallel_loop3A_1021 : vector<16xi1> to vector<16xi32>
        %parallel_loop3A_1029 = arith.addi %parallel_loop3A_980, %parallel_loop3A_1028 : vector<16xi32>
        %parallel_loop3A_1030 = arith.constant 1 : i32
        %parallel_loop3A_1031 = vector.broadcast %parallel_loop3A_1030 : i32 to vector<16xi32>
        %parallel_loop3A_1032 = arith.addi %parallel_loop3A_981, %parallel_loop3A_1031 : vector<16xi32>
        scf.yield %parallel_loop3A_993, %parallel_loop3A_1005, %parallel_loop3A_1017, %parallel_loop3A_1029, %parallel_loop3A_1032 : vector<16xi32>, vector<16xi32>, vector<16xi32>, vector<16xi32>, vector<16xi32>
      } {sc.loop_unroll_factor = 8 : i64, sc.parallel_access}
      %dma_wait3A_916 = arith.constant 0 : i32
      %dma_wait3A_917 = arith.constant 0 : i32
      %dma_wait3A_918 = tpu.memref_slice %arg2[%select_n3A, %dma_wait3A_916, %dma_wait3A_917] : memref<2x4096x4096xf32, #tpu.memory_space<hbm>> -> memref<1x256x64xf32, #tpu.memory_space<hbm>>
      %dma_wait3A_919 = tpu.memref_squeeze %dma_wait3A_918 : memref<1x256x64xf32, #tpu.memory_space<hbm>> -> memref<256x64xf32, #tpu.memory_space<hbm>>
      %dma_wait3A_920 = arith.constant 0 : i32
      %dma_wait3A_921 = arith.constant 0 : i32
      %dma_wait3A_922 = tpu.memref_slice %arg2[%select_n3A, %dma_wait3A_920, %dma_wait3A_921] : memref<2x4096x4096xf32, #tpu.memory_space<hbm>> -> memref<1x256x64xf32, #tpu.memory_space<hbm>>
      %dma_wait3A_923 = tpu.memref_squeeze %dma_wait3A_922 : memref<1x256x64xf32, #tpu.memory_space<hbm>> -> memref<256x64xf32, #tpu.memory_space<hbm>>
      tpu.wait_dma2 semaphore(%arg12 : memref<!tpu.dma_semaphore, #tpu.memory_space<semaphore_mem>>) src(%dma_wait3A_923 : memref<256x64xf32, #tpu.memory_space<hbm>>) dst(%arg5 : memref<256x64xf32, #tpu.memory_space<vmem>>)
      %mul3A_924 = arith.constant 64 : i32
      %mul3A_925 = arith.muli %scan3A_49, %mul3A_924 : i32
      %add3A_926 = arith.addi %mul3A_32, %mul3A_925 : i32
      %dma_start3A_927 = arith.constant 3840 : i32
      %dma_start3A_928 = tpu.memref_slice %arg2[%select_n3A, %dma_start3A_927, %add3A_926] : memref<2x4096x4096xf32, #tpu.memory_space<hbm>> -> memref<1x256x64xf32, #tpu.memory_space<hbm>>
      %dma_start3A_929 = tpu.memref_squeeze %dma_start3A_928 : memref<1x256x64xf32, #tpu.memory_space<hbm>> -> memref<256x64xf32, #tpu.memory_space<hbm>>
      %dma_start3A_930 = arith.constant 3840 : i32
      %dma_start3A_931 = tpu.memref_slice %arg2[%select_n3A, %dma_start3A_930, %add3A_926] : memref<2x4096x4096xf32, #tpu.memory_space<hbm>> -> memref<1x256x64xf32, #tpu.memory_space<hbm>>
      %dma_start3A_932 = tpu.memref_squeeze %dma_start3A_931 : memref<1x256x64xf32, #tpu.memory_space<hbm>> -> memref<256x64xf32, #tpu.memory_space<hbm>>
      tpu.enqueue_dma source(%dma_start3A_932 : memref<256x64xf32, #tpu.memory_space<hbm>>) target(%arg6 : memref<256x64xf32, #tpu.memory_space<vmem>>) target_semaphore(%arg13 : memref<!tpu.dma_semaphore, #tpu.memory_space<semaphore_mem>>)
      %parallel_loop3A_933 = arith.constant 0 : i32
      %parallel_loop3A_934 = arith.constant 256 : i32
      %parallel_loop3A_935 = arith.constant 1 : i32
      %parallel_loop3A_936:5 = scf.for %parallel_loop3A_976 = %parallel_loop3A_933 to %parallel_loop3A_934 step %parallel_loop3A_935 iter_args(%parallel_loop3A_977 = %parallel_loop3A_915#0, %parallel_loop3A_978 = %parallel_loop3A_915#1, %parallel_loop3A_979 = %parallel_loop3A_915#2, %parallel_loop3A_980 = %parallel_loop3A_915#3, %parallel_loop3A_981 = %parallel_loop3A_915#4) -> (vector<16xi32>, vector<16xi32>, vector<16xi32>, vector<16xi32>, vector<16xi32>)  : i32 {
        %parallel_loop3A_982 = arith.index_cast %parallel_loop3A_976 : i32 to index
        %parallel_loop3A_983 = arith.constant 0 : index
        %parallel_loop3A_984 = tpu.vector_load %arg5[%parallel_loop3A_982, %parallel_loop3A_983] {strides = array<i32>} : memref<256x64xf32, #tpu.memory_space<vmem>>, vector<16xf32>,
        %parallel_loop3A_985 = arith.cmpf ole, %parallel_loop3A_984, %max3A_191 : vector<16xf32>
        %parallel_loop3A_986 = arith.constant 447 : i32
        %parallel_loop3A_987 = vector.broadcast %parallel_loop3A_986 : i32 to vector<16xi32>
        %parallel_loop3A_988 = arith.minsi %parallel_loop3A_977, %parallel_loop3A_987 : vector<16xi32>
        %parallel_loop3A_989 = arith.constant 0 : i32
        %parallel_loop3A_990 = vector.broadcast %parallel_loop3A_989 : i32 to vector<16xi32>
        %parallel_loop3A_991 = arith.addi %iota3A, %parallel_loop3A_990 : vector<16xi32>
        tpu.vector_store_idx %arg8[%parallel_loop3A_991, %parallel_loop3A_988], %parallel_loop3A_984 masked %parallel_loop3A_985 : memref<64x448xf32, #tpu.memory_space<vmem>>[vector<16xi32>, vector<16xi32>], vector<16xf32>, vector<16xi1>
        tpu.vector_store_idx %arg9[%parallel_loop3A_991, %parallel_loop3A_988], %parallel_loop3A_981 masked %parallel_loop3A_985 : memref<64x448xi32, #tpu.memory_space<vmem>>[vector<16xi32>, vector<16xi32>], vector<16xi32>, vector<16xi1>
        %parallel_loop3A_992 = arith.extui %parallel_loop3A_985 : vector<16xi1> to vector<16xi32>
        %parallel_loop3A_993 = arith.addi %parallel_loop3A_977, %parallel_loop3A_992 : vector<16xi32>
        %parallel_loop3A_994 = arith.index_cast %parallel_loop3A_976 : i32 to index
        %parallel_loop3A_995 = arith.constant 16 : index
        %parallel_loop3A_996 = tpu.vector_load %arg5[%parallel_loop3A_994, %parallel_loop3A_995] {strides = array<i32>} : memref<256x64xf32, #tpu.memory_space<vmem>>, vector<16xf32>,
        %parallel_loop3A_997 = arith.cmpf ole, %parallel_loop3A_996, %max3A_334 : vector<16xf32>
        %parallel_loop3A_998 = arith.constant 447 : i32
        %parallel_loop3A_999 = vector.broadcast %parallel_loop3A_998 : i32 to vector<16xi32>
        %parallel_loop3A_1000 = arith.minsi %parallel_loop3A_978, %parallel_loop3A_999 : vector<16xi32>
        %parallel_loop3A_1001 = arith.constant 16 : i32
        %parallel_loop3A_1002 = vector.broadcast %parallel_loop3A_1001 : i32 to vector<16xi32>
        %parallel_loop3A_1003 = arith.addi %iota3A, %parallel_loop3A_1002 : vector<16xi32>
        tpu.vector_store_idx %arg8[%parallel_loop3A_1003, %parallel_loop3A_1000], %parallel_loop3A_996 masked %parallel_loop3A_997 : memref<64x448xf32, #tpu.memory_space<vmem>>[vector<16xi32>, vector<16xi32>], vector<16xf32>, vector<16xi1>
        tpu.vector_store_idx %arg9[%parallel_loop3A_1003, %parallel_loop3A_1000], %parallel_loop3A_981 masked %parallel_loop3A_997 : memref<64x448xi32, #tpu.memory_space<vmem>>[vector<16xi32>, vector<16xi32>], vector<16xi32>, vector<16xi1>
        %parallel_loop3A_1004 = arith.extui %parallel_loop3A_997 : vector<16xi1> to vector<16xi32>
        %parallel_loop3A_1005 = arith.addi %parallel_loop3A_978, %parallel_loop3A_1004 : vector<16xi32>
        %parallel_loop3A_1006 = arith.index_cast %parallel_loop3A_976 : i32 to index
        %parallel_loop3A_1007 = arith.constant 32 : index
        %parallel_loop3A_1008 = tpu.vector_load %arg5[%parallel_loop3A_1006, %parallel_loop3A_1007] {strides = array<i32>} : memref<256x64xf32, #tpu.memory_space<vmem>>, vector<16xf32>,
        %parallel_loop3A_1009 = arith.cmpf ole, %parallel_loop3A_1008, %max3A_477 : vector<16xf32>
        %parallel_loop3A_1010 = arith.constant 447 : i32
        %parallel_loop3A_1011 = vector.broadcast %parallel_loop3A_1010 : i32 to vector<16xi32>
        %parallel_loop3A_1012 = arith.minsi %parallel_loop3A_979, %parallel_loop3A_1011 : vector<16xi32>
        %parallel_loop3A_1013 = arith.constant 32 : i32
        %parallel_loop3A_1014 = vector.broadcast %parallel_loop3A_1013 : i32 to vector<16xi32>
        %parallel_loop3A_1015 = arith.addi %iota3A, %parallel_loop3A_1014 : vector<16xi32>
        tpu.vector_store_idx %arg8[%parallel_loop3A_1015, %parallel_loop3A_1012], %parallel_loop3A_1008 masked %parallel_loop3A_1009 : memref<64x448xf32, #tpu.memory_space<vmem>>[vector<16xi32>, vector<16xi32>], vector<16xf32>, vector<16xi1>
        tpu.vector_store_idx %arg9[%parallel_loop3A_1015, %parallel_loop3A_1012], %parallel_loop3A_981 masked %parallel_loop3A_1009 : memref<64x448xi32, #tpu.memory_space<vmem>>[vector<16xi32>, vector<16xi32>], vector<16xi32>, vector<16xi1>
        %parallel_loop3A_1016 = arith.extui %parallel_loop3A_1009 : vector<16xi1> to vector<16xi32>
        %parallel_loop3A_1017 = arith.addi %parallel_loop3A_979, %parallel_loop3A_1016 : vector<16xi32>
        %parallel_loop3A_1018 = arith.index_cast %parallel_loop3A_976 : i32 to index
        %parallel_loop3A_1019 = arith.constant 48 : index
        %parallel_loop3A_1020 = tpu.vector_load %arg5[%parallel_loop3A_1018, %parallel_loop3A_1019] {strides = array<i32>} : memref<256x64xf32, #tpu.memory_space<vmem>>, vector<16xf32>,
        %parallel_loop3A_1021 = arith.cmpf ole, %parallel_loop3A_1020, %max3A_620 : vector<16xf32>
        %parallel_loop3A_1022 = arith.constant 447 : i32
        %parallel_loop3A_1023 = vector.broadcast %parallel_loop3A_1022 : i32 to vector<16xi32>
        %parallel_loop3A_1024 = arith.minsi %parallel_loop3A_980, %parallel_loop3A_1023 : vector<16xi32>
        %parallel_loop3A_1025 = arith.constant 48 : i32
        %parallel_loop3A_1026 = vector.broadcast %parallel_loop3A_1025 : i32 to vector<16xi32>
        %parallel_loop3A_1027 = arith.addi %iota3A, %parallel_loop3A_1026 : vector<16xi32>
        tpu.vector_store_idx %arg8[%parallel_loop3A_1027, %parallel_loop3A_1024], %parallel_loop3A_1020 masked %parallel_loop3A_1021 : memref<64x448xf32, #tpu.memory_space<vmem>>[vector<16xi32>, vector<16xi32>], vector<16xf32>, vector<16xi1>
        tpu.vector_store_idx %arg9[%parallel_loop3A_1027, %parallel_loop3A_1024], %parallel_loop3A_981 masked %parallel_loop3A_1021 : memref<64x448xi32, #tpu.memory_space<vmem>>[vector<16xi32>, vector<16xi32>], vector<16xi32>, vector<16xi1>
        %parallel_loop3A_1028 = arith.extui %parallel_loop3A_1021 : vector<16xi1> to vector<16xi32>
        %parallel_loop3A_1029 = arith.addi %parallel_loop3A_980, %parallel_loop3A_1028 : vector<16xi32>
        %parallel_loop3A_1030 = arith.constant 1 : i32
        %parallel_loop3A_1031 = vector.broadcast %parallel_loop3A_1030 : i32 to vector<16xi32>
        %parallel_loop3A_1032 = arith.addi %parallel_loop3A_981, %parallel_loop3A_1031 : vector<16xi32>
        scf.yield %parallel_loop3A_993, %parallel_loop3A_1005, %parallel_loop3A_1017, %parallel_loop3A_1029, %parallel_loop3A_1032 : vector<16xi32>, vector<16xi32>, vector<16xi32>, vector<16xi32>, vector<16xi32>
      } {sc.loop_unroll_factor = 8 : i64, sc.parallel_access}
      %dma_wait3A_937 = arith.constant 0 : i32
      %dma_wait3A_938 = arith.constant 0 : i32
      %dma_wait3A_939 = tpu.memref_slice %arg2[%select_n3A, %dma_wait3A_937, %dma_wait3A_938] : memref<2x4096x4096xf32, #tpu.memory_space<hbm>> -> memref<1x256x64xf32, #tpu.memory_space<hbm>>
      %dma_wait3A_940 = tpu.memref_squeeze %dma_wait3A_939 : memref<1x256x64xf32, #tpu.memory_space<hbm>> -> memref<256x64xf32, #tpu.memory_space<hbm>>
      %dma_wait3A_941 = arith.constant 0 : i32
      %dma_wait3A_942 = arith.constant 0 : i32
      %dma_wait3A_943 = tpu.memref_slice %arg2[%select_n3A, %dma_wait3A_941, %dma_wait3A_942] : memref<2x4096x4096xf32, #tpu.memory_space<hbm>> -> memref<1x256x64xf32, #tpu.memory_space<hbm>>
      %dma_wait3A_944 = tpu.memref_squeeze %dma_wait3A_943 : memref<1x256x64xf32, #tpu.memory_space<hbm>> -> memref<256x64xf32, #tpu.memory_space<hbm>>
      tpu.wait_dma2 semaphore(%arg13 : memref<!tpu.dma_semaphore, #tpu.memory_space<semaphore_mem>>) src(%dma_wait3A_944 : memref<256x64xf32, #tpu.memory_space<hbm>>) dst(%arg6 : memref<256x64xf32, #tpu.memory_space<vmem>>)
      %lt3A_945 = arith.constant 3 : i32
      %lt3A_946 = arith.cmpi slt, %scan3A_49, %lt3A_945 : i32
      %convert_element_type3A = arith.extui %lt3A_946 : i1 to i32
      %cond3A = arith.constant 0 : i32
      %cond3A_947 = arith.cmpi ne, %convert_element_type3A, %cond3A : i32
      scf.if %cond3A_947 {
        %add3A_976 = arith.constant 1 : i32
        %add3A_977 = arith.addi %scan3A_49, %add3A_976 : i32
        %mul3A_978 = arith.constant 64 : i32
        %mul3A_979 = arith.muli %add3A_977, %mul3A_978 : i32
        %add3A_980 = arith.addi %mul3A_32, %mul3A_979 : i32
        %dma_start3A_981 = arith.constant 0 : i32
        %dma_start3A_982 = tpu.memref_slice %arg2[%select_n3A, %dma_start3A_981, %add3A_980] : memref<2x4096x4096xf32, #tpu.memory_space<hbm>> -> memref<1x256x64xf32, #tpu.memory_space<hbm>>
        %dma_start3A_983 = tpu.memref_squeeze %dma_start3A_982 : memref<1x256x64xf32, #tpu.memory_space<hbm>> -> memref<256x64xf32, #tpu.memory_space<hbm>>
        %dma_start3A_984 = arith.constant 0 : i32
        %dma_start3A_985 = tpu.memref_slice %arg2[%select_n3A, %dma_start3A_984, %add3A_980] : memref<2x4096x4096xf32, #tpu.memory_space<hbm>> -> memref<1x256x64xf32, #tpu.memory_space<hbm>>
        %dma_start3A_986 = tpu.memref_squeeze %dma_start3A_985 : memref<1x256x64xf32, #tpu.memory_space<hbm>> -> memref<256x64xf32, #tpu.memory_space<hbm>>
        tpu.enqueue_dma source(%dma_start3A_986 : memref<256x64xf32, #tpu.memory_space<hbm>>) target(%arg5 : memref<256x64xf32, #tpu.memory_space<vmem>>) target_semaphore(%arg12 : memref<!tpu.dma_semaphore, #tpu.memory_space<semaphore_mem>>)
      } else {
      }
      %parallel_loop3A_948 = arith.constant 0 : i32
      %parallel_loop3A_949 = arith.constant 256 : i32
      %parallel_loop3A_950 = arith.constant 1 : i32
      %parallel_loop3A_951:5 = scf.for %parallel_loop3A_976 = %parallel_loop3A_948 to %parallel_loop3A_949 step %parallel_loop3A_950 iter_args(%parallel_loop3A_977 = %parallel_loop3A_936#0, %parallel_loop3A_978 = %parallel_loop3A_936#1, %parallel_loop3A_979 = %parallel_loop3A_936#2, %parallel_loop3A_980 = %parallel_loop3A_936#3, %parallel_loop3A_981 = %parallel_loop3A_936#4) -> (vector<16xi32>, vector<16xi32>, vector<16xi32>, vector<16xi32>, vector<16xi32>)  : i32 {
        %parallel_loop3A_982 = arith.index_cast %parallel_loop3A_976 : i32 to index
        %parallel_loop3A_983 = arith.constant 0 : index
        %parallel_loop3A_984 = tpu.vector_load %arg6[%parallel_loop3A_982, %parallel_loop3A_983] {strides = array<i32>} : memref<256x64xf32, #tpu.memory_space<vmem>>, vector<16xf32>,
        %parallel_loop3A_985 = arith.cmpf ole, %parallel_loop3A_984, %max3A_191 : vector<16xf32>
        %parallel_loop3A_986 = arith.constant 447 : i32
        %parallel_loop3A_987 = vector.broadcast %parallel_loop3A_986 : i32 to vector<16xi32>
        %parallel_loop3A_988 = arith.minsi %parallel_loop3A_977, %parallel_loop3A_987 : vector<16xi32>
        %parallel_loop3A_989 = arith.constant 0 : i32
        %parallel_loop3A_990 = vector.broadcast %parallel_loop3A_989 : i32 to vector<16xi32>
        %parallel_loop3A_991 = arith.addi %iota3A, %parallel_loop3A_990 : vector<16xi32>
        tpu.vector_store_idx %arg8[%parallel_loop3A_991, %parallel_loop3A_988], %parallel_loop3A_984 masked %parallel_loop3A_985 : memref<64x448xf32, #tpu.memory_space<vmem>>[vector<16xi32>, vector<16xi32>], vector<16xf32>, vector<16xi1>
        tpu.vector_store_idx %arg9[%parallel_loop3A_991, %parallel_loop3A_988], %parallel_loop3A_981 masked %parallel_loop3A_985 : memref<64x448xi32, #tpu.memory_space<vmem>>[vector<16xi32>, vector<16xi32>], vector<16xi32>, vector<16xi1>
        %parallel_loop3A_992 = arith.extui %parallel_loop3A_985 : vector<16xi1> to vector<16xi32>
        %parallel_loop3A_993 = arith.addi %parallel_loop3A_977, %parallel_loop3A_992 : vector<16xi32>
        %parallel_loop3A_994 = arith.index_cast %parallel_loop3A_976 : i32 to index
        %parallel_loop3A_995 = arith.constant 16 : index
        %parallel_loop3A_996 = tpu.vector_load %arg6[%parallel_loop3A_994, %parallel_loop3A_995] {strides = array<i32>} : memref<256x64xf32, #tpu.memory_space<vmem>>, vector<16xf32>,
        %parallel_loop3A_997 = arith.cmpf ole, %parallel_loop3A_996, %max3A_334 : vector<16xf32>
        %parallel_loop3A_998 = arith.constant 447 : i32
        %parallel_loop3A_999 = vector.broadcast %parallel_loop3A_998 : i32 to vector<16xi32>
        %parallel_loop3A_1000 = arith.minsi %parallel_loop3A_978, %parallel_loop3A_999 : vector<16xi32>
        %parallel_loop3A_1001 = arith.constant 16 : i32
        %parallel_loop3A_1002 = vector.broadcast %parallel_loop3A_1001 : i32 to vector<16xi32>
        %parallel_loop3A_1003 = arith.addi %iota3A, %parallel_loop3A_1002 : vector<16xi32>
        tpu.vector_store_idx %arg8[%parallel_loop3A_1003, %parallel_loop3A_1000], %parallel_loop3A_996 masked %parallel_loop3A_997 : memref<64x448xf32, #tpu.memory_space<vmem>>[vector<16xi32>, vector<16xi32>], vector<16xf32>, vector<16xi1>
        tpu.vector_store_idx %arg9[%parallel_loop3A_1003, %parallel_loop3A_1000], %parallel_loop3A_981 masked %parallel_loop3A_997 : memref<64x448xi32, #tpu.memory_space<vmem>>[vector<16xi32>, vector<16xi32>], vector<16xi32>, vector<16xi1>
        %parallel_loop3A_1004 = arith.extui %parallel_loop3A_997 : vector<16xi1> to vector<16xi32>
        %parallel_loop3A_1005 = arith.addi %parallel_loop3A_978, %parallel_loop3A_1004 : vector<16xi32>
        %parallel_loop3A_1006 = arith.index_cast %parallel_loop3A_976 : i32 to index
        %parallel_loop3A_1007 = arith.constant 32 : index
        %parallel_loop3A_1008 = tpu.vector_load %arg6[%parallel_loop3A_1006, %parallel_loop3A_1007] {strides = array<i32>} : memref<256x64xf32, #tpu.memory_space<vmem>>, vector<16xf32>,
        %parallel_loop3A_1009 = arith.cmpf ole, %parallel_loop3A_1008, %max3A_477 : vector<16xf32>
        %parallel_loop3A_1010 = arith.constant 447 : i32
        %parallel_loop3A_1011 = vector.broadcast %parallel_loop3A_1010 : i32 to vector<16xi32>
        %parallel_loop3A_1012 = arith.minsi %parallel_loop3A_979, %parallel_loop3A_1011 : vector<16xi32>
        %parallel_loop3A_1013 = arith.constant 32 : i32
        %parallel_loop3A_1014 = vector.broadcast %parallel_loop3A_1013 : i32 to vector<16xi32>
        %parallel_loop3A_1015 = arith.addi %iota3A, %parallel_loop3A_1014 : vector<16xi32>
        tpu.vector_store_idx %arg8[%parallel_loop3A_1015, %parallel_loop3A_1012], %parallel_loop3A_1008 masked %parallel_loop3A_1009 : memref<64x448xf32, #tpu.memory_space<vmem>>[vector<16xi32>, vector<16xi32>], vector<16xf32>, vector<16xi1>
        tpu.vector_store_idx %arg9[%parallel_loop3A_1015, %parallel_loop3A_1012], %parallel_loop3A_981 masked %parallel_loop3A_1009 : memref<64x448xi32, #tpu.memory_space<vmem>>[vector<16xi32>, vector<16xi32>], vector<16xi32>, vector<16xi1>
        %parallel_loop3A_1016 = arith.extui %parallel_loop3A_1009 : vector<16xi1> to vector<16xi32>
        %parallel_loop3A_1017 = arith.addi %parallel_loop3A_979, %parallel_loop3A_1016 : vector<16xi32>
        %parallel_loop3A_1018 = arith.index_cast %parallel_loop3A_976 : i32 to index
        %parallel_loop3A_1019 = arith.constant 48 : index
        %parallel_loop3A_1020 = tpu.vector_load %arg6[%parallel_loop3A_1018, %parallel_loop3A_1019] {strides = array<i32>} : memref<256x64xf32, #tpu.memory_space<vmem>>, vector<16xf32>,
        %parallel_loop3A_1021 = arith.cmpf ole, %parallel_loop3A_1020, %max3A_620 : vector<16xf32>
        %parallel_loop3A_1022 = arith.constant 447 : i32
        %parallel_loop3A_1023 = vector.broadcast %parallel_loop3A_1022 : i32 to vector<16xi32>
        %parallel_loop3A_1024 = arith.minsi %parallel_loop3A_980, %parallel_loop3A_1023 : vector<16xi32>
        %parallel_loop3A_1025 = arith.constant 48 : i32
        %parallel_loop3A_1026 = vector.broadcast %parallel_loop3A_1025 : i32 to vector<16xi32>
        %parallel_loop3A_1027 = arith.addi %iota3A, %parallel_loop3A_1026 : vector<16xi32>
        tpu.vector_store_idx %arg8[%parallel_loop3A_1027, %parallel_loop3A_1024], %parallel_loop3A_1020 masked %parallel_loop3A_1021 : memref<64x448xf32, #tpu.memory_space<vmem>>[vector<16xi32>, vector<16xi32>], vector<16xf32>, vector<16xi1>
        tpu.vector_store_idx %arg9[%parallel_loop3A_1027, %parallel_loop3A_1024], %parallel_loop3A_981 masked %parallel_loop3A_1021 : memref<64x448xi32, #tpu.memory_space<vmem>>[vector<16xi32>, vector<16xi32>], vector<16xi32>, vector<16xi1>
        %parallel_loop3A_1028 = arith.extui %parallel_loop3A_1021 : vector<16xi1> to vector<16xi32>
        %parallel_loop3A_1029 = arith.addi %parallel_loop3A_980, %parallel_loop3A_1028 : vector<16xi32>
        %parallel_loop3A_1030 = arith.constant 1 : i32
        %parallel_loop3A_1031 = vector.broadcast %parallel_loop3A_1030 : i32 to vector<16xi32>
        %parallel_loop3A_1032 = arith.addi %parallel_loop3A_981, %parallel_loop3A_1031 : vector<16xi32>
        scf.yield %parallel_loop3A_993, %parallel_loop3A_1005, %parallel_loop3A_1017, %parallel_loop3A_1029, %parallel_loop3A_1032 : vector<16xi32>, vector<16xi32>, vector<16xi32>, vector<16xi32>, vector<16xi32>
      } {sc.loop_unroll_factor = 8 : i64, sc.parallel_access}
      %min3A = arith.constant 448 : i32
      %min3A_952 = vector.broadcast %min3A : i32 to vector<16xi32>
      %min3A_953 = arith.minsi %parallel_loop3A_951#0, %min3A_952 : vector<16xi32>
      %swap3A = arith.constant 0 : index
      %swap3A_954 = tpu.vector_load %arg10[%swap3A] {strides = array<i32>} : memref<64xi32, #tpu.memory_space<vmem>>, vector<16xi32>,
      tpu.vector_store %arg10[%swap3A], %min3A_953 {strides = array<i32>} : memref<64xi32, #tpu.memory_space<vmem>>, vector<16xi32>,
      %min3A_955 = arith.constant 448 : i32
      %min3A_956 = vector.broadcast %min3A_955 : i32 to vector<16xi32>
      %min3A_957 = arith.minsi %parallel_loop3A_951#1, %min3A_956 : vector<16xi32>
      %swap3A_958 = arith.constant 16 : index
      %swap3A_959 = tpu.vector_load %arg10[%swap3A_958] {strides = array<i32>} : memref<64xi32, #tpu.memory_space<vmem>>, vector<16xi32>,
      tpu.vector_store %arg10[%swap3A_958], %min3A_957 {strides = array<i32>} : memref<64xi32, #tpu.memory_space<vmem>>, vector<16xi32>,
      %min3A_960 = arith.constant 448 : i32
      %min3A_961 = vector.broadcast %min3A_960 : i32 to vector<16xi32>
      %min3A_962 = arith.minsi %parallel_loop3A_951#2, %min3A_961 : vector<16xi32>
      %swap3A_963 = arith.constant 32 : index
      %swap3A_964 = tpu.vector_load %arg10[%swap3A_963] {strides = array<i32>} : memref<64xi32, #tpu.memory_space<vmem>>, vector<16xi32>,
      tpu.vector_store %arg10[%swap3A_963], %min3A_962 {strides = array<i32>} : memref<64xi32, #tpu.memory_space<vmem>>, vector<16xi32>,
      %min3A_965 = arith.constant 448 : i32
      %min3A_966 = vector.broadcast %min3A_965 : i32 to vector<16xi32>
      %min3A_967 = arith.minsi %parallel_loop3A_951#3, %min3A_966 : vector<16xi32>
      %swap3A_968 = arith.constant 48 : index
      %swap3A_969 = tpu.vector_load %arg10[%swap3A_968] {strides = array<i32>} : memref<64xi32, #tpu.memory_space<vmem>>, vector<16xi32>,
      tpu.vector_store %arg10[%swap3A_968], %min3A_967 {strides = array<i32>} : memref<64xi32, #tpu.memory_space<vmem>>, vector<16xi32>,
      %parallel_loop3A_970 = arith.constant 0 : i32
      %parallel_loop3A_971 = arith.constant 64 : i32
      %parallel_loop3A_972 = arith.constant 1 : i32
      %parallel_loop3A_973 = arith.constant 0 : i32
      %parallel_loop3A_974 = scf.for %parallel_loop3A_976 = %parallel_loop3A_970 to %parallel_loop3A_971 step %parallel_loop3A_972 iter_args(%parallel_loop3A_977 = %parallel_loop3A_973) -> (i32)  : i32 {
        %parallel_loop3A_978 = vector.broadcast %parallel_loop3A_976 : i32 to vector<16xi32>
        %parallel_loop3A_979 = tpu.vector_load_idx %arg10[%parallel_loop3A_978] : memref<64xi32, #tpu.memory_space<vmem>>[vector<16xi32>], vector<16xi32>,
        %parallel_loop3A_980 = arith.constant true
        %parallel_loop3A_981 = vector.broadcast %parallel_loop3A_980 : i1 to vector<16xi1>
        %parallel_loop3A_982 = arith.constant -2147483648 : i32
        %parallel_loop3A_983 = vector.broadcast %parallel_loop3A_982 : i32 to vector<16xi32>
        %parallel_loop3A_984 = arith.xori %parallel_loop3A_979, %parallel_loop3A_983 : vector<16xi32>
        %parallel_loop3A_985 = tpu.scan <max>, %parallel_loop3A_984 masked %parallel_loop3A_981 : vector<16xi32>, vector<16xi1> -> vector<16xi32>
        %parallel_loop3A_986 = arith.xori %parallel_loop3A_985, %parallel_loop3A_983 : vector<16xi32>
        %parallel_loop3A_987 = vector.extract %parallel_loop3A_986[15] : i32 from vector<16xi32>
        %parallel_loop3A_988 = vector.broadcast %scan3A : f32 to vector<16xf32>
        %parallel_loop3A_989 = arith.constant 1073741824 : i32
        %parallel_loop3A_990 = vector.broadcast %parallel_loop3A_989 : i32 to vector<16xi32>
        %parallel_loop3A_991 = arith.constant 15 : i32
        %parallel_loop3A_992 = arith.addi %parallel_loop3A_987, %parallel_loop3A_991 : i32
        %parallel_loop3A_993 = arith.constant 16 : i32
        %parallel_loop3A_994 = arith.divsi %parallel_loop3A_992, %parallel_loop3A_993 : i32
        %parallel_loop3A_995 = arith.constant 0 : i32
        %parallel_loop3A_996 = arith.cmpi sgt, %parallel_loop3A_992, %parallel_loop3A_995 : i32
        %parallel_loop3A_997 = arith.extui %parallel_loop3A_996 : i1 to i32
        %parallel_loop3A_998 = arith.constant 0 : i32
        %parallel_loop3A_999 = arith.cmpi slt, %parallel_loop3A_992, %parallel_loop3A_998 : i32
        %parallel_loop3A_1000 = arith.extui %parallel_loop3A_999 : i1 to i32
        %parallel_loop3A_1001 = arith.subi %parallel_loop3A_997, %parallel_loop3A_1000 : i32
        %parallel_loop3A_1002 = arith.constant 0 : i32
        %parallel_loop3A_1003 = arith.cmpi sgt, %parallel_loop3A_993, %parallel_loop3A_1002 : i32
        %parallel_loop3A_1004 = arith.extui %parallel_loop3A_1003 : i1 to i32
        %parallel_loop3A_1005 = arith.constant 0 : i32
        %parallel_loop3A_1006 = arith.cmpi slt, %parallel_loop3A_993, %parallel_loop3A_1005 : i32
        %parallel_loop3A_1007 = arith.extui %parallel_loop3A_1006 : i1 to i32
        %parallel_loop3A_1008 = arith.subi %parallel_loop3A_1004, %parallel_loop3A_1007 : i32
        %parallel_loop3A_1009 = arith.cmpi ne, %parallel_loop3A_1001, %parallel_loop3A_1008 : i32
        %parallel_loop3A_1010 = arith.remsi %parallel_loop3A_992, %parallel_loop3A_993 : i32
        %parallel_loop3A_1011 = arith.constant 0 : i32
        %parallel_loop3A_1012 = arith.cmpi ne, %parallel_loop3A_1010, %parallel_loop3A_1011 : i32
        %parallel_loop3A_1013 = arith.andi %parallel_loop3A_1009, %parallel_loop3A_1012 : i1
        %parallel_loop3A_1014 = arith.constant 1 : i32
        %parallel_loop3A_1015 = arith.subi %parallel_loop3A_994, %parallel_loop3A_1014 : i32
        %parallel_loop3A_1016 = arith.select %parallel_loop3A_1013, %parallel_loop3A_1015, %parallel_loop3A_994 : i32
        %parallel_loop3A_1017 = arith.constant 0 : i32
        %parallel_loop3A_1018 = arith.subi %parallel_loop3A_1016, %parallel_loop3A_1017 : i32
        %parallel_loop3A_1019 = arith.addi %parallel_loop3A_1017, %parallel_loop3A_1018 : i32
        %parallel_loop3A_1020 = arith.constant 1 : i32
        %parallel_loop3A_1021 = arith.divsi %parallel_loop3A_1018, %parallel_loop3A_1020 : i32
        %parallel_loop3A_1022 = arith.muli %parallel_loop3A_1021, %parallel_loop3A_1020 : i32
        %parallel_loop3A_1023 = arith.addi %parallel_loop3A_1017, %parallel_loop3A_1022 : i32
        %parallel_loop3A_1024 = arith.constant 1 : i32
        %parallel_loop3A_1025:2 = scf.for %while3A = %parallel_loop3A_1017 to %parallel_loop3A_1023 step %parallel_loop3A_1024 iter_args(%while3A_1035 = %parallel_loop3A_988, %while3A_1036 = %parallel_loop3A_990) -> (vector<16xf32>, vector<16xi32>)  : i32 {
          %parallel_loop3A_1037 = arith.constant 16 : i32
          %parallel_loop3A_1038 = arith.muli %while3A, %parallel_loop3A_1037 : i32
          %parallel_loop3A_1039 = vector.broadcast %parallel_loop3A_1038 : i32 to vector<16xi32>
          %parallel_loop3A_1040 = arith.addi %iota3A, %parallel_loop3A_1039 : vector<16xi32>
          %parallel_loop3A_1041 = arith.cmpi slt, %parallel_loop3A_1040, %parallel_loop3A_979 : vector<16xi32>
          %parallel_loop3A_1042 = arith.constant 16 : i32
          %parallel_loop3A_1043 = arith.muli %while3A, %parallel_loop3A_1042 : i32
          %parallel_loop3A_1044 = arith.index_cast %parallel_loop3A_976 : i32 to index
          %parallel_loop3A_1045 = arith.index_cast %parallel_loop3A_1043 : i32 to index
          %parallel_loop3A_1046 = tpu.vector_load %arg8[%parallel_loop3A_1044, %parallel_loop3A_1045] {strides = array<i32>} : memref<64x448xf32, #tpu.memory_space<vmem>>, vector<16xf32>,
          %parallel_loop3A_1047 = arith.constant 16 : i32
          %parallel_loop3A_1048 = arith.muli %while3A, %parallel_loop3A_1047 : i32
          %parallel_loop3A_1049 = arith.index_cast %parallel_loop3A_976 : i32 to index
          %parallel_loop3A_1050 = arith.index_cast %parallel_loop3A_1048 : i32 to index
          %parallel_loop3A_1051 = tpu.vector_load %arg9[%parallel_loop3A_1049, %parallel_loop3A_1050] {strides = array<i32>} : memref<64x448xi32, #tpu.memory_space<vmem>>, vector<16xi32>,
          %parallel_loop3A_1052 = vector.broadcast %scan3A : f32 to vector<16xf32>
          %parallel_loop3A_1053 = arith.select %parallel_loop3A_1041, %parallel_loop3A_1046, %parallel_loop3A_1052 : vector<16xi1>, vector<16xf32>
          %parallel_loop3A_1054 = arith.constant 1073741824 : i32
          %parallel_loop3A_1055 = vector.broadcast %parallel_loop3A_1054 : i32 to vector<16xi32>
          %parallel_loop3A_1056 = arith.select %parallel_loop3A_1041, %parallel_loop3A_1051, %parallel_loop3A_1055 : vector<16xi1>, vector<16xi32>
          %parallel_loop3A_1057 = arith.constant dense<true> : vector<16xi1>
          %parallel_loop3A_1058, %parallel_loop3A_1059, %parallel_loop3A_1060 = tpu.sort %parallel_loop3A_1053, %parallel_loop3A_1056 masked %parallel_loop3A_1057 : (vector<16xf32>, vector<16xi32>, vector<16xi1>) -> (vector<16xi1>, vector<16xf32>, vector<16xi32>)
          %parallel_loop3A_1061 = arith.constant 15 : i32
          %parallel_loop3A_1062 = vector.broadcast %parallel_loop3A_1061 : i32 to vector<16xi32>
          %parallel_loop3A_1063 = tpu.iota {dimensions = array<i32: 0>} : vector<16xi32>
          %parallel_loop3A_1064 = arith.subi %parallel_loop3A_1062, %parallel_loop3A_1063 : vector<16xi32>
          %parallel_loop3A_1065 = tpu.dynamic_gather %while3A_1035[%parallel_loop3A_1064] in [0] : vector<16xf32>, vector<16xi32> -> vector<16xf32>
          %parallel_loop3A_1066 = arith.constant 15 : i32
          %parallel_loop3A_1067 = vector.broadcast %parallel_loop3A_1066 : i32 to vector<16xi32>
          %parallel_loop3A_1068 = tpu.iota {dimensions = array<i32: 0>} : vector<16xi32>
          %parallel_loop3A_1069 = arith.subi %parallel_loop3A_1067, %parallel_loop3A_1068 : vector<16xi32>
          %parallel_loop3A_1070 = tpu.dynamic_gather %while3A_1036[%parallel_loop3A_1069] in [0] : vector<16xi32>, vector<16xi32> -> vector<16xi32>
          %parallel_loop3A_1071 = arith.cmpf olt, %parallel_loop3A_1059, %parallel_loop3A_1065 : vector<16xf32>
          %parallel_loop3A_1072 = arith.cmpf oeq, %parallel_loop3A_1059, %parallel_loop3A_1065 : vector<16xf32>
          %parallel_loop3A_1073 = arith.cmpi slt, %parallel_loop3A_1060, %parallel_loop3A_1070 : vector<16xi32>
          %parallel_loop3A_1074 = arith.andi %parallel_loop3A_1072, %parallel_loop3A_1073 : vector<16xi1>
          %parallel_loop3A_1075 = arith.ori %parallel_loop3A_1071, %parallel_loop3A_1074 : vector<16xi1>
          %parallel_loop3A_1076 = arith.select %parallel_loop3A_1075, %parallel_loop3A_1059, %parallel_loop3A_1065 : vector<16xi1>, vector<16xf32>
          %parallel_loop3A_1077 = arith.select %parallel_loop3A_1075, %parallel_loop3A_1060, %parallel_loop3A_1070 : vector<16xi1>, vector<16xi32>
          %parallel_loop3A_1078 = arith.constant dense<true> : vector<16xi1>
          %parallel_loop3A_1079, %parallel_loop3A_1080, %parallel_loop3A_1081 = tpu.sort %parallel_loop3A_1076, %parallel_loop3A_1077 masked %parallel_loop3A_1078 : (vector<16xf32>, vector<16xi32>, vector<16xi1>) -> (vector<16xi1>, vector<16xf32>, vector<16xi32>)
          scf.yield %parallel_loop3A_1080, %parallel_loop3A_1081 : vector<16xf32>, vector<16xi32>
        }
        %parallel_loop3A_1026 = arith.constant 1 : i32
        %parallel_loop3A_1027:2 = scf.for %while3A = %parallel_loop3A_1023 to %parallel_loop3A_1019 step %parallel_loop3A_1026 iter_args(%while3A_1035 = %parallel_loop3A_1025#0, %while3A_1036 = %parallel_loop3A_1025#1) -> (vector<16xf32>, vector<16xi32>)  : i32 {
          %parallel_loop3A_1037 = arith.constant 16 : i32
          %parallel_loop3A_1038 = arith.muli %while3A, %parallel_loop3A_1037 : i32
          %parallel_loop3A_1039 = vector.broadcast %parallel_loop3A_1038 : i32 to vector<16xi32>
          %parallel_loop3A_1040 = arith.addi %iota3A, %parallel_loop3A_1039 : vector<16xi32>
          %parallel_loop3A_1041 = arith.cmpi slt, %parallel_loop3A_1040, %parallel_loop3A_979 : vector<16xi32>
          %parallel_loop3A_1042 = arith.constant 16 : i32
          %parallel_loop3A_1043 = arith.muli %while3A, %parallel_loop3A_1042 : i32
          %parallel_loop3A_1044 = arith.index_cast %parallel_loop3A_976 : i32 to index
          %parallel_loop3A_1045 = arith.index_cast %parallel_loop3A_1043 : i32 to index
          %parallel_loop3A_1046 = tpu.vector_load %arg8[%parallel_loop3A_1044, %parallel_loop3A_1045] {strides = array<i32>} : memref<64x448xf32, #tpu.memory_space<vmem>>, vector<16xf32>,
          %parallel_loop3A_1047 = arith.constant 16 : i32
          %parallel_loop3A_1048 = arith.muli %while3A, %parallel_loop3A_1047 : i32
          %parallel_loop3A_1049 = arith.index_cast %parallel_loop3A_976 : i32 to index
          %parallel_loop3A_1050 = arith.index_cast %parallel_loop3A_1048 : i32 to index
          %parallel_loop3A_1051 = tpu.vector_load %arg9[%parallel_loop3A_1049, %parallel_loop3A_1050] {strides = array<i32>} : memref<64x448xi32, #tpu.memory_space<vmem>>, vector<16xi32>,
          %parallel_loop3A_1052 = vector.broadcast %scan3A : f32 to vector<16xf32>
          %parallel_loop3A_1053 = arith.select %parallel_loop3A_1041, %parallel_loop3A_1046, %parallel_loop3A_1052 : vector<16xi1>, vector<16xf32>
          %parallel_loop3A_1054 = arith.constant 1073741824 : i32
          %parallel_loop3A_1055 = vector.broadcast %parallel_loop3A_1054 : i32 to vector<16xi32>
          %parallel_loop3A_1056 = arith.select %parallel_loop3A_1041, %parallel_loop3A_1051, %parallel_loop3A_1055 : vector<16xi1>, vector<16xi32>
          %parallel_loop3A_1057 = arith.constant dense<true> : vector<16xi1>
          %parallel_loop3A_1058, %parallel_loop3A_1059, %parallel_loop3A_1060 = tpu.sort %parallel_loop3A_1053, %parallel_loop3A_1056 masked %parallel_loop3A_1057 : (vector<16xf32>, vector<16xi32>, vector<16xi1>) -> (vector<16xi1>, vector<16xf32>, vector<16xi32>)
          %parallel_loop3A_1061 = arith.constant 15 : i32
          %parallel_loop3A_1062 = vector.broadcast %parallel_loop3A_1061 : i32 to vector<16xi32>
          %parallel_loop3A_1063 = tpu.iota {dimensions = array<i32: 0>} : vector<16xi32>
          %parallel_loop3A_1064 = arith.subi %parallel_loop3A_1062, %parallel_loop3A_1063 : vector<16xi32>
          %parallel_loop3A_1065 = tpu.dynamic_gather %while3A_1035[%parallel_loop3A_1064] in [0] : vector<16xf32>, vector<16xi32> -> vector<16xf32>
          %parallel_loop3A_1066 = arith.constant 15 : i32
          %parallel_loop3A_1067 = vector.broadcast %parallel_loop3A_1066 : i32 to vector<16xi32>
          %parallel_loop3A_1068 = tpu.iota {dimensions = array<i32: 0>} : vector<16xi32>
          %parallel_loop3A_1069 = arith.subi %parallel_loop3A_1067, %parallel_loop3A_1068 : vector<16xi32>
          %parallel_loop3A_1070 = tpu.dynamic_gather %while3A_1036[%parallel_loop3A_1069] in [0] : vector<16xi32>, vector<16xi32> -> vector<16xi32>
          %parallel_loop3A_1071 = arith.cmpf olt, %parallel_loop3A_1059, %parallel_loop3A_1065 : vector<16xf32>
          %parallel_loop3A_1072 = arith.cmpf oeq, %parallel_loop3A_1059, %parallel_loop3A_1065 : vector<16xf32>
          %parallel_loop3A_1073 = arith.cmpi slt, %parallel_loop3A_1060, %parallel_loop3A_1070 : vector<16xi32>
          %parallel_loop3A_1074 = arith.andi %parallel_loop3A_1072, %parallel_loop3A_1073 : vector<16xi1>
          %parallel_loop3A_1075 = arith.ori %parallel_loop3A_1071, %parallel_loop3A_1074 : vector<16xi1>
          %parallel_loop3A_1076 = arith.select %parallel_loop3A_1075, %parallel_loop3A_1059, %parallel_loop3A_1065 : vector<16xi1>, vector<16xf32>
          %parallel_loop3A_1077 = arith.select %parallel_loop3A_1075, %parallel_loop3A_1060, %parallel_loop3A_1070 : vector<16xi1>, vector<16xi32>
          %parallel_loop3A_1078 = arith.constant dense<true> : vector<16xi1>
          %parallel_loop3A_1079, %parallel_loop3A_1080, %parallel_loop3A_1081 = tpu.sort %parallel_loop3A_1076, %parallel_loop3A_1077 masked %parallel_loop3A_1078 : (vector<16xf32>, vector<16xi32>, vector<16xi1>) -> (vector<16xi1>, vector<16xf32>, vector<16xi32>)
          scf.yield %parallel_loop3A_1080, %parallel_loop3A_1081 : vector<16xf32>, vector<16xi32>
        }
        %parallel_loop3A_1028 = arith.constant 64 : i32
        %parallel_loop3A_1029 = arith.muli %scan3A_49, %parallel_loop3A_1028 : i32
        %parallel_loop3A_1030 = arith.addi %parallel_loop3A_1029, %parallel_loop3A_976 : i32
        %parallel_loop3A_1031 = arith.index_cast %parallel_loop3A_1030 : i32 to index
        %parallel_loop3A_1032 = arith.constant 0 : index
        %parallel_loop3A_1033 = tpu.vector_load %arg11[%parallel_loop3A_1031, %parallel_loop3A_1032] {strides = array<i32>} : memref<256x16xi32, #tpu.memory_space<vmem>>, vector<16xi32>,
        tpu.vector_store %arg11[%parallel_loop3A_1031, %parallel_loop3A_1032], %parallel_loop3A_1027#1 {strides = array<i32>} : memref<256x16xi32, #tpu.memory_space<vmem>>, vector<16xi32>,
        %parallel_loop3A_1034 = arith.constant 0 : i32
        scf.yield %parallel_loop3A_1034 : i32
      } {sc.loop_unroll_factor = 2 : i64, sc.parallel_access}
      %scan3A_975 = arith.constant 0 : i32
      scf.yield %scan3A_975 : i32
    }
    %scan3A_46 = arith.constant 4 : i32
    %mul3A_47 = arith.constant 256 : i32
    %mul3A_48 = arith.muli %add3A, %mul3A_47 : i32
    "tpu.region"() ({
      %run_scoped3A_49 = tpu.sem_alloc : memref<!tpu.dma_semaphore, #tpu.memory_space<semaphore_mem>>
      %dma_start3A_50 = arith.constant 0 : i32
      %dma_start3A_51 = tpu.memref_slice %arg4[%mul3A_48, %dma_start3A_50] : memref<8192x16xi32, #tpu.memory_space<hbm>> -> memref<256x16xi32, #tpu.memory_space<hbm>>
      %dma_start3A_52 = arith.constant 0 : i32
      %dma_start3A_53 = tpu.memref_slice %arg4[%mul3A_48, %dma_start3A_52] : memref<8192x16xi32, #tpu.memory_space<hbm>> -> memref<256x16xi32, #tpu.memory_space<hbm>>
      tpu.enqueue_dma source(%arg11 : memref<256x16xi32, #tpu.memory_space<vmem>>) target(%dma_start3A_53 : memref<256x16xi32, #tpu.memory_space<hbm>>) target_semaphore(%run_scoped3A_49 : memref<!tpu.dma_semaphore, #tpu.memory_space<semaphore_mem>>)
      %dma_wait3A = arith.constant 0 : i32
      %dma_wait3A_54 = tpu.memref_slice %arg4[%mul3A_48, %dma_wait3A] : memref<8192x16xi32, #tpu.memory_space<hbm>> -> memref<256x16xi32, #tpu.memory_space<hbm>>
      %dma_wait3A_55 = arith.constant 0 : i32
      %dma_wait3A_56 = tpu.memref_slice %arg4[%mul3A_48, %dma_wait3A_55] : memref<8192x16xi32, #tpu.memory_space<hbm>> -> memref<256x16xi32, #tpu.memory_space<hbm>>
      tpu.wait_dma2 semaphore(%run_scoped3A_49 : memref<!tpu.dma_semaphore, #tpu.memory_space<semaphore_mem>>) src(%arg11 : memref<256x16xi32, #tpu.memory_space<vmem>>) dst(%dma_wait3A_56 : memref<256x16xi32, #tpu.memory_space<hbm>>)
      tpu.yield
    }) : () -> ()
    return
  }
}

module attributes {stable_mosaic.version = 14 : i64} {
  func.func @_dist_tau_kernel(%arg0: i32, %arg1: i32, %arg2: memref<1x64x4096xf32, #tpu.memory_space<vmem>>, %arg3: memref<1x64x256xf32, #tpu.memory_space<vmem>>, %arg4: memref<1x256x4096xf32, #tpu.memory_space<vmem>>, %arg5: memref<1x1x1x4096xf32, #tpu.memory_space<vmem>>) attributes {dimension_semantics = [#tpu.dimension_semantics<arbitrary>, #tpu.dimension_semantics<arbitrary>], iteration_bounds = array<i64: 2, 16>, scalar_prefetch = 0 : i64, scratch_operands = 0 : i64, tpu.core_type = #tpu.core_type<tc>, window_params = [{transform_indices = @transform_0, window_bounds = array<i64: 1, 64, 4096>}, {transform_indices = @transform_1, window_bounds = array<i64: 1, 64, 256>}, {transform_indices = @transform_2, window_bounds = array<i64: 1, 256, 4096>}, {transform_indices = @transform_3, window_bounds = array<i64: 1, 1, 1, 4096>}]} {
    %get3A = arith.constant 0 : index
    %get3A_0 = arith.constant 0 : index
    %get3A_1 = arith.constant 0 : index
    %get3A_2 = vector.load %arg2[%get3A, %get3A_0, %get3A_1] : memref<1x64x4096xf32, #tpu.memory_space<vmem>>, vector<1x64x4096xf32>
    %get3A_3 = vector.shape_cast %get3A_2 : vector<1x64x4096xf32> to vector<64x4096xf32>
    %get3A_4 = arith.constant 0 : index
    %get3A_5 = arith.constant 0 : index
    %get3A_6 = arith.constant 0 : index
    %get3A_7 = vector.load %arg3[%get3A_4, %get3A_5, %get3A_6] : memref<1x64x256xf32, #tpu.memory_space<vmem>>, vector<1x64x256xf32>
    %get3A_8 = vector.shape_cast %get3A_7 : vector<1x64x256xf32> to vector<64x256xf32>
    %mul3A = arith.mulf %get3A_3, %get3A_3 : vector<64x4096xf32>
    %reduce_sum3A = arith.constant dense<0.000000e+00> : vector<4096xf32>
    %reduce_sum3A_9 = vector.multi_reduction <add>, %mul3A, %reduce_sum3A [0] : vector<64x4096xf32> to vector<4096xf32>
    %broadcast_in_dim3A = vector.shape_cast %reduce_sum3A_9 : vector<4096xf32> to vector<1x4096xf32>
    %sqrt3A = math.sqrt %broadcast_in_dim3A : vector<1x4096xf32>
    %max3A = arith.constant 9.99999996E-13 : f32
    %max3A_10 = vector.broadcast %max3A : f32 to vector<1x4096xf32>
    %max3A_11 = arith.maximumf %sqrt3A, %max3A_10 : vector<1x4096xf32>
    %div3A = vector.broadcast %max3A_11 : vector<1x4096xf32> to vector<64x4096xf32>
    %div3A_12 = arith.divf %get3A_3, %div3A : vector<64x4096xf32>
    %mul3A_13 = arith.mulf %get3A_8, %get3A_8 : vector<64x256xf32>
    %reduce_sum3A_14 = arith.constant dense<0.000000e+00> : vector<256xf32>
    %reduce_sum3A_15 = vector.multi_reduction <add>, %mul3A_13, %reduce_sum3A_14 [0] : vector<64x256xf32> to vector<256xf32>
    %broadcast_in_dim3A_16 = vector.shape_cast %reduce_sum3A_15 : vector<256xf32> to vector<1x256xf32>
    %sqrt3A_17 = math.sqrt %broadcast_in_dim3A_16 : vector<1x256xf32>
    %max3A_18 = arith.constant 9.99999996E-13 : f32
    %max3A_19 = vector.broadcast %max3A_18 : f32 to vector<1x256xf32>
    %max3A_20 = arith.maximumf %sqrt3A_17, %max3A_19 : vector<1x256xf32>
    %div3A_21 = vector.broadcast %max3A_20 : vector<1x256xf32> to vector<64x256xf32>
    %div3A_22 = arith.divf %get3A_8, %div3A_21 : vector<64x256xf32>
    %mul3A_23 = arith.mulf %div3A_12, %div3A_12 : vector<64x4096xf32>
    %reduce_sum3A_24 = arith.constant dense<0.000000e+00> : vector<4096xf32>
    %reduce_sum3A_25 = vector.multi_reduction <add>, %mul3A_23, %reduce_sum3A_24 [0] : vector<64x4096xf32> to vector<4096xf32>
    %mul3A_26 = arith.mulf %div3A_22, %div3A_22 : vector<64x256xf32>
    %reduce_sum3A_27 = arith.constant dense<0.000000e+00> : vector<256xf32>
    %reduce_sum3A_28 = vector.multi_reduction <add>, %mul3A_26, %reduce_sum3A_27 [0] : vector<64x256xf32> to vector<256xf32>
    %convert_element_type3A = arith.truncf %div3A_22 : vector<64x256xf32> to vector<64x256xbf16>
    %convert_element_type3A_29 = arith.truncf %div3A_12 : vector<64x4096xf32> to vector<64x4096xbf16>
    %dot_general3A = arith.constant dense<0.000000e+00> : vector<256x4096xf32>
    %dot_general3A_30 = tpu.matmul %convert_element_type3A, %convert_element_type3A_29, %dot_general3A {dimension_numbers = #tpu.dot_dimension_numbers<[0], [0], [1], [1], [0, 1, 1, 1], [], []>, transpose_lhs_hint = false} : vector<64x256xbf16>, vector<64x4096xbf16>, vector<256x4096xf32> -> vector<256x4096xf32>
    %broadcast_in_dim3A_31 = vector.shape_cast %reduce_sum3A_25 : vector<4096xf32> to vector<1x4096xf32>
    %mul3A_32 = arith.constant -2.000000e+00 : f32
    %mul3A_33 = vector.broadcast %mul3A_32 : f32 to vector<256x4096xf32>
    %mul3A_34 = arith.mulf %mul3A_33, %dot_general3A_30 : vector<256x4096xf32>
    %add3A = vector.broadcast %broadcast_in_dim3A_31 : vector<1x4096xf32> to vector<256x4096xf32>
    %add3A_35 = arith.addf %add3A, %mul3A_34 : vector<256x4096xf32>
    %broadcast_in_dim3A_36 = vector.shape_cast %reduce_sum3A_28 : vector<256xf32> to vector<256x1xf32>
    %add3A_37 = vector.broadcast %broadcast_in_dim3A_36 : vector<256x1xf32> to vector<256x4096xf32>
    %add3A_38 = arith.addf %add3A_35, %add3A_37 : vector<256x4096xf32>
    %swap3A = arith.constant 0 : index
    %swap3A_39 = arith.constant 0 : index
    %swap3A_40 = arith.constant 0 : index
    %swap3A_41 = vector.load %arg4[%swap3A, %swap3A_39, %swap3A_40] : memref<1x256x4096xf32, #tpu.memory_space<vmem>>, vector<1x256x4096xf32>
    %swap3A_42 = vector.shape_cast %swap3A_41 : vector<1x256x4096xf32> to vector<256x4096xf32>
    %swap3A_43 = vector.shape_cast %add3A_38 : vector<256x4096xf32> to vector<1x256x4096xf32>
    tpu.vector_store %arg4[%swap3A, %swap3A_39, %swap3A_40], %swap3A_43 {strides = array<i32>} : memref<1x256x4096xf32, #tpu.memory_space<vmem>>, vector<1x256x4096xf32>,
    %reduce_min3A = arith.constant dense<0x7F800000> : vector<4096xf32>
    %reduce_min3A_44 = vector.multi_reduction <minimumf>, %add3A_38, %reduce_min3A [0] : vector<256x4096xf32> to vector<4096xf32>
    %swap3A_45 = arith.constant 0 : index
    %swap3A_46 = arith.constant 0 : index
    %swap3A_47 = arith.constant 0 : index
    %swap3A_48 = arith.constant 0 : index
    %swap3A_49 = vector.load %arg5[%swap3A_45, %swap3A_46, %swap3A_47, %swap3A_48] : memref<1x1x1x4096xf32, #tpu.memory_space<vmem>>, vector<1x1x1x4096xf32>
    %swap3A_50 = vector.shape_cast %swap3A_49 : vector<1x1x1x4096xf32> to vector<4096xf32>
    %swap3A_51 = vector.shape_cast %reduce_min3A_44 : vector<4096xf32> to vector<1x1x1x4096xf32>
    tpu.vector_store %arg5[%swap3A_45, %swap3A_46, %swap3A_47, %swap3A_48], %swap3A_51 {strides = array<i32>} : memref<1x1x1x4096xf32, #tpu.memory_space<vmem>>, vector<1x1x1x4096xf32>,
    return
  }
  func.func @transform_0(%arg0: i32, %arg1: i32) -> (i32, i32, i32) {
    %c0_i32 = arith.constant 0 : i32
    %c0_i32_0 = arith.constant 0 : i32
    %c0_i32_1 = arith.constant 0 : i32
    return %arg0, %c0_i32, %c0_i32_0 : i32, i32, i32
  }
  func.func @transform_1(%arg0: i32, %arg1: i32) -> (i32, i32, i32) {
    %c0_i32 = arith.constant 0 : i32
    %c0_i32_0 = arith.constant 0 : i32
    return %arg0, %c0_i32, %arg1 : i32, i32, i32
  }
  func.func @transform_2(%arg0: i32, %arg1: i32) -> (i32, i32, i32) {
    %c0_i32 = arith.constant 0 : i32
    %c0_i32_0 = arith.constant 0 : i32
    return %arg0, %arg1, %c0_i32 : i32, i32, i32
  }
  func.func @transform_3(%arg0: i32, %arg1: i32) -> (i32, i32, i32, i32) {
    %c0_i32 = arith.constant 0 : i32
    %c0_i32_0 = arith.constant 0 : i32
    %c0_i32_1 = arith.constant 0 : i32
    return %arg0, %arg1, %c0_i32, %c0_i32_0 : i32, i32, i32, i32
  }
}

</mosaic_0001>

<sc_bundles>
// kernel: kernel.4.cloned.1.call-start
scs
__scs_entry_jumppad:
0x0: {  	(pc) =	sbr.rel $0x88, $3  }
0x1: {  	(tag) =	ssettag $0x0;
	lr =	simm.s32 $0x1  }
0x2: {  	[smem:$0x3F9F] =	sst lr;
	_ =	strace $0xD0000000  }
0x3: {  	_ = 	snop  }
0x4: {  	_ = 	snop  }
0x5: {  	_ = 	snop  }
0x6: {  	_ = 	snop  }
0x7: {  	_ = 	snop  }
__scs_overlays_trampoline_lowered:
0x8: {  	[smem:$0x3FAE] =	sst s0  }
0x9: {  	[smem:$0x3FAF] =	sst s1  }
0xa: {  	[smem:$0x3FB0] =	sst s2  }
0xb: {  	[smem:$0x3FB1] =	sst s3  }
0xc: {  	[smem:$0x3FB2] =	sst s4  }
0xd: {  	[smem:$0x3FB3] =	sst s5  }
0xe: {  	[smem:$0x3FB4] =	sst s6  }
0xf: {  	[smem:$0x3FB5] =	sst s7  }
0x10: {  	[smem:$0x3FB6] =	sst s8  }
0x11: {  	[smem:$0x3FB7] =	sst s9;
	s0 =	simm.s32 @!p0 $0x0  }
0x12: {  	s1 =	sld [smem:$0x3F9D];
	s0 =	simm.s32 @p0 $0x1  }
0x13: {  	[smem:$0x3FB8] =	sst s0;
	s0 =	simm.s32 @!p1 $0x0  }
0x14: {  	s2 =	sld [smem:$0x3F9C];
	s0 =	simm.s32 @p1 $0x1  }
0x15: {  	[smem:$0x3FB9] =	sst s0;
	s0 =	simm.s32 @!p2 $0x0  }
0x16: {  	s3 =	sld [smem:$0x3FDB];
	s0 =	simm.s32 @p2 $0x1  }
0x17: {  	s4 =	simm.s32 $0x1BF5;
	[smem:$0x3FBB] =	sst s0  }
0x18: {  	s0 =	sld [smem:$0x3F9E];
	_ =	swait.ge [sflag:s4], $0x0  }
0x19: {  	s7 =	sld [smem:$0x3F9F]  }
0x1a: {  	s8 =	sadd.s32 $0xFFFFE003, lr  }
0x1b: {  	s9 =	sadd.s32 $0xFFFFFEF7, lr;
	s5 =	simm.s32 $0xFFFFFFFF;
	p2 =	slt.u32 s8, $0xFFFFF086  }
0x1c: {  	p1 =	slt.u32 s9, $0xF7A;
	s5 =	simm.s32 @!p2 $0x0  }
0x1d: {  	s5 =	simm.s32 @p1 $0x1;
	p0 =	seq.s32 s7, s2  }
0x1e: {  	s7 =	smul.u32 @!p0 $0xF7A, s2;
	p2 =	seq.s32 @!p0 s5, $0x0  }
0x1f: {  	s9 =	smul.u32 $0xF7A, s1;
	s8 =	simm.s32 @!p0 $0x1BF5;
	p2 =	por !p2, p0  }
0x20: {  	[sflag:s8] =	ssyncset.s32 @!p0 $0xFFFFF086;
	s6 =	sadd.s32 @!p0 s3, s7;
	s7 =	simm.s32 @!p0 $0x108  }
0x21: {  	s3 =	sadd.s32 s3, s9;
	s6 =	sadd.s32 @!p0 $0x88, s6;
	s7 =	simm.s32 @p2 $0x1082  }
0x22: {  	[simem:s7], [sflag:s8] =	dma.local @!p0 [hbm:s6], $0xF7A  }
0x23: {  	s9 =	sor.u32 $0xD0000000, s2;
	s6 =	simm.s32 $0x108;
	_ =	swait.ge @!p0 [sflag:s8], $0x0  }
0x24: {  	s3 =	sadd.s32 $0x88, s3;
	s6 =	simm.s32 @!p1 $0x1082;
	[sflag:s4] =	ssyncset.s32 $0xFFFFF086  }
0x25: {  	[simem:s6], [sflag:s4] =	dma.local [hbm:s3], $0xF7A  }
0x26: {  	[smem:$0x3F9F] =	sst s1;
	(tag) =	ssettag s2;
	_ =	strace s9  }
0x27: {  	s1 =	sld [smem:$0x3FAF]  }
0x28: {  	s2 =	sld [smem:$0x3FB0]  }
0x29: {  	s4 =	sld [smem:$0x3FB2]  }
0x2a: {  	p0 =	seq.s32 s5, $0x0;
	s5 =	sld [smem:$0x3FB3]  }
0x2b: {  	s6 =	sld [smem:$0x3FB4]  }
0x2c: {  	s7 =	sld [smem:$0x3FB5]  }
0x2d: {  	s3 =	simm.s32 $0x108;
	s8 =	sld [smem:$0x3FB6]  }
0x2e: {  	s3 =	simm.s32 @!p0 $0x1082;
	s9 =	sld [smem:$0x3FB7]  }
0x2f: {  	lr =	sadd.s32 s0, s3;
	s0 =	sld [smem:$0x3FAE]  }
0x30: {  	s3 =	sld [smem:$0x3FB1]  }
0x31: {  	[smem:$0x3FBA] =	sst s10  }
0x32: {  	s10 =	sld [smem:$0x3FB8];
	_ =	sdelay $0x3  }
0x33: {  	p0 =	seq.s32 s10, $0x1;
	s10 =	sld [smem:$0x3FBA];
	_ =	sdelay $0x3  }
0x34: {  	[smem:$0x3FBA] =	sst s10  }
0x35: {  	s10 =	sld [smem:$0x3FB9];
	_ =	sdelay $0x3  }
0x36: {  	p1 =	seq.s32 s10, $0x1;
	s10 =	sld [smem:$0x3FBA];
	_ =	sdelay $0x3  }
0x37: {  	[smem:$0x3FBA] =	sst s10  }
0x38: {  	s10 =	sld [smem:$0x3FBB]  }
0x39: {  	_ = 	snop;
	(pc) =	sbr.ind lr, $3  }
0x3a: {  	_ = 	snop  }
0x3b: {  	_ = 	snop  }
0x3c: {  	p2 =	seq.s32 s10, $0x1;
	s10 =	sld [smem:$0x3FBA]  }
0x3d: {  	_ =	shalt  }
0x3e: {  	_ =	shalt  }
0x3f: {  	_ =	shalt  }
0x40: {  	_ =	shalt  }
0x41: {  	_ =	shalt  }
0x42: {  	_ =	shalt  }
0x43: {  	_ =	shalt  }
0x44: {  	_ =	shalt  }
0x45: {  	_ =	shalt  }
0x46: {  	_ =	shalt  }
0x47: {  	_ =	shalt  }
0x48: {  	_ =	shalt  }
0x49: {  	_ =	shalt  }
0x4a: {  	_ =	shalt  }
0x4b: {  	_ =	shalt  }
0x4c: {  	_ =	shalt  }
0x4d: {  	_ =	shalt  }
0x4e: {  	_ =	shalt  }
0x4f: {  	_ =	shalt  }
0x50: {  	_ =	shalt  }
0x51: {  	_ =	shalt  }
0x52: {  	_ =	shalt  }
0x53: {  	_ =	shalt  }
0x54: {  	_ =	shalt  }
0x55: {  	_ =	shalt  }
0x56: {  	_ =	shalt  }
0x57: {  	_ =	shalt  }
0x58: {  	_ =	shalt  }
0x59: {  	_ =	shalt  }
0x5a: {  	_ =	shalt  }
0x5b: {  	_ =	shalt  }
0x5c: {  	_ =	shalt  }
0x5d: {  	_ =	shalt  }
0x5e: {  	_ =	shalt  }
0x5f: {  	_ =	shalt  }
0x60: {  	_ =	shalt  }
0x61: {  	_ =	shalt  }
0x62: {  	_ =	shalt  }
0x63: {  	_ =	shalt  }
0x64: {  	_ =	shalt  }
0x65: {  	_ =	shalt  }
0x66: {  	_ =	shalt  }
0x67: {  	_ =	shalt  }
0x68: {  	_ =	shalt  }
0x69: {  	_ =	shalt  }
0x6a: {  	_ =	shalt  }
0x6b: {  	_ =	shalt  }
0x6c: {  	_ =	shalt  }
0x6d: {  	_ =	shalt  }
0x6e: {  	_ =	shalt  }
0x6f: {  	_ =	shalt  }
0x70: {  	_ =	shalt  }
0x71: {  	_ =	shalt  }
0x72: {  	_ =	shalt  }
0x73: {  	_ =	shalt  }
0x74: {  	_ =	shalt  }
0x75: {  	_ =	shalt  }
0x76: {  	_ =	shalt  }
0x77: {  	_ =	shalt  }
0x78: {  	_ =	shalt  }
0x79: {  	_ =	shalt  }
0x7a: {  	_ =	shalt  }
0x7b: {  	_ =	shalt  }
0x7c: {  	_ =	shalt  }
0x7d: {  	_ =	shalt  }
0x7e: {  	_ =	shalt  }
0x7f: {  	_ =	shalt  }
0x80: {  	_ =	shalt  }
0x81: {  	_ =	shalt  }
0x82: {  	_ =	shalt  }
0x83: {  	_ =	shalt  }
0x84: {  	_ =	shalt  }
0x85: {  	_ =	shalt  }
0x86: {  	_ =	shalt  }
0x87: {  	_ =	shalt  }
.Lfunc_end0:
.L_simem_size_0:
called_computation.1_lowered:
.L_overlay_start_0:
0x88: {  	s2 =	sld [smem:$0x3FD9]  }
0x89: {  	s3 =	sld [smem:$0x3FFE];
	_ =	sdelay $0x1  }
0x8a: {  	s1 =	srdreg.scid  }
0x8b: {  	s0 =	sand.u32 $0x1, s1  }
0x8c: {  	s17 =	sshll.u32 s0, $0xA;
	s2 =	sadd.s32 s3, s2  }
0x8d: {  	s2 =	sadd.s32 s2, s17  }
0x8e: {  	[smem:$0x3FC6] =	sst s2  }
0x8f: {  	_ = 	snop  }
0x90: {  	s2 =	sld [smem:$0x3FD0];
	(tm) =	ssettm $0x1  }
0x91: {  	s18 =	sld [smem:$0x3FFB];
	_ =	sdelay $0x3  }
0x92: {  	_ =	strace s18  }
0x93: {  	s3 =	sld [smem:$0x3FFC];
	_ =	sdelay $0x3  }
0x94: {  	_ =	strace s3  }
0x95: {  	s3 =	sld [smem:$0x3FFD];
	_ =	sdelay $0x3  }
0x96: {  	_ =	strace s3  }
0x97: {  	_ =	strace $0x8FFFFFFF  }
0x98: {  	s19 =	sld [smem:$0x3FDB];
	_ =	sdelay $0x1  }
0x99: {  	s4 =	simm.s32 $_scs_section_size  }
0x9a: {  	s5 =	simm.s32 $_size__tile_overlayer_lowered;
	s6 =	simm.s32 $_tile_overlayer_lowered  }
0x9b: {  	s22 =	simm.s32 $0x1BFF;
	s21 =	sshll.u32 s6, $0x1;
	s3 =	sadd.s32 s4, s19  }
0x9c: {  	s7 =	simm.s32 $0x0;
	s20 =	sshll.u32 s5, $0x1;
	s5 =	sadd.s32 s21, s3  }
0x9d: {  	[timem:s7], [sflag:s22] =	dma.local [hbm:s5], s20  }
0x9e: {  	_ =	swait.ge [sflag:s22], s20  }
0x9f: {  	s4 =	ssub.s32 $0x0, s20;
	[sflag:s22] =	ssyncset.done $0x0  }
0xa0: {  	[sflag:s22] =	ssyncadd.s32 s4;
	_ =	sdelay $0x1  }
0xa1: {  	s23 =	simm.s32 $0x1B8B  }
0xa2: {  	_ =	swait.ge [sflag:s23], $0x1  }
0xa3: {  	[sflag:s23] =	ssyncset.done $0x0  }
0xa4: {  	s25 =	simm.s32 $0x1B8E;
	s24 =	sld [smem:$0x3FFE];
	[sflag:s23] =	ssyncadd.s32 $0xFFFFFFFF  }
0xa5: {  	s26 =	simm.s32 $execute0_lowered;
	[smem:$0x3FD2] =	sst s25  }
0xa6: {  	s5 =	sshll.u32 s26, $0x1;
	_ =	strace $0x80000049;
	[dreg:$0x1] =	wrdreg $0xFFFFFFFF  }
0xa7: {  	s28 =	simm.s32 $_size_execute0_lowered;
	s3 =	sadd.s32 s3, s5;
	[dreg:$0x0] =	wrdreg $0x0  }
0xa8: {  	s5 =	sshll.u32 s28, $0x1;
	[dreg:$0x2] =	wrdreg s3  }
0xa9: {  	[dreg:$0x3] =	wrdreg s5  }
0xaa: {  	[dreg:$0x4] =	wrdreg $0xC0  }
0xab: {  	_ =	task [dreg:s7], $0x5FFFF  }
0xac: {  	[dreg:$0x1] =	wrdreg $0xFFFFFFFF  }
0xad: {  	[dreg:$0x0] =	wrdreg $0x60  }
0xae: {  	[dreg:$0x2] =	wrdreg s24  }
0xaf: {  	[dreg:$0x3] =	wrdreg s2  }
0xb0: {  	[dreg:$0x4] =	wrdreg $0x9  }
0xb1: {  	_ =	task.clear_ibuf [dreg:s7], $0x5FFFF;
	_ =	strace $0x90000049  }
0xb2: {  	s29 =	simm.s32 $0x9;
	_ =	strace $0x8000004B  }
0xb3: {  	_ =	swait.ge [sflag:s29], $0x1  }
0xb4: {  	[sflag:s29] =	ssyncadd.s32 $0xFFFFFFFF  }
0xb5: {  	_ =	strace $0x9000004B  }
0xb6: {  	_ =	sfence  }
0xb7: {  	s30 =	sld [smem:$0x0];
	_ =	sdelay $0x2  }
0xb8: {  	s31 =	sshll.u32 s1, $0xD;
	s1 =	sshrl.u32 s1, $0x2  }
0xb9: {  	s3 =	sand.u32 $0x4000, s31;
	s1 =	sadd.s32 s1, s30  }
0xba: {  	s0 =	sor.u32 s3, s0;
	s1 =	sshll.u32 s1, $0x11  }
0xbb: {  	s0 =	sor.u32 s1, s0  }
0xbc: {  	s0 =	sadd.s32 $0x8F2B, s0  }
0xbd: {  	[sflag:s0] =	ssyncadd.remote.s32 $0x1  }
0xbe: {  	_ =	sfence.sel $0xFFFF  }
0xbf: {  	[dreg:$0x0] =	wrdreg $0xFFFFFFFF;
	(pc) =	sbr.abs _section_cstart, $3  }
0xc0: {  	[dreg:$0x1] =	wrdreg $0xFFFFFFFF  }
0xc1: {  	_ =	task.clear_ibuf [dreg:s7], $0x2FFFF;
	_ =	strace $0x9FFFFFFF  }
0xc2: {  	(tm) =	ssettm $0x7FFFFFFF  }
0xc3: {  	_ =	shalt  }
tec
execute0_lowered:
.L_overlay_start_1:
0x0: {  	(tag) =	ssettag $0x1  }
0x1: {  	s0 =	rddreg [dreg:$0x0];
	s1 =	srdreg.scid  }
0x2: {  	s6 =	stileid.u32;
	s3 =	rddreg [dreg:$0x1];
	s2 =	simm.s32 $0x0  }
0x3: {  	s30 =	simm.s32 $0x40;
	[smem:$0x7FF] =	sst s2;
	s14 =	sadd.s32 $0x420E00, s0  }
0x4: {  	s15 =	sadd.s32 $0x440E00, s0;
	_ =	strace $0x8000004A;
	[dreg:$0x3] =	wrdreg s14  }
0x5: {  	s31 =	simm.s32 $0x1;
	s16 =	sadd.s32 $0x460E00, s0;
	[dreg:$0x4] =	wrdreg s15  }
0x6: {  	s28 =	simm.s32 $0x2;
	s17 =	sadd.s32 $0x480E00, s0;
	[dreg:$0x5] =	wrdreg s16  }
0x7: {  	s1 =	sand.u32 $0x1, s1;
	s18 =	sadd.s32 $0x4A0E00, s0;
	[dreg:$0x7] =	wrdreg s17  }
0x8: {  	s4 =	sshll.u32 s6, $0x1;
	s20 =	sadd.s32 $0x4C0E00, s0;
	[dreg:$0x8] =	wrdreg s18  }
0x9: {  	s9 =	sadd.s32 $0x400E00, s0;
	s21 =	sadd.s32 $0x4E0E00, s0;
	[dreg:$0x9] =	wrdreg s20  }
0xa: {  	s6 =	sshrl.u32 s6, $0x3;
	s22 =	sadd.s32 $0x500E00, s0;
	[dreg:$0xa] =	wrdreg s21  }
0xb: {  	s23 =	sadd.s32 $0x520E00, s0;
	s25 =	sadd.s32 $0x540E00, s0;
	[dreg:$0xb] =	wrdreg s22  }
0xc: {  	s4 =	sor.u32 s1, s4;
	s1 =	ssub.s32 $0x2, s1;
	[dreg:$0xc] =	wrdreg s23  }
0xd: {  	s8 =	sshll.u32 s6, $0x10;
	s19 =	sshll.u32 s6, $0x18;
	[dreg:$0xd] =	wrdreg s25  }
0xe: {  	s16 =	sadd.s32 $0x560E00, s0;
	s15 =	smov.u32 s9;
	s18 =	sadd.s32 $0x580E00, s0  }
0xf: {  	s20 =	sadd.s32 $0x5C0E00, s0;
	s21 =	sadd.s32 $0x5E0E00, s0;
	s6 =	simm.s32 $0x3  }
0x10: {  	s25 =	simm.s32 $0x10000;
	s5 =	sshll.u32 s4, $0x9;
	s4 =	sshll.u32 s4, $0x8  }
0x11: {  	s7 =	sshrl.u32 s1, $0x1;
	s5 =	sadd.s32 s5, s0;
	s4 =	sand.u32 $0xF00, s4  }
0x12: {  	s1 =	ssub.s32 s1, s7;
	s13 =	sor.u32 s8, s4;
	s12 =	sor.u32 s19, s4  }
0x13: {  	s19 =	sadd.s32 $0x5A0E00, s0;
	s26 =	sadd.s32 $0xE00, s5;
	s29 =	smax.u32 s1, $0x1  }
.Ltmp0:
0x14: {  	s1 =	simm.s32 $0x4000;
	s0 =	simm.s32 $0x9000;
	(pc) =	sbr.rel .LBB2_1-.Ltmp0, $4  }
0x15: {  	v0 =	vlaneseq.u32;
	s4 =	simm.s32 $0x0;
	s7 =	sshrl.u32 s13, $0x3;
	[dreg:$0xf] =	wrdreg s26  }
0x16: {  	v1 =	vmul.u32 $0x1C0, v0;
	s24 =	sshrl.u32 s12, $0x3;
	[dreg:$0x10] =	wrdreg s29;
	s3 =	sadd.s32 s3, s7  }
0x17: {  	v2 =	vimm.s32 $0x0;
	s22 =	sor.u32 $0x40, s12;
	[dreg:$0x6] =	wrdreg s3;
	s3 =	sadd.s32 s9, s24  }
0x18: {  	v3 =	vadd.s32 $0x1C00, v1;
	v4 =	vadd.s32 $0x3800, v1;
	v5 =	vadd.s32 $0x5400, v1;
	s26 =	simm.s32 $0x1000;
	s7 =	simm.s32 $0x17000;
	[dreg:$0xe] =	wrdreg s3  }
.LBB2_51:
0x19: {  	s3 =	rddreg [dreg:$0xf];
	s4 =	simm.s32 $0x17040;
	s6 =	simm.s32 $0x3  }
0x1a: {  	[hbm4b:s3+s2] =	stream.linear.scatter [tilespmem:s4], [sflag:$0x3], $0x1000, $0x38;
	[tilespmem:$0x18040] =	vst v63  }
0x1b: {  	_ =	swait.ge [sflag:s6], $0x1000  }
0x1c: {  	s24 =	rddreg [dreg:$0x11]  }
0x1d: {  	s29 =	rddreg [dreg:$0x10];
	s4 =	sadd.s32 $0x1, s24  }
0x1e: {  	p0 =	sne.s32 s4, s29  }
.Ltmp1:
0x1f: {  	_ = 	snop;
	(pc) =	sbr.rel @!p0 .LBB2_52-.Ltmp1, $3  }
0x20: {  	_ =	sdelay $0x1  }
0x21: {  	[sflag:s6] =	ssyncset.done $0x0  }
0x22: {  	[sflag:s6] =	ssyncadd.s32 $0xFFFFF000  }
.LBB2_1:
0x23: {  	s3 =	rddreg [dreg:$0x6];
	s24 =	simm.s32 $0x100;
	s5 =	simm.s32 $0x8000  }
0x24: {  	[tilespmem:s5], [sflag:$0x3] =	stream.strided.gather [hbm4b:s3+s24], $0x1000, s26, s24, $0x38;
	[tilespmem:$0x18040] =	vst v63  }
.Ltmp2:
0x25: {  	[dreg:$0x11] =	wrdreg s4;
	(pc) =	sbr.rel .LBB2_2-.Ltmp2, $4  }
0x26: {  	_ =	swait.ge [sflag:s6], $0x1000  }
0x27: {  	[sflag:s6] =	ssyncset.done $0x0  }
0x28: {  	s23 =	simm.s32 $0x0;
	s29 =	rddreg [dreg:$0xe];
	[sflag:s6] =	ssyncadd.s32 $0xFFFFF000  }
0x29: {  	[tilespmem:s2], [sflag:$0x1] =	stream.strided.gather [hbm4b:s29+s30], $0x4000, s26, s30, $0x38;
	[tilespmem:$0x18040] =	vst v63  }
.LBB2_50:
0x2a: {  	s23 =	sadd.s32 $0x1, s23  }
0x2b: {  	p0 =	sne.s32 s23, $0x4  }
.Ltmp3:
0x2c: {  	_ = 	snop;
	(pc) =	sbr.rel @!p0 .LBB2_51-.Ltmp3, $1  }
0x2d: {  	_ =	sdelay $0x3  }
.LBB2_2:
0x2e: {  	s24 =	sshll.u32 s23, $0x6  }
0x2f: {  	v6 =	vld [tilespmem:s24+$0x8000]  }
0x30: {  	v7 =	vld [tilespmem:s24+$0x8100]  }
0x31: {  	v8 =	vld [tilespmem:s24+$0x8200]  }
0x32: {  	v9 =	vld [tilespmem:s24+$0x8300]  }
0x33: {  	v10 =	vld [tilespmem:s24+$0x8400]  }
0x34: {  	v11 =	vld [tilespmem:s24+$0x8500]  }
0x35: {  	v12 =	vld [tilespmem:s24+$0x8600]  }
0x36: {  	v13 =	vld [tilespmem:s24+$0x8700]  }
0x37: {  	v14 =	vld [tilespmem:s24+$0x8800]  }
0x38: {  	v15 =	vld [tilespmem:s24+$0x8900]  }
0x39: {  	v16 =	vld [tilespmem:s24+$0x8A00]  }
0x3a: {  	v17 =	vld [tilespmem:s24+$0x8B00]  }
0x3b: {  	v18 =	vld [tilespmem:s24+$0x8C00]  }
0x3c: {  	v19 =	vld [tilespmem:s24+$0x8D00]  }
0x3d: {  	v20 =	vld [tilespmem:s24+$0x8E00]  }
0x3e: {  	v21 =	vld [tilespmem:s24+$0x8F00]  }
0x3f: {  	v22 =	vld [tilespmem:s24+$0x8010]  }
0x40: {  	v23 =	vld [tilespmem:s24+$0x8110]  }
0x41: {  	v24 =	vld [tilespmem:s24+$0x8210]  }
0x42: {  	v25 =	vld [tilespmem:s24+$0x8310]  }
0x43: {  	v26 =	vld [tilespmem:s24+$0x8410]  }
0x44: {  	v27 =	vld [tilespmem:s24+$0x8510]  }
0x45: {  	v28 =	vld [tilespmem:s24+$0x8610]  }
0x46: {  	v29 =	vld [tilespmem:s24+$0x8710]  }
0x47: {  	v30 =	vld [tilespmem:s24+$0x8810]  }
0x48: {  	v31 =	vld [tilespmem:s24+$0x8910]  }
0x49: {  	v32 =	vld [tilespmem:s24+$0x8A10]  }
0x4a: {  	v33 =	vld [tilespmem:s24+$0x8B10]  }
0x4b: {  	v34 =	vld [tilespmem:s24+$0x8C10]  }
0x4c: {  	v35 =	vld [tilespmem:s24+$0x8D10]  }
0x4d: {  	v36 =	vld [tilespmem:s24+$0x8E10]  }
0x4e: {  	v38 =	vld [tilespmem:s24+$0x8020]  }
0x4f: {  	v39 =	vld [tilespmem:s24+$0x8120]  }
0x50: {  	v40 =	vld [tilespmem:s24+$0x8220]  }
0x51: {  	v41 =	vld [tilespmem:s24+$0x8320]  }
0x52: {  	v42 =	vld [tilespmem:s24+$0x8420]  }
0x53: {  	v43 =	vld [tilespmem:s24+$0x8520]  }
0x54: {  	v44 =	vld [tilespmem:s24+$0x8620]  }
0x55: {  	v48 =	vld [tilespmem:s24+$0x8030]  }
0x56: {  	v49 =	vld [tilespmem:s24+$0x8130]  }
0x57: {  	v50 =	vld [tilespmem:s24+$0x8230]  }
0x58: {  	v51 =	vld [tilespmem:s24+$0x8330];
	v6 =	vmax.f32 v6, v7  }
0x59: {  	v52 =	vld [tilespmem:s24+$0x8430];
	v6 =	vmax.f32 v6, v8  }
0x5a: {  	v55 =	vld [tilespmem:s24+$0x8530];
	v6 =	vmax.f32 v6, v9  }
0x5b: {  	v56 =	vld [tilespmem:s24+$0x8630];
	v6 =	vmax.f32 v6, v10  }
0x5c: {  	v57 =	vld [tilespmem:s24+$0x8730];
	v6 =	vmax.f32 v6, v11  }
0x5d: {  	v58 =	vld [tilespmem:s24+$0x8830];
	v6 =	vmax.f32 v6, v12  }
0x5e: {  	v59 =	vld [tilespmem:s24+$0x8930];
	v6 =	vmax.f32 v6, v13  }
0x5f: {  	v60 =	vld [tilespmem:s24+$0x8A30];
	v6 =	vmax.f32 v6, v14  }
0x60: {  	v61 =	vld [tilespmem:s24+$0x8B30];
	v54 =	vmax.f32 v38, v39;
	v6 =	vmax.f32 v6, v15  }
0x61: {  	v62 =	vld [tilespmem:s24+$0x8C30];
	v53 =	vmax.f32 v22, v23;
	v22 =	vmax.f32 v54, v40;
	v6 =	vmax.f32 v6, v16  }
0x62: {  	v7 =	vld [tilespmem:s24+$0x8720];
	v22 =	vmax.f32 v22, v41;
	v6 =	vmax.f32 v6, v17  }
0x63: {  	v8 =	vld [tilespmem:s24+$0x8820];
	v22 =	vmax.f32 v22, v42;
	v6 =	vmax.f32 v6, v18  }
0x64: {  	v9 =	vld [tilespmem:s24+$0x8920];
	v22 =	vmax.f32 v22, v43;
	v16 =	vmax.f32 v48, v49;
	v6 =	vmax.f32 v6, v19  }
0x65: {  	v10 =	vld [tilespmem:s24+$0x8A20];
	v22 =	vmax.f32 v22, v44;
	v16 =	vmax.f32 v16, v50;
	v6 =	vmax.f32 v6, v20  }
0x66: {  	v11 =	vld [tilespmem:s24+$0x8B20];
	v16 =	vmax.f32 v16, v51;
	v6 =	vmax.f32 v6, v21;
	v21 =	vmax.f32 v53, v24  }
0x67: {  	v12 =	vld [tilespmem:s24+$0x8C20];
	v7 =	vmax.f32 v22, v7;
	v16 =	vmax.f32 v16, v52;
	v21 =	vmax.f32 v21, v25  }
0x68: {  	v13 =	vld [tilespmem:s24+$0x8D20];
	v7 =	vmax.f32 v7, v8;
	v16 =	vmax.f32 v16, v55;
	v21 =	vmax.f32 v21, v26  }
0x69: {  	v14 =	vld [tilespmem:s24+$0x8E20];
	v7 =	vmax.f32 v7, v9;
	v16 =	vmax.f32 v16, v56;
	v21 =	vmax.f32 v21, v27  }
0x6a: {  	v15 =	vld [tilespmem:s24+$0x8F20];
	v7 =	vmax.f32 v7, v10;
	v8 =	vmax.f32 v16, v57;
	v21 =	vmax.f32 v21, v28  }
0x6b: {  	v9 =	vld [tilespmem:s24+$0x8D30];
	v7 =	vmax.f32 v7, v11;
	v8 =	vmax.f32 v8, v58;
	v21 =	vmax.f32 v21, v29  }
0x6c: {  	v10 =	vld [tilespmem:s24+$0x8E30];
	v7 =	vmax.f32 v7, v12;
	v8 =	vmax.f32 v8, v59;
	v21 =	vmax.f32 v21, v30  }
0x6d: {  	v11 =	vld [tilespmem:s24+$0x8F30];
	v7 =	vmax.f32 v7, v13;
	v8 =	vmax.f32 v8, v60;
	v63 =	vmax.f32 v21, v31  }
0x6e: {  	v37 =	vld [tilespmem:s24+$0x8F10];
	v13 =	vmax.f32 v7, v14;
	v8 =	vmax.f32 v8, v61;
	v18 =	vmax.f32 v63, v32  }
0x6f: {  	s3 =	sor.u32 s24, s12;
	_ =	swait.ge [sflag:s31], $0x4000;
	v14 =	vimm.s32 $0x0;
	v8 =	vmax.f32 v8, v62;
	v18 =	vmax.f32 v18, v33  }
0x70: {  	s29 =	sshrl.u32 s3, $0x3;
	[sflag:s31] =	ssyncset.done $0x0;
	s17 =	rddreg [dreg:$0x3];
	v9 =	vmax.f32 v8, v9;
	v8 =	vmax.f32 v13, v15;
	v18 =	vmax.f32 v18, v34  }
0x71: {  	[sflag:s31] =	ssyncadd.s32 $0xFFFFC000;
	s3 =	sadd.s32 s29, s17;
	v13 =	vimm.s32 $0x0;
	v9 =	vmax.f32 v9, v10;
	v12 =	vmax.f32 v18, v35  }
0x72: {  	[tilespmem:s1], [sflag:$0x2] =	stream.strided.gather [hbm4b:s3+s30], $0x4000, s26, s30, $0x38;
	v10 =	vimm.s32 $0x0;
	v9 =	vmax.f32 v9, v11;
	v12 =	vmax.f32 v12, v36;
	[tilespmem:$0x18040] =	vst v63  }
0x73: {  	s4 =	simm.s32 $0x100;
	s3 =	simm.s32 $0xFFFFFFF8;
	v11 =	vimm.s32 $0x0;
	v7 =	vmax.f32 v12, v37;
	v12 =	vimm.s32 $0x0  }
.LBB2_3:
0x74: {  	v15 =	vld [tilespmem:s4+$0xFFFFFF00];
	_ =	sdelay $0x3  }
0x75: {  	vm0 =	vlt.s32 v14, $0x1BF  }
0x76: {  	v16 =	vnsel vm0, $0x1BF, v14;
	vm1 =	vle.f32 v15, v6  }
0x77: {  	v16 =	vadd.s32 v1, v16;
	_ =	sdelay $0x4  }
0x78: {  	[tilespmem:v16+s0+$0x0] =	vst.idx.msk vm1, v15  }
0x79: {  	[tilespmem:v16+s25+$0x0] =	vst.idx.msk vm1, v10  }
0x7a: {  	v15 =	vld [tilespmem:s4+$0xFFFFFF10]  }
0x7b: {  	v37 =	vld [tilespmem:s4+$0xFFFFFF40]  }
0x7c: {  	v39 =	vld [tilespmem:s4+$0xFFFFFF80]  }
0x7d: {  	v21 =	vld [tilespmem:s4+$0xFFFFFFC0];
	v17 =	vsel vm1, $0x1, v2  }
0x7e: {  	vm6 =	vlt.s32 v13, $0x1BF;
	v41 =	vld [tilespmem:s4+$0x0];
	v14 =	vadd.s32 v17, v14  }
0x7f: {  	v25 =	vld [tilespmem:s4+$0x40];
	v18 =	vnsel vm6, $0x1BF, v13;
	vm8 =	vlt.s32 v14, $0x1BF;
	vm7 =	vle.f32 v15, v7  }
0x80: {  	v48 =	vld [tilespmem:s4+$0x80];
	v38 =	vadd.s32 v3, v18;
	vm2 =	vle.f32 v37, v6;
	v19 =	vnsel vm8, $0x1BF, v14  }
0x81: {  	v19 =	vadd.s32 v1, v19;
	_ =	sdelay $0x1  }
0x82: {  	vm12 =	vlt.s32 v12, $0x1BF;
	vm9 =	vle.f32 v39, v6;
	vm10 =	vle.f32 v21, v6  }
0x83: {  	vm4 =	vle.f32 v41, v6;
	vm6 =	vle.f32 v25, v6;
	v20 =	vsel vm2, $0x1, v2  }
0x84: {  	v58 =	vld [tilespmem:s4+$0xC0];
	v45 =	vnsel vm12, $0x1BF, v12;
	vm5 =	vle.f32 v48, v6;
	[tilespmem:v38+s0+$0x0] =	vst.idx.msk vm7, v15;
	v15 =	vadd.s32 v20, v14  }
0x85: {  	v22 =	vsel vm9, $0x1, v2;
	v23 =	vsel vm10, $0x1, v2;
	[tilespmem:v19+s0+$0x0] =	vst.idx.msk vm2, v37;
	vm3 =	vlt.s32 v15, $0x1BF  }
0x86: {  	v14 =	vor.u32 $0x1, v10;
	[tilespmem:v38+s25+$0x0] =	vst.idx.msk vm7, v10;
	v20 =	vnsel vm3, $0x1BF, v15;
	v15 =	vadd.s32 v22, v15  }
0x87: {  	v42 =	vsel vm7, $0x1, v2;
	[tilespmem:v19+s25+$0x0] =	vst.idx.msk vm2, v14;
	v17 =	vld [tilespmem:s4+$0xFFFFFF20];
	v40 =	vadd.s32 v1, v20;
	vm11 =	vlt.s32 v15, $0x1BF  }
0x88: {  	v43 =	vadd.s32 v42, v13;
	v44 =	vld [tilespmem:s4+$0xFFFFFF50];
	v13 =	vnsel vm11, $0x1BF, v15;
	v15 =	vadd.s32 v23, v15  }
0x89: {  	vm0 =	vle.f32 v58, v6;
	v24 =	vadd.s32 v1, v13;
	vm13 =	vlt.s32 v15, $0x1BF  }
0x8a: {  	v28 =	vsel vm4, $0x1, v2;
	v52 =	vsel vm6, $0x1, v2;
	v46 =	vnsel vm13, $0x1BF, v15  }
0x8b: {  	v61 =	vsel vm5, $0x1, v2;
	vm14 =	vlt.s32 v43, $0x1BF;
	v18 =	vadd.s32 v1, v46  }
0x8c: {  	v23 =	vadd.s32 v4, v45;
	v13 =	vor.u32 $0x2, v10;
	vm1 =	vle.f32 v17, v8;
	[tilespmem:v40+s0+$0x0] =	vst.idx.msk vm9, v39  }
0x8d: {  	v26 =	vnsel vm14, $0x1BF, v43;
	v47 =	vadd.s32 v28, v15;
	vm15 =	vle.f32 v44, v7;
	[tilespmem:v40+s25+$0x0] =	vst.idx.msk vm9, v13  }
0x8e: {  	v16 =	vor.u32 $0x3, v10;
	v26 =	vadd.s32 v3, v26;
	vm9 =	vlt.s32 v47, $0x1BF;
	v27 =	vld [tilespmem:s4+$0xFFFFFF90];
	[tilespmem:v24+s0+$0x0] =	vst.idx.msk vm10, v21  }
0x8f: {  	v15 =	vor.u32 $0x4, v10;
	v53 =	vadd.s32 v52, v47;
	v50 =	vnsel vm9, $0x1BF, v47;
	[tilespmem:v24+s25+$0x0] =	vst.idx.msk vm10, v16  }
0x90: {  	vm12 =	vlt.s32 v53, $0x1BF;
	v29 =	vsel vm15, $0x1, v2;
	v51 =	vadd.s32 v1, v50;
	[tilespmem:v18+s0+$0x0] =	vst.idx.msk vm4, v41  }
0x91: {  	v57 =	vnsel vm12, $0x1BF, v53;
	v19 =	vadd.s32 v29, v43;
	v40 =	vsel vm1, $0x1, v2;
	v49 =	vld [tilespmem:s4+$0xFFFFFFD0];
	[tilespmem:v18+s25+$0x0] =	vst.idx.msk vm4, v15  }
0x92: {  	v59 =	vadd.s32 v1, v57;
	v12 =	vadd.s32 v40, v12;
	vm10 =	vlt.s32 v19, $0x1BF;
	[tilespmem:v23+s0+$0x0] =	vst.idx.msk vm1, v17  }
0x93: {  	v30 =	vnsel vm10, $0x1BF, v19;
	[tilespmem:v26+s0+$0x0] =	vst.idx.msk vm15, v44;
	v18 =	vadd.s32 v61, v53;
	vm11 =	vle.f32 v27, v7  }
0x94: {  	v54 =	vadd.s32 v3, v30;
	v56 =	vld [tilespmem:s4+$0x10];
	[tilespmem:v26+s25+$0x0] =	vst.idx.msk vm15, v14;
	vm9 =	vlt.s32 v18, $0x1BF;
	v55 =	vsel vm11, $0x1, v2  }
0x95: {  	v17 =	vor.u32 $0x5, v10;
	v31 =	vld [tilespmem:s4+$0xFFFFFF60];
	v37 =	vnsel vm9, $0x1BF, v18;
	[tilespmem:v51+s0+$0x0] =	vst.idx.msk vm6, v25;
	v19 =	vadd.s32 v55, v19  }
0x96: {  	v39 =	vadd.s32 v1, v37;
	vm13 =	vle.f32 v49, v7;
	[tilespmem:v51+s25+$0x0] =	vst.idx.msk vm6, v17;
	vm14 =	vlt.s32 v19, $0x1BF  }
0x97: {  	vm12 =	vlt.s32 v12, $0x1BF;
	[tilespmem:v23+s25+$0x0] =	vst.idx.msk vm1, v10;
	v62 =	vsel vm13, $0x1, v2;
	v36 =	vld [tilespmem:s4+$0x50];
	v60 =	vnsel vm14, $0x1BF, v19  }
0x98: {  	[tilespmem:v59+s0+$0x0] =	vst.idx.msk vm5, v48;
	v63 =	vadd.s32 v62, v19;
	v19 =	vor.u32 $0x6, v10;
	v32 =	vadd.s32 v3, v60  }
0x99: {  	v45 =	vnsel vm12, $0x1BF, v12;
	vm15 =	vle.f32 v56, v7;
	[tilespmem:v59+s25+$0x0] =	vst.idx.msk vm5, v19  }
0x9a: {  	vm7 =	vlt.s32 v63, $0x1BF;
	v38 =	vsel vm15, $0x1, v2;
	vm2 =	vle.f32 v31, v8;
	[tilespmem:v54+s0+$0x0] =	vst.idx.msk vm11, v27  }
0x9b: {  	v46 =	vadd.s32 v4, v45;
	v33 =	vnsel vm7, $0x1BF, v63;
	v20 =	vadd.s32 v38, v63;
	[tilespmem:v39+s0+$0x0] =	vst.idx.msk vm0, v58  }
0x9c: {  	v26 =	vld [tilespmem:s4+$0x90];
	[tilespmem:v54+s25+$0x0] =	vst.idx.msk vm11, v13;
	v41 =	vadd.s32 v3, v33;
	vm10 =	vlt.s32 v20, $0x1BF;
	vm11 =	vle.f32 v36, v7  }
0x9d: {  	v42 =	vnsel vm10, $0x1BF, v20;
	v43 =	vld [tilespmem:s4+$0xFFFFFFA0];
	v44 =	vsel vm11, $0x1, v2;
	[tilespmem:v32+s0+$0x0] =	vst.idx.msk vm13, v49  }
0x9e: {  	v27 =	vadd.s32 v3, v42;
	v29 =	vadd.s32 v44, v20;
	v20 =	vor.u32 $0x7, v10;
	[tilespmem:v32+s25+$0x0] =	vst.idx.msk vm13, v16  }
0x9f: {  	v48 =	vsel vm2, $0x1, v2;
	[tilespmem:v39+s25+$0x0] =	vst.idx.msk vm0, v20  }
0xa0: {  	v12 =	vadd.s32 v48, v12;
	vm13 =	vlt.s32 v29, $0x1BF;
	[tilespmem:v46+s0+$0x0] =	vst.idx.msk vm2, v31;
	v50 =	vld [tilespmem:s4+$0xD0]  }
0xa1: {  	vm9 =	vlt.s32 v12, $0x1BF;
	vm14 =	vle.f32 v26, v7;
	v47 =	vld [tilespmem:s4+$0xFFFFFFE0];
	[tilespmem:v41+s0+$0x0] =	vst.idx.msk vm15, v56;
	v49 =	vnsel vm13, $0x1BF, v29  }
0xa2: {  	v21 =	vld [tilespmem:s4+$0xFFFFFF30];
	v52 =	vsel vm14, $0x1, v2;
	[tilespmem:v41+s25+$0x0] =	vst.idx.msk vm15, v15;
	v51 =	vadd.s32 v3, v49;
	vm15 =	vle.f32 v43, v8  }
0xa3: {  	v53 =	vnsel vm9, $0x1BF, v12;
	v23 =	vadd.s32 v52, v29;
	v25 =	vld [tilespmem:s4+$0x20];
	[tilespmem:v27+s0+$0x0] =	vst.idx.msk vm11, v36;
	v54 =	vsel vm15, $0x1, v2  }
0xa4: {  	v55 =	vadd.s32 v4, v53;
	vm10 =	vlt.s32 v23, $0x1BF;
	[tilespmem:v27+s25+$0x0] =	vst.idx.msk vm11, v17;
	v12 =	vadd.s32 v54, v12  }
0xa5: {  	[tilespmem:v46+s25+$0x0] =	vst.idx.msk vm2, v14;
	v57 =	vnsel vm10, $0x1BF, v23;
	v56 =	vld [tilespmem:s4+$0x60];
	vm9 =	vlt.s32 v12, $0x1BF;
	vm2 =	vle.f32 v50, v7  }
0xa6: {  	v22 =	vadd.s32 v3, v57;
	vm11 =	vle.f32 v47, v8;
	v60 =	vnsel vm9, $0x1BF, v12  }
0xa7: {  	vm1 =	vle.f32 v21, v9;
	v59 =	vld [tilespmem:s4+$0xFFFFFF70];
	v58 =	vsel vm11, $0x1, v2;
	[tilespmem:v51+s0+$0x0] =	vst.idx.msk vm14, v26;
	v61 =	vadd.s32 v4, v60  }
0xa8: {  	v34 =	vsel vm1, $0x1, v2;
	v12 =	vadd.s32 v58, v12;
	vm10 =	vle.f32 v25, v8;
	[tilespmem:v51+s25+$0x0] =	vst.idx.msk vm14, v19  }
0xa9: {  	v37 =	vadd.s32 v34, v11;
	[tilespmem:v55+s0+$0x0] =	vst.idx.msk vm15, v43;
	vm12 =	vlt.s32 v12, $0x1BF;
	v62 =	vsel vm10, $0x1, v2;
	v63 =	vld [tilespmem:s4+$0xA0]  }
0xaa: {  	[tilespmem:v55+s25+$0x0] =	vst.idx.msk vm15, v13;
	v35 =	vnsel vm12, $0x1BF, v12;
	v12 =	vadd.s32 v62, v12;
	vm6 =	vle.f32 v56, v8  }
0xab: {  	v28 =	vadd.s32 v4, v35;
	vm13 =	vlt.s32 v12, $0x1BF;
	v36 =	vsel vm6, $0x1, v2;
	[tilespmem:v22+s0+$0x0] =	vst.idx.msk vm2, v50  }
0xac: {  	vm4 =	vle.f32 v59, v9;
	v38 =	vnsel vm13, $0x1BF, v12;
	v12 =	vadd.s32 v36, v12;
	[tilespmem:v61+s0+$0x0] =	vst.idx.msk vm11, v47  }
0xad: {  	v41 =	vsel vm4, $0x1, v2;
	v39 =	vld [tilespmem:s4+$0xFFFFFFB0];
	v40 =	vadd.s32 v4, v38;
	vm14 =	vlt.s32 v12, $0x1BF;
	[tilespmem:v22+s25+$0x0] =	vst.idx.msk vm2, v20  }
0xae: {  	[tilespmem:v61+s25+$0x0] =	vst.idx.msk vm11, v16;
	vm11 =	vlt.s32 v37, $0x1BF;
	v42 =	vnsel vm14, $0x1BF, v12;
	vm15 =	vle.f32 v63, v8;
	v43 =	vld [tilespmem:s4+$0xE0]  }
0xaf: {  	v22 =	vadd.s32 v41, v37;
	v30 =	vnsel vm11, $0x1BF, v37;
	v44 =	vadd.s32 v4, v42  }
0xb0: {  	vm12 =	vlt.s32 v22, $0x1BF;
	v45 =	vsel vm15, $0x1, v2;
	v30 =	vadd.s32 v5, v30;
	[tilespmem:v28+s0+$0x0] =	vst.idx.msk vm10, v25  }
0xb1: {  	v47 =	vld [tilespmem:s4+$0xFFFFFFF0];
	v46 =	vnsel vm12, $0x1BF, v22;
	v12 =	vadd.s32 v45, v12;
	[tilespmem:v28+s25+$0x0] =	vst.idx.msk vm10, v15  }
0xb2: {  	vm13 =	vle.f32 v39, v9;
	v48 =	vadd.s32 v5, v46;
	vm8 =	vlt.s32 v12, $0x1BF;
	[tilespmem:v40+s0+$0x0] =	vst.idx.msk vm6, v56  }
0xb3: {  	v49 =	vsel vm13, $0x1, v2;
	v50 =	vld [tilespmem:s4+$0x30];
	v51 =	vnsel vm8, $0x1BF, v12;
	[tilespmem:v40+s25+$0x0] =	vst.idx.msk vm6, v17;
	vm3 =	vle.f32 v43, v8  }
0xb4: {  	v22 =	vadd.s32 v49, v22;
	v52 =	vadd.s32 v4, v51;
	[tilespmem:v44+s0+$0x0] =	vst.idx.msk vm15, v63  }
0xb5: {  	vm14 =	vlt.s32 v22, $0x1BF;
	v53 =	vld [tilespmem:s4+$0x70];
	[tilespmem:v30+s0+$0x0] =	vst.idx.msk vm4, v59  }
0xb6: {  	v54 =	vnsel vm14, $0x1BF, v22;
	[tilespmem:v44+s25+$0x0] =	vst.idx.msk vm15, v19;
	vm15 =	vle.f32 v47, v9  }
0xb7: {  	vm8 =	vlt.s32 v11, $0x1BF;
	[tilespmem:v30+s25+$0x0] =	vst.idx.msk vm4, v14;
	v14 =	vadd.s32 v5, v54;
	v55 =	vsel vm15, $0x1, v2;
	v56 =	vld [tilespmem:s4+$0xB0]  }
0xb8: {  	v11 =	vnsel vm8, $0x1BF, v11;
	[tilespmem:v48+s0+$0x0] =	vst.idx.msk vm13, v39;
	v22 =	vadd.s32 v55, v22;
	vm4 =	vle.f32 v50, v9  }
0xb9: {  	v11 =	vadd.s32 v5, v11;
	vm9 =	vlt.s32 v22, $0x1BF;
	v57 =	vsel vm4, $0x1, v2;
	[tilespmem:v52+s0+$0x0] =	vst.idx.msk vm3, v43  }
0xba: {  	v26 =	vadd.s32 v57, v22;
	v22 =	vnsel vm9, $0x1BF, v22;
	vm10 =	vle.f32 v53, v9;
	[tilespmem:v52+s25+$0x0] =	vst.idx.msk vm3, v20  }
0xbb: {  	[tilespmem:v48+s25+$0x0] =	vst.idx.msk vm13, v13;
	v13 =	vadd.s32 v5, v22;
	vm11 =	vlt.s32 v26, $0x1BF;
	v58 =	vsel vm10, $0x1, v2;
	v59 =	vld [tilespmem:s4+$0xF0]  }
0xbc: {  	[tilespmem:v14+s0+$0x0] =	vst.idx.msk vm15, v47;
	v22 =	vadd.s32 v58, v26;
	v26 =	vnsel vm11, $0x1BF, v26;
	vm12 =	vle.f32 v56, v9  }
0xbd: {  	[tilespmem:v14+s25+$0x0] =	vst.idx.msk vm15, v16;
	v14 =	vadd.s32 v5, v26;
	vm13 =	vlt.s32 v22, $0x1BF;
	v60 =	vsel vm12, $0x1, v2  }
0xbe: {  	[tilespmem:v11+s0+$0x0] =	vst.idx.msk vm1, v21;
	v61 =	vnsel vm13, $0x1BF, v22;
	v16 =	vadd.s32 v60, v22  }
0xbf: {  	[tilespmem:v11+s25+$0x0] =	vst.idx.msk vm1, v10;
	v11 =	vadd.s32 v5, v61;
	vm14 =	vlt.s32 v16, $0x1BF  }
0xc0: {  	[tilespmem:v13+s0+$0x0] =	vst.idx.msk vm4, v50;
	v62 =	vnsel vm14, $0x1BF, v16;
	vm15 =	vle.f32 v59, v9  }
0xc1: {  	s3 =	sadd.s32 $0x8, s3;
	[tilespmem:v13+s25+$0x0] =	vst.idx.msk vm4, v15;
	v15 =	vadd.s32 v5, v62  }
0xc2: {  	p0 =	slt.u32 s3, $0xF8;
	[tilespmem:v14+s0+$0x0] =	vst.idx.msk vm10, v53  }
.Ltmp4:
0xc3: {  	[tilespmem:v14+s25+$0x0] =	vst.idx.msk vm10, v17;
	(pc) =	sbr.rel @p0 .LBB2_3-.Ltmp4, $4  }
0xc4: {  	[tilespmem:v11+s0+$0x0] =	vst.idx.msk vm12, v56  }
0xc5: {  	v13 =	vsel vm0, $0x1, v2;
	v63 =	vsel vm15, $0x1, v2;
	[tilespmem:v11+s25+$0x0] =	vst.idx.msk vm12, v19;
	v11 =	vsel vm2, $0x1, v2  }
0xc6: {  	v14 =	vadd.s32 v13, v18;
	v13 =	vadd.s32 v11, v23;
	v11 =	vsel vm3, $0x1, v2;
	[tilespmem:v15+s0+$0x0] =	vst.idx.msk vm15, v59  }
0xc7: {  	v10 =	vadd.s32 $0x8, v10;
	s4 =	sadd.s32 $0x200, s4;
	v12 =	vadd.s32 v11, v12;
	v11 =	vadd.s32 v63, v16;
	[tilespmem:v15+s25+$0x0] =	vst.idx.msk vm15, v20  }
0xc8: {  	_ =	swait.ge [sflag:s28], $0x4000  }
0xc9: {  	[sflag:s28] =	ssyncset.done $0x0;
	s3 =	rddreg [dreg:$0x4]  }
0xca: {  	[sflag:s28] =	ssyncadd.s32 $0xFFFFC000;
	s3 =	sadd.s32 s29, s3  }
0xcb: {  	[tilespmem:s2], [sflag:$0x1] =	stream.strided.gather [hbm4b:s3+s30], $0x4000, s26, s30, $0x38;
	[tilespmem:$0x18040] =	vst v63  }
0xcc: {  	s4 =	simm.s32 $0x4100;
	s3 =	simm.s32 $0xFFFFFFF8  }
.LBB2_5:
0xcd: {  	v15 =	vld [tilespmem:s4+$0xFFFFFF00];
	_ =	sdelay $0x3  }
0xce: {  	vm0 =	vlt.s32 v14, $0x1BF  }
0xcf: {  	v16 =	vnsel vm0, $0x1BF, v14;
	vm1 =	vle.f32 v15, v6  }
0xd0: {  	v16 =	vadd.s32 v1, v16;
	_ =	sdelay $0x4  }
0xd1: {  	[tilespmem:v16+s0+$0x0] =	vst.idx.msk vm1, v15  }
0xd2: {  	[tilespmem:v16+s25+$0x0] =	vst.idx.msk vm1, v10  }
0xd3: {  	v15 =	vld [tilespmem:s4+$0xFFFFFF10]  }
0xd4: {  	v37 =	vld [tilespmem:s4+$0xFFFFFF40]  }
0xd5: {  	v39 =	vld [tilespmem:s4+$0xFFFFFF80]  }
0xd6: {  	v21 =	vld [tilespmem:s4+$0xFFFFFFC0];
	v17 =	vsel vm1, $0x1, v2  }
0xd7: {  	vm6 =	vlt.s32 v13, $0x1BF;
	v41 =	vld [tilespmem:s4+$0x0];
	v14 =	vadd.s32 v17, v14  }
0xd8: {  	v25 =	vld [tilespmem:s4+$0x40];
	v18 =	vnsel vm6, $0x1BF, v13;
	vm8 =	vlt.s32 v14, $0x1BF;
	vm7 =	vle.f32 v15, v7  }
0xd9: {  	v48 =	vld [tilespmem:s4+$0x80];
	v38 =	vadd.s32 v3, v18;
	vm2 =	vle.f32 v37, v6;
	v19 =	vnsel vm8, $0x1BF, v14  }
0xda: {  	v19 =	vadd.s32 v1, v19;
	_ =	sdelay $0x1  }
0xdb: {  	vm12 =	vlt.s32 v12, $0x1BF;
	vm9 =	vle.f32 v39, v6;
	vm10 =	vle.f32 v21, v6  }
0xdc: {  	vm4 =	vle.f32 v41, v6;
	vm6 =	vle.f32 v25, v6;
	v20 =	vsel vm2, $0x1, v2  }
0xdd: {  	v58 =	vld [tilespmem:s4+$0xC0];
	v45 =	vnsel vm12, $0x1BF, v12;
	vm5 =	vle.f32 v48, v6;
	[tilespmem:v38+s0+$0x0] =	vst.idx.msk vm7, v15;
	v15 =	vadd.s32 v20, v14  }
0xde: {  	v22 =	vsel vm9, $0x1, v2;
	v23 =	vsel vm10, $0x1, v2;
	[tilespmem:v19+s0+$0x0] =	vst.idx.msk vm2, v37;
	vm3 =	vlt.s32 v15, $0x1BF  }
0xdf: {  	v14 =	vor.u32 $0x1, v10;
	[tilespmem:v38+s25+$0x0] =	vst.idx.msk vm7, v10;
	v20 =	vnsel vm3, $0x1BF, v15;
	v15 =	vadd.s32 v22, v15  }
0xe0: {  	v42 =	vsel vm7, $0x1, v2;
	[tilespmem:v19+s25+$0x0] =	vst.idx.msk vm2, v14;
	v17 =	vld [tilespmem:s4+$0xFFFFFF20];
	v40 =	vadd.s32 v1, v20;
	vm11 =	vlt.s32 v15, $0x1BF  }
0xe1: {  	v43 =	vadd.s32 v42, v13;
	v44 =	vld [tilespmem:s4+$0xFFFFFF50];
	v13 =	vnsel vm11, $0x1BF, v15;
	v15 =	vadd.s32 v23, v15  }
0xe2: {  	vm0 =	vle.f32 v58, v6;
	v24 =	vadd.s32 v1, v13;
	vm13 =	vlt.s32 v15, $0x1BF  }
0xe3: {  	v28 =	vsel vm4, $0x1, v2;
	v52 =	vsel vm6, $0x1, v2;
	v46 =	vnsel vm13, $0x1BF, v15  }
0xe4: {  	v61 =	vsel vm5, $0x1, v2;
	vm14 =	vlt.s32 v43, $0x1BF;
	v18 =	vadd.s32 v1, v46  }
0xe5: {  	v23 =	vadd.s32 v4, v45;
	v13 =	vor.u32 $0x2, v10;
	vm1 =	vle.f32 v17, v8;
	[tilespmem:v40+s0+$0x0] =	vst.idx.msk vm9, v39  }
0xe6: {  	v26 =	vnsel vm14, $0x1BF, v43;
	v47 =	vadd.s32 v28, v15;
	vm15 =	vle.f32 v44, v7;
	[tilespmem:v40+s25+$0x0] =	vst.idx.msk vm9, v13  }
0xe7: {  	v16 =	vor.u32 $0x3, v10;
	v26 =	vadd.s32 v3, v26;
	vm9 =	vlt.s32 v47, $0x1BF;
	v27 =	vld [tilespmem:s4+$0xFFFFFF90];
	[tilespmem:v24+s0+$0x0] =	vst.idx.msk vm10, v21  }
0xe8: {  	v15 =	vor.u32 $0x4, v10;
	v53 =	vadd.s32 v52, v47;
	v50 =	vnsel vm9, $0x1BF, v47;
	[tilespmem:v24+s25+$0x0] =	vst.idx.msk vm10, v16  }
0xe9: {  	vm12 =	vlt.s32 v53, $0x1BF;
	v29 =	vsel vm15, $0x1, v2;
	v51 =	vadd.s32 v1, v50;
	[tilespmem:v18+s0+$0x0] =	vst.idx.msk vm4, v41  }
0xea: {  	v57 =	vnsel vm12, $0x1BF, v53;
	v19 =	vadd.s32 v29, v43;
	v40 =	vsel vm1, $0x1, v2;
	v49 =	vld [tilespmem:s4+$0xFFFFFFD0];
	[tilespmem:v18+s25+$0x0] =	vst.idx.msk vm4, v15  }
0xeb: {  	v59 =	vadd.s32 v1, v57;
	v12 =	vadd.s32 v40, v12;
	vm10 =	vlt.s32 v19, $0x1BF;
	[tilespmem:v23+s0+$0x0] =	vst.idx.msk vm1, v17  }
0xec: {  	v30 =	vnsel vm10, $0x1BF, v19;
	[tilespmem:v26+s0+$0x0] =	vst.idx.msk vm15, v44;
	v18 =	vadd.s32 v61, v53;
	vm11 =	vle.f32 v27, v7  }
0xed: {  	v54 =	vadd.s32 v3, v30;
	v56 =	vld [tilespmem:s4+$0x10];
	[tilespmem:v26+s25+$0x0] =	vst.idx.msk vm15, v14;
	vm9 =	vlt.s32 v18, $0x1BF;
	v55 =	vsel vm11, $0x1, v2  }
0xee: {  	v17 =	vor.u32 $0x5, v10;
	v31 =	vld [tilespmem:s4+$0xFFFFFF60];
	v37 =	vnsel vm9, $0x1BF, v18;
	[tilespmem:v51+s0+$0x0] =	vst.idx.msk vm6, v25;
	v19 =	vadd.s32 v55, v19  }
0xef: {  	v39 =	vadd.s32 v1, v37;
	vm13 =	vle.f32 v49, v7;
	[tilespmem:v51+s25+$0x0] =	vst.idx.msk vm6, v17;
	vm14 =	vlt.s32 v19, $0x1BF  }
0xf0: {  	vm12 =	vlt.s32 v12, $0x1BF;
	[tilespmem:v23+s25+$0x0] =	vst.idx.msk vm1, v10;
	v62 =	vsel vm13, $0x1, v2;
	v36 =	vld [tilespmem:s4+$0x50];
	v60 =	vnsel vm14, $0x1BF, v19  }
0xf1: {  	[tilespmem:v59+s0+$0x0] =	vst.idx.msk vm5, v48;
	v63 =	vadd.s32 v62, v19;
	v19 =	vor.u32 $0x6, v10;
	v32 =	vadd.s32 v3, v60  }
0xf2: {  	v45 =	vnsel vm12, $0x1BF, v12;
	vm15 =	vle.f32 v56, v7;
	[tilespmem:v59+s25+$0x0] =	vst.idx.msk vm5, v19  }
0xf3: {  	vm7 =	vlt.s32 v63, $0x1BF;
	v38 =	vsel vm15, $0x1, v2;
	vm2 =	vle.f32 v31, v8;
	[tilespmem:v54+s0+$0x0] =	vst.idx.msk vm11, v27  }
0xf4: {  	v46 =	vadd.s32 v4, v45;
	v33 =	vnsel vm7, $0x1BF, v63;
	v20 =	vadd.s32 v38, v63;
	[tilespmem:v39+s0+$0x0] =	vst.idx.msk vm0, v58  }
0xf5: {  	v26 =	vld [tilespmem:s4+$0x90];
	[tilespmem:v54+s25+$0x0] =	vst.idx.msk vm11, v13;
	v41 =	vadd.s32 v3, v33;
	vm10 =	vlt.s32 v20, $0x1BF;
	vm11 =	vle.f32 v36, v7  }
0xf6: {  	v42 =	vnsel vm10, $0x1BF, v20;
	v43 =	vld [tilespmem:s4+$0xFFFFFFA0];
	v44 =	vsel vm11, $0x1, v2;
	[tilespmem:v32+s0+$0x0] =	vst.idx.msk vm13, v49  }
0xf7: {  	v27 =	vadd.s32 v3, v42;
	v29 =	vadd.s32 v44, v20;
	v20 =	vor.u32 $0x7, v10;
	[tilespmem:v32+s25+$0x0] =	vst.idx.msk vm13, v16  }
0xf8: {  	v48 =	vsel vm2, $0x1, v2;
	[tilespmem:v39+s25+$0x0] =	vst.idx.msk vm0, v20  }
0xf9: {  	v12 =	vadd.s32 v48, v12;
	vm13 =	vlt.s32 v29, $0x1BF;
	[tilespmem:v46+s0+$0x0] =	vst.idx.msk vm2, v31;
	v50 =	vld [tilespmem:s4+$0xD0]  }
0xfa: {  	vm9 =	vlt.s32 v12, $0x1BF;
	vm14 =	vle.f32 v26, v7;
	v47 =	vld [tilespmem:s4+$0xFFFFFFE0];
	[tilespmem:v41+s0+$0x0] =	vst.idx.msk vm15, v56;
	v49 =	vnsel vm13, $0x1BF, v29  }
0xfb: {  	v21 =	vld [tilespmem:s4+$0xFFFFFF30];
	v52 =	vsel vm14, $0x1, v2;
	[tilespmem:v41+s25+$0x0] =	vst.idx.msk vm15, v15;
	v51 =	vadd.s32 v3, v49;
	vm15 =	vle.f32 v43, v8  }
0xfc: {  	v53 =	vnsel vm9, $0x1BF, v12;
	v23 =	vadd.s32 v52, v29;
	v25 =	vld [tilespmem:s4+$0x20];
	[tilespmem:v27+s0+$0x0] =	vst.idx.msk vm11, v36;
	v54 =	vsel vm15, $0x1, v2  }
0xfd: {  	v55 =	vadd.s32 v4, v53;
	vm10 =	vlt.s32 v23, $0x1BF;
	[tilespmem:v27+s25+$0x0] =	vst.idx.msk vm11, v17;
	v12 =	vadd.s32 v54, v12  }
0xfe: {  	[tilespmem:v46+s25+$0x0] =	vst.idx.msk vm2, v14;
	v57 =	vnsel vm10, $0x1BF, v23;
	v56 =	vld [tilespmem:s4+$0x60];
	vm9 =	vlt.s32 v12, $0x1BF;
	vm2 =	vle.f32 v50, v7  }
0xff: {  	v22 =	vadd.s32 v3, v57;
	vm11 =	vle.f32 v47, v8;
	v60 =	vnsel vm9, $0x1BF, v12  }
0x100: {  	vm1 =	vle.f32 v21, v9;
	v59 =	vld [tilespmem:s4+$0xFFFFFF70];
	v58 =	vsel vm11, $0x1, v2;
	[tilespmem:v51+s0+$0x0] =	vst.idx.msk vm14, v26;
	v61 =	vadd.s32 v4, v60  }
0x101: {  	v34 =	vsel vm1, $0x1, v2;
	v12 =	vadd.s32 v58, v12;
	vm10 =	vle.f32 v25, v8;
	[tilespmem:v51+s25+$0x0] =	vst.idx.msk vm14, v19  }
0x102: {  	v37 =	vadd.s32 v34, v11;
	[tilespmem:v55+s0+$0x0] =	vst.idx.msk vm15, v43;
	vm12 =	vlt.s32 v12, $0x1BF;
	v62 =	vsel vm10, $0x1, v2;
	v63 =	vld [tilespmem:s4+$0xA0]  }
0x103: {  	[tilespmem:v55+s25+$0x0] =	vst.idx.msk vm15, v13;
	v35 =	vnsel vm12, $0x1BF, v12;
	v12 =	vadd.s32 v62, v12;
	vm6 =	vle.f32 v56, v8  }
0x104: {  	v28 =	vadd.s32 v4, v35;
	vm13 =	vlt.s32 v12, $0x1BF;
	v36 =	vsel vm6, $0x1, v2;
	[tilespmem:v22+s0+$0x0] =	vst.idx.msk vm2, v50  }
0x105: {  	vm4 =	vle.f32 v59, v9;
	v38 =	vnsel vm13, $0x1BF, v12;
	v12 =	vadd.s32 v36, v12;
	[tilespmem:v61+s0+$0x0] =	vst.idx.msk vm11, v47  }
0x106: {  	v41 =	vsel vm4, $0x1, v2;
	v39 =	vld [tilespmem:s4+$0xFFFFFFB0];
	v40 =	vadd.s32 v4, v38;
	vm14 =	vlt.s32 v12, $0x1BF;
	[tilespmem:v22+s25+$0x0] =	vst.idx.msk vm2, v20  }
0x107: {  	[tilespmem:v61+s25+$0x0] =	vst.idx.msk vm11, v16;
	vm11 =	vlt.s32 v37, $0x1BF;
	v42 =	vnsel vm14, $0x1BF, v12;
	vm15 =	vle.f32 v63, v8;
	v43 =	vld [tilespmem:s4+$0xE0]  }
0x108: {  	v22 =	vadd.s32 v41, v37;
	v30 =	vnsel vm11, $0x1BF, v37;
	v44 =	vadd.s32 v4, v42  }
0x109: {  	vm12 =	vlt.s32 v22, $0x1BF;
	v45 =	vsel vm15, $0x1, v2;
	v30 =	vadd.s32 v5, v30;
	[tilespmem:v28+s0+$0x0] =	vst.idx.msk vm10, v25  }
0x10a: {  	v47 =	vld [tilespmem:s4+$0xFFFFFFF0];
	v46 =	vnsel vm12, $0x1BF, v22;
	v12 =	vadd.s32 v45, v12;
	[tilespmem:v28+s25+$0x0] =	vst.idx.msk vm10, v15  }
0x10b: {  	vm13 =	vle.f32 v39, v9;
	v48 =	vadd.s32 v5, v46;
	vm8 =	vlt.s32 v12, $0x1BF;
	[tilespmem:v40+s0+$0x0] =	vst.idx.msk vm6, v56  }
0x10c: {  	v49 =	vsel vm13, $0x1, v2;
	v50 =	vld [tilespmem:s4+$0x30];
	v51 =	vnsel vm8, $0x1BF, v12;
	[tilespmem:v40+s25+$0x0] =	vst.idx.msk vm6, v17;
	vm3 =	vle.f32 v43, v8  }
0x10d: {  	v22 =	vadd.s32 v49, v22;
	v52 =	vadd.s32 v4, v51;
	[tilespmem:v44+s0+$0x0] =	vst.idx.msk vm15, v63  }
0x10e: {  	vm14 =	vlt.s32 v22, $0x1BF;
	v53 =	vld [tilespmem:s4+$0x70];
	[tilespmem:v30+s0+$0x0] =	vst.idx.msk vm4, v59  }
0x10f: {  	v54 =	vnsel vm14, $0x1BF, v22;
	[tilespmem:v44+s25+$0x0] =	vst.idx.msk vm15, v19;
	vm15 =	vle.f32 v47, v9  }
0x110: {  	vm8 =	vlt.s32 v11, $0x1BF;
	[tilespmem:v30+s25+$0x0] =	vst.idx.msk vm4, v14;
	v14 =	vadd.s32 v5, v54;
	v55 =	vsel vm15, $0x1, v2;
	v56 =	vld [tilespmem:s4+$0xB0]  }
0x111: {  	v11 =	vnsel vm8, $0x1BF, v11;
	[tilespmem:v48+s0+$0x0] =	vst.idx.msk vm13, v39;
	v22 =	vadd.s32 v55, v22;
	vm4 =	vle.f32 v50, v9  }
0x112: {  	v11 =	vadd.s32 v5, v11;
	vm9 =	vlt.s32 v22, $0x1BF;
	v57 =	vsel vm4, $0x1, v2;
	[tilespmem:v52+s0+$0x0] =	vst.idx.msk vm3, v43  }
0x113: {  	v26 =	vadd.s32 v57, v22;
	v22 =	vnsel vm9, $0x1BF, v22;
	vm10 =	vle.f32 v53, v9;
	[tilespmem:v52+s25+$0x0] =	vst.idx.msk vm3, v20  }
0x114: {  	[tilespmem:v48+s25+$0x0] =	vst.idx.msk vm13, v13;
	v13 =	vadd.s32 v5, v22;
	vm11 =	vlt.s32 v26, $0x1BF;
	v58 =	vsel vm10, $0x1, v2;
	v59 =	vld [tilespmem:s4+$0xF0]  }
0x115: {  	[tilespmem:v14+s0+$0x0] =	vst.idx.msk vm15, v47;
	v22 =	vadd.s32 v58, v26;
	v26 =	vnsel vm11, $0x1BF, v26;
	vm12 =	vle.f32 v56, v9  }
0x116: {  	[tilespmem:v14+s25+$0x0] =	vst.idx.msk vm15, v16;
	v14 =	vadd.s32 v5, v26;
	vm13 =	vlt.s32 v22, $0x1BF;
	v60 =	vsel vm12, $0x1, v2  }
0x117: {  	[tilespmem:v11+s0+$0x0] =	vst.idx.msk vm1, v21;
	v61 =	vnsel vm13, $0x1BF, v22;
	v16 =	vadd.s32 v60, v22  }
0x118: {  	[tilespmem:v11+s25+$0x0] =	vst.idx.msk vm1, v10;
	v11 =	vadd.s32 v5, v61;
	vm14 =	vlt.s32 v16, $0x1BF  }
0x119: {  	[tilespmem:v13+s0+$0x0] =	vst.idx.msk vm4, v50;
	v62 =	vnsel vm14, $0x1BF, v16;
	vm15 =	vle.f32 v59, v9  }
0x11a: {  	s3 =	sadd.s32 $0x8, s3;
	[tilespmem:v13+s25+$0x0] =	vst.idx.msk vm4, v15;
	v15 =	vadd.s32 v5, v62  }
0x11b: {  	p0 =	slt.u32 s3, $0xF8;
	[tilespmem:v14+s0+$0x0] =	vst.idx.msk vm10, v53  }
.Ltmp5:
0x11c: {  	[tilespmem:v14+s25+$0x0] =	vst.idx.msk vm10, v17;
	(pc) =	sbr.rel @p0 .LBB2_5-.Ltmp5, $4  }
0x11d: {  	[tilespmem:v11+s0+$0x0] =	vst.idx.msk vm12, v56  }
0x11e: {  	v13 =	vsel vm0, $0x1, v2;
	v63 =	vsel vm15, $0x1, v2;
	[tilespmem:v11+s25+$0x0] =	vst.idx.msk vm12, v19;
	v11 =	vsel vm2, $0x1, v2  }
0x11f: {  	v14 =	vadd.s32 v13, v18;
	v13 =	vadd.s32 v11, v23;
	v11 =	vsel vm3, $0x1, v2;
	[tilespmem:v15+s0+$0x0] =	vst.idx.msk vm15, v59  }
0x120: {  	v10 =	vadd.s32 $0x8, v10;
	s4 =	sadd.s32 $0x200, s4;
	v12 =	vadd.s32 v11, v12;
	v11 =	vadd.s32 v63, v16;
	[tilespmem:v15+s25+$0x0] =	vst.idx.msk vm15, v20  }
0x121: {  	_ =	swait.ge [sflag:s31], $0x4000  }
0x122: {  	[sflag:s31] =	ssyncset.done $0x0;
	s3 =	rddreg [dreg:$0x5]  }
0x123: {  	[sflag:s31] =	ssyncadd.s32 $0xFFFFC000;
	s3 =	sadd.s32 s29, s3  }
0x124: {  	[tilespmem:s1], [sflag:$0x2] =	stream.strided.gather [hbm4b:s3+s30], $0x4000, s26, s30, $0x38;
	[tilespmem:$0x18040] =	vst v63  }
0x125: {  	s4 =	simm.s32 $0x100;
	s3 =	simm.s32 $0xFFFFFFF8  }
.LBB2_7:
0x126: {  	v15 =	vld [tilespmem:s4+$0xFFFFFF00];
	_ =	sdelay $0x3  }
0x127: {  	vm0 =	vlt.s32 v14, $0x1BF  }
0x128: {  	v16 =	vnsel vm0, $0x1BF, v14;
	vm1 =	vle.f32 v15, v6  }
0x129: {  	v16 =	vadd.s32 v1, v16;
	_ =	sdelay $0x4  }
0x12a: {  	[tilespmem:v16+s0+$0x0] =	vst.idx.msk vm1, v15  }
0x12b: {  	[tilespmem:v16+s25+$0x0] =	vst.idx.msk vm1, v10  }
0x12c: {  	v15 =	vld [tilespmem:s4+$0xFFFFFF10]  }
0x12d: {  	v37 =	vld [tilespmem:s4+$0xFFFFFF40]  }
0x12e: {  	v39 =	vld [tilespmem:s4+$0xFFFFFF80]  }
0x12f: {  	v21 =	vld [tilespmem:s4+$0xFFFFFFC0];
	v17 =	vsel vm1, $0x1, v2  }
0x130: {  	vm6 =	vlt.s32 v13, $0x1BF;
	v41 =	vld [tilespmem:s4+$0x0];
	v14 =	vadd.s32 v17, v14  }
0x131: {  	v25 =	vld [tilespmem:s4+$0x40];
	v18 =	vnsel vm6, $0x1BF, v13;
	vm8 =	vlt.s32 v14, $0x1BF;
	vm7 =	vle.f32 v15, v7  }
0x132: {  	v48 =	vld [tilespmem:s4+$0x80];
	v38 =	vadd.s32 v3, v18;
	vm2 =	vle.f32 v37, v6;
	v19 =	vnsel vm8, $0x1BF, v14  }
0x133: {  	v19 =	vadd.s32 v1, v19;
	_ =	sdelay $0x1  }
0x134: {  	vm12 =	vlt.s32 v12, $0x1BF;
	vm9 =	vle.f32 v39, v6;
	vm10 =	vle.f32 v21, v6  }
0x135: {  	vm4 =	vle.f32 v41, v6;
	vm6 =	vle.f32 v25, v6;
	v20 =	vsel vm2, $0x1, v2  }
0x136: {  	v58 =	vld [tilespmem:s4+$0xC0];
	v45 =	vnsel vm12, $0x1BF, v12;
	vm5 =	vle.f32 v48, v6;
	[tilespmem:v38+s0+$0x0] =	vst.idx.msk vm7, v15;
	v15 =	vadd.s32 v20, v14  }
0x137: {  	v22 =	vsel vm9, $0x1, v2;
	v23 =	vsel vm10, $0x1, v2;
	[tilespmem:v19+s0+$0x0] =	vst.idx.msk vm2, v37;
	vm3 =	vlt.s32 v15, $0x1BF  }
0x138: {  	v14 =	vor.u32 $0x1, v10;
	[tilespmem:v38+s25+$0x0] =	vst.idx.msk vm7, v10;
	v20 =	vnsel vm3, $0x1BF, v15;
	v15 =	vadd.s32 v22, v15  }
0x139: {  	v42 =	vsel vm7, $0x1, v2;
	[tilespmem:v19+s25+$0x0] =	vst.idx.msk vm2, v14;
	v17 =	vld [tilespmem:s4+$0xFFFFFF20];
	v40 =	vadd.s32 v1, v20;
	vm11 =	vlt.s32 v15, $0x1BF  }
0x13a: {  	v43 =	vadd.s32 v42, v13;
	v44 =	vld [tilespmem:s4+$0xFFFFFF50];
	v13 =	vnsel vm11, $0x1BF, v15;
	v15 =	vadd.s32 v23, v15  }
0x13b: {  	vm0 =	vle.f32 v58, v6;
	v24 =	vadd.s32 v1, v13;
	vm13 =	vlt.s32 v15, $0x1BF  }
0x13c: {  	v28 =	vsel vm4, $0x1, v2;
	v52 =	vsel vm6, $0x1, v2;
	v46 =	vnsel vm13, $0x1BF, v15  }
0x13d: {  	v61 =	vsel vm5, $0x1, v2;
	vm14 =	vlt.s32 v43, $0x1BF;
	v18 =	vadd.s32 v1, v46  }
0x13e: {  	v23 =	vadd.s32 v4, v45;
	v13 =	vor.u32 $0x2, v10;
	vm1 =	vle.f32 v17, v8;
	[tilespmem:v40+s0+$0x0] =	vst.idx.msk vm9, v39  }
0x13f: {  	v26 =	vnsel vm14, $0x1BF, v43;
	v47 =	vadd.s32 v28, v15;
	vm15 =	vle.f32 v44, v7;
	[tilespmem:v40+s25+$0x0] =	vst.idx.msk vm9, v13  }
0x140: {  	v16 =	vor.u32 $0x3, v10;
	v26 =	vadd.s32 v3, v26;
	vm9 =	vlt.s32 v47, $0x1BF;
	v27 =	vld [tilespmem:s4+$0xFFFFFF90];
	[tilespmem:v24+s0+$0x0] =	vst.idx.msk vm10, v21  }
0x141: {  	v15 =	vor.u32 $0x4, v10;
	v53 =	vadd.s32 v52, v47;
	v50 =	vnsel vm9, $0x1BF, v47;
	[tilespmem:v24+s25+$0x0] =	vst.idx.msk vm10, v16  }
0x142: {  	vm12 =	vlt.s32 v53, $0x1BF;
	v29 =	vsel vm15, $0x1, v2;
	v51 =	vadd.s32 v1, v50;
	[tilespmem:v18+s0+$0x0] =	vst.idx.msk vm4, v41  }
0x143: {  	v57 =	vnsel vm12, $0x1BF, v53;
	v19 =	vadd.s32 v29, v43;
	v40 =	vsel vm1, $0x1, v2;
	v49 =	vld [tilespmem:s4+$0xFFFFFFD0];
	[tilespmem:v18+s25+$0x0] =	vst.idx.msk vm4, v15  }
0x144: {  	v59 =	vadd.s32 v1, v57;
	v12 =	vadd.s32 v40, v12;
	vm10 =	vlt.s32 v19, $0x1BF;
	[tilespmem:v23+s0+$0x0] =	vst.idx.msk vm1, v17  }
0x145: {  	v30 =	vnsel vm10, $0x1BF, v19;
	[tilespmem:v26+s0+$0x0] =	vst.idx.msk vm15, v44;
	v18 =	vadd.s32 v61, v53;
	vm11 =	vle.f32 v27, v7  }
0x146: {  	v54 =	vadd.s32 v3, v30;
	v56 =	vld [tilespmem:s4+$0x10];
	[tilespmem:v26+s25+$0x0] =	vst.idx.msk vm15, v14;
	vm9 =	vlt.s32 v18, $0x1BF;
	v55 =	vsel vm11, $0x1, v2  }
0x147: {  	v17 =	vor.u32 $0x5, v10;
	v31 =	vld [tilespmem:s4+$0xFFFFFF60];
	v37 =	vnsel vm9, $0x1BF, v18;
	[tilespmem:v51+s0+$0x0] =	vst.idx.msk vm6, v25;
	v19 =	vadd.s32 v55, v19  }
0x148: {  	v39 =	vadd.s32 v1, v37;
	vm13 =	vle.f32 v49, v7;
	[tilespmem:v51+s25+$0x0] =	vst.idx.msk vm6, v17;
	vm14 =	vlt.s32 v19, $0x1BF  }
0x149: {  	vm12 =	vlt.s32 v12, $0x1BF;
	[tilespmem:v23+s25+$0x0] =	vst.idx.msk vm1, v10;
	v62 =	vsel vm13, $0x1, v2;
	v36 =	vld [tilespmem:s4+$0x50];
	v60 =	vnsel vm14, $0x1BF, v19  }
0x14a: {  	[tilespmem:v59+s0+$0x0] =	vst.idx.msk vm5, v48;
	v63 =	vadd.s32 v62, v19;
	v19 =	vor.u32 $0x6, v10;
	v32 =	vadd.s32 v3, v60  }
0x14b: {  	v45 =	vnsel vm12, $0x1BF, v12;
	vm15 =	vle.f32 v56, v7;
	[tilespmem:v59+s25+$0x0] =	vst.idx.msk vm5, v19  }
0x14c: {  	vm7 =	vlt.s32 v63, $0x1BF;
	v38 =	vsel vm15, $0x1, v2;
	vm2 =	vle.f32 v31, v8;
	[tilespmem:v54+s0+$0x0] =	vst.idx.msk vm11, v27  }
0x14d: {  	v46 =	vadd.s32 v4, v45;
	v33 =	vnsel vm7, $0x1BF, v63;
	v20 =	vadd.s32 v38, v63;
	[tilespmem:v39+s0+$0x0] =	vst.idx.msk vm0, v58  }
0x14e: {  	v26 =	vld [tilespmem:s4+$0x90];
	[tilespmem:v54+s25+$0x0] =	vst.idx.msk vm11, v13;
	v41 =	vadd.s32 v3, v33;
	vm10 =	vlt.s32 v20, $0x1BF;
	vm11 =	vle.f32 v36, v7  }
0x14f: {  	v42 =	vnsel vm10, $0x1BF, v20;
	v43 =	vld [tilespmem:s4+$0xFFFFFFA0];
	v44 =	vsel vm11, $0x1, v2;
	[tilespmem:v32+s0+$0x0] =	vst.idx.msk vm13, v49  }
0x150: {  	v27 =	vadd.s32 v3, v42;
	v29 =	vadd.s32 v44, v20;
	v20 =	vor.u32 $0x7, v10;
	[tilespmem:v32+s25+$0x0] =	vst.idx.msk vm13, v16  }
0x151: {  	v48 =	vsel vm2, $0x1, v2;
	[tilespmem:v39+s25+$0x0] =	vst.idx.msk vm0, v20  }
0x152: {  	v12 =	vadd.s32 v48, v12;
	vm13 =	vlt.s32 v29, $0x1BF;
	[tilespmem:v46+s0+$0x0] =	vst.idx.msk vm2, v31;
	v50 =	vld [tilespmem:s4+$0xD0]  }
0x153: {  	vm9 =	vlt.s32 v12, $0x1BF;
	vm14 =	vle.f32 v26, v7;
	v47 =	vld [tilespmem:s4+$0xFFFFFFE0];
	[tilespmem:v41+s0+$0x0] =	vst.idx.msk vm15, v56;
	v49 =	vnsel vm13, $0x1BF, v29  }
0x154: {  	v21 =	vld [tilespmem:s4+$0xFFFFFF30];
	v52 =	vsel vm14, $0x1, v2;
	[tilespmem:v41+s25+$0x0] =	vst.idx.msk vm15, v15;
	v51 =	vadd.s32 v3, v49;
	vm15 =	vle.f32 v43, v8  }
0x155: {  	v53 =	vnsel vm9, $0x1BF, v12;
	v23 =	vadd.s32 v52, v29;
	v25 =	vld [tilespmem:s4+$0x20];
	[tilespmem:v27+s0+$0x0] =	vst.idx.msk vm11, v36;
	v54 =	vsel vm15, $0x1, v2  }
0x156: {  	v55 =	vadd.s32 v4, v53;
	vm10 =	vlt.s32 v23, $0x1BF;
	[tilespmem:v27+s25+$0x0] =	vst.idx.msk vm11, v17;
	v12 =	vadd.s32 v54, v12  }
0x157: {  	[tilespmem:v46+s25+$0x0] =	vst.idx.msk vm2, v14;
	v57 =	vnsel vm10, $0x1BF, v23;
	v56 =	vld [tilespmem:s4+$0x60];
	vm9 =	vlt.s32 v12, $0x1BF;
	vm2 =	vle.f32 v50, v7  }
0x158: {  	v22 =	vadd.s32 v3, v57;
	vm11 =	vle.f32 v47, v8;
	v60 =	vnsel vm9, $0x1BF, v12  }
0x159: {  	vm1 =	vle.f32 v21, v9;
	v59 =	vld [tilespmem:s4+$0xFFFFFF70];
	v58 =	vsel vm11, $0x1, v2;
	[tilespmem:v51+s0+$0x0] =	vst.idx.msk vm14, v26;
	v61 =	vadd.s32 v4, v60  }
0x15a: {  	v34 =	vsel vm1, $0x1, v2;
	v12 =	vadd.s32 v58, v12;
	vm10 =	vle.f32 v25, v8;
	[tilespmem:v51+s25+$0x0] =	vst.idx.msk vm14, v19  }
0x15b: {  	v37 =	vadd.s32 v34, v11;
	[tilespmem:v55+s0+$0x0] =	vst.idx.msk vm15, v43;
	vm12 =	vlt.s32 v12, $0x1BF;
	v62 =	vsel vm10, $0x1, v2;
	v63 =	vld [tilespmem:s4+$0xA0]  }
0x15c: {  	[tilespmem:v55+s25+$0x0] =	vst.idx.msk vm15, v13;
	v35 =	vnsel vm12, $0x1BF, v12;
	v12 =	vadd.s32 v62, v12;
	vm6 =	vle.f32 v56, v8  }
0x15d: {  	v28 =	vadd.s32 v4, v35;
	vm13 =	vlt.s32 v12, $0x1BF;
	v36 =	vsel vm6, $0x1, v2;
	[tilespmem:v22+s0+$0x0] =	vst.idx.msk vm2, v50  }
0x15e: {  	vm4 =	vle.f32 v59, v9;
	v38 =	vnsel vm13, $0x1BF, v12;
	v12 =	vadd.s32 v36, v12;
	[tilespmem:v61+s0+$0x0] =	vst.idx.msk vm11, v47  }
0x15f: {  	v41 =	vsel vm4, $0x1, v2;
	v39 =	vld [tilespmem:s4+$0xFFFFFFB0];
	v40 =	vadd.s32 v4, v38;
	vm14 =	vlt.s32 v12, $0x1BF;
	[tilespmem:v22+s25+$0x0] =	vst.idx.msk vm2, v20  }
0x160: {  	[tilespmem:v61+s25+$0x0] =	vst.idx.msk vm11, v16;
	vm11 =	vlt.s32 v37, $0x1BF;
	v42 =	vnsel vm14, $0x1BF, v12;
	vm15 =	vle.f32 v63, v8;
	v43 =	vld [tilespmem:s4+$0xE0]  }
0x161: {  	v22 =	vadd.s32 v41, v37;
	v30 =	vnsel vm11, $0x1BF, v37;
	v44 =	vadd.s32 v4, v42  }
0x162: {  	vm12 =	vlt.s32 v22, $0x1BF;
	v45 =	vsel vm15, $0x1, v2;
	v30 =	vadd.s32 v5, v30;
	[tilespmem:v28+s0+$0x0] =	vst.idx.msk vm10, v25  }
0x163: {  	v47 =	vld [tilespmem:s4+$0xFFFFFFF0];
	v46 =	vnsel vm12, $0x1BF, v22;
	v12 =	vadd.s32 v45, v12;
	[tilespmem:v28+s25+$0x0] =	vst.idx.msk vm10, v15  }
0x164: {  	vm13 =	vle.f32 v39, v9;
	v48 =	vadd.s32 v5, v46;
	vm8 =	vlt.s32 v12, $0x1BF;
	[tilespmem:v40+s0+$0x0] =	vst.idx.msk vm6, v56  }
0x165: {  	v49 =	vsel vm13, $0x1, v2;
	v50 =	vld [tilespmem:s4+$0x30];
	v51 =	vnsel vm8, $0x1BF, v12;
	[tilespmem:v40+s25+$0x0] =	vst.idx.msk vm6, v17;
	vm3 =	vle.f32 v43, v8  }
0x166: {  	v22 =	vadd.s32 v49, v22;
	v52 =	vadd.s32 v4, v51;
	[tilespmem:v44+s0+$0x0] =	vst.idx.msk vm15, v63  }
0x167: {  	vm14 =	vlt.s32 v22, $0x1BF;
	v53 =	vld [tilespmem:s4+$0x70];
	[tilespmem:v30+s0+$0x0] =	vst.idx.msk vm4, v59  }
0x168: {  	v54 =	vnsel vm14, $0x1BF, v22;
	[tilespmem:v44+s25+$0x0] =	vst.idx.msk vm15, v19;
	vm15 =	vle.f32 v47, v9  }
0x169: {  	vm8 =	vlt.s32 v11, $0x1BF;
	[tilespmem:v30+s25+$0x0] =	vst.idx.msk vm4, v14;
	v14 =	vadd.s32 v5, v54;
	v55 =	vsel vm15, $0x1, v2;
	v56 =	vld [tilespmem:s4+$0xB0]  }
0x16a: {  	v11 =	vnsel vm8, $0x1BF, v11;
	[tilespmem:v48+s0+$0x0] =	vst.idx.msk vm13, v39;
	v22 =	vadd.s32 v55, v22;
	vm4 =	vle.f32 v50, v9  }
0x16b: {  	v11 =	vadd.s32 v5, v11;
	vm9 =	vlt.s32 v22, $0x1BF;
	v57 =	vsel vm4, $0x1, v2;
	[tilespmem:v52+s0+$0x0] =	vst.idx.msk vm3, v43  }
0x16c: {  	v26 =	vadd.s32 v57, v22;
	v22 =	vnsel vm9, $0x1BF, v22;
	vm10 =	vle.f32 v53, v9;
	[tilespmem:v52+s25+$0x0] =	vst.idx.msk vm3, v20  }
0x16d: {  	[tilespmem:v48+s25+$0x0] =	vst.idx.msk vm13, v13;
	v13 =	vadd.s32 v5, v22;
	vm11 =	vlt.s32 v26, $0x1BF;
	v58 =	vsel vm10, $0x1, v2;
	v59 =	vld [tilespmem:s4+$0xF0]  }
0x16e: {  	[tilespmem:v14+s0+$0x0] =	vst.idx.msk vm15, v47;
	v22 =	vadd.s32 v58, v26;
	v26 =	vnsel vm11, $0x1BF, v26;
	vm12 =	vle.f32 v56, v9  }
0x16f: {  	[tilespmem:v14+s25+$0x0] =	vst.idx.msk vm15, v16;
	v14 =	vadd.s32 v5, v26;
	vm13 =	vlt.s32 v22, $0x1BF;
	v60 =	vsel vm12, $0x1, v2  }
0x170: {  	[tilespmem:v11+s0+$0x0] =	vst.idx.msk vm1, v21;
	v61 =	vnsel vm13, $0x1BF, v22;
	v16 =	vadd.s32 v60, v22  }
0x171: {  	[tilespmem:v11+s25+$0x0] =	vst.idx.msk vm1, v10;
	v11 =	vadd.s32 v5, v61;
	vm14 =	vlt.s32 v16, $0x1BF  }
0x172: {  	[tilespmem:v13+s0+$0x0] =	vst.idx.msk vm4, v50;
	v62 =	vnsel vm14, $0x1BF, v16;
	vm15 =	vle.f32 v59, v9  }
0x173: {  	s3 =	sadd.s32 $0x8, s3;
	[tilespmem:v13+s25+$0x0] =	vst.idx.msk vm4, v15;
	v15 =	vadd.s32 v5, v62  }
0x174: {  	p0 =	slt.u32 s3, $0xF8;
	[tilespmem:v14+s0+$0x0] =	vst.idx.msk vm10, v53  }
.Ltmp6:
0x175: {  	[tilespmem:v14+s25+$0x0] =	vst.idx.msk vm10, v17;
	(pc) =	sbr.rel @p0 .LBB2_7-.Ltmp6, $4  }
0x176: {  	[tilespmem:v11+s0+$0x0] =	vst.idx.msk vm12, v56  }
0x177: {  	v13 =	vsel vm0, $0x1, v2;
	v63 =	vsel vm15, $0x1, v2;
	[tilespmem:v11+s25+$0x0] =	vst.idx.msk vm12, v19;
	v11 =	vsel vm2, $0x1, v2  }
0x178: {  	v14 =	vadd.s32 v13, v18;
	v13 =	vadd.s32 v11, v23;
	v11 =	vsel vm3, $0x1, v2;
	[tilespmem:v15+s0+$0x0] =	vst.idx.msk vm15, v59  }
0x179: {  	v10 =	vadd.s32 $0x8, v10;
	s4 =	sadd.s32 $0x200, s4;
	v12 =	vadd.s32 v11, v12;
	v11 =	vadd.s32 v63, v16;
	[tilespmem:v15+s25+$0x0] =	vst.idx.msk vm15, v20  }
0x17a: {  	_ =	swait.ge [sflag:s28], $0x4000  }
0x17b: {  	[sflag:s28] =	ssyncset.done $0x0;
	s3 =	rddreg [dreg:$0x7]  }
0x17c: {  	[sflag:s28] =	ssyncadd.s32 $0xFFFFC000;
	s3 =	sadd.s32 s29, s3  }
0x17d: {  	[tilespmem:s2], [sflag:$0x1] =	stream.strided.gather [hbm4b:s3+s30], $0x4000, s26, s30, $0x38;
	[tilespmem:$0x18040] =	vst v63  }
0x17e: {  	s4 =	simm.s32 $0x4100;
	s3 =	simm.s32 $0xFFFFFFF8  }
.LBB2_9:
0x17f: {  	v15 =	vld [tilespmem:s4+$0xFFFFFF00];
	_ =	sdelay $0x3  }
0x180: {  	vm0 =	vlt.s32 v14, $0x1BF  }
0x181: {  	v16 =	vnsel vm0, $0x1BF, v14;
	vm1 =	vle.f32 v15, v6  }
0x182: {  	v16 =	vadd.s32 v1, v16;
	_ =	sdelay $0x4  }
0x183: {  	[tilespmem:v16+s0+$0x0] =	vst.idx.msk vm1, v15  }
0x184: {  	[tilespmem:v16+s25+$0x0] =	vst.idx.msk vm1, v10  }
0x185: {  	v15 =	vld [tilespmem:s4+$0xFFFFFF10]  }
0x186: {  	v37 =	vld [tilespmem:s4+$0xFFFFFF40]  }
0x187: {  	v39 =	vld [tilespmem:s4+$0xFFFFFF80]  }
0x188: {  	v21 =	vld [tilespmem:s4+$0xFFFFFFC0];
	v17 =	vsel vm1, $0x1, v2  }
0x189: {  	vm6 =	vlt.s32 v13, $0x1BF;
	v41 =	vld [tilespmem:s4+$0x0];
	v14 =	vadd.s32 v17, v14  }
0x18a: {  	v25 =	vld [tilespmem:s4+$0x40];
	v18 =	vnsel vm6, $0x1BF, v13;
	vm8 =	vlt.s32 v14, $0x1BF;
	vm7 =	vle.f32 v15, v7  }
0x18b: {  	v48 =	vld [tilespmem:s4+$0x80];
	v38 =	vadd.s32 v3, v18;
	vm2 =	vle.f32 v37, v6;
	v19 =	vnsel vm8, $0x1BF, v14  }
0x18c: {  	v19 =	vadd.s32 v1, v19;
	_ =	sdelay $0x1  }
0x18d: {  	vm12 =	vlt.s32 v12, $0x1BF;
	vm9 =	vle.f32 v39, v6;
	vm10 =	vle.f32 v21, v6  }
0x18e: {  	vm4 =	vle.f32 v41, v6;
	vm6 =	vle.f32 v25, v6;
	v20 =	vsel vm2, $0x1, v2  }
0x18f: {  	v58 =	vld [tilespmem:s4+$0xC0];
	v45 =	vnsel vm12, $0x1BF, v12;
	vm5 =	vle.f32 v48, v6;
	[tilespmem:v38+s0+$0x0] =	vst.idx.msk vm7, v15;
	v15 =	vadd.s32 v20, v14  }
0x190: {  	v22 =	vsel vm9, $0x1, v2;
	v23 =	vsel vm10, $0x1, v2;
	[tilespmem:v19+s0+$0x0] =	vst.idx.msk vm2, v37;
	vm3 =	vlt.s32 v15, $0x1BF  }
0x191: {  	v14 =	vor.u32 $0x1, v10;
	[tilespmem:v38+s25+$0x0] =	vst.idx.msk vm7, v10;
	v20 =	vnsel vm3, $0x1BF, v15;
	v15 =	vadd.s32 v22, v15  }
0x192: {  	v42 =	vsel vm7, $0x1, v2;
	[tilespmem:v19+s25+$0x0] =	vst.idx.msk vm2, v14;
	v17 =	vld [tilespmem:s4+$0xFFFFFF20];
	v40 =	vadd.s32 v1, v20;
	vm11 =	vlt.s32 v15, $0x1BF  }
0x193: {  	v43 =	vadd.s32 v42, v13;
	v44 =	vld [tilespmem:s4+$0xFFFFFF50];
	v13 =	vnsel vm11, $0x1BF, v15;
	v15 =	vadd.s32 v23, v15  }
0x194: {  	vm0 =	vle.f32 v58, v6;
	v24 =	vadd.s32 v1, v13;
	vm13 =	vlt.s32 v15, $0x1BF  }
0x195: {  	v28 =	vsel vm4, $0x1, v2;
	v52 =	vsel vm6, $0x1, v2;
	v46 =	vnsel vm13, $0x1BF, v15  }
0x196: {  	v61 =	vsel vm5, $0x1, v2;
	vm14 =	vlt.s32 v43, $0x1BF;
	v18 =	vadd.s32 v1, v46  }
0x197: {  	v23 =	vadd.s32 v4, v45;
	v13 =	vor.u32 $0x2, v10;
	vm1 =	vle.f32 v17, v8;
	[tilespmem:v40+s0+$0x0] =	vst.idx.msk vm9, v39  }
0x198: {  	v26 =	vnsel vm14, $0x1BF, v43;
	v47 =	vadd.s32 v28, v15;
	vm15 =	vle.f32 v44, v7;
	[tilespmem:v40+s25+$0x0] =	vst.idx.msk vm9, v13  }
0x199: {  	v16 =	vor.u32 $0x3, v10;
	v26 =	vadd.s32 v3, v26;
	vm9 =	vlt.s32 v47, $0x1BF;
	v27 =	vld [tilespmem:s4+$0xFFFFFF90];
	[tilespmem:v24+s0+$0x0] =	vst.idx.msk vm10, v21  }
0x19a: {  	v15 =	vor.u32 $0x4, v10;
	v53 =	vadd.s32 v52, v47;
	v50 =	vnsel vm9, $0x1BF, v47;
	[tilespmem:v24+s25+$0x0] =	vst.idx.msk vm10, v16  }
0x19b: {  	vm12 =	vlt.s32 v53, $0x1BF;
	v29 =	vsel vm15, $0x1, v2;
	v51 =	vadd.s32 v1, v50;
	[tilespmem:v18+s0+$0x0] =	vst.idx.msk vm4, v41  }
0x19c: {  	v57 =	vnsel vm12, $0x1BF, v53;
	v19 =	vadd.s32 v29, v43;
	v40 =	vsel vm1, $0x1, v2;
	v49 =	vld [tilespmem:s4+$0xFFFFFFD0];
	[tilespmem:v18+s25+$0x0] =	vst.idx.msk vm4, v15  }
0x19d: {  	v59 =	vadd.s32 v1, v57;
	v12 =	vadd.s32 v40, v12;
	vm10 =	vlt.s32 v19, $0x1BF;
	[tilespmem:v23+s0+$0x0] =	vst.idx.msk vm1, v17  }
0x19e: {  	v30 =	vnsel vm10, $0x1BF, v19;
	[tilespmem:v26+s0+$0x0] =	vst.idx.msk vm15, v44;
	v18 =	vadd.s32 v61, v53;
	vm11 =	vle.f32 v27, v7  }
0x19f: {  	v54 =	vadd.s32 v3, v30;
	v56 =	vld [tilespmem:s4+$0x10];
	[tilespmem:v26+s25+$0x0] =	vst.idx.msk vm15, v14;
	vm9 =	vlt.s32 v18, $0x1BF;
	v55 =	vsel vm11, $0x1, v2  }
0x1a0: {  	v17 =	vor.u32 $0x5, v10;
	v31 =	vld [tilespmem:s4+$0xFFFFFF60];
	v37 =	vnsel vm9, $0x1BF, v18;
	[tilespmem:v51+s0+$0x0] =	vst.idx.msk vm6, v25;
	v19 =	vadd.s32 v55, v19  }
0x1a1: {  	v39 =	vadd.s32 v1, v37;
	vm13 =	vle.f32 v49, v7;
	[tilespmem:v51+s25+$0x0] =	vst.idx.msk vm6, v17;
	vm14 =	vlt.s32 v19, $0x1BF  }
0x1a2: {  	vm12 =	vlt.s32 v12, $0x1BF;
	[tilespmem:v23+s25+$0x0] =	vst.idx.msk vm1, v10;
	v62 =	vsel vm13, $0x1, v2;
	v36 =	vld [tilespmem:s4+$0x50];
	v60 =	vnsel vm14, $0x1BF, v19  }
0x1a3: {  	[tilespmem:v59+s0+$0x0] =	vst.idx.msk vm5, v48;
	v63 =	vadd.s32 v62, v19;
	v19 =	vor.u32 $0x6, v10;
	v32 =	vadd.s32 v3, v60  }
0x1a4: {  	v45 =	vnsel vm12, $0x1BF, v12;
	vm15 =	vle.f32 v56, v7;
	[tilespmem:v59+s25+$0x0] =	vst.idx.msk vm5, v19  }
0x1a5: {  	vm7 =	vlt.s32 v63, $0x1BF;
	v38 =	vsel vm15, $0x1, v2;
	vm2 =	vle.f32 v31, v8;
	[tilespmem:v54+s0+$0x0] =	vst.idx.msk vm11, v27  }
0x1a6: {  	v46 =	vadd.s32 v4, v45;
	v33 =	vnsel vm7, $0x1BF, v63;
	v20 =	vadd.s32 v38, v63;
	[tilespmem:v39+s0+$0x0] =	vst.idx.msk vm0, v58  }
0x1a7: {  	v26 =	vld [tilespmem:s4+$0x90];
	[tilespmem:v54+s25+$0x0] =	vst.idx.msk vm11, v13;
	v41 =	vadd.s32 v3, v33;
	vm10 =	vlt.s32 v20, $0x1BF;
	vm11 =	vle.f32 v36, v7  }
0x1a8: {  	v42 =	vnsel vm10, $0x1BF, v20;
	v43 =	vld [tilespmem:s4+$0xFFFFFFA0];
	v44 =	vsel vm11, $0x1, v2;
	[tilespmem:v32+s0+$0x0] =	vst.idx.msk vm13, v49  }
0x1a9: {  	v27 =	vadd.s32 v3, v42;
	v29 =	vadd.s32 v44, v20;
	v20 =	vor.u32 $0x7, v10;
	[tilespmem:v32+s25+$0x0] =	vst.idx.msk vm13, v16  }
0x1aa: {  	v48 =	vsel vm2, $0x1, v2;
	[tilespmem:v39+s25+$0x0] =	vst.idx.msk vm0, v20  }
0x1ab: {  	v12 =	vadd.s32 v48, v12;
	vm13 =	vlt.s32 v29, $0x1BF;
	[tilespmem:v46+s0+$0x0] =	vst.idx.msk vm2, v31;
	v50 =	vld [tilespmem:s4+$0xD0]  }
0x1ac: {  	vm9 =	vlt.s32 v12, $0x1BF;
	vm14 =	vle.f32 v26, v7;
	v47 =	vld [tilespmem:s4+$0xFFFFFFE0];
	[tilespmem:v41+s0+$0x0] =	vst.idx.msk vm15, v56;
	v49 =	vnsel vm13, $0x1BF, v29  }
0x1ad: {  	v21 =	vld [tilespmem:s4+$0xFFFFFF30];
	v52 =	vsel vm14, $0x1, v2;
	[tilespmem:v41+s25+$0x0] =	vst.idx.msk vm15, v15;
	v51 =	vadd.s32 v3, v49;
	vm15 =	vle.f32 v43, v8  }
0x1ae: {  	v53 =	vnsel vm9, $0x1BF, v12;
	v23 =	vadd.s32 v52, v29;
	v25 =	vld [tilespmem:s4+$0x20];
	[tilespmem:v27+s0+$0x0] =	vst.idx.msk vm11, v36;
	v54 =	vsel vm15, $0x1, v2  }
0x1af: {  	v55 =	vadd.s32 v4, v53;
	vm10 =	vlt.s32 v23, $0x1BF;
	[tilespmem:v27+s25+$0x0] =	vst.idx.msk vm11, v17;
	v12 =	vadd.s32 v54, v12  }
0x1b0: {  	[tilespmem:v46+s25+$0x0] =	vst.idx.msk vm2, v14;
	v57 =	vnsel vm10, $0x1BF, v23;
	v56 =	vld [tilespmem:s4+$0x60];
	vm9 =	vlt.s32 v12, $0x1BF;
	vm2 =	vle.f32 v50, v7  }
0x1b1: {  	v22 =	vadd.s32 v3, v57;
	vm11 =	vle.f32 v47, v8;
	v60 =	vnsel vm9, $0x1BF, v12  }
0x1b2: {  	vm1 =	vle.f32 v21, v9;
	v59 =	vld [tilespmem:s4+$0xFFFFFF70];
	v58 =	vsel vm11, $0x1, v2;
	[tilespmem:v51+s0+$0x0] =	vst.idx.msk vm14, v26;
	v61 =	vadd.s32 v4, v60  }
0x1b3: {  	v34 =	vsel vm1, $0x1, v2;
	v12 =	vadd.s32 v58, v12;
	vm10 =	vle.f32 v25, v8;
	[tilespmem:v51+s25+$0x0] =	vst.idx.msk vm14, v19  }
0x1b4: {  	v37 =	vadd.s32 v34, v11;
	[tilespmem:v55+s0+$0x0] =	vst.idx.msk vm15, v43;
	vm12 =	vlt.s32 v12, $0x1BF;
	v62 =	vsel vm10, $0x1, v2;
	v63 =	vld [tilespmem:s4+$0xA0]  }
0x1b5: {  	[tilespmem:v55+s25+$0x0] =	vst.idx.msk vm15, v13;
	v35 =	vnsel vm12, $0x1BF, v12;
	v12 =	vadd.s32 v62, v12;
	vm6 =	vle.f32 v56, v8  }
0x1b6: {  	v28 =	vadd.s32 v4, v35;
	vm13 =	vlt.s32 v12, $0x1BF;
	v36 =	vsel vm6, $0x1, v2;
	[tilespmem:v22+s0+$0x0] =	vst.idx.msk vm2, v50  }
0x1b7: {  	vm4 =	vle.f32 v59, v9;
	v38 =	vnsel vm13, $0x1BF, v12;
	v12 =	vadd.s32 v36, v12;
	[tilespmem:v61+s0+$0x0] =	vst.idx.msk vm11, v47  }
0x1b8: {  	v41 =	vsel vm4, $0x1, v2;
	v39 =	vld [tilespmem:s4+$0xFFFFFFB0];
	v40 =	vadd.s32 v4, v38;
	vm14 =	vlt.s32 v12, $0x1BF;
	[tilespmem:v22+s25+$0x0] =	vst.idx.msk vm2, v20  }
0x1b9: {  	[tilespmem:v61+s25+$0x0] =	vst.idx.msk vm11, v16;
	vm11 =	vlt.s32 v37, $0x1BF;
	v42 =	vnsel vm14, $0x1BF, v12;
	vm15 =	vle.f32 v63, v8;
	v43 =	vld [tilespmem:s4+$0xE0]  }
0x1ba: {  	v22 =	vadd.s32 v41, v37;
	v30 =	vnsel vm11, $0x1BF, v37;
	v44 =	vadd.s32 v4, v42  }
0x1bb: {  	vm12 =	vlt.s32 v22, $0x1BF;
	v45 =	vsel vm15, $0x1, v2;
	v30 =	vadd.s32 v5, v30;
	[tilespmem:v28+s0+$0x0] =	vst.idx.msk vm10, v25  }
0x1bc: {  	v47 =	vld [tilespmem:s4+$0xFFFFFFF0];
	v46 =	vnsel vm12, $0x1BF, v22;
	v12 =	vadd.s32 v45, v12;
	[tilespmem:v28+s25+$0x0] =	vst.idx.msk vm10, v15  }
0x1bd: {  	vm13 =	vle.f32 v39, v9;
	v48 =	vadd.s32 v5, v46;
	vm8 =	vlt.s32 v12, $0x1BF;
	[tilespmem:v40+s0+$0x0] =	vst.idx.msk vm6, v56  }
0x1be: {  	v49 =	vsel vm13, $0x1, v2;
	v50 =	vld [tilespmem:s4+$0x30];
	v51 =	vnsel vm8, $0x1BF, v12;
	[tilespmem:v40+s25+$0x0] =	vst.idx.msk vm6, v17;
	vm3 =	vle.f32 v43, v8  }
0x1bf: {  	v22 =	vadd.s32 v49, v22;
	v52 =	vadd.s32 v4, v51;
	[tilespmem:v44+s0+$0x0] =	vst.idx.msk vm15, v63  }
0x1c0: {  	vm14 =	vlt.s32 v22, $0x1BF;
	v53 =	vld [tilespmem:s4+$0x70];
	[tilespmem:v30+s0+$0x0] =	vst.idx.msk vm4, v59  }
0x1c1: {  	v54 =	vnsel vm14, $0x1BF, v22;
	[tilespmem:v44+s25+$0x0] =	vst.idx.msk vm15, v19;
	vm15 =	vle.f32 v47, v9  }
0x1c2: {  	vm8 =	vlt.s32 v11, $0x1BF;
	[tilespmem:v30+s25+$0x0] =	vst.idx.msk vm4, v14;
	v14 =	vadd.s32 v5, v54;
	v55 =	vsel vm15, $0x1, v2;
	v56 =	vld [tilespmem:s4+$0xB0]  }
0x1c3: {  	v11 =	vnsel vm8, $0x1BF, v11;
	[tilespmem:v48+s0+$0x0] =	vst.idx.msk vm13, v39;
	v22 =	vadd.s32 v55, v22;
	vm4 =	vle.f32 v50, v9  }
0x1c4: {  	v11 =	vadd.s32 v5, v11;
	vm9 =	vlt.s32 v22, $0x1BF;
	v57 =	vsel vm4, $0x1, v2;
	[tilespmem:v52+s0+$0x0] =	vst.idx.msk vm3, v43  }
0x1c5: {  	v26 =	vadd.s32 v57, v22;
	v22 =	vnsel vm9, $0x1BF, v22;
	vm10 =	vle.f32 v53, v9;
	[tilespmem:v52+s25+$0x0] =	vst.idx.msk vm3, v20  }
0x1c6: {  	[tilespmem:v48+s25+$0x0] =	vst.idx.msk vm13, v13;
	v13 =	vadd.s32 v5, v22;
	vm11 =	vlt.s32 v26, $0x1BF;
	v58 =	vsel vm10, $0x1, v2;
	v59 =	vld [tilespmem:s4+$0xF0]  }
0x1c7: {  	[tilespmem:v14+s0+$0x0] =	vst.idx.msk vm15, v47;
	v22 =	vadd.s32 v58, v26;
	v26 =	vnsel vm11, $0x1BF, v26;
	vm12 =	vle.f32 v56, v9  }
0x1c8: {  	[tilespmem:v14+s25+$0x0] =	vst.idx.msk vm15, v16;
	v14 =	vadd.s32 v5, v26;
	vm13 =	vlt.s32 v22, $0x1BF;
	v60 =	vsel vm12, $0x1, v2  }
0x1c9: {  	[tilespmem:v11+s0+$0x0] =	vst.idx.msk vm1, v21;
	v61 =	vnsel vm13, $0x1BF, v22;
	v16 =	vadd.s32 v60, v22  }
0x1ca: {  	[tilespmem:v11+s25+$0x0] =	vst.idx.msk vm1, v10;
	v11 =	vadd.s32 v5, v61;
	vm14 =	vlt.s32 v16, $0x1BF  }
0x1cb: {  	[tilespmem:v13+s0+$0x0] =	vst.idx.msk vm4, v50;
	v62 =	vnsel vm14, $0x1BF, v16;
	vm15 =	vle.f32 v59, v9  }
0x1cc: {  	s3 =	sadd.s32 $0x8, s3;
	[tilespmem:v13+s25+$0x0] =	vst.idx.msk vm4, v15;
	v15 =	vadd.s32 v5, v62  }
0x1cd: {  	p0 =	slt.u32 s3, $0xF8;
	[tilespmem:v14+s0+$0x0] =	vst.idx.msk vm10, v53  }
.Ltmp7:
0x1ce: {  	[tilespmem:v14+s25+$0x0] =	vst.idx.msk vm10, v17;
	(pc) =	sbr.rel @p0 .LBB2_9-.Ltmp7, $4  }
0x1cf: {  	[tilespmem:v11+s0+$0x0] =	vst.idx.msk vm12, v56  }
0x1d0: {  	v13 =	vsel vm0, $0x1, v2;
	v63 =	vsel vm15, $0x1, v2;
	[tilespmem:v11+s25+$0x0] =	vst.idx.msk vm12, v19;
	v11 =	vsel vm2, $0x1, v2  }
0x1d1: {  	v14 =	vadd.s32 v13, v18;
	v13 =	vadd.s32 v11, v23;
	v11 =	vsel vm3, $0x1, v2;
	[tilespmem:v15+s0+$0x0] =	vst.idx.msk vm15, v59  }
0x1d2: {  	v10 =	vadd.s32 $0x8, v10;
	s4 =	sadd.s32 $0x200, s4;
	v12 =	vadd.s32 v11, v12;
	v11 =	vadd.s32 v63, v16;
	[tilespmem:v15+s25+$0x0] =	vst.idx.msk vm15, v20  }
0x1d3: {  	_ =	swait.ge [sflag:s31], $0x4000  }
0x1d4: {  	[sflag:s31] =	ssyncset.done $0x0;
	s3 =	rddreg [dreg:$0x8]  }
0x1d5: {  	[sflag:s31] =	ssyncadd.s32 $0xFFFFC000;
	s3 =	sadd.s32 s29, s3  }
0x1d6: {  	[tilespmem:s1], [sflag:$0x2] =	stream.strided.gather [hbm4b:s3+s30], $0x4000, s26, s30, $0x38;
	[tilespmem:$0x18040] =	vst v63  }
0x1d7: {  	s4 =	simm.s32 $0x100;
	s3 =	simm.s32 $0xFFFFFFF8  }
.LBB2_11:
0x1d8: {  	v15 =	vld [tilespmem:s4+$0xFFFFFF00];
	_ =	sdelay $0x3  }
0x1d9: {  	vm0 =	vlt.s32 v14, $0x1BF  }
0x1da: {  	v16 =	vnsel vm0, $0x1BF, v14;
	vm1 =	vle.f32 v15, v6  }
0x1db: {  	v16 =	vadd.s32 v1, v16;
	_ =	sdelay $0x4  }
0x1dc: {  	[tilespmem:v16+s0+$0x0] =	vst.idx.msk vm1, v15  }
0x1dd: {  	[tilespmem:v16+s25+$0x0] =	vst.idx.msk vm1, v10  }
0x1de: {  	v15 =	vld [tilespmem:s4+$0xFFFFFF10]  }
0x1df: {  	v37 =	vld [tilespmem:s4+$0xFFFFFF40]  }
0x1e0: {  	v39 =	vld [tilespmem:s4+$0xFFFFFF80]  }
0x1e1: {  	v21 =	vld [tilespmem:s4+$0xFFFFFFC0];
	v17 =	vsel vm1, $0x1, v2  }
0x1e2: {  	vm6 =	vlt.s32 v13, $0x1BF;
	v41 =	vld [tilespmem:s4+$0x0];
	v14 =	vadd.s32 v17, v14  }
0x1e3: {  	v25 =	vld [tilespmem:s4+$0x40];
	v18 =	vnsel vm6, $0x1BF, v13;
	vm8 =	vlt.s32 v14, $0x1BF;
	vm7 =	vle.f32 v15, v7  }
0x1e4: {  	v48 =	vld [tilespmem:s4+$0x80];
	v38 =	vadd.s32 v3, v18;
	vm2 =	vle.f32 v37, v6;
	v19 =	vnsel vm8, $0x1BF, v14  }
0x1e5: {  	v19 =	vadd.s32 v1, v19;
	_ =	sdelay $0x1  }
0x1e6: {  	vm12 =	vlt.s32 v12, $0x1BF;
	vm9 =	vle.f32 v39, v6;
	vm10 =	vle.f32 v21, v6  }
0x1e7: {  	vm4 =	vle.f32 v41, v6;
	vm6 =	vle.f32 v25, v6;
	v20 =	vsel vm2, $0x1, v2  }
0x1e8: {  	v58 =	vld [tilespmem:s4+$0xC0];
	v45 =	vnsel vm12, $0x1BF, v12;
	vm5 =	vle.f32 v48, v6;
	[tilespmem:v38+s0+$0x0] =	vst.idx.msk vm7, v15;
	v15 =	vadd.s32 v20, v14  }
0x1e9: {  	v22 =	vsel vm9, $0x1, v2;
	v23 =	vsel vm10, $0x1, v2;
	[tilespmem:v19+s0+$0x0] =	vst.idx.msk vm2, v37;
	vm3 =	vlt.s32 v15, $0x1BF  }
0x1ea: {  	v14 =	vor.u32 $0x1, v10;
	[tilespmem:v38+s25+$0x0] =	vst.idx.msk vm7, v10;
	v20 =	vnsel vm3, $0x1BF, v15;
	v15 =	vadd.s32 v22, v15  }
0x1eb: {  	v42 =	vsel vm7, $0x1, v2;
	[tilespmem:v19+s25+$0x0] =	vst.idx.msk vm2, v14;
	v17 =	vld [tilespmem:s4+$0xFFFFFF20];
	v40 =	vadd.s32 v1, v20;
	vm11 =	vlt.s32 v15, $0x1BF  }
0x1ec: {  	v43 =	vadd.s32 v42, v13;
	v44 =	vld [tilespmem:s4+$0xFFFFFF50];
	v13 =	vnsel vm11, $0x1BF, v15;
	v15 =	vadd.s32 v23, v15  }
0x1ed: {  	vm0 =	vle.f32 v58, v6;
	v24 =	vadd.s32 v1, v13;
	vm13 =	vlt.s32 v15, $0x1BF  }
0x1ee: {  	v28 =	vsel vm4, $0x1, v2;
	v52 =	vsel vm6, $0x1, v2;
	v46 =	vnsel vm13, $0x1BF, v15  }
0x1ef: {  	v61 =	vsel vm5, $0x1, v2;
	vm14 =	vlt.s32 v43, $0x1BF;
	v18 =	vadd.s32 v1, v46  }
0x1f0: {  	v23 =	vadd.s32 v4, v45;
	v13 =	vor.u32 $0x2, v10;
	vm1 =	vle.f32 v17, v8;
	[tilespmem:v40+s0+$0x0] =	vst.idx.msk vm9, v39  }
0x1f1: {  	v26 =	vnsel vm14, $0x1BF, v43;
	v47 =	vadd.s32 v28, v15;
	vm15 =	vle.f32 v44, v7;
	[tilespmem:v40+s25+$0x0] =	vst.idx.msk vm9, v13  }
0x1f2: {  	v16 =	vor.u32 $0x3, v10;
	v26 =	vadd.s32 v3, v26;
	vm9 =	vlt.s32 v47, $0x1BF;
	v27 =	vld [tilespmem:s4+$0xFFFFFF90];
	[tilespmem:v24+s0+$0x0] =	vst.idx.msk vm10, v21  }
0x1f3: {  	v15 =	vor.u32 $0x4, v10;
	v53 =	vadd.s32 v52, v47;
	v50 =	vnsel vm9, $0x1BF, v47;
	[tilespmem:v24+s25+$0x0] =	vst.idx.msk vm10, v16  }
0x1f4: {  	vm12 =	vlt.s32 v53, $0x1BF;
	v29 =	vsel vm15, $0x1, v2;
	v51 =	vadd.s32 v1, v50;
	[tilespmem:v18+s0+$0x0] =	vst.idx.msk vm4, v41  }
0x1f5: {  	v57 =	vnsel vm12, $0x1BF, v53;
	v19 =	vadd.s32 v29, v43;
	v40 =	vsel vm1, $0x1, v2;
	v49 =	vld [tilespmem:s4+$0xFFFFFFD0];
	[tilespmem:v18+s25+$0x0] =	vst.idx.msk vm4, v15  }
0x1f6: {  	v59 =	vadd.s32 v1, v57;
	v12 =	vadd.s32 v40, v12;
	vm10 =	vlt.s32 v19, $0x1BF;
	[tilespmem:v23+s0+$0x0] =	vst.idx.msk vm1, v17  }
0x1f7: {  	v30 =	vnsel vm10, $0x1BF, v19;
	[tilespmem:v26+s0+$0x0] =	vst.idx.msk vm15, v44;
	v18 =	vadd.s32 v61, v53;
	vm11 =	vle.f32 v27, v7  }
0x1f8: {  	v54 =	vadd.s32 v3, v30;
	v56 =	vld [tilespmem:s4+$0x10];
	[tilespmem:v26+s25+$0x0] =	vst.idx.msk vm15, v14;
	vm9 =	vlt.s32 v18, $0x1BF;
	v55 =	vsel vm11, $0x1, v2  }
0x1f9: {  	v17 =	vor.u32 $0x5, v10;
	v31 =	vld [tilespmem:s4+$0xFFFFFF60];
	v37 =	vnsel vm9, $0x1BF, v18;
	[tilespmem:v51+s0+$0x0] =	vst.idx.msk vm6, v25;
	v19 =	vadd.s32 v55, v19  }
0x1fa: {  	v39 =	vadd.s32 v1, v37;
	vm13 =	vle.f32 v49, v7;
	[tilespmem:v51+s25+$0x0] =	vst.idx.msk vm6, v17;
	vm14 =	vlt.s32 v19, $0x1BF  }
0x1fb: {  	vm12 =	vlt.s32 v12, $0x1BF;
	[tilespmem:v23+s25+$0x0] =	vst.idx.msk vm1, v10;
	v62 =	vsel vm13, $0x1, v2;
	v36 =	vld [tilespmem:s4+$0x50];
	v60 =	vnsel vm14, $0x1BF, v19  }
0x1fc: {  	[tilespmem:v59+s0+$0x0] =	vst.idx.msk vm5, v48;
	v63 =	vadd.s32 v62, v19;
	v19 =	vor.u32 $0x6, v10;
	v32 =	vadd.s32 v3, v60  }
0x1fd: {  	v45 =	vnsel vm12, $0x1BF, v12;
	vm15 =	vle.f32 v56, v7;
	[tilespmem:v59+s25+$0x0] =	vst.idx.msk vm5, v19  }
0x1fe: {  	vm7 =	vlt.s32 v63, $0x1BF;
	v38 =	vsel vm15, $0x1, v2;
	vm2 =	vle.f32 v31, v8;
	[tilespmem:v54+s0+$0x0] =	vst.idx.msk vm11, v27  }
0x1ff: {  	v46 =	vadd.s32 v4, v45;
	v33 =	vnsel vm7, $0x1BF, v63;
	v20 =	vadd.s32 v38, v63;
	[tilespmem:v39+s0+$0x0] =	vst.idx.msk vm0, v58  }
0x200: {  	v26 =	vld [tilespmem:s4+$0x90];
	[tilespmem:v54+s25+$0x0] =	vst.idx.msk vm11, v13;
	v41 =	vadd.s32 v3, v33;
	vm10 =	vlt.s32 v20, $0x1BF;
	vm11 =	vle.f32 v36, v7  }
0x201: {  	v42 =	vnsel vm10, $0x1BF, v20;
	v43 =	vld [tilespmem:s4+$0xFFFFFFA0];
	v44 =	vsel vm11, $0x1, v2;
	[tilespmem:v32+s0+$0x0] =	vst.idx.msk vm13, v49  }
0x202: {  	v27 =	vadd.s32 v3, v42;
	v29 =	vadd.s32 v44, v20;
	v20 =	vor.u32 $0x7, v10;
	[tilespmem:v32+s25+$0x0] =	vst.idx.msk vm13, v16  }
0x203: {  	v48 =	vsel vm2, $0x1, v2;
	[tilespmem:v39+s25+$0x0] =	vst.idx.msk vm0, v20  }
0x204: {  	v12 =	vadd.s32 v48, v12;
	vm13 =	vlt.s32 v29, $0x1BF;
	[tilespmem:v46+s0+$0x0] =	vst.idx.msk vm2, v31;
	v50 =	vld [tilespmem:s4+$0xD0]  }
0x205: {  	vm9 =	vlt.s32 v12, $0x1BF;
	vm14 =	vle.f32 v26, v7;
	v47 =	vld [tilespmem:s4+$0xFFFFFFE0];
	[tilespmem:v41+s0+$0x0] =	vst.idx.msk vm15, v56;
	v49 =	vnsel vm13, $0x1BF, v29  }
0x206: {  	v21 =	vld [tilespmem:s4+$0xFFFFFF30];
	v52 =	vsel vm14, $0x1, v2;
	[tilespmem:v41+s25+$0x0] =	vst.idx.msk vm15, v15;
	v51 =	vadd.s32 v3, v49;
	vm15 =	vle.f32 v43, v8  }
0x207: {  	v53 =	vnsel vm9, $0x1BF, v12;
	v23 =	vadd.s32 v52, v29;
	v25 =	vld [tilespmem:s4+$0x20];
	[tilespmem:v27+s0+$0x0] =	vst.idx.msk vm11, v36;
	v54 =	vsel vm15, $0x1, v2  }
0x208: {  	v55 =	vadd.s32 v4, v53;
	vm10 =	vlt.s32 v23, $0x1BF;
	[tilespmem:v27+s25+$0x0] =	vst.idx.msk vm11, v17;
	v12 =	vadd.s32 v54, v12  }
0x209: {  	[tilespmem:v46+s25+$0x0] =	vst.idx.msk vm2, v14;
	v57 =	vnsel vm10, $0x1BF, v23;
	v56 =	vld [tilespmem:s4+$0x60];
	vm9 =	vlt.s32 v12, $0x1BF;
	vm2 =	vle.f32 v50, v7  }
0x20a: {  	v22 =	vadd.s32 v3, v57;
	vm11 =	vle.f32 v47, v8;
	v60 =	vnsel vm9, $0x1BF, v12  }
0x20b: {  	vm1 =	vle.f32 v21, v9;
	v59 =	vld [tilespmem:s4+$0xFFFFFF70];
	v58 =	vsel vm11, $0x1, v2;
	[tilespmem:v51+s0+$0x0] =	vst.idx.msk vm14, v26;
	v61 =	vadd.s32 v4, v60  }
0x20c: {  	v34 =	vsel vm1, $0x1, v2;
	v12 =	vadd.s32 v58, v12;
	vm10 =	vle.f32 v25, v8;
	[tilespmem:v51+s25+$0x0] =	vst.idx.msk vm14, v19  }
0x20d: {  	v37 =	vadd.s32 v34, v11;
	[tilespmem:v55+s0+$0x0] =	vst.idx.msk vm15, v43;
	vm12 =	vlt.s32 v12, $0x1BF;
	v62 =	vsel vm10, $0x1, v2;
	v63 =	vld [tilespmem:s4+$0xA0]  }
0x20e: {  	[tilespmem:v55+s25+$0x0] =	vst.idx.msk vm15, v13;
	v35 =	vnsel vm12, $0x1BF, v12;
	v12 =	vadd.s32 v62, v12;
	vm6 =	vle.f32 v56, v8  }
0x20f: {  	v28 =	vadd.s32 v4, v35;
	vm13 =	vlt.s32 v12, $0x1BF;
	v36 =	vsel vm6, $0x1, v2;
	[tilespmem:v22+s0+$0x0] =	vst.idx.msk vm2, v50  }
0x210: {  	vm4 =	vle.f32 v59, v9;
	v38 =	vnsel vm13, $0x1BF, v12;
	v12 =	vadd.s32 v36, v12;
	[tilespmem:v61+s0+$0x0] =	vst.idx.msk vm11, v47  }
0x211: {  	v41 =	vsel vm4, $0x1, v2;
	v39 =	vld [tilespmem:s4+$0xFFFFFFB0];
	v40 =	vadd.s32 v4, v38;
	vm14 =	vlt.s32 v12, $0x1BF;
	[tilespmem:v22+s25+$0x0] =	vst.idx.msk vm2, v20  }
0x212: {  	[tilespmem:v61+s25+$0x0] =	vst.idx.msk vm11, v16;
	vm11 =	vlt.s32 v37, $0x1BF;
	v42 =	vnsel vm14, $0x1BF, v12;
	vm15 =	vle.f32 v63, v8;
	v43 =	vld [tilespmem:s4+$0xE0]  }
0x213: {  	v22 =	vadd.s32 v41, v37;
	v30 =	vnsel vm11, $0x1BF, v37;
	v44 =	vadd.s32 v4, v42  }
0x214: {  	vm12 =	vlt.s32 v22, $0x1BF;
	v45 =	vsel vm15, $0x1, v2;
	v30 =	vadd.s32 v5, v30;
	[tilespmem:v28+s0+$0x0] =	vst.idx.msk vm10, v25  }
0x215: {  	v47 =	vld [tilespmem:s4+$0xFFFFFFF0];
	v46 =	vnsel vm12, $0x1BF, v22;
	v12 =	vadd.s32 v45, v12;
	[tilespmem:v28+s25+$0x0] =	vst.idx.msk vm10, v15  }
0x216: {  	vm13 =	vle.f32 v39, v9;
	v48 =	vadd.s32 v5, v46;
	vm8 =	vlt.s32 v12, $0x1BF;
	[tilespmem:v40+s0+$0x0] =	vst.idx.msk vm6, v56  }
0x217: {  	v49 =	vsel vm13, $0x1, v2;
	v50 =	vld [tilespmem:s4+$0x30];
	v51 =	vnsel vm8, $0x1BF, v12;
	[tilespmem:v40+s25+$0x0] =	vst.idx.msk vm6, v17;
	vm3 =	vle.f32 v43, v8  }
0x218: {  	v22 =	vadd.s32 v49, v22;
	v52 =	vadd.s32 v4, v51;
	[tilespmem:v44+s0+$0x0] =	vst.idx.msk vm15, v63  }
0x219: {  	vm14 =	vlt.s32 v22, $0x1BF;
	v53 =	vld [tilespmem:s4+$0x70];
	[tilespmem:v30+s0+$0x0] =	vst.idx.msk vm4, v59  }
0x21a: {  	v54 =	vnsel vm14, $0x1BF, v22;
	[tilespmem:v44+s25+$0x0] =	vst.idx.msk vm15, v19;
	vm15 =	vle.f32 v47, v9  }
0x21b: {  	vm8 =	vlt.s32 v11, $0x1BF;
	[tilespmem:v30+s25+$0x0] =	vst.idx.msk vm4, v14;
	v14 =	vadd.s32 v5, v54;
	v55 =	vsel vm15, $0x1, v2;
	v56 =	vld [tilespmem:s4+$0xB0]  }
0x21c: {  	v11 =	vnsel vm8, $0x1BF, v11;
	[tilespmem:v48+s0+$0x0] =	vst.idx.msk vm13, v39;
	v22 =	vadd.s32 v55, v22;
	vm4 =	vle.f32 v50, v9  }
0x21d: {  	v11 =	vadd.s32 v5, v11;
	vm9 =	vlt.s32 v22, $0x1BF;
	v57 =	vsel vm4, $0x1, v2;
	[tilespmem:v52+s0+$0x0] =	vst.idx.msk vm3, v43  }
0x21e: {  	v26 =	vadd.s32 v57, v22;
	v22 =	vnsel vm9, $0x1BF, v22;
	vm10 =	vle.f32 v53, v9;
	[tilespmem:v52+s25+$0x0] =	vst.idx.msk vm3, v20  }
0x21f: {  	[tilespmem:v48+s25+$0x0] =	vst.idx.msk vm13, v13;
	v13 =	vadd.s32 v5, v22;
	vm11 =	vlt.s32 v26, $0x1BF;
	v58 =	vsel vm10, $0x1, v2;
	v59 =	vld [tilespmem:s4+$0xF0]  }
0x220: {  	[tilespmem:v14+s0+$0x0] =	vst.idx.msk vm15, v47;
	v22 =	vadd.s32 v58, v26;
	v26 =	vnsel vm11, $0x1BF, v26;
	vm12 =	vle.f32 v56, v9  }
0x221: {  	[tilespmem:v14+s25+$0x0] =	vst.idx.msk vm15, v16;
	v14 =	vadd.s32 v5, v26;
	vm13 =	vlt.s32 v22, $0x1BF;
	v60 =	vsel vm12, $0x1, v2  }
0x222: {  	[tilespmem:v11+s0+$0x0] =	vst.idx.msk vm1, v21;
	v61 =	vnsel vm13, $0x1BF, v22;
	v16 =	vadd.s32 v60, v22  }
0x223: {  	[tilespmem:v11+s25+$0x0] =	vst.idx.msk vm1, v10;
	v11 =	vadd.s32 v5, v61;
	vm14 =	vlt.s32 v16, $0x1BF  }
0x224: {  	[tilespmem:v13+s0+$0x0] =	vst.idx.msk vm4, v50;
	v62 =	vnsel vm14, $0x1BF, v16;
	vm15 =	vle.f32 v59, v9  }
0x225: {  	s3 =	sadd.s32 $0x8, s3;
	[tilespmem:v13+s25+$0x0] =	vst.idx.msk vm4, v15;
	v15 =	vadd.s32 v5, v62  }
0x226: {  	p0 =	slt.u32 s3, $0xF8;
	[tilespmem:v14+s0+$0x0] =	vst.idx.msk vm10, v53  }
.Ltmp8:
0x227: {  	[tilespmem:v14+s25+$0x0] =	vst.idx.msk vm10, v17;
	(pc) =	sbr.rel @p0 .LBB2_11-.Ltmp8, $4  }
0x228: {  	[tilespmem:v11+s0+$0x0] =	vst.idx.msk vm12, v56  }
0x229: {  	v13 =	vsel vm0, $0x1, v2;
	v63 =	vsel vm15, $0x1, v2;
	[tilespmem:v11+s25+$0x0] =	vst.idx.msk vm12, v19;
	v11 =	vsel vm2, $0x1, v2  }
0x22a: {  	v14 =	vadd.s32 v13, v18;
	v13 =	vadd.s32 v11, v23;
	v11 =	vsel vm3, $0x1, v2;
	[tilespmem:v15+s0+$0x0] =	vst.idx.msk vm15, v59  }
0x22b: {  	v10 =	vadd.s32 $0x8, v10;
	s4 =	sadd.s32 $0x200, s4;
	v12 =	vadd.s32 v11, v12;
	v11 =	vadd.s32 v63, v16;
	[tilespmem:v15+s25+$0x0] =	vst.idx.msk vm15, v20  }
0x22c: {  	_ =	swait.ge [sflag:s28], $0x4000  }
0x22d: {  	[sflag:s28] =	ssyncset.done $0x0;
	s3 =	rddreg [dreg:$0x9]  }
0x22e: {  	[sflag:s28] =	ssyncadd.s32 $0xFFFFC000;
	s3 =	sadd.s32 s29, s3  }
0x22f: {  	[tilespmem:s2], [sflag:$0x1] =	stream.strided.gather [hbm4b:s3+s30], $0x4000, s26, s30, $0x38;
	[tilespmem:$0x18040] =	vst v63  }
0x230: {  	s4 =	simm.s32 $0x4100;
	s3 =	simm.s32 $0xFFFFFFF8  }
.LBB2_13:
0x231: {  	v15 =	vld [tilespmem:s4+$0xFFFFFF00];
	_ =	sdelay $0x3  }
0x232: {  	vm0 =	vlt.s32 v14, $0x1BF  }
0x233: {  	v16 =	vnsel vm0, $0x1BF, v14;
	vm1 =	vle.f32 v15, v6  }
0x234: {  	v16 =	vadd.s32 v1, v16;
	_ =	sdelay $0x4  }
0x235: {  	[tilespmem:v16+s0+$0x0] =	vst.idx.msk vm1, v15  }
0x236: {  	[tilespmem:v16+s25+$0x0] =	vst.idx.msk vm1, v10  }
0x237: {  	v15 =	vld [tilespmem:s4+$0xFFFFFF10]  }
0x238: {  	v37 =	vld [tilespmem:s4+$0xFFFFFF40]  }
0x239: {  	v39 =	vld [tilespmem:s4+$0xFFFFFF80]  }
0x23a: {  	v21 =	vld [tilespmem:s4+$0xFFFFFFC0];
	v17 =	vsel vm1, $0x1, v2  }
0x23b: {  	vm6 =	vlt.s32 v13, $0x1BF;
	v41 =	vld [tilespmem:s4+$0x0];
	v14 =	vadd.s32 v17, v14  }
0x23c: {  	v25 =	vld [tilespmem:s4+$0x40];
	v18 =	vnsel vm6, $0x1BF, v13;
	vm8 =	vlt.s32 v14, $0x1BF;
	vm7 =	vle.f32 v15, v7  }
0x23d: {  	v48 =	vld [tilespmem:s4+$0x80];
	v38 =	vadd.s32 v3, v18;
	vm2 =	vle.f32 v37, v6;
	v19 =	vnsel vm8, $0x1BF, v14  }
0x23e: {  	v19 =	vadd.s32 v1, v19;
	_ =	sdelay $0x1  }
0x23f: {  	vm12 =	vlt.s32 v12, $0x1BF;
	vm9 =	vle.f32 v39, v6;
	vm10 =	vle.f32 v21, v6  }
0x240: {  	vm4 =	vle.f32 v41, v6;
	vm6 =	vle.f32 v25, v6;
	v20 =	vsel vm2, $0x1, v2  }
0x241: {  	v58 =	vld [tilespmem:s4+$0xC0];
	v45 =	vnsel vm12, $0x1BF, v12;
	vm5 =	vle.f32 v48, v6;
	[tilespmem:v38+s0+$0x0] =	vst.idx.msk vm7, v15;
	v15 =	vadd.s32 v20, v14  }
0x242: {  	v22 =	vsel vm9, $0x1, v2;
	v23 =	vsel vm10, $0x1, v2;
	[tilespmem:v19+s0+$0x0] =	vst.idx.msk vm2, v37;
	vm3 =	vlt.s32 v15, $0x1BF  }
0x243: {  	v14 =	vor.u32 $0x1, v10;
	[tilespmem:v38+s25+$0x0] =	vst.idx.msk vm7, v10;
	v20 =	vnsel vm3, $0x1BF, v15;
	v15 =	vadd.s32 v22, v15  }
0x244: {  	v42 =	vsel vm7, $0x1, v2;
	[tilespmem:v19+s25+$0x0] =	vst.idx.msk vm2, v14;
	v17 =	vld [tilespmem:s4+$0xFFFFFF20];
	v40 =	vadd.s32 v1, v20;
	vm11 =	vlt.s32 v15, $0x1BF  }
0x245: {  	v43 =	vadd.s32 v42, v13;
	v44 =	vld [tilespmem:s4+$0xFFFFFF50];
	v13 =	vnsel vm11, $0x1BF, v15;
	v15 =	vadd.s32 v23, v15  }
0x246: {  	vm0 =	vle.f32 v58, v6;
	v24 =	vadd.s32 v1, v13;
	vm13 =	vlt.s32 v15, $0x1BF  }
0x247: {  	v28 =	vsel vm4, $0x1, v2;
	v52 =	vsel vm6, $0x1, v2;
	v46 =	vnsel vm13, $0x1BF, v15  }
0x248: {  	v61 =	vsel vm5, $0x1, v2;
	vm14 =	vlt.s32 v43, $0x1BF;
	v18 =	vadd.s32 v1, v46  }
0x249: {  	v23 =	vadd.s32 v4, v45;
	v13 =	vor.u32 $0x2, v10;
	vm1 =	vle.f32 v17, v8;
	[tilespmem:v40+s0+$0x0] =	vst.idx.msk vm9, v39  }
0x24a: {  	v26 =	vnsel vm14, $0x1BF, v43;
	v47 =	vadd.s32 v28, v15;
	vm15 =	vle.f32 v44, v7;
	[tilespmem:v40+s25+$0x0] =	vst.idx.msk vm9, v13  }
0x24b: {  	v16 =	vor.u32 $0x3, v10;
	v26 =	vadd.s32 v3, v26;
	vm9 =	vlt.s32 v47, $0x1BF;
	v27 =	vld [tilespmem:s4+$0xFFFFFF90];
	[tilespmem:v24+s0+$0x0] =	vst.idx.msk vm10, v21  }
0x24c: {  	v15 =	vor.u32 $0x4, v10;
	v53 =	vadd.s32 v52, v47;
	v50 =	vnsel vm9, $0x1BF, v47;
	[tilespmem:v24+s25+$0x0] =	vst.idx.msk vm10, v16  }
0x24d: {  	vm12 =	vlt.s32 v53, $0x1BF;
	v29 =	vsel vm15, $0x1, v2;
	v51 =	vadd.s32 v1, v50;
	[tilespmem:v18+s0+$0x0] =	vst.idx.msk vm4, v41  }
0x24e: {  	v57 =	vnsel vm12, $0x1BF, v53;
	v19 =	vadd.s32 v29, v43;
	v40 =	vsel vm1, $0x1, v2;
	v49 =	vld [tilespmem:s4+$0xFFFFFFD0];
	[tilespmem:v18+s25+$0x0] =	vst.idx.msk vm4, v15  }
0x24f: {  	v59 =	vadd.s32 v1, v57;
	v12 =	vadd.s32 v40, v12;
	vm10 =	vlt.s32 v19, $0x1BF;
	[tilespmem:v23+s0+$0x0] =	vst.idx.msk vm1, v17  }
0x250: {  	v30 =	vnsel vm10, $0x1BF, v19;
	[tilespmem:v26+s0+$0x0] =	vst.idx.msk vm15, v44;
	v18 =	vadd.s32 v61, v53;
	vm11 =	vle.f32 v27, v7  }
0x251: {  	v54 =	vadd.s32 v3, v30;
	v56 =	vld [tilespmem:s4+$0x10];
	[tilespmem:v26+s25+$0x0] =	vst.idx.msk vm15, v14;
	vm9 =	vlt.s32 v18, $0x1BF;
	v55 =	vsel vm11, $0x1, v2  }
0x252: {  	v17 =	vor.u32 $0x5, v10;
	v31 =	vld [tilespmem:s4+$0xFFFFFF60];
	v37 =	vnsel vm9, $0x1BF, v18;
	[tilespmem:v51+s0+$0x0] =	vst.idx.msk vm6, v25;
	v19 =	vadd.s32 v55, v19  }
0x253: {  	v39 =	vadd.s32 v1, v37;
	vm13 =	vle.f32 v49, v7;
	[tilespmem:v51+s25+$0x0] =	vst.idx.msk vm6, v17;
	vm14 =	vlt.s32 v19, $0x1BF  }
0x254: {  	vm12 =	vlt.s32 v12, $0x1BF;
	[tilespmem:v23+s25+$0x0] =	vst.idx.msk vm1, v10;
	v62 =	vsel vm13, $0x1, v2;
	v36 =	vld [tilespmem:s4+$0x50];
	v60 =	vnsel vm14, $0x1BF, v19  }
0x255: {  	[tilespmem:v59+s0+$0x0] =	vst.idx.msk vm5, v48;
	v63 =	vadd.s32 v62, v19;
	v19 =	vor.u32 $0x6, v10;
	v32 =	vadd.s32 v3, v60  }
0x256: {  	v45 =	vnsel vm12, $0x1BF, v12;
	vm15 =	vle.f32 v56, v7;
	[tilespmem:v59+s25+$0x0] =	vst.idx.msk vm5, v19  }
0x257: {  	vm7 =	vlt.s32 v63, $0x1BF;
	v38 =	vsel vm15, $0x1, v2;
	vm2 =	vle.f32 v31, v8;
	[tilespmem:v54+s0+$0x0] =	vst.idx.msk vm11, v27  }
0x258: {  	v46 =	vadd.s32 v4, v45;
	v33 =	vnsel vm7, $0x1BF, v63;
	v20 =	vadd.s32 v38, v63;
	[tilespmem:v39+s0+$0x0] =	vst.idx.msk vm0, v58  }
0x259: {  	v26 =	vld [tilespmem:s4+$0x90];
	[tilespmem:v54+s25+$0x0] =	vst.idx.msk vm11, v13;
	v41 =	vadd.s32 v3, v33;
	vm10 =	vlt.s32 v20, $0x1BF;
	vm11 =	vle.f32 v36, v7  }
0x25a: {  	v42 =	vnsel vm10, $0x1BF, v20;
	v43 =	vld [tilespmem:s4+$0xFFFFFFA0];
	v44 =	vsel vm11, $0x1, v2;
	[tilespmem:v32+s0+$0x0] =	vst.idx.msk vm13, v49  }
0x25b: {  	v27 =	vadd.s32 v3, v42;
	v29 =	vadd.s32 v44, v20;
	v20 =	vor.u32 $0x7, v10;
	[tilespmem:v32+s25+$0x0] =	vst.idx.msk vm13, v16  }
0x25c: {  	v48 =	vsel vm2, $0x1, v2;
	[tilespmem:v39+s25+$0x0] =	vst.idx.msk vm0, v20  }
0x25d: {  	v12 =	vadd.s32 v48, v12;
	vm13 =	vlt.s32 v29, $0x1BF;
	[tilespmem:v46+s0+$0x0] =	vst.idx.msk vm2, v31;
	v50 =	vld [tilespmem:s4+$0xD0]  }
0x25e: {  	vm9 =	vlt.s32 v12, $0x1BF;
	vm14 =	vle.f32 v26, v7;
	v47 =	vld [tilespmem:s4+$0xFFFFFFE0];
	[tilespmem:v41+s0+$0x0] =	vst.idx.msk vm15, v56;
	v49 =	vnsel vm13, $0x1BF, v29  }
0x25f: {  	v21 =	vld [tilespmem:s4+$0xFFFFFF30];
	v52 =	vsel vm14, $0x1, v2;
	[tilespmem:v41+s25+$0x0] =	vst.idx.msk vm15, v15;
	v51 =	vadd.s32 v3, v49;
	vm15 =	vle.f32 v43, v8  }
0x260: {  	v53 =	vnsel vm9, $0x1BF, v12;
	v23 =	vadd.s32 v52, v29;
	v25 =	vld [tilespmem:s4+$0x20];
	[tilespmem:v27+s0+$0x0] =	vst.idx.msk vm11, v36;
	v54 =	vsel vm15, $0x1, v2  }
0x261: {  	v55 =	vadd.s32 v4, v53;
	vm10 =	vlt.s32 v23, $0x1BF;
	[tilespmem:v27+s25+$0x0] =	vst.idx.msk vm11, v17;
	v12 =	vadd.s32 v54, v12  }
0x262: {  	[tilespmem:v46+s25+$0x0] =	vst.idx.msk vm2, v14;
	v57 =	vnsel vm10, $0x1BF, v23;
	v56 =	vld [tilespmem:s4+$0x60];
	vm9 =	vlt.s32 v12, $0x1BF;
	vm2 =	vle.f32 v50, v7  }
0x263: {  	v22 =	vadd.s32 v3, v57;
	vm11 =	vle.f32 v47, v8;
	v60 =	vnsel vm9, $0x1BF, v12  }
0x264: {  	vm1 =	vle.f32 v21, v9;
	v59 =	vld [tilespmem:s4+$0xFFFFFF70];
	v58 =	vsel vm11, $0x1, v2;
	[tilespmem:v51+s0+$0x0] =	vst.idx.msk vm14, v26;
	v61 =	vadd.s32 v4, v60  }
0x265: {  	v34 =	vsel vm1, $0x1, v2;
	v12 =	vadd.s32 v58, v12;
	vm10 =	vle.f32 v25, v8;
	[tilespmem:v51+s25+$0x0] =	vst.idx.msk vm14, v19  }
0x266: {  	v37 =	vadd.s32 v34, v11;
	[tilespmem:v55+s0+$0x0] =	vst.idx.msk vm15, v43;
	vm12 =	vlt.s32 v12, $0x1BF;
	v62 =	vsel vm10, $0x1, v2;
	v63 =	vld [tilespmem:s4+$0xA0]  }
0x267: {  	[tilespmem:v55+s25+$0x0] =	vst.idx.msk vm15, v13;
	v35 =	vnsel vm12, $0x1BF, v12;
	v12 =	vadd.s32 v62, v12;
	vm6 =	vle.f32 v56, v8  }
0x268: {  	v28 =	vadd.s32 v4, v35;
	vm13 =	vlt.s32 v12, $0x1BF;
	v36 =	vsel vm6, $0x1, v2;
	[tilespmem:v22+s0+$0x0] =	vst.idx.msk vm2, v50  }
0x269: {  	vm4 =	vle.f32 v59, v9;
	v38 =	vnsel vm13, $0x1BF, v12;
	v12 =	vadd.s32 v36, v12;
	[tilespmem:v61+s0+$0x0] =	vst.idx.msk vm11, v47  }
0x26a: {  	v41 =	vsel vm4, $0x1, v2;
	v39 =	vld [tilespmem:s4+$0xFFFFFFB0];
	v40 =	vadd.s32 v4, v38;
	vm14 =	vlt.s32 v12, $0x1BF;
	[tilespmem:v22+s25+$0x0] =	vst.idx.msk vm2, v20  }
0x26b: {  	[tilespmem:v61+s25+$0x0] =	vst.idx.msk vm11, v16;
	vm11 =	vlt.s32 v37, $0x1BF;
	v42 =	vnsel vm14, $0x1BF, v12;
	vm15 =	vle.f32 v63, v8;
	v43 =	vld [tilespmem:s4+$0xE0]  }
0x26c: {  	v22 =	vadd.s32 v41, v37;
	v30 =	vnsel vm11, $0x1BF, v37;
	v44 =	vadd.s32 v4, v42  }
0x26d: {  	vm12 =	vlt.s32 v22, $0x1BF;
	v45 =	vsel vm15, $0x1, v2;
	v30 =	vadd.s32 v5, v30;
	[tilespmem:v28+s0+$0x0] =	vst.idx.msk vm10, v25  }
0x26e: {  	v47 =	vld [tilespmem:s4+$0xFFFFFFF0];
	v46 =	vnsel vm12, $0x1BF, v22;
	v12 =	vadd.s32 v45, v12;
	[tilespmem:v28+s25+$0x0] =	vst.idx.msk vm10, v15  }
0x26f: {  	vm13 =	vle.f32 v39, v9;
	v48 =	vadd.s32 v5, v46;
	vm8 =	vlt.s32 v12, $0x1BF;
	[tilespmem:v40+s0+$0x0] =	vst.idx.msk vm6, v56  }
0x270: {  	v49 =	vsel vm13, $0x1, v2;
	v50 =	vld [tilespmem:s4+$0x30];
	v51 =	vnsel vm8, $0x1BF, v12;
	[tilespmem:v40+s25+$0x0] =	vst.idx.msk vm6, v17;
	vm3 =	vle.f32 v43, v8  }
0x271: {  	v22 =	vadd.s32 v49, v22;
	v52 =	vadd.s32 v4, v51;
	[tilespmem:v44+s0+$0x0] =	vst.idx.msk vm15, v63  }
0x272: {  	vm14 =	vlt.s32 v22, $0x1BF;
	v53 =	vld [tilespmem:s4+$0x70];
	[tilespmem:v30+s0+$0x0] =	vst.idx.msk vm4, v59  }
0x273: {  	v54 =	vnsel vm14, $0x1BF, v22;
	[tilespmem:v44+s25+$0x0] =	vst.idx.msk vm15, v19;
	vm15 =	vle.f32 v47, v9  }
0x274: {  	vm8 =	vlt.s32 v11, $0x1BF;
	[tilespmem:v30+s25+$0x0] =	vst.idx.msk vm4, v14;
	v14 =	vadd.s32 v5, v54;
	v55 =	vsel vm15, $0x1, v2;
	v56 =	vld [tilespmem:s4+$0xB0]  }
0x275: {  	v11 =	vnsel vm8, $0x1BF, v11;
	[tilespmem:v48+s0+$0x0] =	vst.idx.msk vm13, v39;
	v22 =	vadd.s32 v55, v22;
	vm4 =	vle.f32 v50, v9  }
0x276: {  	v11 =	vadd.s32 v5, v11;
	vm9 =	vlt.s32 v22, $0x1BF;
	v57 =	vsel vm4, $0x1, v2;
	[tilespmem:v52+s0+$0x0] =	vst.idx.msk vm3, v43  }
0x277: {  	v26 =	vadd.s32 v57, v22;
	v22 =	vnsel vm9, $0x1BF, v22;
	vm10 =	vle.f32 v53, v9;
	[tilespmem:v52+s25+$0x0] =	vst.idx.msk vm3, v20  }
0x278: {  	[tilespmem:v48+s25+$0x0] =	vst.idx.msk vm13, v13;
	v13 =	vadd.s32 v5, v22;
	vm11 =	vlt.s32 v26, $0x1BF;
	v58 =	vsel vm10, $0x1, v2;
	v59 =	vld [tilespmem:s4+$0xF0]  }
0x279: {  	[tilespmem:v14+s0+$0x0] =	vst.idx.msk vm15, v47;
	v22 =	vadd.s32 v58, v26;
	v26 =	vnsel vm11, $0x1BF, v26;
	vm12 =	vle.f32 v56, v9  }
0x27a: {  	[tilespmem:v14+s25+$0x0] =	vst.idx.msk vm15, v16;
	v14 =	vadd.s32 v5, v26;
	vm13 =	vlt.s32 v22, $0x1BF;
	v60 =	vsel vm12, $0x1, v2  }
0x27b: {  	[tilespmem:v11+s0+$0x0] =	vst.idx.msk vm1, v21;
	v61 =	vnsel vm13, $0x1BF, v22;
	v16 =	vadd.s32 v60, v22  }
0x27c: {  	[tilespmem:v11+s25+$0x0] =	vst.idx.msk vm1, v10;
	v11 =	vadd.s32 v5, v61;
	vm14 =	vlt.s32 v16, $0x1BF  }
0x27d: {  	[tilespmem:v13+s0+$0x0] =	vst.idx.msk vm4, v50;
	v62 =	vnsel vm14, $0x1BF, v16;
	vm15 =	vle.f32 v59, v9  }
0x27e: {  	s3 =	sadd.s32 $0x8, s3;
	[tilespmem:v13+s25+$0x0] =	vst.idx.msk vm4, v15;
	v15 =	vadd.s32 v5, v62  }
0x27f: {  	p0 =	slt.u32 s3, $0xF8;
	[tilespmem:v14+s0+$0x0] =	vst.idx.msk vm10, v53  }
.Ltmp9:
0x280: {  	[tilespmem:v14+s25+$0x0] =	vst.idx.msk vm10, v17;
	(pc) =	sbr.rel @p0 .LBB2_13-.Ltmp9, $4  }
0x281: {  	[tilespmem:v11+s0+$0x0] =	vst.idx.msk vm12, v56  }
0x282: {  	v13 =	vsel vm0, $0x1, v2;
	v63 =	vsel vm15, $0x1, v2;
	[tilespmem:v11+s25+$0x0] =	vst.idx.msk vm12, v19;
	v11 =	vsel vm2, $0x1, v2  }
0x283: {  	v14 =	vadd.s32 v13, v18;
	v13 =	vadd.s32 v11, v23;
	v11 =	vsel vm3, $0x1, v2;
	[tilespmem:v15+s0+$0x0] =	vst.idx.msk vm15, v59  }
0x284: {  	v10 =	vadd.s32 $0x8, v10;
	s4 =	sadd.s32 $0x200, s4;
	v12 =	vadd.s32 v11, v12;
	v11 =	vadd.s32 v63, v16;
	[tilespmem:v15+s25+$0x0] =	vst.idx.msk vm15, v20  }
0x285: {  	_ =	swait.ge [sflag:s31], $0x4000  }
0x286: {  	[sflag:s31] =	ssyncset.done $0x0;
	s3 =	rddreg [dreg:$0xa]  }
0x287: {  	[sflag:s31] =	ssyncadd.s32 $0xFFFFC000;
	s3 =	sadd.s32 s29, s3  }
0x288: {  	[tilespmem:s1], [sflag:$0x2] =	stream.strided.gather [hbm4b:s3+s30], $0x4000, s26, s30, $0x38;
	[tilespmem:$0x18040] =	vst v63  }
0x289: {  	s4 =	simm.s32 $0x100;
	s3 =	simm.s32 $0xFFFFFFF8  }
.LBB2_15:
0x28a: {  	v15 =	vld [tilespmem:s4+$0xFFFFFF00];
	_ =	sdelay $0x3  }
0x28b: {  	vm0 =	vlt.s32 v14, $0x1BF  }
0x28c: {  	v16 =	vnsel vm0, $0x1BF, v14;
	vm1 =	vle.f32 v15, v6  }
0x28d: {  	v16 =	vadd.s32 v1, v16;
	_ =	sdelay $0x4  }
0x28e: {  	[tilespmem:v16+s0+$0x0] =	vst.idx.msk vm1, v15  }
0x28f: {  	[tilespmem:v16+s25+$0x0] =	vst.idx.msk vm1, v10  }
0x290: {  	v15 =	vld [tilespmem:s4+$0xFFFFFF10]  }
0x291: {  	v37 =	vld [tilespmem:s4+$0xFFFFFF40]  }
0x292: {  	v39 =	vld [tilespmem:s4+$0xFFFFFF80]  }
0x293: {  	v21 =	vld [tilespmem:s4+$0xFFFFFFC0];
	v17 =	vsel vm1, $0x1, v2  }
0x294: {  	vm6 =	vlt.s32 v13, $0x1BF;
	v41 =	vld [tilespmem:s4+$0x0];
	v14 =	vadd.s32 v17, v14  }
0x295: {  	v25 =	vld [tilespmem:s4+$0x40];
	v18 =	vnsel vm6, $0x1BF, v13;
	vm8 =	vlt.s32 v14, $0x1BF;
	vm7 =	vle.f32 v15, v7  }
0x296: {  	v48 =	vld [tilespmem:s4+$0x80];
	v38 =	vadd.s32 v3, v18;
	vm2 =	vle.f32 v37, v6;
	v19 =	vnsel vm8, $0x1BF, v14  }
0x297: {  	v19 =	vadd.s32 v1, v19;
	_ =	sdelay $0x1  }
0x298: {  	vm12 =	vlt.s32 v12, $0x1BF;
	vm9 =	vle.f32 v39, v6;
	vm10 =	vle.f32 v21, v6  }
0x299: {  	vm4 =	vle.f32 v41, v6;
	vm6 =	vle.f32 v25, v6;
	v20 =	vsel vm2, $0x1, v2  }
0x29a: {  	v58 =	vld [tilespmem:s4+$0xC0];
	v45 =	vnsel vm12, $0x1BF, v12;
	vm5 =	vle.f32 v48, v6;
	[tilespmem:v38+s0+$0x0] =	vst.idx.msk vm7, v15;
	v15 =	vadd.s32 v20, v14  }
0x29b: {  	v22 =	vsel vm9, $0x1, v2;
	v23 =	vsel vm10, $0x1, v2;
	[tilespmem:v19+s0+$0x0] =	vst.idx.msk vm2, v37;
	vm3 =	vlt.s32 v15, $0x1BF  }
0x29c: {  	v14 =	vadd.s32 $0x1, v10;
	[tilespmem:v38+s25+$0x0] =	vst.idx.msk vm7, v10;
	v20 =	vnsel vm3, $0x1BF, v15;
	v15 =	vadd.s32 v22, v15  }
0x29d: {  	v42 =	vsel vm7, $0x1, v2;
	[tilespmem:v19+s25+$0x0] =	vst.idx.msk vm2, v14;
	v17 =	vld [tilespmem:s4+$0xFFFFFF20];
	v40 =	vadd.s32 v1, v20;
	vm11 =	vlt.s32 v15, $0x1BF  }
0x29e: {  	v43 =	vadd.s32 v42, v13;
	v44 =	vld [tilespmem:s4+$0xFFFFFF50];
	v13 =	vnsel vm11, $0x1BF, v15;
	v15 =	vadd.s32 v23, v15  }
0x29f: {  	vm0 =	vle.f32 v58, v6;
	v24 =	vadd.s32 v1, v13;
	vm13 =	vlt.s32 v15, $0x1BF  }
0x2a0: {  	v28 =	vsel vm4, $0x1, v2;
	v52 =	vsel vm6, $0x1, v2;
	v46 =	vnsel vm13, $0x1BF, v15  }
0x2a1: {  	v61 =	vsel vm5, $0x1, v2;
	vm14 =	vlt.s32 v43, $0x1BF;
	v18 =	vadd.s32 v1, v46  }
0x2a2: {  	v23 =	vadd.s32 v4, v45;
	v13 =	vadd.s32 $0x2, v10;
	vm1 =	vle.f32 v17, v8;
	[tilespmem:v40+s0+$0x0] =	vst.idx.msk vm9, v39  }
0x2a3: {  	v26 =	vnsel vm14, $0x1BF, v43;
	v47 =	vadd.s32 v28, v15;
	vm15 =	vle.f32 v44, v7;
	[tilespmem:v40+s25+$0x0] =	vst.idx.msk vm9, v13  }
0x2a4: {  	v16 =	vadd.s32 $0x3, v10;
	v26 =	vadd.s32 v3, v26;
	vm9 =	vlt.s32 v47, $0x1BF;
	v27 =	vld [tilespmem:s4+$0xFFFFFF90];
	[tilespmem:v24+s0+$0x0] =	vst.idx.msk vm10, v21  }
0x2a5: {  	v15 =	vadd.s32 $0x4, v10;
	v53 =	vadd.s32 v52, v47;
	v50 =	vnsel vm9, $0x1BF, v47;
	[tilespmem:v24+s25+$0x0] =	vst.idx.msk vm10, v16  }
0x2a6: {  	vm12 =	vlt.s32 v53, $0x1BF;
	v29 =	vsel vm15, $0x1, v2;
	v51 =	vadd.s32 v1, v50;
	[tilespmem:v18+s0+$0x0] =	vst.idx.msk vm4, v41  }
0x2a7: {  	v57 =	vnsel vm12, $0x1BF, v53;
	v19 =	vadd.s32 v29, v43;
	v40 =	vsel vm1, $0x1, v2;
	v49 =	vld [tilespmem:s4+$0xFFFFFFD0];
	[tilespmem:v18+s25+$0x0] =	vst.idx.msk vm4, v15  }
0x2a8: {  	v59 =	vadd.s32 v1, v57;
	v12 =	vadd.s32 v40, v12;
	vm10 =	vlt.s32 v19, $0x1BF;
	[tilespmem:v23+s0+$0x0] =	vst.idx.msk vm1, v17  }
0x2a9: {  	v30 =	vnsel vm10, $0x1BF, v19;
	[tilespmem:v26+s0+$0x0] =	vst.idx.msk vm15, v44;
	v18 =	vadd.s32 v61, v53;
	vm11 =	vle.f32 v27, v7  }
0x2aa: {  	v54 =	vadd.s32 v3, v30;
	v56 =	vld [tilespmem:s4+$0x10];
	[tilespmem:v26+s25+$0x0] =	vst.idx.msk vm15, v14;
	vm9 =	vlt.s32 v18, $0x1BF;
	v55 =	vsel vm11, $0x1, v2  }
0x2ab: {  	v17 =	vadd.s32 $0x5, v10;
	v31 =	vld [tilespmem:s4+$0xFFFFFF60];
	v37 =	vnsel vm9, $0x1BF, v18;
	[tilespmem:v51+s0+$0x0] =	vst.idx.msk vm6, v25;
	v19 =	vadd.s32 v55, v19  }
0x2ac: {  	v39 =	vadd.s32 v1, v37;
	vm13 =	vle.f32 v49, v7;
	[tilespmem:v51+s25+$0x0] =	vst.idx.msk vm6, v17;
	vm14 =	vlt.s32 v19, $0x1BF  }
0x2ad: {  	vm12 =	vlt.s32 v12, $0x1BF;
	[tilespmem:v23+s25+$0x0] =	vst.idx.msk vm1, v10;
	v62 =	vsel vm13, $0x1, v2;
	v36 =	vld [tilespmem:s4+$0x50];
	v60 =	vnsel vm14, $0x1BF, v19  }
0x2ae: {  	[tilespmem:v59+s0+$0x0] =	vst.idx.msk vm5, v48;
	v63 =	vadd.s32 v62, v19;
	v19 =	vadd.s32 $0x6, v10;
	v32 =	vadd.s32 v3, v60  }
0x2af: {  	v45 =	vnsel vm12, $0x1BF, v12;
	vm15 =	vle.f32 v56, v7;
	[tilespmem:v59+s25+$0x0] =	vst.idx.msk vm5, v19  }
0x2b0: {  	vm7 =	vlt.s32 v63, $0x1BF;
	v38 =	vsel vm15, $0x1, v2;
	vm2 =	vle.f32 v31, v8;
	[tilespmem:v54+s0+$0x0] =	vst.idx.msk vm11, v27  }
0x2b1: {  	v46 =	vadd.s32 v4, v45;
	v33 =	vnsel vm7, $0x1BF, v63;
	v20 =	vadd.s32 v38, v63;
	[tilespmem:v39+s0+$0x0] =	vst.idx.msk vm0, v58  }
0x2b2: {  	v26 =	vld [tilespmem:s4+$0x90];
	[tilespmem:v54+s25+$0x0] =	vst.idx.msk vm11, v13;
	v41 =	vadd.s32 v3, v33;
	vm10 =	vlt.s32 v20, $0x1BF;
	vm11 =	vle.f32 v36, v7  }
0x2b3: {  	v42 =	vnsel vm10, $0x1BF, v20;
	v43 =	vld [tilespmem:s4+$0xFFFFFFA0];
	v44 =	vsel vm11, $0x1, v2;
	[tilespmem:v32+s0+$0x0] =	vst.idx.msk vm13, v49  }
0x2b4: {  	v27 =	vadd.s32 v3, v42;
	v29 =	vadd.s32 v44, v20;
	v20 =	vadd.s32 $0x7, v10;
	[tilespmem:v32+s25+$0x0] =	vst.idx.msk vm13, v16  }
0x2b5: {  	v48 =	vsel vm2, $0x1, v2;
	[tilespmem:v39+s25+$0x0] =	vst.idx.msk vm0, v20  }
0x2b6: {  	v12 =	vadd.s32 v48, v12;
	vm13 =	vlt.s32 v29, $0x1BF;
	[tilespmem:v46+s0+$0x0] =	vst.idx.msk vm2, v31;
	v50 =	vld [tilespmem:s4+$0xD0]  }
0x2b7: {  	vm9 =	vlt.s32 v12, $0x1BF;
	vm14 =	vle.f32 v26, v7;
	v47 =	vld [tilespmem:s4+$0xFFFFFFE0];
	[tilespmem:v41+s0+$0x0] =	vst.idx.msk vm15, v56;
	v49 =	vnsel vm13, $0x1BF, v29  }
0x2b8: {  	v21 =	vld [tilespmem:s4+$0xFFFFFF30];
	v52 =	vsel vm14, $0x1, v2;
	[tilespmem:v41+s25+$0x0] =	vst.idx.msk vm15, v15;
	v51 =	vadd.s32 v3, v49;
	vm15 =	vle.f32 v43, v8  }
0x2b9: {  	v53 =	vnsel vm9, $0x1BF, v12;
	v23 =	vadd.s32 v52, v29;
	v25 =	vld [tilespmem:s4+$0x20];
	[tilespmem:v27+s0+$0x0] =	vst.idx.msk vm11, v36;
	v54 =	vsel vm15, $0x1, v2  }
0x2ba: {  	v55 =	vadd.s32 v4, v53;
	vm10 =	vlt.s32 v23, $0x1BF;
	[tilespmem:v27+s25+$0x0] =	vst.idx.msk vm11, v17;
	v12 =	vadd.s32 v54, v12  }
0x2bb: {  	[tilespmem:v46+s25+$0x0] =	vst.idx.msk vm2, v14;
	v57 =	vnsel vm10, $0x1BF, v23;
	v56 =	vld [tilespmem:s4+$0x60];
	vm9 =	vlt.s32 v12, $0x1BF;
	vm2 =	vle.f32 v50, v7  }
0x2bc: {  	v22 =	vadd.s32 v3, v57;
	vm11 =	vle.f32 v47, v8;
	v60 =	vnsel vm9, $0x1BF, v12  }
0x2bd: {  	vm1 =	vle.f32 v21, v9;
	v59 =	vld [tilespmem:s4+$0xFFFFFF70];
	v58 =	vsel vm11, $0x1, v2;
	[tilespmem:v51+s0+$0x0] =	vst.idx.msk vm14, v26;
	v61 =	vadd.s32 v4, v60  }
0x2be: {  	v34 =	vsel vm1, $0x1, v2;
	v12 =	vadd.s32 v58, v12;
	vm10 =	vle.f32 v25, v8;
	[tilespmem:v51+s25+$0x0] =	vst.idx.msk vm14, v19  }
0x2bf: {  	v37 =	vadd.s32 v34, v11;
	[tilespmem:v55+s0+$0x0] =	vst.idx.msk vm15, v43;
	vm12 =	vlt.s32 v12, $0x1BF;
	v62 =	vsel vm10, $0x1, v2;
	v63 =	vld [tilespmem:s4+$0xA0]  }
0x2c0: {  	[tilespmem:v55+s25+$0x0] =	vst.idx.msk vm15, v13;
	v35 =	vnsel vm12, $0x1BF, v12;
	v12 =	vadd.s32 v62, v12;
	vm6 =	vle.f32 v56, v8  }
0x2c1: {  	v28 =	vadd.s32 v4, v35;
	vm13 =	vlt.s32 v12, $0x1BF;
	v36 =	vsel vm6, $0x1, v2;
	[tilespmem:v22+s0+$0x0] =	vst.idx.msk vm2, v50  }
0x2c2: {  	vm4 =	vle.f32 v59, v9;
	v38 =	vnsel vm13, $0x1BF, v12;
	v12 =	vadd.s32 v36, v12;
	[tilespmem:v61+s0+$0x0] =	vst.idx.msk vm11, v47  }
0x2c3: {  	v41 =	vsel vm4, $0x1, v2;
	v39 =	vld [tilespmem:s4+$0xFFFFFFB0];
	v40 =	vadd.s32 v4, v38;
	vm14 =	vlt.s32 v12, $0x1BF;
	[tilespmem:v22+s25+$0x0] =	vst.idx.msk vm2, v20  }
0x2c4: {  	[tilespmem:v61+s25+$0x0] =	vst.idx.msk vm11, v16;
	vm11 =	vlt.s32 v37, $0x1BF;
	v42 =	vnsel vm14, $0x1BF, v12;
	vm15 =	vle.f32 v63, v8;
	v43 =	vld [tilespmem:s4+$0xE0]  }
0x2c5: {  	v22 =	vadd.s32 v41, v37;
	v30 =	vnsel vm11, $0x1BF, v37;
	v44 =	vadd.s32 v4, v42  }
0x2c6: {  	vm12 =	vlt.s32 v22, $0x1BF;
	v45 =	vsel vm15, $0x1, v2;
	v30 =	vadd.s32 v5, v30;
	[tilespmem:v28+s0+$0x0] =	vst.idx.msk vm10, v25  }
0x2c7: {  	v47 =	vld [tilespmem:s4+$0xFFFFFFF0];
	v46 =	vnsel vm12, $0x1BF, v22;
	v12 =	vadd.s32 v45, v12;
	[tilespmem:v28+s25+$0x0] =	vst.idx.msk vm10, v15  }
0x2c8: {  	vm13 =	vle.f32 v39, v9;
	v48 =	vadd.s32 v5, v46;
	vm8 =	vlt.s32 v12, $0x1BF;
	[tilespmem:v40+s0+$0x0] =	vst.idx.msk vm6, v56  }
0x2c9: {  	v49 =	vsel vm13, $0x1, v2;
	v50 =	vld [tilespmem:s4+$0x30];
	v51 =	vnsel vm8, $0x1BF, v12;
	[tilespmem:v40+s25+$0x0] =	vst.idx.msk vm6, v17;
	vm3 =	vle.f32 v43, v8  }
0x2ca: {  	v22 =	vadd.s32 v49, v22;
	v52 =	vadd.s32 v4, v51;
	[tilespmem:v44+s0+$0x0] =	vst.idx.msk vm15, v63  }
0x2cb: {  	vm14 =	vlt.s32 v22, $0x1BF;
	v53 =	vld [tilespmem:s4+$0x70];
	[tilespmem:v30+s0+$0x0] =	vst.idx.msk vm4, v59  }
0x2cc: {  	v54 =	vnsel vm14, $0x1BF, v22;
	[tilespmem:v44+s25+$0x0] =	vst.idx.msk vm15, v19;
	vm15 =	vle.f32 v47, v9  }
0x2cd: {  	vm8 =	vlt.s32 v11, $0x1BF;
	[tilespmem:v30+s25+$0x0] =	vst.idx.msk vm4, v14;
	v14 =	vadd.s32 v5, v54;
	v55 =	vsel vm15, $0x1, v2;
	v56 =	vld [tilespmem:s4+$0xB0]  }
0x2ce: {  	v11 =	vnsel vm8, $0x1BF, v11;
	[tilespmem:v48+s0+$0x0] =	vst.idx.msk vm13, v39;
	v22 =	vadd.s32 v55, v22;
	vm4 =	vle.f32 v50, v9  }
0x2cf: {  	v11 =	vadd.s32 v5, v11;
	vm9 =	vlt.s32 v22, $0x1BF;
	v57 =	vsel vm4, $0x1, v2;
	[tilespmem:v52+s0+$0x0] =	vst.idx.msk vm3, v43  }
0x2d0: {  	v26 =	vadd.s32 v57, v22;
	v22 =	vnsel vm9, $0x1BF, v22;
	vm10 =	vle.f32 v53, v9;
	[tilespmem:v52+s25+$0x0] =	vst.idx.msk vm3, v20  }
0x2d1: {  	[tilespmem:v48+s25+$0x0] =	vst.idx.msk vm13, v13;
	v13 =	vadd.s32 v5, v22;
	vm11 =	vlt.s32 v26, $0x1BF;
	v58 =	vsel vm10, $0x1, v2;
	v59 =	vld [tilespmem:s4+$0xF0]  }
0x2d2: {  	[tilespmem:v14+s0+$0x0] =	vst.idx.msk vm15, v47;
	v22 =	vadd.s32 v58, v26;
	v26 =	vnsel vm11, $0x1BF, v26;
	vm12 =	vle.f32 v56, v9  }
0x2d3: {  	[tilespmem:v14+s25+$0x0] =	vst.idx.msk vm15, v16;
	v14 =	vadd.s32 v5, v26;
	vm13 =	vlt.s32 v22, $0x1BF;
	v60 =	vsel vm12, $0x1, v2  }
0x2d4: {  	[tilespmem:v11+s0+$0x0] =	vst.idx.msk vm1, v21;
	v61 =	vnsel vm13, $0x1BF, v22;
	v16 =	vadd.s32 v60, v22  }
0x2d5: {  	[tilespmem:v11+s25+$0x0] =	vst.idx.msk vm1, v10;
	v11 =	vadd.s32 v5, v61;
	vm14 =	vlt.s32 v16, $0x1BF  }
0x2d6: {  	[tilespmem:v13+s0+$0x0] =	vst.idx.msk vm4, v50;
	v62 =	vnsel vm14, $0x1BF, v16;
	vm15 =	vle.f32 v59, v9  }
0x2d7: {  	s3 =	sadd.s32 $0x8, s3;
	[tilespmem:v13+s25+$0x0] =	vst.idx.msk vm4, v15;
	v15 =	vadd.s32 v5, v62  }
0x2d8: {  	p0 =	slt.u32 s3, $0xF8;
	[tilespmem:v14+s0+$0x0] =	vst.idx.msk vm10, v53  }
.Ltmp10:
0x2d9: {  	[tilespmem:v14+s25+$0x0] =	vst.idx.msk vm10, v17;
	(pc) =	sbr.rel @p0 .LBB2_15-.Ltmp10, $4  }
0x2da: {  	[tilespmem:v11+s0+$0x0] =	vst.idx.msk vm12, v56  }
0x2db: {  	v13 =	vsel vm0, $0x1, v2;
	v63 =	vsel vm15, $0x1, v2;
	[tilespmem:v11+s25+$0x0] =	vst.idx.msk vm12, v19;
	v11 =	vsel vm2, $0x1, v2  }
0x2dc: {  	v14 =	vadd.s32 v13, v18;
	v13 =	vadd.s32 v11, v23;
	v11 =	vsel vm3, $0x1, v2;
	[tilespmem:v15+s0+$0x0] =	vst.idx.msk vm15, v59  }
0x2dd: {  	v10 =	vadd.s32 $0x8, v10;
	s4 =	sadd.s32 $0x200, s4;
	v12 =	vadd.s32 v11, v12;
	v11 =	vadd.s32 v63, v16;
	[tilespmem:v15+s25+$0x0] =	vst.idx.msk vm15, v20  }
0x2de: {  	_ =	swait.ge [sflag:s28], $0x4000  }
0x2df: {  	[sflag:s28] =	ssyncset.done $0x0;
	s3 =	rddreg [dreg:$0xb]  }
0x2e0: {  	[sflag:s28] =	ssyncadd.s32 $0xFFFFC000;
	s3 =	sadd.s32 s29, s3  }
0x2e1: {  	[tilespmem:s2], [sflag:$0x1] =	stream.strided.gather [hbm4b:s3+s30], $0x4000, s26, s30, $0x38;
	[tilespmem:$0x18040] =	vst v63  }
0x2e2: {  	s4 =	simm.s32 $0x4100;
	s3 =	simm.s32 $0xFFFFFFF8  }
.LBB2_17:
0x2e3: {  	v15 =	vld [tilespmem:s4+$0xFFFFFF00];
	_ =	sdelay $0x3  }
0x2e4: {  	vm0 =	vlt.s32 v14, $0x1BF  }
0x2e5: {  	v16 =	vnsel vm0, $0x1BF, v14;
	vm1 =	vle.f32 v15, v6  }
0x2e6: {  	v16 =	vadd.s32 v1, v16;
	_ =	sdelay $0x4  }
0x2e7: {  	[tilespmem:v16+s0+$0x0] =	vst.idx.msk vm1, v15  }
0x2e8: {  	[tilespmem:v16+s25+$0x0] =	vst.idx.msk vm1, v10  }
0x2e9: {  	v15 =	vld [tilespmem:s4+$0xFFFFFF10]  }
0x2ea: {  	v37 =	vld [tilespmem:s4+$0xFFFFFF40]  }
0x2eb: {  	v39 =	vld [tilespmem:s4+$0xFFFFFF80]  }
0x2ec: {  	v21 =	vld [tilespmem:s4+$0xFFFFFFC0];
	v17 =	vsel vm1, $0x1, v2  }
0x2ed: {  	vm6 =	vlt.s32 v13, $0x1BF;
	v41 =	vld [tilespmem:s4+$0x0];
	v14 =	vadd.s32 v17, v14  }
0x2ee: {  	v25 =	vld [tilespmem:s4+$0x40];
	v18 =	vnsel vm6, $0x1BF, v13;
	vm8 =	vlt.s32 v14, $0x1BF;
	vm7 =	vle.f32 v15, v7  }
0x2ef: {  	v48 =	vld [tilespmem:s4+$0x80];
	v38 =	vadd.s32 v3, v18;
	vm2 =	vle.f32 v37, v6;
	v19 =	vnsel vm8, $0x1BF, v14  }
0x2f0: {  	v19 =	vadd.s32 v1, v19;
	_ =	sdelay $0x1  }
0x2f1: {  	vm12 =	vlt.s32 v12, $0x1BF;
	vm9 =	vle.f32 v39, v6;
	vm10 =	vle.f32 v21, v6  }
0x2f2: {  	vm4 =	vle.f32 v41, v6;
	vm6 =	vle.f32 v25, v6;
	v20 =	vsel vm2, $0x1, v2  }
0x2f3: {  	v58 =	vld [tilespmem:s4+$0xC0];
	v45 =	vnsel vm12, $0x1BF, v12;
	vm5 =	vle.f32 v48, v6;
	[tilespmem:v38+s0+$0x0] =	vst.idx.msk vm7, v15;
	v15 =	vadd.s32 v20, v14  }
0x2f4: {  	v22 =	vsel vm9, $0x1, v2;
	v23 =	vsel vm10, $0x1, v2;
	[tilespmem:v19+s0+$0x0] =	vst.idx.msk vm2, v37;
	vm3 =	vlt.s32 v15, $0x1BF  }
0x2f5: {  	v14 =	vadd.s32 $0x1, v10;
	[tilespmem:v38+s25+$0x0] =	vst.idx.msk vm7, v10;
	v20 =	vnsel vm3, $0x1BF, v15;
	v15 =	vadd.s32 v22, v15  }
0x2f6: {  	v42 =	vsel vm7, $0x1, v2;
	[tilespmem:v19+s25+$0x0] =	vst.idx.msk vm2, v14;
	v17 =	vld [tilespmem:s4+$0xFFFFFF20];
	v40 =	vadd.s32 v1, v20;
	vm11 =	vlt.s32 v15, $0x1BF  }
0x2f7: {  	v43 =	vadd.s32 v42, v13;
	v44 =	vld [tilespmem:s4+$0xFFFFFF50];
	v13 =	vnsel vm11, $0x1BF, v15;
	v15 =	vadd.s32 v23, v15  }
0x2f8: {  	vm0 =	vle.f32 v58, v6;
	v24 =	vadd.s32 v1, v13;
	vm13 =	vlt.s32 v15, $0x1BF  }
0x2f9: {  	v28 =	vsel vm4, $0x1, v2;
	v52 =	vsel vm6, $0x1, v2;
	v46 =	vnsel vm13, $0x1BF, v15  }
0x2fa: {  	v61 =	vsel vm5, $0x1, v2;
	vm14 =	vlt.s32 v43, $0x1BF;
	v18 =	vadd.s32 v1, v46  }
0x2fb: {  	v23 =	vadd.s32 v4, v45;
	v13 =	vadd.s32 $0x2, v10;
	vm1 =	vle.f32 v17, v8;
	[tilespmem:v40+s0+$0x0] =	vst.idx.msk vm9, v39  }
0x2fc: {  	v26 =	vnsel vm14, $0x1BF, v43;
	v47 =	vadd.s32 v28, v15;
	vm15 =	vle.f32 v44, v7;
	[tilespmem:v40+s25+$0x0] =	vst.idx.msk vm9, v13  }
0x2fd: {  	v16 =	vadd.s32 $0x3, v10;
	v26 =	vadd.s32 v3, v26;
	vm9 =	vlt.s32 v47, $0x1BF;
	v27 =	vld [tilespmem:s4+$0xFFFFFF90];
	[tilespmem:v24+s0+$0x0] =	vst.idx.msk vm10, v21  }
0x2fe: {  	v15 =	vadd.s32 $0x4, v10;
	v53 =	vadd.s32 v52, v47;
	v50 =	vnsel vm9, $0x1BF, v47;
	[tilespmem:v24+s25+$0x0] =	vst.idx.msk vm10, v16  }
0x2ff: {  	vm12 =	vlt.s32 v53, $0x1BF;
	v29 =	vsel vm15, $0x1, v2;
	v51 =	vadd.s32 v1, v50;
	[tilespmem:v18+s0+$0x0] =	vst.idx.msk vm4, v41  }
0x300: {  	v57 =	vnsel vm12, $0x1BF, v53;
	v19 =	vadd.s32 v29, v43;
	v40 =	vsel vm1, $0x1, v2;
	v49 =	vld [tilespmem:s4+$0xFFFFFFD0];
	[tilespmem:v18+s25+$0x0] =	vst.idx.msk vm4, v15  }
0x301: {  	v59 =	vadd.s32 v1, v57;
	v12 =	vadd.s32 v40, v12;
	vm10 =	vlt.s32 v19, $0x1BF;
	[tilespmem:v23+s0+$0x0] =	vst.idx.msk vm1, v17  }
0x302: {  	v30 =	vnsel vm10, $0x1BF, v19;
	[tilespmem:v26+s0+$0x0] =	vst.idx.msk vm15, v44;
	v18 =	vadd.s32 v61, v53;
	vm11 =	vle.f32 v27, v7  }
0x303: {  	v54 =	vadd.s32 v3, v30;
	v56 =	vld [tilespmem:s4+$0x10];
	[tilespmem:v26+s25+$0x0] =	vst.idx.msk vm15, v14;
	vm9 =	vlt.s32 v18, $0x1BF;
	v55 =	vsel vm11, $0x1, v2  }
0x304: {  	v17 =	vadd.s32 $0x5, v10;
	v31 =	vld [tilespmem:s4+$0xFFFFFF60];
	v37 =	vnsel vm9, $0x1BF, v18;
	[tilespmem:v51+s0+$0x0] =	vst.idx.msk vm6, v25;
	v19 =	vadd.s32 v55, v19  }
0x305: {  	v39 =	vadd.s32 v1, v37;
	vm13 =	vle.f32 v49, v7;
	[tilespmem:v51+s25+$0x0] =	vst.idx.msk vm6, v17;
	vm14 =	vlt.s32 v19, $0x1BF  }
0x306: {  	vm12 =	vlt.s32 v12, $0x1BF;
	[tilespmem:v23+s25+$0x0] =	vst.idx.msk vm1, v10;
	v62 =	vsel vm13, $0x1, v2;
	v36 =	vld [tilespmem:s4+$0x50];
	v60 =	vnsel vm14, $0x1BF, v19  }
0x307: {  	[tilespmem:v59+s0+$0x0] =	vst.idx.msk vm5, v48;
	v63 =	vadd.s32 v62, v19;
	v19 =	vadd.s32 $0x6, v10;
	v32 =	vadd.s32 v3, v60  }
0x308: {  	v45 =	vnsel vm12, $0x1BF, v12;
	vm15 =	vle.f32 v56, v7;
	[tilespmem:v59+s25+$0x0] =	vst.idx.msk vm5, v19  }
0x309: {  	vm7 =	vlt.s32 v63, $0x1BF;
	v38 =	vsel vm15, $0x1, v2;
	vm2 =	vle.f32 v31, v8;
	[tilespmem:v54+s0+$0x0] =	vst.idx.msk vm11, v27  }
0x30a: {  	v46 =	vadd.s32 v4, v45;
	v33 =	vnsel vm7, $0x1BF, v63;
	v20 =	vadd.s32 v38, v63;
	[tilespmem:v39+s0+$0x0] =	vst.idx.msk vm0, v58  }
0x30b: {  	v26 =	vld [tilespmem:s4+$0x90];
	[tilespmem:v54+s25+$0x0] =	vst.idx.msk vm11, v13;
	v41 =	vadd.s32 v3, v33;
	vm10 =	vlt.s32 v20, $0x1BF;
	vm11 =	vle.f32 v36, v7  }
0x30c: {  	v42 =	vnsel vm10, $0x1BF, v20;
	v43 =	vld [tilespmem:s4+$0xFFFFFFA0];
	v44 =	vsel vm11, $0x1, v2;
	[tilespmem:v32+s0+$0x0] =	vst.idx.msk vm13, v49  }
0x30d: {  	v27 =	vadd.s32 v3, v42;
	v29 =	vadd.s32 v44, v20;
	v20 =	vadd.s32 $0x7, v10;
	[tilespmem:v32+s25+$0x0] =	vst.idx.msk vm13, v16  }
0x30e: {  	v48 =	vsel vm2, $0x1, v2;
	[tilespmem:v39+s25+$0x0] =	vst.idx.msk vm0, v20  }
0x30f: {  	v12 =	vadd.s32 v48, v12;
	vm13 =	vlt.s32 v29, $0x1BF;
	[tilespmem:v46+s0+$0x0] =	vst.idx.msk vm2, v31;
	v50 =	vld [tilespmem:s4+$0xD0]  }
0x310: {  	vm9 =	vlt.s32 v12, $0x1BF;
	vm14 =	vle.f32 v26, v7;
	v47 =	vld [tilespmem:s4+$0xFFFFFFE0];
	[tilespmem:v41+s0+$0x0] =	vst.idx.msk vm15, v56;
	v49 =	vnsel vm13, $0x1BF, v29  }
0x311: {  	v21 =	vld [tilespmem:s4+$0xFFFFFF30];
	v52 =	vsel vm14, $0x1, v2;
	[tilespmem:v41+s25+$0x0] =	vst.idx.msk vm15, v15;
	v51 =	vadd.s32 v3, v49;
	vm15 =	vle.f32 v43, v8  }
0x312: {  	v53 =	vnsel vm9, $0x1BF, v12;
	v23 =	vadd.s32 v52, v29;
	v25 =	vld [tilespmem:s4+$0x20];
	[tilespmem:v27+s0+$0x0] =	vst.idx.msk vm11, v36;
	v54 =	vsel vm15, $0x1, v2  }
0x313: {  	v55 =	vadd.s32 v4, v53;
	vm10 =	vlt.s32 v23, $0x1BF;
	[tilespmem:v27+s25+$0x0] =	vst.idx.msk vm11, v17;
	v12 =	vadd.s32 v54, v12  }
0x314: {  	[tilespmem:v46+s25+$0x0] =	vst.idx.msk vm2, v14;
	v57 =	vnsel vm10, $0x1BF, v23;
	v56 =	vld [tilespmem:s4+$0x60];
	vm9 =	vlt.s32 v12, $0x1BF;
	vm2 =	vle.f32 v50, v7  }
0x315: {  	v22 =	vadd.s32 v3, v57;
	vm11 =	vle.f32 v47, v8;
	v60 =	vnsel vm9, $0x1BF, v12  }
0x316: {  	vm1 =	vle.f32 v21, v9;
	v59 =	vld [tilespmem:s4+$0xFFFFFF70];
	v58 =	vsel vm11, $0x1, v2;
	[tilespmem:v51+s0+$0x0] =	vst.idx.msk vm14, v26;
	v61 =	vadd.s32 v4, v60  }
0x317: {  	v34 =	vsel vm1, $0x1, v2;
	v12 =	vadd.s32 v58, v12;
	vm10 =	vle.f32 v25, v8;
	[tilespmem:v51+s25+$0x0] =	vst.idx.msk vm14, v19  }
0x318: {  	v37 =	vadd.s32 v34, v11;
	[tilespmem:v55+s0+$0x0] =	vst.idx.msk vm15, v43;
	vm12 =	vlt.s32 v12, $0x1BF;
	v62 =	vsel vm10, $0x1, v2;
	v63 =	vld [tilespmem:s4+$0xA0]  }
0x319: {  	[tilespmem:v55+s25+$0x0] =	vst.idx.msk vm15, v13;
	v35 =	vnsel vm12, $0x1BF, v12;
	v12 =	vadd.s32 v62, v12;
	vm6 =	vle.f32 v56, v8  }
0x31a: {  	v28 =	vadd.s32 v4, v35;
	vm13 =	vlt.s32 v12, $0x1BF;
	v36 =	vsel vm6, $0x1, v2;
	[tilespmem:v22+s0+$0x0] =	vst.idx.msk vm2, v50  }
0x31b: {  	vm4 =	vle.f32 v59, v9;
	v38 =	vnsel vm13, $0x1BF, v12;
	v12 =	vadd.s32 v36, v12;
	[tilespmem:v61+s0+$0x0] =	vst.idx.msk vm11, v47  }
0x31c: {  	v41 =	vsel vm4, $0x1, v2;
	v39 =	vld [tilespmem:s4+$0xFFFFFFB0];
	v40 =	vadd.s32 v4, v38;
	vm14 =	vlt.s32 v12, $0x1BF;
	[tilespmem:v22+s25+$0x0] =	vst.idx.msk vm2, v20  }
0x31d: {  	[tilespmem:v61+s25+$0x0] =	vst.idx.msk vm11, v16;
	vm11 =	vlt.s32 v37, $0x1BF;
	v42 =	vnsel vm14, $0x1BF, v12;
	vm15 =	vle.f32 v63, v8;
	v43 =	vld [tilespmem:s4+$0xE0]  }
0x31e: {  	v22 =	vadd.s32 v41, v37;
	v30 =	vnsel vm11, $0x1BF, v37;
	v44 =	vadd.s32 v4, v42  }
0x31f: {  	vm12 =	vlt.s32 v22, $0x1BF;
	v45 =	vsel vm15, $0x1, v2;
	v30 =	vadd.s32 v5, v30;
	[tilespmem:v28+s0+$0x0] =	vst.idx.msk vm10, v25  }
0x320: {  	v47 =	vld [tilespmem:s4+$0xFFFFFFF0];
	v46 =	vnsel vm12, $0x1BF, v22;
	v12 =	vadd.s32 v45, v12;
	[tilespmem:v28+s25+$0x0] =	vst.idx.msk vm10, v15  }
0x321: {  	vm13 =	vle.f32 v39, v9;
	v48 =	vadd.s32 v5, v46;
	vm8 =	vlt.s32 v12, $0x1BF;
	[tilespmem:v40+s0+$0x0] =	vst.idx.msk vm6, v56  }
0x322: {  	v49 =	vsel vm13, $0x1, v2;
	v50 =	vld [tilespmem:s4+$0x30];
	v51 =	vnsel vm8, $0x1BF, v12;
	[tilespmem:v40+s25+$0x0] =	vst.idx.msk vm6, v17;
	vm3 =	vle.f32 v43, v8  }
0x323: {  	v22 =	vadd.s32 v49, v22;
	v52 =	vadd.s32 v4, v51;
	[tilespmem:v44+s0+$0x0] =	vst.idx.msk vm15, v63  }
0x324: {  	vm14 =	vlt.s32 v22, $0x1BF;
	v53 =	vld [tilespmem:s4+$0x70];
	[tilespmem:v30+s0+$0x0] =	vst.idx.msk vm4, v59  }
0x325: {  	v54 =	vnsel vm14, $0x1BF, v22;
	[tilespmem:v44+s25+$0x0] =	vst.idx.msk vm15, v19;
	vm15 =	vle.f32 v47, v9  }
0x326: {  	vm8 =	vlt.s32 v11, $0x1BF;
	[tilespmem:v30+s25+$0x0] =	vst.idx.msk vm4, v14;
	v14 =	vadd.s32 v5, v54;
	v55 =	vsel vm15, $0x1, v2;
	v56 =	vld [tilespmem:s4+$0xB0]  }
0x327: {  	v11 =	vnsel vm8, $0x1BF, v11;
	[tilespmem:v48+s0+$0x0] =	vst.idx.msk vm13, v39;
	v22 =	vadd.s32 v55, v22;
	vm4 =	vle.f32 v50, v9  }
0x328: {  	v11 =	vadd.s32 v5, v11;
	vm9 =	vlt.s32 v22, $0x1BF;
	v57 =	vsel vm4, $0x1, v2;
	[tilespmem:v52+s0+$0x0] =	vst.idx.msk vm3, v43  }
0x329: {  	v26 =	vadd.s32 v57, v22;
	v22 =	vnsel vm9, $0x1BF, v22;
	vm10 =	vle.f32 v53, v9;
	[tilespmem:v52+s25+$0x0] =	vst.idx.msk vm3, v20  }
0x32a: {  	[tilespmem:v48+s25+$0x0] =	vst.idx.msk vm13, v13;
	v13 =	vadd.s32 v5, v22;
	vm11 =	vlt.s32 v26, $0x1BF;
	v58 =	vsel vm10, $0x1, v2;
	v59 =	vld [tilespmem:s4+$0xF0]  }
0x32b: {  	[tilespmem:v14+s0+$0x0] =	vst.idx.msk vm15, v47;
	v22 =	vadd.s32 v58, v26;
	v26 =	vnsel vm11, $0x1BF, v26;
	vm12 =	vle.f32 v56, v9  }
0x32c: {  	[tilespmem:v14+s25+$0x0] =	vst.idx.msk vm15, v16;
	v14 =	vadd.s32 v5, v26;
	vm13 =	vlt.s32 v22, $0x1BF;
	v60 =	vsel vm12, $0x1, v2  }
0x32d: {  	[tilespmem:v11+s0+$0x0] =	vst.idx.msk vm1, v21;
	v61 =	vnsel vm13, $0x1BF, v22;
	v16 =	vadd.s32 v60, v22  }
0x32e: {  	[tilespmem:v11+s25+$0x0] =	vst.idx.msk vm1, v10;
	v11 =	vadd.s32 v5, v61;
	vm14 =	vlt.s32 v16, $0x1BF  }
0x32f: {  	[tilespmem:v13+s0+$0x0] =	vst.idx.msk vm4, v50;
	v62 =	vnsel vm14, $0x1BF, v16;
	vm15 =	vle.f32 v59, v9  }
0x330: {  	s3 =	sadd.s32 $0x8, s3;
	[tilespmem:v13+s25+$0x0] =	vst.idx.msk vm4, v15;
	v15 =	vadd.s32 v5, v62  }
0x331: {  	p0 =	slt.u32 s3, $0xF8;
	[tilespmem:v14+s0+$0x0] =	vst.idx.msk vm10, v53  }
.Ltmp11:
0x332: {  	[tilespmem:v14+s25+$0x0] =	vst.idx.msk vm10, v17;
	(pc) =	sbr.rel @p0 .LBB2_17-.Ltmp11, $4  }
0x333: {  	[tilespmem:v11+s0+$0x0] =	vst.idx.msk vm12, v56  }
0x334: {  	v13 =	vsel vm0, $0x1, v2;
	v63 =	vsel vm15, $0x1, v2;
	[tilespmem:v11+s25+$0x0] =	vst.idx.msk vm12, v19;
	v11 =	vsel vm2, $0x1, v2  }
0x335: {  	v14 =	vadd.s32 v13, v18;
	v13 =	vadd.s32 v11, v23;
	v11 =	vsel vm3, $0x1, v2;
	[tilespmem:v15+s0+$0x0] =	vst.idx.msk vm15, v59  }
0x336: {  	v10 =	vadd.s32 $0x8, v10;
	s4 =	sadd.s32 $0x200, s4;
	v12 =	vadd.s32 v11, v12;
	v11 =	vadd.s32 v63, v16;
	[tilespmem:v15+s25+$0x0] =	vst.idx.msk vm15, v20  }
0x337: {  	_ =	swait.ge [sflag:s31], $0x4000  }
0x338: {  	[sflag:s31] =	ssyncset.done $0x0;
	s3 =	rddreg [dreg:$0xc]  }
0x339: {  	[sflag:s31] =	ssyncadd.s32 $0xFFFFC000;
	s3 =	sadd.s32 s29, s3  }
0x33a: {  	[tilespmem:s1], [sflag:$0x2] =	stream.strided.gather [hbm4b:s3+s30], $0x4000, s26, s30, $0x38;
	[tilespmem:$0x18040] =	vst v63  }
0x33b: {  	s4 =	simm.s32 $0x100;
	s3 =	simm.s32 $0xFFFFFFF8  }
.LBB2_19:
0x33c: {  	v15 =	vld [tilespmem:s4+$0xFFFFFF00];
	_ =	sdelay $0x3  }
0x33d: {  	vm0 =	vlt.s32 v14, $0x1BF  }
0x33e: {  	v16 =	vnsel vm0, $0x1BF, v14;
	vm1 =	vle.f32 v15, v6  }
0x33f: {  	v16 =	vadd.s32 v1, v16;
	_ =	sdelay $0x4  }
0x340: {  	[tilespmem:v16+s0+$0x0] =	vst.idx.msk vm1, v15  }
0x341: {  	[tilespmem:v16+s25+$0x0] =	vst.idx.msk vm1, v10  }
0x342: {  	v15 =	vld [tilespmem:s4+$0xFFFFFF10]  }
0x343: {  	v37 =	vld [tilespmem:s4+$0xFFFFFF40]  }
0x344: {  	v39 =	vld [tilespmem:s4+$0xFFFFFF80]  }
0x345: {  	v21 =	vld [tilespmem:s4+$0xFFFFFFC0];
	v17 =	vsel vm1, $0x1, v2  }
0x346: {  	vm6 =	vlt.s32 v13, $0x1BF;
	v41 =	vld [tilespmem:s4+$0x0];
	v14 =	vadd.s32 v17, v14  }
0x347: {  	v25 =	vld [tilespmem:s4+$0x40];
	v18 =	vnsel vm6, $0x1BF, v13;
	vm8 =	vlt.s32 v14, $0x1BF;
	vm7 =	vle.f32 v15, v7  }
0x348: {  	v48 =	vld [tilespmem:s4+$0x80];
	v38 =	vadd.s32 v3, v18;
	vm2 =	vle.f32 v37, v6;
	v19 =	vnsel vm8, $0x1BF, v14  }
0x349: {  	v19 =	vadd.s32 v1, v19;
	_ =	sdelay $0x1  }
0x34a: {  	vm12 =	vlt.s32 v12, $0x1BF;
	vm9 =	vle.f32 v39, v6;
	vm10 =	vle.f32 v21, v6  }
0x34b: {  	vm4 =	vle.f32 v41, v6;
	vm6 =	vle.f32 v25, v6;
	v20 =	vsel vm2, $0x1, v2  }
0x34c: {  	v58 =	vld [tilespmem:s4+$0xC0];
	v45 =	vnsel vm12, $0x1BF, v12;
	vm5 =	vle.f32 v48, v6;
	[tilespmem:v38+s0+$0x0] =	vst.idx.msk vm7, v15;
	v15 =	vadd.s32 v20, v14  }
0x34d: {  	v22 =	vsel vm9, $0x1, v2;
	v23 =	vsel vm10, $0x1, v2;
	[tilespmem:v19+s0+$0x0] =	vst.idx.msk vm2, v37;
	vm3 =	vlt.s32 v15, $0x1BF  }
0x34e: {  	v14 =	vadd.s32 $0x1, v10;
	[tilespmem:v38+s25+$0x0] =	vst.idx.msk vm7, v10;
	v20 =	vnsel vm3, $0x1BF, v15;
	v15 =	vadd.s32 v22, v15  }
0x34f: {  	v42 =	vsel vm7, $0x1, v2;
	[tilespmem:v19+s25+$0x0] =	vst.idx.msk vm2, v14;
	v17 =	vld [tilespmem:s4+$0xFFFFFF20];
	v40 =	vadd.s32 v1, v20;
	vm11 =	vlt.s32 v15, $0x1BF  }
0x350: {  	v43 =	vadd.s32 v42, v13;
	v44 =	vld [tilespmem:s4+$0xFFFFFF50];
	v13 =	vnsel vm11, $0x1BF, v15;
	v15 =	vadd.s32 v23, v15  }
0x351: {  	vm0 =	vle.f32 v58, v6;
	v24 =	vadd.s32 v1, v13;
	vm13 =	vlt.s32 v15, $0x1BF  }
0x352: {  	v28 =	vsel vm4, $0x1, v2;
	v52 =	vsel vm6, $0x1, v2;
	v46 =	vnsel vm13, $0x1BF, v15  }
0x353: {  	v61 =	vsel vm5, $0x1, v2;
	vm14 =	vlt.s32 v43, $0x1BF;
	v18 =	vadd.s32 v1, v46  }
0x354: {  	v23 =	vadd.s32 v4, v45;
	v13 =	vadd.s32 $0x2, v10;
	vm1 =	vle.f32 v17, v8;
	[tilespmem:v40+s0+$0x0] =	vst.idx.msk vm9, v39  }
0x355: {  	v26 =	vnsel vm14, $0x1BF, v43;
	v47 =	vadd.s32 v28, v15;
	vm15 =	vle.f32 v44, v7;
	[tilespmem:v40+s25+$0x0] =	vst.idx.msk vm9, v13  }
0x356: {  	v16 =	vadd.s32 $0x3, v10;
	v26 =	vadd.s32 v3, v26;
	vm9 =	vlt.s32 v47, $0x1BF;
	v27 =	vld [tilespmem:s4+$0xFFFFFF90];
	[tilespmem:v24+s0+$0x0] =	vst.idx.msk vm10, v21  }
0x357: {  	v15 =	vadd.s32 $0x4, v10;
	v53 =	vadd.s32 v52, v47;
	v50 =	vnsel vm9, $0x1BF, v47;
	[tilespmem:v24+s25+$0x0] =	vst.idx.msk vm10, v16  }
0x358: {  	vm12 =	vlt.s32 v53, $0x1BF;
	v29 =	vsel vm15, $0x1, v2;
	v51 =	vadd.s32 v1, v50;
	[tilespmem:v18+s0+$0x0] =	vst.idx.msk vm4, v41  }
0x359: {  	v57 =	vnsel vm12, $0x1BF, v53;
	v19 =	vadd.s32 v29, v43;
	v40 =	vsel vm1, $0x1, v2;
	v49 =	vld [tilespmem:s4+$0xFFFFFFD0];
	[tilespmem:v18+s25+$0x0] =	vst.idx.msk vm4, v15  }
0x35a: {  	v59 =	vadd.s32 v1, v57;
	v12 =	vadd.s32 v40, v12;
	vm10 =	vlt.s32 v19, $0x1BF;
	[tilespmem:v23+s0+$0x0] =	vst.idx.msk vm1, v17  }
0x35b: {  	v30 =	vnsel vm10, $0x1BF, v19;
	[tilespmem:v26+s0+$0x0] =	vst.idx.msk vm15, v44;
	v18 =	vadd.s32 v61, v53;
	vm11 =	vle.f32 v27, v7  }
0x35c: {  	v54 =	vadd.s32 v3, v30;
	v56 =	vld [tilespmem:s4+$0x10];
	[tilespmem:v26+s25+$0x0] =	vst.idx.msk vm15, v14;
	vm9 =	vlt.s32 v18, $0x1BF;
	v55 =	vsel vm11, $0x1, v2  }
0x35d: {  	v17 =	vadd.s32 $0x5, v10;
	v31 =	vld [tilespmem:s4+$0xFFFFFF60];
	v37 =	vnsel vm9, $0x1BF, v18;
	[tilespmem:v51+s0+$0x0] =	vst.idx.msk vm6, v25;
	v19 =	vadd.s32 v55, v19  }
0x35e: {  	v39 =	vadd.s32 v1, v37;
	vm13 =	vle.f32 v49, v7;
	[tilespmem:v51+s25+$0x0] =	vst.idx.msk vm6, v17;
	vm14 =	vlt.s32 v19, $0x1BF  }
0x35f: {  	vm12 =	vlt.s32 v12, $0x1BF;
	[tilespmem:v23+s25+$0x0] =	vst.idx.msk vm1, v10;
	v62 =	vsel vm13, $0x1, v2;
	v36 =	vld [tilespmem:s4+$0x50];
	v60 =	vnsel vm14, $0x1BF, v19  }
0x360: {  	[tilespmem:v59+s0+$0x0] =	vst.idx.msk vm5, v48;
	v63 =	vadd.s32 v62, v19;
	v19 =	vadd.s32 $0x6, v10;
	v32 =	vadd.s32 v3, v60  }
0x361: {  	v45 =	vnsel vm12, $0x1BF, v12;
	vm15 =	vle.f32 v56, v7;
	[tilespmem:v59+s25+$0x0] =	vst.idx.msk vm5, v19  }
0x362: {  	vm7 =	vlt.s32 v63, $0x1BF;
	v38 =	vsel vm15, $0x1, v2;
	vm2 =	vle.f32 v31, v8;
	[tilespmem:v54+s0+$0x0] =	vst.idx.msk vm11, v27  }
0x363: {  	v46 =	vadd.s32 v4, v45;
	v33 =	vnsel vm7, $0x1BF, v63;
	v20 =	vadd.s32 v38, v63;
	[tilespmem:v39+s0+$0x0] =	vst.idx.msk vm0, v58  }
0x364: {  	v26 =	vld [tilespmem:s4+$0x90];
	[tilespmem:v54+s25+$0x0] =	vst.idx.msk vm11, v13;
	v41 =	vadd.s32 v3, v33;
	vm10 =	vlt.s32 v20, $0x1BF;
	vm11 =	vle.f32 v36, v7  }
0x365: {  	v42 =	vnsel vm10, $0x1BF, v20;
	v43 =	vld [tilespmem:s4+$0xFFFFFFA0];
	v44 =	vsel vm11, $0x1, v2;
	[tilespmem:v32+s0+$0x0] =	vst.idx.msk vm13, v49  }
0x366: {  	v27 =	vadd.s32 v3, v42;
	v29 =	vadd.s32 v44, v20;
	v20 =	vadd.s32 $0x7, v10;
	[tilespmem:v32+s25+$0x0] =	vst.idx.msk vm13, v16  }
0x367: {  	v48 =	vsel vm2, $0x1, v2;
	[tilespmem:v39+s25+$0x0] =	vst.idx.msk vm0, v20  }
0x368: {  	v12 =	vadd.s32 v48, v12;
	vm13 =	vlt.s32 v29, $0x1BF;
	[tilespmem:v46+s0+$0x0] =	vst.idx.msk vm2, v31;
	v50 =	vld [tilespmem:s4+$0xD0]  }
0x369: {  	vm9 =	vlt.s32 v12, $0x1BF;
	vm14 =	vle.f32 v26, v7;
	v47 =	vld [tilespmem:s4+$0xFFFFFFE0];
	[tilespmem:v41+s0+$0x0] =	vst.idx.msk vm15, v56;
	v49 =	vnsel vm13, $0x1BF, v29  }
0x36a: {  	v21 =	vld [tilespmem:s4+$0xFFFFFF30];
	v52 =	vsel vm14, $0x1, v2;
	[tilespmem:v41+s25+$0x0] =	vst.idx.msk vm15, v15;
	v51 =	vadd.s32 v3, v49;
	vm15 =	vle.f32 v43, v8  }
0x36b: {  	v53 =	vnsel vm9, $0x1BF, v12;
	v23 =	vadd.s32 v52, v29;
	v25 =	vld [tilespmem:s4+$0x20];
	[tilespmem:v27+s0+$0x0] =	vst.idx.msk vm11, v36;
	v54 =	vsel vm15, $0x1, v2  }
0x36c: {  	v55 =	vadd.s32 v4, v53;
	vm10 =	vlt.s32 v23, $0x1BF;
	[tilespmem:v27+s25+$0x0] =	vst.idx.msk vm11, v17;
	v12 =	vadd.s32 v54, v12  }
0x36d: {  	[tilespmem:v46+s25+$0x0] =	vst.idx.msk vm2, v14;
	v57 =	vnsel vm10, $0x1BF, v23;
	v56 =	vld [tilespmem:s4+$0x60];
	vm9 =	vlt.s32 v12, $0x1BF;
	vm2 =	vle.f32 v50, v7  }
0x36e: {  	v22 =	vadd.s32 v3, v57;
	vm11 =	vle.f32 v47, v8;
	v60 =	vnsel vm9, $0x1BF, v12  }
0x36f: {  	vm1 =	vle.f32 v21, v9;
	v59 =	vld [tilespmem:s4+$0xFFFFFF70];
	v58 =	vsel vm11, $0x1, v2;
	[tilespmem:v51+s0+$0x0] =	vst.idx.msk vm14, v26;
	v61 =	vadd.s32 v4, v60  }
0x370: {  	v34 =	vsel vm1, $0x1, v2;
	v12 =	vadd.s32 v58, v12;
	vm10 =	vle.f32 v25, v8;
	[tilespmem:v51+s25+$0x0] =	vst.idx.msk vm14, v19  }
0x371: {  	v37 =	vadd.s32 v34, v11;
	[tilespmem:v55+s0+$0x0] =	vst.idx.msk vm15, v43;
	vm12 =	vlt.s32 v12, $0x1BF;
	v62 =	vsel vm10, $0x1, v2;
	v63 =	vld [tilespmem:s4+$0xA0]  }
0x372: {  	[tilespmem:v55+s25+$0x0] =	vst.idx.msk vm15, v13;
	v35 =	vnsel vm12, $0x1BF, v12;
	v12 =	vadd.s32 v62, v12;
	vm6 =	vle.f32 v56, v8  }
0x373: {  	v28 =	vadd.s32 v4, v35;
	vm13 =	vlt.s32 v12, $0x1BF;
	v36 =	vsel vm6, $0x1, v2;
	[tilespmem:v22+s0+$0x0] =	vst.idx.msk vm2, v50  }
0x374: {  	vm4 =	vle.f32 v59, v9;
	v38 =	vnsel vm13, $0x1BF, v12;
	v12 =	vadd.s32 v36, v12;
	[tilespmem:v61+s0+$0x0] =	vst.idx.msk vm11, v47  }
0x375: {  	v41 =	vsel vm4, $0x1, v2;
	v39 =	vld [tilespmem:s4+$0xFFFFFFB0];
	v40 =	vadd.s32 v4, v38;
	vm14 =	vlt.s32 v12, $0x1BF;
	[tilespmem:v22+s25+$0x0] =	vst.idx.msk vm2, v20  }
0x376: {  	[tilespmem:v61+s25+$0x0] =	vst.idx.msk vm11, v16;
	vm11 =	vlt.s32 v37, $0x1BF;
	v42 =	vnsel vm14, $0x1BF, v12;
	vm15 =	vle.f32 v63, v8;
	v43 =	vld [tilespmem:s4+$0xE0]  }
0x377: {  	v22 =	vadd.s32 v41, v37;
	v30 =	vnsel vm11, $0x1BF, v37;
	v44 =	vadd.s32 v4, v42  }
0x378: {  	vm12 =	vlt.s32 v22, $0x1BF;
	v45 =	vsel vm15, $0x1, v2;
	v30 =	vadd.s32 v5, v30;
	[tilespmem:v28+s0+$0x0] =	vst.idx.msk vm10, v25  }
0x379: {  	v47 =	vld [tilespmem:s4+$0xFFFFFFF0];
	v46 =	vnsel vm12, $0x1BF, v22;
	v12 =	vadd.s32 v45, v12;
	[tilespmem:v28+s25+$0x0] =	vst.idx.msk vm10, v15  }
0x37a: {  	vm13 =	vle.f32 v39, v9;
	v48 =	vadd.s32 v5, v46;
	vm8 =	vlt.s32 v12, $0x1BF;
	[tilespmem:v40+s0+$0x0] =	vst.idx.msk vm6, v56  }
0x37b: {  	v49 =	vsel vm13, $0x1, v2;
	v50 =	vld [tilespmem:s4+$0x30];
	v51 =	vnsel vm8, $0x1BF, v12;
	[tilespmem:v40+s25+$0x0] =	vst.idx.msk vm6, v17;
	vm3 =	vle.f32 v43, v8  }
0x37c: {  	v22 =	vadd.s32 v49, v22;
	v52 =	vadd.s32 v4, v51;
	[tilespmem:v44+s0+$0x0] =	vst.idx.msk vm15, v63  }
0x37d: {  	vm14 =	vlt.s32 v22, $0x1BF;
	v53 =	vld [tilespmem:s4+$0x70];
	[tilespmem:v30+s0+$0x0] =	vst.idx.msk vm4, v59  }
0x37e: {  	v54 =	vnsel vm14, $0x1BF, v22;
	[tilespmem:v44+s25+$0x0] =	vst.idx.msk vm15, v19;
	vm15 =	vle.f32 v47, v9  }
0x37f: {  	vm8 =	vlt.s32 v11, $0x1BF;
	[tilespmem:v30+s25+$0x0] =	vst.idx.msk vm4, v14;
	v14 =	vadd.s32 v5, v54;
	v55 =	vsel vm15, $0x1, v2;
	v56 =	vld [tilespmem:s4+$0xB0]  }
0x380: {  	v11 =	vnsel vm8, $0x1BF, v11;
	[tilespmem:v48+s0+$0x0] =	vst.idx.msk vm13, v39;
	v22 =	vadd.s32 v55, v22;
	vm4 =	vle.f32 v50, v9  }
0x381: {  	v11 =	vadd.s32 v5, v11;
	vm9 =	vlt.s32 v22, $0x1BF;
	v57 =	vsel vm4, $0x1, v2;
	[tilespmem:v52+s0+$0x0] =	vst.idx.msk vm3, v43  }
0x382: {  	v26 =	vadd.s32 v57, v22;
	v22 =	vnsel vm9, $0x1BF, v22;
	vm10 =	vle.f32 v53, v9;
	[tilespmem:v52+s25+$0x0] =	vst.idx.msk vm3, v20  }
0x383: {  	[tilespmem:v48+s25+$0x0] =	vst.idx.msk vm13, v13;
	v13 =	vadd.s32 v5, v22;
	vm11 =	vlt.s32 v26, $0x1BF;
	v58 =	vsel vm10, $0x1, v2;
	v59 =	vld [tilespmem:s4+$0xF0]  }
0x384: {  	[tilespmem:v14+s0+$0x0] =	vst.idx.msk vm15, v47;
	v22 =	vadd.s32 v58, v26;
	v26 =	vnsel vm11, $0x1BF, v26;
	vm12 =	vle.f32 v56, v9  }
0x385: {  	[tilespmem:v14+s25+$0x0] =	vst.idx.msk vm15, v16;
	v14 =	vadd.s32 v5, v26;
	vm13 =	vlt.s32 v22, $0x1BF;
	v60 =	vsel vm12, $0x1, v2  }
0x386: {  	[tilespmem:v11+s0+$0x0] =	vst.idx.msk vm1, v21;
	v61 =	vnsel vm13, $0x1BF, v22;
	v16 =	vadd.s32 v60, v22  }
0x387: {  	[tilespmem:v11+s25+$0x0] =	vst.idx.msk vm1, v10;
	v11 =	vadd.s32 v5, v61;
	vm14 =	vlt.s32 v16, $0x1BF  }
0x388: {  	[tilespmem:v13+s0+$0x0] =	vst.idx.msk vm4, v50;
	v62 =	vnsel vm14, $0x1BF, v16;
	vm15 =	vle.f32 v59, v9  }
0x389: {  	s3 =	sadd.s32 $0x8, s3;
	[tilespmem:v13+s25+$0x0] =	vst.idx.msk vm4, v15;
	v15 =	vadd.s32 v5, v62  }
0x38a: {  	p0 =	slt.u32 s3, $0xF8;
	[tilespmem:v14+s0+$0x0] =	vst.idx.msk vm10, v53  }
.Ltmp12:
0x38b: {  	[tilespmem:v14+s25+$0x0] =	vst.idx.msk vm10, v17;
	(pc) =	sbr.rel @p0 .LBB2_19-.Ltmp12, $4  }
0x38c: {  	[tilespmem:v11+s0+$0x0] =	vst.idx.msk vm12, v56  }
0x38d: {  	v13 =	vsel vm0, $0x1, v2;
	v63 =	vsel vm15, $0x1, v2;
	[tilespmem:v11+s25+$0x0] =	vst.idx.msk vm12, v19;
	v11 =	vsel vm2, $0x1, v2  }
0x38e: {  	v14 =	vadd.s32 v13, v18;
	v13 =	vadd.s32 v11, v23;
	v11 =	vsel vm3, $0x1, v2;
	[tilespmem:v15+s0+$0x0] =	vst.idx.msk vm15, v59  }
0x38f: {  	v10 =	vadd.s32 $0x8, v10;
	s4 =	sadd.s32 $0x200, s4;
	v12 =	vadd.s32 v11, v12;
	v11 =	vadd.s32 v63, v16;
	[tilespmem:v15+s25+$0x0] =	vst.idx.msk vm15, v20  }
0x390: {  	_ =	swait.ge [sflag:s28], $0x4000  }
0x391: {  	[sflag:s28] =	ssyncset.done $0x0;
	s3 =	rddreg [dreg:$0xd]  }
0x392: {  	[sflag:s28] =	ssyncadd.s32 $0xFFFFC000;
	s3 =	sadd.s32 s29, s3  }
0x393: {  	[tilespmem:s2], [sflag:$0x1] =	stream.strided.gather [hbm4b:s3+s30], $0x4000, s26, s30, $0x38;
	[tilespmem:$0x18040] =	vst v63  }
0x394: {  	s4 =	simm.s32 $0x4100;
	s3 =	simm.s32 $0xFFFFFFF8  }
.LBB2_21:
0x395: {  	v15 =	vld [tilespmem:s4+$0xFFFFFF00];
	_ =	sdelay $0x3  }
0x396: {  	vm0 =	vlt.s32 v14, $0x1BF  }
0x397: {  	v16 =	vnsel vm0, $0x1BF, v14;
	vm1 =	vle.f32 v15, v6  }
0x398: {  	v16 =	vadd.s32 v1, v16;
	_ =	sdelay $0x4  }
0x399: {  	[tilespmem:v16+s0+$0x0] =	vst.idx.msk vm1, v15  }
0x39a: {  	[tilespmem:v16+s25+$0x0] =	vst.idx.msk vm1, v10  }
0x39b: {  	v15 =	vld [tilespmem:s4+$0xFFFFFF10]  }
0x39c: {  	v37 =	vld [tilespmem:s4+$0xFFFFFF40]  }
0x39d: {  	v39 =	vld [tilespmem:s4+$0xFFFFFF80]  }
0x39e: {  	v21 =	vld [tilespmem:s4+$0xFFFFFFC0];
	v17 =	vsel vm1, $0x1, v2  }
0x39f: {  	vm6 =	vlt.s32 v13, $0x1BF;
	v41 =	vld [tilespmem:s4+$0x0];
	v14 =	vadd.s32 v17, v14  }
0x3a0: {  	v25 =	vld [tilespmem:s4+$0x40];
	v18 =	vnsel vm6, $0x1BF, v13;
	vm8 =	vlt.s32 v14, $0x1BF;
	vm7 =	vle.f32 v15, v7  }
0x3a1: {  	v48 =	vld [tilespmem:s4+$0x80];
	v38 =	vadd.s32 v3, v18;
	vm2 =	vle.f32 v37, v6;
	v19 =	vnsel vm8, $0x1BF, v14  }
0x3a2: {  	v19 =	vadd.s32 v1, v19;
	_ =	sdelay $0x1  }
0x3a3: {  	vm12 =	vlt.s32 v12, $0x1BF;
	vm9 =	vle.f32 v39, v6;
	vm10 =	vle.f32 v21, v6  }
0x3a4: {  	vm4 =	vle.f32 v41, v6;
	vm6 =	vle.f32 v25, v6;
	v20 =	vsel vm2, $0x1, v2  }
0x3a5: {  	v58 =	vld [tilespmem:s4+$0xC0];
	v45 =	vnsel vm12, $0x1BF, v12;
	vm5 =	vle.f32 v48, v6;
	[tilespmem:v38+s0+$0x0] =	vst.idx.msk vm7, v15;
	v15 =	vadd.s32 v20, v14  }
0x3a6: {  	v22 =	vsel vm9, $0x1, v2;
	v23 =	vsel vm10, $0x1, v2;
	[tilespmem:v19+s0+$0x0] =	vst.idx.msk vm2, v37;
	vm3 =	vlt.s32 v15, $0x1BF  }
0x3a7: {  	v14 =	vadd.s32 $0x1, v10;
	[tilespmem:v38+s25+$0x0] =	vst.idx.msk vm7, v10;
	v20 =	vnsel vm3, $0x1BF, v15;
	v15 =	vadd.s32 v22, v15  }
0x3a8: {  	v42 =	vsel vm7, $0x1, v2;
	[tilespmem:v19+s25+$0x0] =	vst.idx.msk vm2, v14;
	v17 =	vld [tilespmem:s4+$0xFFFFFF20];
	v40 =	vadd.s32 v1, v20;
	vm11 =	vlt.s32 v15, $0x1BF  }
0x3a9: {  	v43 =	vadd.s32 v42, v13;
	v44 =	vld [tilespmem:s4+$0xFFFFFF50];
	v13 =	vnsel vm11, $0x1BF, v15;
	v15 =	vadd.s32 v23, v15  }
0x3aa: {  	vm0 =	vle.f32 v58, v6;
	v24 =	vadd.s32 v1, v13;
	vm13 =	vlt.s32 v15, $0x1BF  }
0x3ab: {  	v28 =	vsel vm4, $0x1, v2;
	v52 =	vsel vm6, $0x1, v2;
	v46 =	vnsel vm13, $0x1BF, v15  }
0x3ac: {  	v61 =	vsel vm5, $0x1, v2;
	vm14 =	vlt.s32 v43, $0x1BF;
	v18 =	vadd.s32 v1, v46  }
0x3ad: {  	v23 =	vadd.s32 v4, v45;
	v13 =	vadd.s32 $0x2, v10;
	vm1 =	vle.f32 v17, v8;
	[tilespmem:v40+s0+$0x0] =	vst.idx.msk vm9, v39  }
0x3ae: {  	v26 =	vnsel vm14, $0x1BF, v43;
	v47 =	vadd.s32 v28, v15;
	vm15 =	vle.f32 v44, v7;
	[tilespmem:v40+s25+$0x0] =	vst.idx.msk vm9, v13  }
0x3af: {  	v16 =	vadd.s32 $0x3, v10;
	v26 =	vadd.s32 v3, v26;
	vm9 =	vlt.s32 v47, $0x1BF;
	v27 =	vld [tilespmem:s4+$0xFFFFFF90];
	[tilespmem:v24+s0+$0x0] =	vst.idx.msk vm10, v21  }
0x3b0: {  	v15 =	vadd.s32 $0x4, v10;
	v53 =	vadd.s32 v52, v47;
	v50 =	vnsel vm9, $0x1BF, v47;
	[tilespmem:v24+s25+$0x0] =	vst.idx.msk vm10, v16  }
0x3b1: {  	vm12 =	vlt.s32 v53, $0x1BF;
	v29 =	vsel vm15, $0x1, v2;
	v51 =	vadd.s32 v1, v50;
	[tilespmem:v18+s0+$0x0] =	vst.idx.msk vm4, v41  }
0x3b2: {  	v57 =	vnsel vm12, $0x1BF, v53;
	v19 =	vadd.s32 v29, v43;
	v40 =	vsel vm1, $0x1, v2;
	v49 =	vld [tilespmem:s4+$0xFFFFFFD0];
	[tilespmem:v18+s25+$0x0] =	vst.idx.msk vm4, v15  }
0x3b3: {  	v59 =	vadd.s32 v1, v57;
	v12 =	vadd.s32 v40, v12;
	vm10 =	vlt.s32 v19, $0x1BF;
	[tilespmem:v23+s0+$0x0] =	vst.idx.msk vm1, v17  }
0x3b4: {  	v30 =	vnsel vm10, $0x1BF, v19;
	[tilespmem:v26+s0+$0x0] =	vst.idx.msk vm15, v44;
	v18 =	vadd.s32 v61, v53;
	vm11 =	vle.f32 v27, v7  }
0x3b5: {  	v54 =	vadd.s32 v3, v30;
	v56 =	vld [tilespmem:s4+$0x10];
	[tilespmem:v26+s25+$0x0] =	vst.idx.msk vm15, v14;
	vm9 =	vlt.s32 v18, $0x1BF;
	v55 =	vsel vm11, $0x1, v2  }
0x3b6: {  	v17 =	vadd.s32 $0x5, v10;
	v31 =	vld [tilespmem:s4+$0xFFFFFF60];
	v37 =	vnsel vm9, $0x1BF, v18;
	[tilespmem:v51+s0+$0x0] =	vst.idx.msk vm6, v25;
	v19 =	vadd.s32 v55, v19  }
0x3b7: {  	v39 =	vadd.s32 v1, v37;
	vm13 =	vle.f32 v49, v7;
	[tilespmem:v51+s25+$0x0] =	vst.idx.msk vm6, v17;
	vm14 =	vlt.s32 v19, $0x1BF  }
0x3b8: {  	vm12 =	vlt.s32 v12, $0x1BF;
	[tilespmem:v23+s25+$0x0] =	vst.idx.msk vm1, v10;
	v62 =	vsel vm13, $0x1, v2;
	v36 =	vld [tilespmem:s4+$0x50];
	v60 =	vnsel vm14, $0x1BF, v19  }
0x3b9: {  	[tilespmem:v59+s0+$0x0] =	vst.idx.msk vm5, v48;
	v63 =	vadd.s32 v62, v19;
	v19 =	vadd.s32 $0x6, v10;
	v32 =	vadd.s32 v3, v60  }
0x3ba: {  	v45 =	vnsel vm12, $0x1BF, v12;
	vm15 =	vle.f32 v56, v7;
	[tilespmem:v59+s25+$0x0] =	vst.idx.msk vm5, v19  }
0x3bb: {  	vm7 =	vlt.s32 v63, $0x1BF;
	v38 =	vsel vm15, $0x1, v2;
	vm2 =	vle.f32 v31, v8;
	[tilespmem:v54+s0+$0x0] =	vst.idx.msk vm11, v27  }
0x3bc: {  	v46 =	vadd.s32 v4, v45;
	v33 =	vnsel vm7, $0x1BF, v63;
	v20 =	vadd.s32 v38, v63;
	[tilespmem:v39+s0+$0x0] =	vst.idx.msk vm0, v58  }
0x3bd: {  	v26 =	vld [tilespmem:s4+$0x90];
	[tilespmem:v54+s25+$0x0] =	vst.idx.msk vm11, v13;
	v41 =	vadd.s32 v3, v33;
	vm10 =	vlt.s32 v20, $0x1BF;
	vm11 =	vle.f32 v36, v7  }
0x3be: {  	v42 =	vnsel vm10, $0x1BF, v20;
	v43 =	vld [tilespmem:s4+$0xFFFFFFA0];
	v44 =	vsel vm11, $0x1, v2;
	[tilespmem:v32+s0+$0x0] =	vst.idx.msk vm13, v49  }
0x3bf: {  	v27 =	vadd.s32 v3, v42;
	v29 =	vadd.s32 v44, v20;
	v20 =	vadd.s32 $0x7, v10;
	[tilespmem:v32+s25+$0x0] =	vst.idx.msk vm13, v16  }
0x3c0: {  	v48 =	vsel vm2, $0x1, v2;
	[tilespmem:v39+s25+$0x0] =	vst.idx.msk vm0, v20  }
0x3c1: {  	v12 =	vadd.s32 v48, v12;
	vm13 =	vlt.s32 v29, $0x1BF;
	[tilespmem:v46+s0+$0x0] =	vst.idx.msk vm2, v31;
	v50 =	vld [tilespmem:s4+$0xD0]  }
0x3c2: {  	vm9 =	vlt.s32 v12, $0x1BF;
	vm14 =	vle.f32 v26, v7;
	v47 =	vld [tilespmem:s4+$0xFFFFFFE0];
	[tilespmem:v41+s0+$0x0] =	vst.idx.msk vm15, v56;
	v49 =	vnsel vm13, $0x1BF, v29  }
0x3c3: {  	v21 =	vld [tilespmem:s4+$0xFFFFFF30];
	v52 =	vsel vm14, $0x1, v2;
	[tilespmem:v41+s25+$0x0] =	vst.idx.msk vm15, v15;
	v51 =	vadd.s32 v3, v49;
	vm15 =	vle.f32 v43, v8  }
0x3c4: {  	v53 =	vnsel vm9, $0x1BF, v12;
	v23 =	vadd.s32 v52, v29;
	v25 =	vld [tilespmem:s4+$0x20];
	[tilespmem:v27+s0+$0x0] =	vst.idx.msk vm11, v36;
	v54 =	vsel vm15, $0x1, v2  }
0x3c5: {  	v55 =	vadd.s32 v4, v53;
	vm10 =	vlt.s32 v23, $0x1BF;
	[tilespmem:v27+s25+$0x0] =	vst.idx.msk vm11, v17;
	v12 =	vadd.s32 v54, v12  }
0x3c6: {  	[tilespmem:v46+s25+$0x0] =	vst.idx.msk vm2, v14;
	v57 =	vnsel vm10, $0x1BF, v23;
	v56 =	vld [tilespmem:s4+$0x60];
	vm9 =	vlt.s32 v12, $0x1BF;
	vm2 =	vle.f32 v50, v7  }
0x3c7: {  	v22 =	vadd.s32 v3, v57;
	vm11 =	vle.f32 v47, v8;
	v60 =	vnsel vm9, $0x1BF, v12  }
0x3c8: {  	vm1 =	vle.f32 v21, v9;
	v59 =	vld [tilespmem:s4+$0xFFFFFF70];
	v58 =	vsel vm11, $0x1, v2;
	[tilespmem:v51+s0+$0x0] =	vst.idx.msk vm14, v26;
	v61 =	vadd.s32 v4, v60  }
0x3c9: {  	v34 =	vsel vm1, $0x1, v2;
	v12 =	vadd.s32 v58, v12;
	vm10 =	vle.f32 v25, v8;
	[tilespmem:v51+s25+$0x0] =	vst.idx.msk vm14, v19  }
0x3ca: {  	v37 =	vadd.s32 v34, v11;
	[tilespmem:v55+s0+$0x0] =	vst.idx.msk vm15, v43;
	vm12 =	vlt.s32 v12, $0x1BF;
	v62 =	vsel vm10, $0x1, v2;
	v63 =	vld [tilespmem:s4+$0xA0]  }
0x3cb: {  	[tilespmem:v55+s25+$0x0] =	vst.idx.msk vm15, v13;
	v35 =	vnsel vm12, $0x1BF, v12;
	v12 =	vadd.s32 v62, v12;
	vm6 =	vle.f32 v56, v8  }
0x3cc: {  	v28 =	vadd.s32 v4, v35;
	vm13 =	vlt.s32 v12, $0x1BF;
	v36 =	vsel vm6, $0x1, v2;
	[tilespmem:v22+s0+$0x0] =	vst.idx.msk vm2, v50  }
0x3cd: {  	vm4 =	vle.f32 v59, v9;
	v38 =	vnsel vm13, $0x1BF, v12;
	v12 =	vadd.s32 v36, v12;
	[tilespmem:v61+s0+$0x0] =	vst.idx.msk vm11, v47  }
0x3ce: {  	v41 =	vsel vm4, $0x1, v2;
	v39 =	vld [tilespmem:s4+$0xFFFFFFB0];
	v40 =	vadd.s32 v4, v38;
	vm14 =	vlt.s32 v12, $0x1BF;
	[tilespmem:v22+s25+$0x0] =	vst.idx.msk vm2, v20  }
0x3cf: {  	[tilespmem:v61+s25+$0x0] =	vst.idx.msk vm11, v16;
	vm11 =	vlt.s32 v37, $0x1BF;
	v42 =	vnsel vm14, $0x1BF, v12;
	vm15 =	vle.f32 v63, v8;
	v43 =	vld [tilespmem:s4+$0xE0]  }
0x3d0: {  	v22 =	vadd.s32 v41, v37;
	v30 =	vnsel vm11, $0x1BF, v37;
	v44 =	vadd.s32 v4, v42  }
0x3d1: {  	vm12 =	vlt.s32 v22, $0x1BF;
	v45 =	vsel vm15, $0x1, v2;
	v30 =	vadd.s32 v5, v30;
	[tilespmem:v28+s0+$0x0] =	vst.idx.msk vm10, v25  }
0x3d2: {  	v47 =	vld [tilespmem:s4+$0xFFFFFFF0];
	v46 =	vnsel vm12, $0x1BF, v22;
	v12 =	vadd.s32 v45, v12;
	[tilespmem:v28+s25+$0x0] =	vst.idx.msk vm10, v15  }
0x3d3: {  	vm13 =	vle.f32 v39, v9;
	v48 =	vadd.s32 v5, v46;
	vm8 =	vlt.s32 v12, $0x1BF;
	[tilespmem:v40+s0+$0x0] =	vst.idx.msk vm6, v56  }
0x3d4: {  	v49 =	vsel vm13, $0x1, v2;
	v50 =	vld [tilespmem:s4+$0x30];
	v51 =	vnsel vm8, $0x1BF, v12;
	[tilespmem:v40+s25+$0x0] =	vst.idx.msk vm6, v17;
	vm3 =	vle.f32 v43, v8  }
0x3d5: {  	v22 =	vadd.s32 v49, v22;
	v52 =	vadd.s32 v4, v51;
	[tilespmem:v44+s0+$0x0] =	vst.idx.msk vm15, v63  }
0x3d6: {  	vm14 =	vlt.s32 v22, $0x1BF;
	v53 =	vld [tilespmem:s4+$0x70];
	[tilespmem:v30+s0+$0x0] =	vst.idx.msk vm4, v59  }
0x3d7: {  	v54 =	vnsel vm14, $0x1BF, v22;
	[tilespmem:v44+s25+$0x0] =	vst.idx.msk vm15, v19;
	vm15 =	vle.f32 v47, v9  }
0x3d8: {  	vm8 =	vlt.s32 v11, $0x1BF;
	[tilespmem:v30+s25+$0x0] =	vst.idx.msk vm4, v14;
	v14 =	vadd.s32 v5, v54;
	v55 =	vsel vm15, $0x1, v2;
	v56 =	vld [tilespmem:s4+$0xB0]  }
0x3d9: {  	v11 =	vnsel vm8, $0x1BF, v11;
	[tilespmem:v48+s0+$0x0] =	vst.idx.msk vm13, v39;
	v22 =	vadd.s32 v55, v22;
	vm4 =	vle.f32 v50, v9  }
0x3da: {  	v11 =	vadd.s32 v5, v11;
	vm9 =	vlt.s32 v22, $0x1BF;
	v57 =	vsel vm4, $0x1, v2;
	[tilespmem:v52+s0+$0x0] =	vst.idx.msk vm3, v43  }
0x3db: {  	v26 =	vadd.s32 v57, v22;
	v22 =	vnsel vm9, $0x1BF, v22;
	vm10 =	vle.f32 v53, v9;
	[tilespmem:v52+s25+$0x0] =	vst.idx.msk vm3, v20  }
0x3dc: {  	[tilespmem:v48+s25+$0x0] =	vst.idx.msk vm13, v13;
	v13 =	vadd.s32 v5, v22;
	vm11 =	vlt.s32 v26, $0x1BF;
	v58 =	vsel vm10, $0x1, v2;
	v59 =	vld [tilespmem:s4+$0xF0]  }
0x3dd: {  	[tilespmem:v14+s0+$0x0] =	vst.idx.msk vm15, v47;
	v22 =	vadd.s32 v58, v26;
	v26 =	vnsel vm11, $0x1BF, v26;
	vm12 =	vle.f32 v56, v9  }
0x3de: {  	[tilespmem:v14+s25+$0x0] =	vst.idx.msk vm15, v16;
	v14 =	vadd.s32 v5, v26;
	vm13 =	vlt.s32 v22, $0x1BF;
	v60 =	vsel vm12, $0x1, v2  }
0x3df: {  	[tilespmem:v11+s0+$0x0] =	vst.idx.msk vm1, v21;
	v61 =	vnsel vm13, $0x1BF, v22;
	v16 =	vadd.s32 v60, v22  }
0x3e0: {  	[tilespmem:v11+s25+$0x0] =	vst.idx.msk vm1, v10;
	v11 =	vadd.s32 v5, v61;
	vm14 =	vlt.s32 v16, $0x1BF  }
0x3e1: {  	[tilespmem:v13+s0+$0x0] =	vst.idx.msk vm4, v50;
	v62 =	vnsel vm14, $0x1BF, v16;
	vm15 =	vle.f32 v59, v9  }
0x3e2: {  	s3 =	sadd.s32 $0x8, s3;
	[tilespmem:v13+s25+$0x0] =	vst.idx.msk vm4, v15;
	v15 =	vadd.s32 v5, v62  }
0x3e3: {  	p0 =	slt.u32 s3, $0xF8;
	[tilespmem:v14+s0+$0x0] =	vst.idx.msk vm10, v53  }
.Ltmp13:
0x3e4: {  	[tilespmem:v14+s25+$0x0] =	vst.idx.msk vm10, v17;
	(pc) =	sbr.rel @p0 .LBB2_21-.Ltmp13, $4  }
0x3e5: {  	[tilespmem:v11+s0+$0x0] =	vst.idx.msk vm12, v56  }
0x3e6: {  	v13 =	vsel vm0, $0x1, v2;
	v63 =	vsel vm15, $0x1, v2;
	[tilespmem:v11+s25+$0x0] =	vst.idx.msk vm12, v19;
	v11 =	vsel vm2, $0x1, v2  }
0x3e7: {  	v14 =	vadd.s32 v13, v18;
	v13 =	vadd.s32 v11, v23;
	v11 =	vsel vm3, $0x1, v2;
	[tilespmem:v15+s0+$0x0] =	vst.idx.msk vm15, v59  }
0x3e8: {  	v10 =	vadd.s32 $0x8, v10;
	s4 =	sadd.s32 $0x200, s4;
	v12 =	vadd.s32 v11, v12;
	v11 =	vadd.s32 v63, v16;
	[tilespmem:v15+s25+$0x0] =	vst.idx.msk vm15, v20  }
0x3e9: {  	_ =	swait.ge [sflag:s31], $0x4000  }
0x3ea: {  	[sflag:s31] =	ssyncset.done $0x0  }
0x3eb: {  	s3 =	sadd.s32 s29, s16;
	[sflag:s31] =	ssyncadd.s32 $0xFFFFC000  }
0x3ec: {  	[tilespmem:s1], [sflag:$0x2] =	stream.strided.gather [hbm4b:s3+s30], $0x4000, s26, s30, $0x38;
	[tilespmem:$0x18040] =	vst v63  }
0x3ed: {  	s4 =	simm.s32 $0x100;
	s3 =	simm.s32 $0xFFFFFFF8  }
.LBB2_23:
0x3ee: {  	v15 =	vld [tilespmem:s4+$0xFFFFFF00];
	_ =	sdelay $0x3  }
0x3ef: {  	vm0 =	vlt.s32 v14, $0x1BF  }
0x3f0: {  	v16 =	vnsel vm0, $0x1BF, v14;
	vm1 =	vle.f32 v15, v6  }
0x3f1: {  	v16 =	vadd.s32 v1, v16;
	_ =	sdelay $0x4  }
0x3f2: {  	[tilespmem:v16+s0+$0x0] =	vst.idx.msk vm1, v15  }
0x3f3: {  	[tilespmem:v16+s25+$0x0] =	vst.idx.msk vm1, v10  }
0x3f4: {  	v15 =	vld [tilespmem:s4+$0xFFFFFF10]  }
0x3f5: {  	v37 =	vld [tilespmem:s4+$0xFFFFFF40]  }
0x3f6: {  	v39 =	vld [tilespmem:s4+$0xFFFFFF80]  }
0x3f7: {  	v21 =	vld [tilespmem:s4+$0xFFFFFFC0];
	v17 =	vsel vm1, $0x1, v2  }
0x3f8: {  	vm6 =	vlt.s32 v13, $0x1BF;
	v41 =	vld [tilespmem:s4+$0x0];
	v14 =	vadd.s32 v17, v14  }
0x3f9: {  	v25 =	vld [tilespmem:s4+$0x40];
	v18 =	vnsel vm6, $0x1BF, v13;
	vm8 =	vlt.s32 v14, $0x1BF;
	vm7 =	vle.f32 v15, v7  }
0x3fa: {  	v48 =	vld [tilespmem:s4+$0x80];
	v38 =	vadd.s32 v3, v18;
	vm2 =	vle.f32 v37, v6;
	v19 =	vnsel vm8, $0x1BF, v14  }
0x3fb: {  	v19 =	vadd.s32 v1, v19;
	_ =	sdelay $0x1  }
0x3fc: {  	vm12 =	vlt.s32 v12, $0x1BF;
	vm9 =	vle.f32 v39, v6;
	vm10 =	vle.f32 v21, v6  }
0x3fd: {  	vm4 =	vle.f32 v41, v6;
	vm6 =	vle.f32 v25, v6;
	v20 =	vsel vm2, $0x1, v2  }
0x3fe: {  	v58 =	vld [tilespmem:s4+$0xC0];
	v45 =	vnsel vm12, $0x1BF, v12;
	vm5 =	vle.f32 v48, v6;
	[tilespmem:v38+s0+$0x0] =	vst.idx.msk vm7, v15;
	v15 =	vadd.s32 v20, v14  }
0x3ff: {  	v22 =	vsel vm9, $0x1, v2;
	v23 =	vsel vm10, $0x1, v2;
	[tilespmem:v19+s0+$0x0] =	vst.idx.msk vm2, v37;
	vm3 =	vlt.s32 v15, $0x1BF  }
0x400: {  	v14 =	vadd.s32 $0x1, v10;
	[tilespmem:v38+s25+$0x0] =	vst.idx.msk vm7, v10;
	v20 =	vnsel vm3, $0x1BF, v15;
	v15 =	vadd.s32 v22, v15  }
0x401: {  	v42 =	vsel vm7, $0x1, v2;
	[tilespmem:v19+s25+$0x0] =	vst.idx.msk vm2, v14;
	v17 =	vld [tilespmem:s4+$0xFFFFFF20];
	v40 =	vadd.s32 v1, v20;
	vm11 =	vlt.s32 v15, $0x1BF  }
0x402: {  	v43 =	vadd.s32 v42, v13;
	v44 =	vld [tilespmem:s4+$0xFFFFFF50];
	v13 =	vnsel vm11, $0x1BF, v15;
	v15 =	vadd.s32 v23, v15  }
0x403: {  	vm0 =	vle.f32 v58, v6;
	v24 =	vadd.s32 v1, v13;
	vm13 =	vlt.s32 v15, $0x1BF  }
0x404: {  	v28 =	vsel vm4, $0x1, v2;
	v52 =	vsel vm6, $0x1, v2;
	v46 =	vnsel vm13, $0x1BF, v15  }
0x405: {  	v61 =	vsel vm5, $0x1, v2;
	vm14 =	vlt.s32 v43, $0x1BF;
	v18 =	vadd.s32 v1, v46  }
0x406: {  	v23 =	vadd.s32 v4, v45;
	v13 =	vadd.s32 $0x2, v10;
	vm1 =	vle.f32 v17, v8;
	[tilespmem:v40+s0+$0x0] =	vst.idx.msk vm9, v39  }
0x407: {  	v26 =	vnsel vm14, $0x1BF, v43;
	v47 =	vadd.s32 v28, v15;
	vm15 =	vle.f32 v44, v7;
	[tilespmem:v40+s25+$0x0] =	vst.idx.msk vm9, v13  }
0x408: {  	v16 =	vadd.s32 $0x3, v10;
	v26 =	vadd.s32 v3, v26;
	vm9 =	vlt.s32 v47, $0x1BF;
	v27 =	vld [tilespmem:s4+$0xFFFFFF90];
	[tilespmem:v24+s0+$0x0] =	vst.idx.msk vm10, v21  }
0x409: {  	v15 =	vadd.s32 $0x4, v10;
	v53 =	vadd.s32 v52, v47;
	v50 =	vnsel vm9, $0x1BF, v47;
	[tilespmem:v24+s25+$0x0] =	vst.idx.msk vm10, v16  }
0x40a: {  	vm12 =	vlt.s32 v53, $0x1BF;
	v29 =	vsel vm15, $0x1, v2;
	v51 =	vadd.s32 v1, v50;
	[tilespmem:v18+s0+$0x0] =	vst.idx.msk vm4, v41  }
0x40b: {  	v57 =	vnsel vm12, $0x1BF, v53;
	v19 =	vadd.s32 v29, v43;
	v40 =	vsel vm1, $0x1, v2;
	v49 =	vld [tilespmem:s4+$0xFFFFFFD0];
	[tilespmem:v18+s25+$0x0] =	vst.idx.msk vm4, v15  }
0x40c: {  	v59 =	vadd.s32 v1, v57;
	v12 =	vadd.s32 v40, v12;
	vm10 =	vlt.s32 v19, $0x1BF;
	[tilespmem:v23+s0+$0x0] =	vst.idx.msk vm1, v17  }
0x40d: {  	v30 =	vnsel vm10, $0x1BF, v19;
	[tilespmem:v26+s0+$0x0] =	vst.idx.msk vm15, v44;
	v18 =	vadd.s32 v61, v53;
	vm11 =	vle.f32 v27, v7  }
0x40e: {  	v54 =	vadd.s32 v3, v30;
	v56 =	vld [tilespmem:s4+$0x10];
	[tilespmem:v26+s25+$0x0] =	vst.idx.msk vm15, v14;
	vm9 =	vlt.s32 v18, $0x1BF;
	v55 =	vsel vm11, $0x1, v2  }
0x40f: {  	v17 =	vadd.s32 $0x5, v10;
	v31 =	vld [tilespmem:s4+$0xFFFFFF60];
	v37 =	vnsel vm9, $0x1BF, v18;
	[tilespmem:v51+s0+$0x0] =	vst.idx.msk vm6, v25;
	v19 =	vadd.s32 v55, v19  }
0x410: {  	v39 =	vadd.s32 v1, v37;
	vm13 =	vle.f32 v49, v7;
	[tilespmem:v51+s25+$0x0] =	vst.idx.msk vm6, v17;
	vm14 =	vlt.s32 v19, $0x1BF  }
0x411: {  	vm12 =	vlt.s32 v12, $0x1BF;
	[tilespmem:v23+s25+$0x0] =	vst.idx.msk vm1, v10;
	v62 =	vsel vm13, $0x1, v2;
	v36 =	vld [tilespmem:s4+$0x50];
	v60 =	vnsel vm14, $0x1BF, v19  }
0x412: {  	[tilespmem:v59+s0+$0x0] =	vst.idx.msk vm5, v48;
	v63 =	vadd.s32 v62, v19;
	v19 =	vadd.s32 $0x6, v10;
	v32 =	vadd.s32 v3, v60  }
0x413: {  	v45 =	vnsel vm12, $0x1BF, v12;
	vm15 =	vle.f32 v56, v7;
	[tilespmem:v59+s25+$0x0] =	vst.idx.msk vm5, v19  }
0x414: {  	vm7 =	vlt.s32 v63, $0x1BF;
	v38 =	vsel vm15, $0x1, v2;
	vm2 =	vle.f32 v31, v8;
	[tilespmem:v54+s0+$0x0] =	vst.idx.msk vm11, v27  }
0x415: {  	v46 =	vadd.s32 v4, v45;
	v33 =	vnsel vm7, $0x1BF, v63;
	v20 =	vadd.s32 v38, v63;
	[tilespmem:v39+s0+$0x0] =	vst.idx.msk vm0, v58  }
0x416: {  	v26 =	vld [tilespmem:s4+$0x90];
	[tilespmem:v54+s25+$0x0] =	vst.idx.msk vm11, v13;
	v41 =	vadd.s32 v3, v33;
	vm10 =	vlt.s32 v20, $0x1BF;
	vm11 =	vle.f32 v36, v7  }
0x417: {  	v42 =	vnsel vm10, $0x1BF, v20;
	v43 =	vld [tilespmem:s4+$0xFFFFFFA0];
	v44 =	vsel vm11, $0x1, v2;
	[tilespmem:v32+s0+$0x0] =	vst.idx.msk vm13, v49  }
0x418: {  	v27 =	vadd.s32 v3, v42;
	v29 =	vadd.s32 v44, v20;
	v20 =	vadd.s32 $0x7, v10;
	[tilespmem:v32+s25+$0x0] =	vst.idx.msk vm13, v16  }
0x419: {  	v48 =	vsel vm2, $0x1, v2;
	[tilespmem:v39+s25+$0x0] =	vst.idx.msk vm0, v20  }
0x41a: {  	v12 =	vadd.s32 v48, v12;
	vm13 =	vlt.s32 v29, $0x1BF;
	[tilespmem:v46+s0+$0x0] =	vst.idx.msk vm2, v31;
	v50 =	vld [tilespmem:s4+$0xD0]  }
0x41b: {  	vm9 =	vlt.s32 v12, $0x1BF;
	vm14 =	vle.f32 v26, v7;
	v47 =	vld [tilespmem:s4+$0xFFFFFFE0];
	[tilespmem:v41+s0+$0x0] =	vst.idx.msk vm15, v56;
	v49 =	vnsel vm13, $0x1BF, v29  }
0x41c: {  	v21 =	vld [tilespmem:s4+$0xFFFFFF30];
	v52 =	vsel vm14, $0x1, v2;
	[tilespmem:v41+s25+$0x0] =	vst.idx.msk vm15, v15;
	v51 =	vadd.s32 v3, v49;
	vm15 =	vle.f32 v43, v8  }
0x41d: {  	v53 =	vnsel vm9, $0x1BF, v12;
	v23 =	vadd.s32 v52, v29;
	v25 =	vld [tilespmem:s4+$0x20];
	[tilespmem:v27+s0+$0x0] =	vst.idx.msk vm11, v36;
	v54 =	vsel vm15, $0x1, v2  }
0x41e: {  	v55 =	vadd.s32 v4, v53;
	vm10 =	vlt.s32 v23, $0x1BF;
	[tilespmem:v27+s25+$0x0] =	vst.idx.msk vm11, v17;
	v12 =	vadd.s32 v54, v12  }
0x41f: {  	[tilespmem:v46+s25+$0x0] =	vst.idx.msk vm2, v14;
	v57 =	vnsel vm10, $0x1BF, v23;
	v56 =	vld [tilespmem:s4+$0x60];
	vm9 =	vlt.s32 v12, $0x1BF;
	vm2 =	vle.f32 v50, v7  }
0x420: {  	v22 =	vadd.s32 v3, v57;
	vm11 =	vle.f32 v47, v8;
	v60 =	vnsel vm9, $0x1BF, v12  }
0x421: {  	vm1 =	vle.f32 v21, v9;
	v59 =	vld [tilespmem:s4+$0xFFFFFF70];
	v58 =	vsel vm11, $0x1, v2;
	[tilespmem:v51+s0+$0x0] =	vst.idx.msk vm14, v26;
	v61 =	vadd.s32 v4, v60  }
0x422: {  	v34 =	vsel vm1, $0x1, v2;
	v12 =	vadd.s32 v58, v12;
	vm10 =	vle.f32 v25, v8;
	[tilespmem:v51+s25+$0x0] =	vst.idx.msk vm14, v19  }
0x423: {  	v37 =	vadd.s32 v34, v11;
	[tilespmem:v55+s0+$0x0] =	vst.idx.msk vm15, v43;
	vm12 =	vlt.s32 v12, $0x1BF;
	v62 =	vsel vm10, $0x1, v2;
	v63 =	vld [tilespmem:s4+$0xA0]  }
0x424: {  	[tilespmem:v55+s25+$0x0] =	vst.idx.msk vm15, v13;
	v35 =	vnsel vm12, $0x1BF, v12;
	v12 =	vadd.s32 v62, v12;
	vm6 =	vle.f32 v56, v8  }
0x425: {  	v28 =	vadd.s32 v4, v35;
	vm13 =	vlt.s32 v12, $0x1BF;
	v36 =	vsel vm6, $0x1, v2;
	[tilespmem:v22+s0+$0x0] =	vst.idx.msk vm2, v50  }
0x426: {  	vm4 =	vle.f32 v59, v9;
	v38 =	vnsel vm13, $0x1BF, v12;
	v12 =	vadd.s32 v36, v12;
	[tilespmem:v61+s0+$0x0] =	vst.idx.msk vm11, v47  }
0x427: {  	v41 =	vsel vm4, $0x1, v2;
	v39 =	vld [tilespmem:s4+$0xFFFFFFB0];
	v40 =	vadd.s32 v4, v38;
	vm14 =	vlt.s32 v12, $0x1BF;
	[tilespmem:v22+s25+$0x0] =	vst.idx.msk vm2, v20  }
0x428: {  	[tilespmem:v61+s25+$0x0] =	vst.idx.msk vm11, v16;
	vm11 =	vlt.s32 v37, $0x1BF;
	v42 =	vnsel vm14, $0x1BF, v12;
	vm15 =	vle.f32 v63, v8;
	v43 =	vld [tilespmem:s4+$0xE0]  }
0x429: {  	v22 =	vadd.s32 v41, v37;
	v30 =	vnsel vm11, $0x1BF, v37;
	v44 =	vadd.s32 v4, v42  }
0x42a: {  	vm12 =	vlt.s32 v22, $0x1BF;
	v45 =	vsel vm15, $0x1, v2;
	v30 =	vadd.s32 v5, v30;
	[tilespmem:v28+s0+$0x0] =	vst.idx.msk vm10, v25  }
0x42b: {  	v47 =	vld [tilespmem:s4+$0xFFFFFFF0];
	v46 =	vnsel vm12, $0x1BF, v22;
	v12 =	vadd.s32 v45, v12;
	[tilespmem:v28+s25+$0x0] =	vst.idx.msk vm10, v15  }
0x42c: {  	vm13 =	vle.f32 v39, v9;
	v48 =	vadd.s32 v5, v46;
	vm8 =	vlt.s32 v12, $0x1BF;
	[tilespmem:v40+s0+$0x0] =	vst.idx.msk vm6, v56  }
0x42d: {  	v49 =	vsel vm13, $0x1, v2;
	v50 =	vld [tilespmem:s4+$0x30];
	v51 =	vnsel vm8, $0x1BF, v12;
	[tilespmem:v40+s25+$0x0] =	vst.idx.msk vm6, v17;
	vm3 =	vle.f32 v43, v8  }
0x42e: {  	v22 =	vadd.s32 v49, v22;
	v52 =	vadd.s32 v4, v51;
	[tilespmem:v44+s0+$0x0] =	vst.idx.msk vm15, v63  }
0x42f: {  	vm14 =	vlt.s32 v22, $0x1BF;
	v53 =	vld [tilespmem:s4+$0x70];
	[tilespmem:v30+s0+$0x0] =	vst.idx.msk vm4, v59  }
0x430: {  	v54 =	vnsel vm14, $0x1BF, v22;
	[tilespmem:v44+s25+$0x0] =	vst.idx.msk vm15, v19;
	vm15 =	vle.f32 v47, v9  }
0x431: {  	vm8 =	vlt.s32 v11, $0x1BF;
	[tilespmem:v30+s25+$0x0] =	vst.idx.msk vm4, v14;
	v14 =	vadd.s32 v5, v54;
	v55 =	vsel vm15, $0x1, v2;
	v56 =	vld [tilespmem:s4+$0xB0]  }
0x432: {  	v11 =	vnsel vm8, $0x1BF, v11;
	[tilespmem:v48+s0+$0x0] =	vst.idx.msk vm13, v39;
	v22 =	vadd.s32 v55, v22;
	vm4 =	vle.f32 v50, v9  }
0x433: {  	v11 =	vadd.s32 v5, v11;
	vm9 =	vlt.s32 v22, $0x1BF;
	v57 =	vsel vm4, $0x1, v2;
	[tilespmem:v52+s0+$0x0] =	vst.idx.msk vm3, v43  }
0x434: {  	v26 =	vadd.s32 v57, v22;
	v22 =	vnsel vm9, $0x1BF, v22;
	vm10 =	vle.f32 v53, v9;
	[tilespmem:v52+s25+$0x0] =	vst.idx.msk vm3, v20  }
0x435: {  	[tilespmem:v48+s25+$0x0] =	vst.idx.msk vm13, v13;
	v13 =	vadd.s32 v5, v22;
	vm11 =	vlt.s32 v26, $0x1BF;
	v58 =	vsel vm10, $0x1, v2;
	v59 =	vld [tilespmem:s4+$0xF0]  }
0x436: {  	[tilespmem:v14+s0+$0x0] =	vst.idx.msk vm15, v47;
	v22 =	vadd.s32 v58, v26;
	v26 =	vnsel vm11, $0x1BF, v26;
	vm12 =	vle.f32 v56, v9  }
0x437: {  	[tilespmem:v14+s25+$0x0] =	vst.idx.msk vm15, v16;
	v14 =	vadd.s32 v5, v26;
	vm13 =	vlt.s32 v22, $0x1BF;
	v60 =	vsel vm12, $0x1, v2  }
0x438: {  	[tilespmem:v11+s0+$0x0] =	vst.idx.msk vm1, v21;
	v61 =	vnsel vm13, $0x1BF, v22;
	v16 =	vadd.s32 v60, v22  }
0x439: {  	[tilespmem:v11+s25+$0x0] =	vst.idx.msk vm1, v10;
	v11 =	vadd.s32 v5, v61;
	vm14 =	vlt.s32 v16, $0x1BF  }
0x43a: {  	[tilespmem:v13+s0+$0x0] =	vst.idx.msk vm4, v50;
	v62 =	vnsel vm14, $0x1BF, v16;
	vm15 =	vle.f32 v59, v9  }
0x43b: {  	s3 =	sadd.s32 $0x8, s3;
	[tilespmem:v13+s25+$0x0] =	vst.idx.msk vm4, v15;
	v15 =	vadd.s32 v5, v62  }
0x43c: {  	p0 =	slt.u32 s3, $0xF8;
	[tilespmem:v14+s0+$0x0] =	vst.idx.msk vm10, v53  }
.Ltmp14:
0x43d: {  	[tilespmem:v14+s25+$0x0] =	vst.idx.msk vm10, v17;
	(pc) =	sbr.rel @p0 .LBB2_23-.Ltmp14, $4  }
0x43e: {  	[tilespmem:v11+s0+$0x0] =	vst.idx.msk vm12, v56  }
0x43f: {  	v13 =	vsel vm0, $0x1, v2;
	v63 =	vsel vm15, $0x1, v2;
	[tilespmem:v11+s25+$0x0] =	vst.idx.msk vm12, v19;
	v11 =	vsel vm2, $0x1, v2  }
0x440: {  	v14 =	vadd.s32 v13, v18;
	v13 =	vadd.s32 v11, v23;
	v11 =	vsel vm3, $0x1, v2;
	[tilespmem:v15+s0+$0x0] =	vst.idx.msk vm15, v59  }
0x441: {  	v10 =	vadd.s32 $0x8, v10;
	s4 =	sadd.s32 $0x200, s4;
	v12 =	vadd.s32 v11, v12;
	v11 =	vadd.s32 v63, v16;
	[tilespmem:v15+s25+$0x0] =	vst.idx.msk vm15, v20  }
0x442: {  	_ =	swait.ge [sflag:s28], $0x4000  }
0x443: {  	[sflag:s28] =	ssyncset.done $0x0  }
0x444: {  	s3 =	sadd.s32 s29, s18;
	[sflag:s28] =	ssyncadd.s32 $0xFFFFC000  }
0x445: {  	[tilespmem:s2], [sflag:$0x1] =	stream.strided.gather [hbm4b:s3+s30], $0x4000, s26, s30, $0x38;
	[tilespmem:$0x18040] =	vst v63  }
0x446: {  	s4 =	simm.s32 $0x4100;
	s3 =	simm.s32 $0xFFFFFFF8  }
.LBB2_25:
0x447: {  	v15 =	vld [tilespmem:s4+$0xFFFFFF00];
	_ =	sdelay $0x3  }
0x448: {  	vm0 =	vlt.s32 v14, $0x1BF  }
0x449: {  	v16 =	vnsel vm0, $0x1BF, v14;
	vm1 =	vle.f32 v15, v6  }
0x44a: {  	v16 =	vadd.s32 v1, v16;
	_ =	sdelay $0x4  }
0x44b: {  	[tilespmem:v16+s0+$0x0] =	vst.idx.msk vm1, v15  }
0x44c: {  	[tilespmem:v16+s25+$0x0] =	vst.idx.msk vm1, v10  }
0x44d: {  	v15 =	vld [tilespmem:s4+$0xFFFFFF10]  }
0x44e: {  	v37 =	vld [tilespmem:s4+$0xFFFFFF40]  }
0x44f: {  	v39 =	vld [tilespmem:s4+$0xFFFFFF80]  }
0x450: {  	v21 =	vld [tilespmem:s4+$0xFFFFFFC0];
	v17 =	vsel vm1, $0x1, v2  }
0x451: {  	vm6 =	vlt.s32 v13, $0x1BF;
	v41 =	vld [tilespmem:s4+$0x0];
	v14 =	vadd.s32 v17, v14  }
0x452: {  	v25 =	vld [tilespmem:s4+$0x40];
	v18 =	vnsel vm6, $0x1BF, v13;
	vm8 =	vlt.s32 v14, $0x1BF;
	vm7 =	vle.f32 v15, v7  }
0x453: {  	v48 =	vld [tilespmem:s4+$0x80];
	v38 =	vadd.s32 v3, v18;
	vm2 =	vle.f32 v37, v6;
	v19 =	vnsel vm8, $0x1BF, v14  }
0x454: {  	v19 =	vadd.s32 v1, v19;
	_ =	sdelay $0x1  }
0x455: {  	vm12 =	vlt.s32 v12, $0x1BF;
	vm9 =	vle.f32 v39, v6;
	vm10 =	vle.f32 v21, v6  }
0x456: {  	vm4 =	vle.f32 v41, v6;
	vm6 =	vle.f32 v25, v6;
	v20 =	vsel vm2, $0x1, v2  }
0x457: {  	v58 =	vld [tilespmem:s4+$0xC0];
	v45 =	vnsel vm12, $0x1BF, v12;
	vm5 =	vle.f32 v48, v6;
	[tilespmem:v38+s0+$0x0] =	vst.idx.msk vm7, v15;
	v15 =	vadd.s32 v20, v14  }
0x458: {  	v22 =	vsel vm9, $0x1, v2;
	v23 =	vsel vm10, $0x1, v2;
	[tilespmem:v19+s0+$0x0] =	vst.idx.msk vm2, v37;
	vm3 =	vlt.s32 v15, $0x1BF  }
0x459: {  	v14 =	vadd.s32 $0x1, v10;
	[tilespmem:v38+s25+$0x0] =	vst.idx.msk vm7, v10;
	v20 =	vnsel vm3, $0x1BF, v15;
	v15 =	vadd.s32 v22, v15  }
0x45a: {  	v42 =	vsel vm7, $0x1, v2;
	[tilespmem:v19+s25+$0x0] =	vst.idx.msk vm2, v14;
	v17 =	vld [tilespmem:s4+$0xFFFFFF20];
	v40 =	vadd.s32 v1, v20;
	vm11 =	vlt.s32 v15, $0x1BF  }
0x45b: {  	v43 =	vadd.s32 v42, v13;
	v44 =	vld [tilespmem:s4+$0xFFFFFF50];
	v13 =	vnsel vm11, $0x1BF, v15;
	v15 =	vadd.s32 v23, v15  }
0x45c: {  	vm0 =	vle.f32 v58, v6;
	v24 =	vadd.s32 v1, v13;
	vm13 =	vlt.s32 v15, $0x1BF  }
0x45d: {  	v28 =	vsel vm4, $0x1, v2;
	v52 =	vsel vm6, $0x1, v2;
	v46 =	vnsel vm13, $0x1BF, v15  }
0x45e: {  	v61 =	vsel vm5, $0x1, v2;
	vm14 =	vlt.s32 v43, $0x1BF;
	v18 =	vadd.s32 v1, v46  }
0x45f: {  	v23 =	vadd.s32 v4, v45;
	v13 =	vadd.s32 $0x2, v10;
	vm1 =	vle.f32 v17, v8;
	[tilespmem:v40+s0+$0x0] =	vst.idx.msk vm9, v39  }
0x460: {  	v26 =	vnsel vm14, $0x1BF, v43;
	v47 =	vadd.s32 v28, v15;
	vm15 =	vle.f32 v44, v7;
	[tilespmem:v40+s25+$0x0] =	vst.idx.msk vm9, v13  }
0x461: {  	v16 =	vadd.s32 $0x3, v10;
	v26 =	vadd.s32 v3, v26;
	vm9 =	vlt.s32 v47, $0x1BF;
	v27 =	vld [tilespmem:s4+$0xFFFFFF90];
	[tilespmem:v24+s0+$0x0] =	vst.idx.msk vm10, v21  }
0x462: {  	v15 =	vadd.s32 $0x4, v10;
	v53 =	vadd.s32 v52, v47;
	v50 =	vnsel vm9, $0x1BF, v47;
	[tilespmem:v24+s25+$0x0] =	vst.idx.msk vm10, v16  }
0x463: {  	vm12 =	vlt.s32 v53, $0x1BF;
	v29 =	vsel vm15, $0x1, v2;
	v51 =	vadd.s32 v1, v50;
	[tilespmem:v18+s0+$0x0] =	vst.idx.msk vm4, v41  }
0x464: {  	v57 =	vnsel vm12, $0x1BF, v53;
	v19 =	vadd.s32 v29, v43;
	v40 =	vsel vm1, $0x1, v2;
	v49 =	vld [tilespmem:s4+$0xFFFFFFD0];
	[tilespmem:v18+s25+$0x0] =	vst.idx.msk vm4, v15  }
0x465: {  	v59 =	vadd.s32 v1, v57;
	v12 =	vadd.s32 v40, v12;
	vm10 =	vlt.s32 v19, $0x1BF;
	[tilespmem:v23+s0+$0x0] =	vst.idx.msk vm1, v17  }
0x466: {  	v30 =	vnsel vm10, $0x1BF, v19;
	[tilespmem:v26+s0+$0x0] =	vst.idx.msk vm15, v44;
	v18 =	vadd.s32 v61, v53;
	vm11 =	vle.f32 v27, v7  }
0x467: {  	v54 =	vadd.s32 v3, v30;
	v56 =	vld [tilespmem:s4+$0x10];
	[tilespmem:v26+s25+$0x0] =	vst.idx.msk vm15, v14;
	vm9 =	vlt.s32 v18, $0x1BF;
	v55 =	vsel vm11, $0x1, v2  }
0x468: {  	v17 =	vadd.s32 $0x5, v10;
	v31 =	vld [tilespmem:s4+$0xFFFFFF60];
	v37 =	vnsel vm9, $0x1BF, v18;
	[tilespmem:v51+s0+$0x0] =	vst.idx.msk vm6, v25;
	v19 =	vadd.s32 v55, v19  }
0x469: {  	v39 =	vadd.s32 v1, v37;
	vm13 =	vle.f32 v49, v7;
	[tilespmem:v51+s25+$0x0] =	vst.idx.msk vm6, v17;
	vm14 =	vlt.s32 v19, $0x1BF  }
0x46a: {  	vm12 =	vlt.s32 v12, $0x1BF;
	[tilespmem:v23+s25+$0x0] =	vst.idx.msk vm1, v10;
	v62 =	vsel vm13, $0x1, v2;
	v36 =	vld [tilespmem:s4+$0x50];
	v60 =	vnsel vm14, $0x1BF, v19  }
0x46b: {  	[tilespmem:v59+s0+$0x0] =	vst.idx.msk vm5, v48;
	v63 =	vadd.s32 v62, v19;
	v19 =	vadd.s32 $0x6, v10;
	v32 =	vadd.s32 v3, v60  }
0x46c: {  	v45 =	vnsel vm12, $0x1BF, v12;
	vm15 =	vle.f32 v56, v7;
	[tilespmem:v59+s25+$0x0] =	vst.idx.msk vm5, v19  }
0x46d: {  	vm7 =	vlt.s32 v63, $0x1BF;
	v38 =	vsel vm15, $0x1, v2;
	vm2 =	vle.f32 v31, v8;
	[tilespmem:v54+s0+$0x0] =	vst.idx.msk vm11, v27  }
0x46e: {  	v46 =	vadd.s32 v4, v45;
	v33 =	vnsel vm7, $0x1BF, v63;
	v20 =	vadd.s32 v38, v63;
	[tilespmem:v39+s0+$0x0] =	vst.idx.msk vm0, v58  }
0x46f: {  	v26 =	vld [tilespmem:s4+$0x90];
	[tilespmem:v54+s25+$0x0] =	vst.idx.msk vm11, v13;
	v41 =	vadd.s32 v3, v33;
	vm10 =	vlt.s32 v20, $0x1BF;
	vm11 =	vle.f32 v36, v7  }
0x470: {  	v42 =	vnsel vm10, $0x1BF, v20;
	v43 =	vld [tilespmem:s4+$0xFFFFFFA0];
	v44 =	vsel vm11, $0x1, v2;
	[tilespmem:v32+s0+$0x0] =	vst.idx.msk vm13, v49  }
0x471: {  	v27 =	vadd.s32 v3, v42;
	v29 =	vadd.s32 v44, v20;
	v20 =	vadd.s32 $0x7, v10;
	[tilespmem:v32+s25+$0x0] =	vst.idx.msk vm13, v16  }
0x472: {  	v48 =	vsel vm2, $0x1, v2;
	[tilespmem:v39+s25+$0x0] =	vst.idx.msk vm0, v20  }
0x473: {  	v12 =	vadd.s32 v48, v12;
	vm13 =	vlt.s32 v29, $0x1BF;
	[tilespmem:v46+s0+$0x0] =	vst.idx.msk vm2, v31;
	v50 =	vld [tilespmem:s4+$0xD0]  }
0x474: {  	vm9 =	vlt.s32 v12, $0x1BF;
	vm14 =	vle.f32 v26, v7;
	v47 =	vld [tilespmem:s4+$0xFFFFFFE0];
	[tilespmem:v41+s0+$0x0] =	vst.idx.msk vm15, v56;
	v49 =	vnsel vm13, $0x1BF, v29  }
0x475: {  	v21 =	vld [tilespmem:s4+$0xFFFFFF30];
	v52 =	vsel vm14, $0x1, v2;
	[tilespmem:v41+s25+$0x0] =	vst.idx.msk vm15, v15;
	v51 =	vadd.s32 v3, v49;
	vm15 =	vle.f32 v43, v8  }
0x476: {  	v53 =	vnsel vm9, $0x1BF, v12;
	v23 =	vadd.s32 v52, v29;
	v25 =	vld [tilespmem:s4+$0x20];
	[tilespmem:v27+s0+$0x0] =	vst.idx.msk vm11, v36;
	v54 =	vsel vm15, $0x1, v2  }
0x477: {  	v55 =	vadd.s32 v4, v53;
	vm10 =	vlt.s32 v23, $0x1BF;
	[tilespmem:v27+s25+$0x0] =	vst.idx.msk vm11, v17;
	v12 =	vadd.s32 v54, v12  }
0x478: {  	[tilespmem:v46+s25+$0x0] =	vst.idx.msk vm2, v14;
	v57 =	vnsel vm10, $0x1BF, v23;
	v56 =	vld [tilespmem:s4+$0x60];
	vm9 =	vlt.s32 v12, $0x1BF;
	vm2 =	vle.f32 v50, v7  }
0x479: {  	v22 =	vadd.s32 v3, v57;
	vm11 =	vle.f32 v47, v8;
	v60 =	vnsel vm9, $0x1BF, v12  }
0x47a: {  	vm1 =	vle.f32 v21, v9;
	v59 =	vld [tilespmem:s4+$0xFFFFFF70];
	v58 =	vsel vm11, $0x1, v2;
	[tilespmem:v51+s0+$0x0] =	vst.idx.msk vm14, v26;
	v61 =	vadd.s32 v4, v60  }
0x47b: {  	v34 =	vsel vm1, $0x1, v2;
	v12 =	vadd.s32 v58, v12;
	vm10 =	vle.f32 v25, v8;
	[tilespmem:v51+s25+$0x0] =	vst.idx.msk vm14, v19  }
0x47c: {  	v37 =	vadd.s32 v34, v11;
	[tilespmem:v55+s0+$0x0] =	vst.idx.msk vm15, v43;
	vm12 =	vlt.s32 v12, $0x1BF;
	v62 =	vsel vm10, $0x1, v2;
	v63 =	vld [tilespmem:s4+$0xA0]  }
0x47d: {  	[tilespmem:v55+s25+$0x0] =	vst.idx.msk vm15, v13;
	v35 =	vnsel vm12, $0x1BF, v12;
	v12 =	vadd.s32 v62, v12;
	vm6 =	vle.f32 v56, v8  }
0x47e: {  	v28 =	vadd.s32 v4, v35;
	vm13 =	vlt.s32 v12, $0x1BF;
	v36 =	vsel vm6, $0x1, v2;
	[tilespmem:v22+s0+$0x0] =	vst.idx.msk vm2, v50  }
0x47f: {  	vm4 =	vle.f32 v59, v9;
	v38 =	vnsel vm13, $0x1BF, v12;
	v12 =	vadd.s32 v36, v12;
	[tilespmem:v61+s0+$0x0] =	vst.idx.msk vm11, v47  }
0x480: {  	v41 =	vsel vm4, $0x1, v2;
	v39 =	vld [tilespmem:s4+$0xFFFFFFB0];
	v40 =	vadd.s32 v4, v38;
	vm14 =	vlt.s32 v12, $0x1BF;
	[tilespmem:v22+s25+$0x0] =	vst.idx.msk vm2, v20  }
0x481: {  	[tilespmem:v61+s25+$0x0] =	vst.idx.msk vm11, v16;
	vm11 =	vlt.s32 v37, $0x1BF;
	v42 =	vnsel vm14, $0x1BF, v12;
	vm15 =	vle.f32 v63, v8;
	v43 =	vld [tilespmem:s4+$0xE0]  }
0x482: {  	v22 =	vadd.s32 v41, v37;
	v30 =	vnsel vm11, $0x1BF, v37;
	v44 =	vadd.s32 v4, v42  }
0x483: {  	vm12 =	vlt.s32 v22, $0x1BF;
	v45 =	vsel vm15, $0x1, v2;
	v30 =	vadd.s32 v5, v30;
	[tilespmem:v28+s0+$0x0] =	vst.idx.msk vm10, v25  }
0x484: {  	v47 =	vld [tilespmem:s4+$0xFFFFFFF0];
	v46 =	vnsel vm12, $0x1BF, v22;
	v12 =	vadd.s32 v45, v12;
	[tilespmem:v28+s25+$0x0] =	vst.idx.msk vm10, v15  }
0x485: {  	vm13 =	vle.f32 v39, v9;
	v48 =	vadd.s32 v5, v46;
	vm8 =	vlt.s32 v12, $0x1BF;
	[tilespmem:v40+s0+$0x0] =	vst.idx.msk vm6, v56  }
0x486: {  	v49 =	vsel vm13, $0x1, v2;
	v50 =	vld [tilespmem:s4+$0x30];
	v51 =	vnsel vm8, $0x1BF, v12;
	[tilespmem:v40+s25+$0x0] =	vst.idx.msk vm6, v17;
	vm3 =	vle.f32 v43, v8  }
0x487: {  	v22 =	vadd.s32 v49, v22;
	v52 =	vadd.s32 v4, v51;
	[tilespmem:v44+s0+$0x0] =	vst.idx.msk vm15, v63  }
0x488: {  	vm14 =	vlt.s32 v22, $0x1BF;
	v53 =	vld [tilespmem:s4+$0x70];
	[tilespmem:v30+s0+$0x0] =	vst.idx.msk vm4, v59  }
0x489: {  	v54 =	vnsel vm14, $0x1BF, v22;
	[tilespmem:v44+s25+$0x0] =	vst.idx.msk vm15, v19;
	vm15 =	vle.f32 v47, v9  }
0x48a: {  	vm8 =	vlt.s32 v11, $0x1BF;
	[tilespmem:v30+s25+$0x0] =	vst.idx.msk vm4, v14;
	v14 =	vadd.s32 v5, v54;
	v55 =	vsel vm15, $0x1, v2;
	v56 =	vld [tilespmem:s4+$0xB0]  }
0x48b: {  	v11 =	vnsel vm8, $0x1BF, v11;
	[tilespmem:v48+s0+$0x0] =	vst.idx.msk vm13, v39;
	v22 =	vadd.s32 v55, v22;
	vm4 =	vle.f32 v50, v9  }
0x48c: {  	v11 =	vadd.s32 v5, v11;
	vm9 =	vlt.s32 v22, $0x1BF;
	v57 =	vsel vm4, $0x1, v2;
	[tilespmem:v52+s0+$0x0] =	vst.idx.msk vm3, v43  }
0x48d: {  	v26 =	vadd.s32 v57, v22;
	v22 =	vnsel vm9, $0x1BF, v22;
	vm10 =	vle.f32 v53, v9;
	[tilespmem:v52+s25+$0x0] =	vst.idx.msk vm3, v20  }
0x48e: {  	[tilespmem:v48+s25+$0x0] =	vst.idx.msk vm13, v13;
	v13 =	vadd.s32 v5, v22;
	vm11 =	vlt.s32 v26, $0x1BF;
	v58 =	vsel vm10, $0x1, v2;
	v59 =	vld [tilespmem:s4+$0xF0]  }
0x48f: {  	[tilespmem:v14+s0+$0x0] =	vst.idx.msk vm15, v47;
	v22 =	vadd.s32 v58, v26;
	v26 =	vnsel vm11, $0x1BF, v26;
	vm12 =	vle.f32 v56, v9  }
0x490: {  	[tilespmem:v14+s25+$0x0] =	vst.idx.msk vm15, v16;
	v14 =	vadd.s32 v5, v26;
	vm13 =	vlt.s32 v22, $0x1BF;
	v60 =	vsel vm12, $0x1, v2  }
0x491: {  	[tilespmem:v11+s0+$0x0] =	vst.idx.msk vm1, v21;
	v61 =	vnsel vm13, $0x1BF, v22;
	v16 =	vadd.s32 v60, v22  }
0x492: {  	[tilespmem:v11+s25+$0x0] =	vst.idx.msk vm1, v10;
	v11 =	vadd.s32 v5, v61;
	vm14 =	vlt.s32 v16, $0x1BF  }
0x493: {  	[tilespmem:v13+s0+$0x0] =	vst.idx.msk vm4, v50;
	v62 =	vnsel vm14, $0x1BF, v16;
	vm15 =	vle.f32 v59, v9  }
0x494: {  	s3 =	sadd.s32 $0x8, s3;
	[tilespmem:v13+s25+$0x0] =	vst.idx.msk vm4, v15;
	v15 =	vadd.s32 v5, v62  }
0x495: {  	p0 =	slt.u32 s3, $0xF8;
	[tilespmem:v14+s0+$0x0] =	vst.idx.msk vm10, v53  }
.Ltmp15:
0x496: {  	[tilespmem:v14+s25+$0x0] =	vst.idx.msk vm10, v17;
	(pc) =	sbr.rel @p0 .LBB2_25-.Ltmp15, $4  }
0x497: {  	[tilespmem:v11+s0+$0x0] =	vst.idx.msk vm12, v56  }
0x498: {  	v13 =	vsel vm0, $0x1, v2;
	v63 =	vsel vm15, $0x1, v2;
	[tilespmem:v11+s25+$0x0] =	vst.idx.msk vm12, v19;
	v11 =	vsel vm2, $0x1, v2  }
0x499: {  	v14 =	vadd.s32 v13, v18;
	v13 =	vadd.s32 v11, v23;
	v11 =	vsel vm3, $0x1, v2;
	[tilespmem:v15+s0+$0x0] =	vst.idx.msk vm15, v59  }
0x49a: {  	v10 =	vadd.s32 $0x8, v10;
	s4 =	sadd.s32 $0x200, s4;
	v12 =	vadd.s32 v11, v12;
	v11 =	vadd.s32 v63, v16;
	[tilespmem:v15+s25+$0x0] =	vst.idx.msk vm15, v20  }
0x49b: {  	_ =	swait.ge [sflag:s31], $0x4000  }
0x49c: {  	[sflag:s31] =	ssyncset.done $0x0  }
0x49d: {  	s3 =	sadd.s32 s29, s19;
	[sflag:s31] =	ssyncadd.s32 $0xFFFFC000  }
0x49e: {  	[tilespmem:s1], [sflag:$0x2] =	stream.strided.gather [hbm4b:s3+s30], $0x4000, s26, s30, $0x38;
	[tilespmem:$0x18040] =	vst v63  }
0x49f: {  	s4 =	simm.s32 $0x100;
	s3 =	simm.s32 $0xFFFFFFF8  }
.LBB2_27:
0x4a0: {  	v15 =	vld [tilespmem:s4+$0xFFFFFF00];
	_ =	sdelay $0x3  }
0x4a1: {  	vm0 =	vlt.s32 v14, $0x1BF  }
0x4a2: {  	v16 =	vnsel vm0, $0x1BF, v14;
	vm1 =	vle.f32 v15, v6  }
0x4a3: {  	v16 =	vadd.s32 v1, v16;
	_ =	sdelay $0x4  }
0x4a4: {  	[tilespmem:v16+s0+$0x0] =	vst.idx.msk vm1, v15  }
0x4a5: {  	[tilespmem:v16+s25+$0x0] =	vst.idx.msk vm1, v10  }
0x4a6: {  	v15 =	vld [tilespmem:s4+$0xFFFFFF10]  }
0x4a7: {  	v37 =	vld [tilespmem:s4+$0xFFFFFF40]  }
0x4a8: {  	v39 =	vld [tilespmem:s4+$0xFFFFFF80]  }
0x4a9: {  	v21 =	vld [tilespmem:s4+$0xFFFFFFC0];
	v17 =	vsel vm1, $0x1, v2  }
0x4aa: {  	vm6 =	vlt.s32 v13, $0x1BF;
	v41 =	vld [tilespmem:s4+$0x0];
	v14 =	vadd.s32 v17, v14  }
0x4ab: {  	v25 =	vld [tilespmem:s4+$0x40];
	v18 =	vnsel vm6, $0x1BF, v13;
	vm8 =	vlt.s32 v14, $0x1BF;
	vm7 =	vle.f32 v15, v7  }
0x4ac: {  	v48 =	vld [tilespmem:s4+$0x80];
	v38 =	vadd.s32 v3, v18;
	vm2 =	vle.f32 v37, v6;
	v19 =	vnsel vm8, $0x1BF, v14  }
0x4ad: {  	v19 =	vadd.s32 v1, v19;
	_ =	sdelay $0x1  }
0x4ae: {  	vm12 =	vlt.s32 v12, $0x1BF;
	vm9 =	vle.f32 v39, v6;
	vm10 =	vle.f32 v21, v6  }
0x4af: {  	vm4 =	vle.f32 v41, v6;
	vm6 =	vle.f32 v25, v6;
	v20 =	vsel vm2, $0x1, v2  }
0x4b0: {  	v58 =	vld [tilespmem:s4+$0xC0];
	v45 =	vnsel vm12, $0x1BF, v12;
	vm5 =	vle.f32 v48, v6;
	[tilespmem:v38+s0+$0x0] =	vst.idx.msk vm7, v15;
	v15 =	vadd.s32 v20, v14  }
0x4b1: {  	v22 =	vsel vm9, $0x1, v2;
	v23 =	vsel vm10, $0x1, v2;
	[tilespmem:v19+s0+$0x0] =	vst.idx.msk vm2, v37;
	vm3 =	vlt.s32 v15, $0x1BF  }
0x4b2: {  	v14 =	vadd.s32 $0x1, v10;
	[tilespmem:v38+s25+$0x0] =	vst.idx.msk vm7, v10;
	v20 =	vnsel vm3, $0x1BF, v15;
	v15 =	vadd.s32 v22, v15  }
0x4b3: {  	v42 =	vsel vm7, $0x1, v2;
	[tilespmem:v19+s25+$0x0] =	vst.idx.msk vm2, v14;
	v17 =	vld [tilespmem:s4+$0xFFFFFF20];
	v40 =	vadd.s32 v1, v20;
	vm11 =	vlt.s32 v15, $0x1BF  }
0x4b4: {  	v43 =	vadd.s32 v42, v13;
	v44 =	vld [tilespmem:s4+$0xFFFFFF50];
	v13 =	vnsel vm11, $0x1BF, v15;
	v15 =	vadd.s32 v23, v15  }
0x4b5: {  	vm0 =	vle.f32 v58, v6;
	v24 =	vadd.s32 v1, v13;
	vm13 =	vlt.s32 v15, $0x1BF  }
0x4b6: {  	v28 =	vsel vm4, $0x1, v2;
	v52 =	vsel vm6, $0x1, v2;
	v46 =	vnsel vm13, $0x1BF, v15  }
0x4b7: {  	v61 =	vsel vm5, $0x1, v2;
	vm14 =	vlt.s32 v43, $0x1BF;
	v18 =	vadd.s32 v1, v46  }
0x4b8: {  	v23 =	vadd.s32 v4, v45;
	v13 =	vadd.s32 $0x2, v10;
	vm1 =	vle.f32 v17, v8;
	[tilespmem:v40+s0+$0x0] =	vst.idx.msk vm9, v39  }
0x4b9: {  	v26 =	vnsel vm14, $0x1BF, v43;
	v47 =	vadd.s32 v28, v15;
	vm15 =	vle.f32 v44, v7;
	[tilespmem:v40+s25+$0x0] =	vst.idx.msk vm9, v13  }
0x4ba: {  	v16 =	vadd.s32 $0x3, v10;
	v26 =	vadd.s32 v3, v26;
	vm9 =	vlt.s32 v47, $0x1BF;
	v27 =	vld [tilespmem:s4+$0xFFFFFF90];
	[tilespmem:v24+s0+$0x0] =	vst.idx.msk vm10, v21  }
0x4bb: {  	v15 =	vadd.s32 $0x4, v10;
	v53 =	vadd.s32 v52, v47;
	v50 =	vnsel vm9, $0x1BF, v47;
	[tilespmem:v24+s25+$0x0] =	vst.idx.msk vm10, v16  }
0x4bc: {  	vm12 =	vlt.s32 v53, $0x1BF;
	v29 =	vsel vm15, $0x1, v2;
	v51 =	vadd.s32 v1, v50;
	[tilespmem:v18+s0+$0x0] =	vst.idx.msk vm4, v41  }
0x4bd: {  	v57 =	vnsel vm12, $0x1BF, v53;
	v19 =	vadd.s32 v29, v43;
	v40 =	vsel vm1, $0x1, v2;
	v49 =	vld [tilespmem:s4+$0xFFFFFFD0];
	[tilespmem:v18+s25+$0x0] =	vst.idx.msk vm4, v15  }
0x4be: {  	v59 =	vadd.s32 v1, v57;
	v12 =	vadd.s32 v40, v12;
	vm10 =	vlt.s32 v19, $0x1BF;
	[tilespmem:v23+s0+$0x0] =	vst.idx.msk vm1, v17  }
0x4bf: {  	v30 =	vnsel vm10, $0x1BF, v19;
	[tilespmem:v26+s0+$0x0] =	vst.idx.msk vm15, v44;
	v18 =	vadd.s32 v61, v53;
	vm11 =	vle.f32 v27, v7  }
0x4c0: {  	v54 =	vadd.s32 v3, v30;
	v56 =	vld [tilespmem:s4+$0x10];
	[tilespmem:v26+s25+$0x0] =	vst.idx.msk vm15, v14;
	vm9 =	vlt.s32 v18, $0x1BF;
	v55 =	vsel vm11, $0x1, v2  }
0x4c1: {  	v17 =	vadd.s32 $0x5, v10;
	v31 =	vld [tilespmem:s4+$0xFFFFFF60];
	v37 =	vnsel vm9, $0x1BF, v18;
	[tilespmem:v51+s0+$0x0] =	vst.idx.msk vm6, v25;
	v19 =	vadd.s32 v55, v19  }
0x4c2: {  	v39 =	vadd.s32 v1, v37;
	vm13 =	vle.f32 v49, v7;
	[tilespmem:v51+s25+$0x0] =	vst.idx.msk vm6, v17;
	vm14 =	vlt.s32 v19, $0x1BF  }
0x4c3: {  	vm12 =	vlt.s32 v12, $0x1BF;
	[tilespmem:v23+s25+$0x0] =	vst.idx.msk vm1, v10;
	v62 =	vsel vm13, $0x1, v2;
	v36 =	vld [tilespmem:s4+$0x50];
	v60 =	vnsel vm14, $0x1BF, v19  }
0x4c4: {  	[tilespmem:v59+s0+$0x0] =	vst.idx.msk vm5, v48;
	v63 =	vadd.s32 v62, v19;
	v19 =	vadd.s32 $0x6, v10;
	v32 =	vadd.s32 v3, v60  }
0x4c5: {  	v45 =	vnsel vm12, $0x1BF, v12;
	vm15 =	vle.f32 v56, v7;
	[tilespmem:v59+s25+$0x0] =	vst.idx.msk vm5, v19  }
0x4c6: {  	vm7 =	vlt.s32 v63, $0x1BF;
	v38 =	vsel vm15, $0x1, v2;
	vm2 =	vle.f32 v31, v8;
	[tilespmem:v54+s0+$0x0] =	vst.idx.msk vm11, v27  }
0x4c7: {  	v46 =	vadd.s32 v4, v45;
	v33 =	vnsel vm7, $0x1BF, v63;
	v20 =	vadd.s32 v38, v63;
	[tilespmem:v39+s0+$0x0] =	vst.idx.msk vm0, v58  }
0x4c8: {  	v26 =	vld [tilespmem:s4+$0x90];
	[tilespmem:v54+s25+$0x0] =	vst.idx.msk vm11, v13;
	v41 =	vadd.s32 v3, v33;
	vm10 =	vlt.s32 v20, $0x1BF;
	vm11 =	vle.f32 v36, v7  }
0x4c9: {  	v42 =	vnsel vm10, $0x1BF, v20;
	v43 =	vld [tilespmem:s4+$0xFFFFFFA0];
	v44 =	vsel vm11, $0x1, v2;
	[tilespmem:v32+s0+$0x0] =	vst.idx.msk vm13, v49  }
0x4ca: {  	v27 =	vadd.s32 v3, v42;
	v29 =	vadd.s32 v44, v20;
	v20 =	vadd.s32 $0x7, v10;
	[tilespmem:v32+s25+$0x0] =	vst.idx.msk vm13, v16  }
0x4cb: {  	v48 =	vsel vm2, $0x1, v2;
	[tilespmem:v39+s25+$0x0] =	vst.idx.msk vm0, v20  }
0x4cc: {  	v12 =	vadd.s32 v48, v12;
	vm13 =	vlt.s32 v29, $0x1BF;
	[tilespmem:v46+s0+$0x0] =	vst.idx.msk vm2, v31;
	v50 =	vld [tilespmem:s4+$0xD0]  }
0x4cd: {  	vm9 =	vlt.s32 v12, $0x1BF;
	vm14 =	vle.f32 v26, v7;
	v47 =	vld [tilespmem:s4+$0xFFFFFFE0];
	[tilespmem:v41+s0+$0x0] =	vst.idx.msk vm15, v56;
	v49 =	vnsel vm13, $0x1BF, v29  }
0x4ce: {  	v21 =	vld [tilespmem:s4+$0xFFFFFF30];
	v52 =	vsel vm14, $0x1, v2;
	[tilespmem:v41+s25+$0x0] =	vst.idx.msk vm15, v15;
	v51 =	vadd.s32 v3, v49;
	vm15 =	vle.f32 v43, v8  }
0x4cf: {  	v53 =	vnsel vm9, $0x1BF, v12;
	v23 =	vadd.s32 v52, v29;
	v25 =	vld [tilespmem:s4+$0x20];
	[tilespmem:v27+s0+$0x0] =	vst.idx.msk vm11, v36;
	v54 =	vsel vm15, $0x1, v2  }
0x4d0: {  	v55 =	vadd.s32 v4, v53;
	vm10 =	vlt.s32 v23, $0x1BF;
	[tilespmem:v27+s25+$0x0] =	vst.idx.msk vm11, v17;
	v12 =	vadd.s32 v54, v12  }
0x4d1: {  	[tilespmem:v46+s25+$0x0] =	vst.idx.msk vm2, v14;
	v57 =	vnsel vm10, $0x1BF, v23;
	v56 =	vld [tilespmem:s4+$0x60];
	vm9 =	vlt.s32 v12, $0x1BF;
	vm2 =	vle.f32 v50, v7  }
0x4d2: {  	v22 =	vadd.s32 v3, v57;
	vm11 =	vle.f32 v47, v8;
	v60 =	vnsel vm9, $0x1BF, v12  }
0x4d3: {  	vm1 =	vle.f32 v21, v9;
	v59 =	vld [tilespmem:s4+$0xFFFFFF70];
	v58 =	vsel vm11, $0x1, v2;
	[tilespmem:v51+s0+$0x0] =	vst.idx.msk vm14, v26;
	v61 =	vadd.s32 v4, v60  }
0x4d4: {  	v34 =	vsel vm1, $0x1, v2;
	v12 =	vadd.s32 v58, v12;
	vm10 =	vle.f32 v25, v8;
	[tilespmem:v51+s25+$0x0] =	vst.idx.msk vm14, v19  }
0x4d5: {  	v37 =	vadd.s32 v34, v11;
	[tilespmem:v55+s0+$0x0] =	vst.idx.msk vm15, v43;
	vm12 =	vlt.s32 v12, $0x1BF;
	v62 =	vsel vm10, $0x1, v2;
	v63 =	vld [tilespmem:s4+$0xA0]  }
0x4d6: {  	[tilespmem:v55+s25+$0x0] =	vst.idx.msk vm15, v13;
	v35 =	vnsel vm12, $0x1BF, v12;
	v12 =	vadd.s32 v62, v12;
	vm6 =	vle.f32 v56, v8  }
0x4d7: {  	v28 =	vadd.s32 v4, v35;
	vm13 =	vlt.s32 v12, $0x1BF;
	v36 =	vsel vm6, $0x1, v2;
	[tilespmem:v22+s0+$0x0] =	vst.idx.msk vm2, v50  }
0x4d8: {  	vm4 =	vle.f32 v59, v9;
	v38 =	vnsel vm13, $0x1BF, v12;
	v12 =	vadd.s32 v36, v12;
	[tilespmem:v61+s0+$0x0] =	vst.idx.msk vm11, v47  }
0x4d9: {  	v41 =	vsel vm4, $0x1, v2;
	v39 =	vld [tilespmem:s4+$0xFFFFFFB0];
	v40 =	vadd.s32 v4, v38;
	vm14 =	vlt.s32 v12, $0x1BF;
	[tilespmem:v22+s25+$0x0] =	vst.idx.msk vm2, v20  }
0x4da: {  	[tilespmem:v61+s25+$0x0] =	vst.idx.msk vm11, v16;
	vm11 =	vlt.s32 v37, $0x1BF;
	v42 =	vnsel vm14, $0x1BF, v12;
	vm15 =	vle.f32 v63, v8;
	v43 =	vld [tilespmem:s4+$0xE0]  }
0x4db: {  	v22 =	vadd.s32 v41, v37;
	v30 =	vnsel vm11, $0x1BF, v37;
	v44 =	vadd.s32 v4, v42  }
0x4dc: {  	vm12 =	vlt.s32 v22, $0x1BF;
	v45 =	vsel vm15, $0x1, v2;
	v30 =	vadd.s32 v5, v30;
	[tilespmem:v28+s0+$0x0] =	vst.idx.msk vm10, v25  }
0x4dd: {  	v47 =	vld [tilespmem:s4+$0xFFFFFFF0];
	v46 =	vnsel vm12, $0x1BF, v22;
	v12 =	vadd.s32 v45, v12;
	[tilespmem:v28+s25+$0x0] =	vst.idx.msk vm10, v15  }
0x4de: {  	vm13 =	vle.f32 v39, v9;
	v48 =	vadd.s32 v5, v46;
	vm8 =	vlt.s32 v12, $0x1BF;
	[tilespmem:v40+s0+$0x0] =	vst.idx.msk vm6, v56  }
0x4df: {  	v49 =	vsel vm13, $0x1, v2;
	v50 =	vld [tilespmem:s4+$0x30];
	v51 =	vnsel vm8, $0x1BF, v12;
	[tilespmem:v40+s25+$0x0] =	vst.idx.msk vm6, v17;
	vm3 =	vle.f32 v43, v8  }
0x4e0: {  	v22 =	vadd.s32 v49, v22;
	v52 =	vadd.s32 v4, v51;
	[tilespmem:v44+s0+$0x0] =	vst.idx.msk vm15, v63  }
0x4e1: {  	vm14 =	vlt.s32 v22, $0x1BF;
	v53 =	vld [tilespmem:s4+$0x70];
	[tilespmem:v30+s0+$0x0] =	vst.idx.msk vm4, v59  }
0x4e2: {  	v54 =	vnsel vm14, $0x1BF, v22;
	[tilespmem:v44+s25+$0x0] =	vst.idx.msk vm15, v19;
	vm15 =	vle.f32 v47, v9  }
0x4e3: {  	vm8 =	vlt.s32 v11, $0x1BF;
	[tilespmem:v30+s25+$0x0] =	vst.idx.msk vm4, v14;
	v14 =	vadd.s32 v5, v54;
	v55 =	vsel vm15, $0x1, v2;
	v56 =	vld [tilespmem:s4+$0xB0]  }
0x4e4: {  	v11 =	vnsel vm8, $0x1BF, v11;
	[tilespmem:v48+s0+$0x0] =	vst.idx.msk vm13, v39;
	v22 =	vadd.s32 v55, v22;
	vm4 =	vle.f32 v50, v9  }
0x4e5: {  	v11 =	vadd.s32 v5, v11;
	vm9 =	vlt.s32 v22, $0x1BF;
	v57 =	vsel vm4, $0x1, v2;
	[tilespmem:v52+s0+$0x0] =	vst.idx.msk vm3, v43  }
0x4e6: {  	v26 =	vadd.s32 v57, v22;
	v22 =	vnsel vm9, $0x1BF, v22;
	vm10 =	vle.f32 v53, v9;
	[tilespmem:v52+s25+$0x0] =	vst.idx.msk vm3, v20  }
0x4e7: {  	[tilespmem:v48+s25+$0x0] =	vst.idx.msk vm13, v13;
	v13 =	vadd.s32 v5, v22;
	vm11 =	vlt.s32 v26, $0x1BF;
	v58 =	vsel vm10, $0x1, v2;
	v59 =	vld [tilespmem:s4+$0xF0]  }
0x4e8: {  	[tilespmem:v14+s0+$0x0] =	vst.idx.msk vm15, v47;
	v22 =	vadd.s32 v58, v26;
	v26 =	vnsel vm11, $0x1BF, v26;
	vm12 =	vle.f32 v56, v9  }
0x4e9: {  	[tilespmem:v14+s25+$0x0] =	vst.idx.msk vm15, v16;
	v14 =	vadd.s32 v5, v26;
	vm13 =	vlt.s32 v22, $0x1BF;
	v60 =	vsel vm12, $0x1, v2  }
0x4ea: {  	[tilespmem:v11+s0+$0x0] =	vst.idx.msk vm1, v21;
	v61 =	vnsel vm13, $0x1BF, v22;
	v16 =	vadd.s32 v60, v22  }
0x4eb: {  	[tilespmem:v11+s25+$0x0] =	vst.idx.msk vm1, v10;
	v11 =	vadd.s32 v5, v61;
	vm14 =	vlt.s32 v16, $0x1BF  }
0x4ec: {  	[tilespmem:v13+s0+$0x0] =	vst.idx.msk vm4, v50;
	v62 =	vnsel vm14, $0x1BF, v16;
	vm15 =	vle.f32 v59, v9  }
0x4ed: {  	s3 =	sadd.s32 $0x8, s3;
	[tilespmem:v13+s25+$0x0] =	vst.idx.msk vm4, v15;
	v15 =	vadd.s32 v5, v62  }
0x4ee: {  	p0 =	slt.u32 s3, $0xF8;
	[tilespmem:v14+s0+$0x0] =	vst.idx.msk vm10, v53  }
.Ltmp16:
0x4ef: {  	[tilespmem:v14+s25+$0x0] =	vst.idx.msk vm10, v17;
	(pc) =	sbr.rel @p0 .LBB2_27-.Ltmp16, $4  }
0x4f0: {  	[tilespmem:v11+s0+$0x0] =	vst.idx.msk vm12, v56  }
0x4f1: {  	v13 =	vsel vm0, $0x1, v2;
	v63 =	vsel vm15, $0x1, v2;
	[tilespmem:v11+s25+$0x0] =	vst.idx.msk vm12, v19;
	v11 =	vsel vm2, $0x1, v2  }
0x4f2: {  	v14 =	vadd.s32 v13, v18;
	v13 =	vadd.s32 v11, v23;
	v11 =	vsel vm3, $0x1, v2;
	[tilespmem:v15+s0+$0x0] =	vst.idx.msk vm15, v59  }
0x4f3: {  	v10 =	vadd.s32 $0x8, v10;
	s4 =	sadd.s32 $0x200, s4;
	v12 =	vadd.s32 v11, v12;
	v11 =	vadd.s32 v63, v16;
	[tilespmem:v15+s25+$0x0] =	vst.idx.msk vm15, v20  }
0x4f4: {  	_ =	swait.ge [sflag:s28], $0x4000  }
0x4f5: {  	[sflag:s28] =	ssyncset.done $0x0  }
0x4f6: {  	s3 =	sadd.s32 s29, s20;
	[sflag:s28] =	ssyncadd.s32 $0xFFFFC000  }
0x4f7: {  	[tilespmem:s2], [sflag:$0x1] =	stream.strided.gather [hbm4b:s3+s30], $0x4000, s26, s30, $0x38;
	[tilespmem:$0x18040] =	vst v63  }
0x4f8: {  	s4 =	simm.s32 $0x4100;
	s3 =	simm.s32 $0xFFFFFFF8  }
.LBB2_29:
0x4f9: {  	v15 =	vld [tilespmem:s4+$0xFFFFFF00];
	_ =	sdelay $0x3  }
0x4fa: {  	vm0 =	vlt.s32 v14, $0x1BF  }
0x4fb: {  	v16 =	vnsel vm0, $0x1BF, v14;
	vm1 =	vle.f32 v15, v6  }
0x4fc: {  	v16 =	vadd.s32 v1, v16;
	_ =	sdelay $0x4  }
0x4fd: {  	[tilespmem:v16+s0+$0x0] =	vst.idx.msk vm1, v15  }
0x4fe: {  	[tilespmem:v16+s25+$0x0] =	vst.idx.msk vm1, v10  }
0x4ff: {  	v15 =	vld [tilespmem:s4+$0xFFFFFF10]  }
0x500: {  	v37 =	vld [tilespmem:s4+$0xFFFFFF40]  }
0x501: {  	v39 =	vld [tilespmem:s4+$0xFFFFFF80]  }
0x502: {  	v21 =	vld [tilespmem:s4+$0xFFFFFFC0];
	v17 =	vsel vm1, $0x1, v2  }
0x503: {  	vm6 =	vlt.s32 v13, $0x1BF;
	v41 =	vld [tilespmem:s4+$0x0];
	v14 =	vadd.s32 v17, v14  }
0x504: {  	v25 =	vld [tilespmem:s4+$0x40];
	v18 =	vnsel vm6, $0x1BF, v13;
	vm8 =	vlt.s32 v14, $0x1BF;
	vm7 =	vle.f32 v15, v7  }
0x505: {  	v48 =	vld [tilespmem:s4+$0x80];
	v38 =	vadd.s32 v3, v18;
	vm2 =	vle.f32 v37, v6;
	v19 =	vnsel vm8, $0x1BF, v14  }
0x506: {  	v19 =	vadd.s32 v1, v19;
	_ =	sdelay $0x1  }
0x507: {  	vm12 =	vlt.s32 v12, $0x1BF;
	vm9 =	vle.f32 v39, v6;
	vm10 =	vle.f32 v21, v6  }
0x508: {  	vm4 =	vle.f32 v41, v6;
	vm6 =	vle.f32 v25, v6;
	v20 =	vsel vm2, $0x1, v2  }
0x509: {  	v58 =	vld [tilespmem:s4+$0xC0];
	v45 =	vnsel vm12, $0x1BF, v12;
	vm5 =	vle.f32 v48, v6;
	[tilespmem:v38+s0+$0x0] =	vst.idx.msk vm7, v15;
	v15 =	vadd.s32 v20, v14  }
0x50a: {  	v22 =	vsel vm9, $0x1, v2;
	v23 =	vsel vm10, $0x1, v2;
	[tilespmem:v19+s0+$0x0] =	vst.idx.msk vm2, v37;
	vm3 =	vlt.s32 v15, $0x1BF  }
0x50b: {  	v14 =	vadd.s32 $0x1, v10;
	[tilespmem:v38+s25+$0x0] =	vst.idx.msk vm7, v10;
	v20 =	vnsel vm3, $0x1BF, v15;
	v15 =	vadd.s32 v22, v15  }
0x50c: {  	v42 =	vsel vm7, $0x1, v2;
	[tilespmem:v19+s25+$0x0] =	vst.idx.msk vm2, v14;
	v17 =	vld [tilespmem:s4+$0xFFFFFF20];
	v40 =	vadd.s32 v1, v20;
	vm11 =	vlt.s32 v15, $0x1BF  }
0x50d: {  	v43 =	vadd.s32 v42, v13;
	v44 =	vld [tilespmem:s4+$0xFFFFFF50];
	v13 =	vnsel vm11, $0x1BF, v15;
	v15 =	vadd.s32 v23, v15  }
0x50e: {  	vm0 =	vle.f32 v58, v6;
	v24 =	vadd.s32 v1, v13;
	vm13 =	vlt.s32 v15, $0x1BF  }
0x50f: {  	v28 =	vsel vm4, $0x1, v2;
	v52 =	vsel vm6, $0x1, v2;
	v46 =	vnsel vm13, $0x1BF, v15  }
0x510: {  	v61 =	vsel vm5, $0x1, v2;
	vm14 =	vlt.s32 v43, $0x1BF;
	v18 =	vadd.s32 v1, v46  }
0x511: {  	v23 =	vadd.s32 v4, v45;
	v13 =	vadd.s32 $0x2, v10;
	vm1 =	vle.f32 v17, v8;
	[tilespmem:v40+s0+$0x0] =	vst.idx.msk vm9, v39  }
0x512: {  	v26 =	vnsel vm14, $0x1BF, v43;
	v47 =	vadd.s32 v28, v15;
	vm15 =	vle.f32 v44, v7;
	[tilespmem:v40+s25+$0x0] =	vst.idx.msk vm9, v13  }
0x513: {  	v16 =	vadd.s32 $0x3, v10;
	v26 =	vadd.s32 v3, v26;
	vm9 =	vlt.s32 v47, $0x1BF;
	v27 =	vld [tilespmem:s4+$0xFFFFFF90];
	[tilespmem:v24+s0+$0x0] =	vst.idx.msk vm10, v21  }
0x514: {  	v15 =	vadd.s32 $0x4, v10;
	v53 =	vadd.s32 v52, v47;
	v50 =	vnsel vm9, $0x1BF, v47;
	[tilespmem:v24+s25+$0x0] =	vst.idx.msk vm10, v16  }
0x515: {  	vm12 =	vlt.s32 v53, $0x1BF;
	v29 =	vsel vm15, $0x1, v2;
	v51 =	vadd.s32 v1, v50;
	[tilespmem:v18+s0+$0x0] =	vst.idx.msk vm4, v41  }
0x516: {  	v57 =	vnsel vm12, $0x1BF, v53;
	v19 =	vadd.s32 v29, v43;
	v40 =	vsel vm1, $0x1, v2;
	v49 =	vld [tilespmem:s4+$0xFFFFFFD0];
	[tilespmem:v18+s25+$0x0] =	vst.idx.msk vm4, v15  }
0x517: {  	v59 =	vadd.s32 v1, v57;
	v12 =	vadd.s32 v40, v12;
	vm10 =	vlt.s32 v19, $0x1BF;
	[tilespmem:v23+s0+$0x0] =	vst.idx.msk vm1, v17  }
0x518: {  	v30 =	vnsel vm10, $0x1BF, v19;
	[tilespmem:v26+s0+$0x0] =	vst.idx.msk vm15, v44;
	v18 =	vadd.s32 v61, v53;
	vm11 =	vle.f32 v27, v7  }
0x519: {  	v54 =	vadd.s32 v3, v30;
	v56 =	vld [tilespmem:s4+$0x10];
	[tilespmem:v26+s25+$0x0] =	vst.idx.msk vm15, v14;
	vm9 =	vlt.s32 v18, $0x1BF;
	v55 =	vsel vm11, $0x1, v2  }
0x51a: {  	v17 =	vadd.s32 $0x5, v10;
	v31 =	vld [tilespmem:s4+$0xFFFFFF60];
	v37 =	vnsel vm9, $0x1BF, v18;
	[tilespmem:v51+s0+$0x0] =	vst.idx.msk vm6, v25;
	v19 =	vadd.s32 v55, v19  }
0x51b: {  	v39 =	vadd.s32 v1, v37;
	vm13 =	vle.f32 v49, v7;
	[tilespmem:v51+s25+$0x0] =	vst.idx.msk vm6, v17;
	vm14 =	vlt.s32 v19, $0x1BF  }
0x51c: {  	vm12 =	vlt.s32 v12, $0x1BF;
	[tilespmem:v23+s25+$0x0] =	vst.idx.msk vm1, v10;
	v62 =	vsel vm13, $0x1, v2;
	v36 =	vld [tilespmem:s4+$0x50];
	v60 =	vnsel vm14, $0x1BF, v19  }
0x51d: {  	[tilespmem:v59+s0+$0x0] =	vst.idx.msk vm5, v48;
	v63 =	vadd.s32 v62, v19;
	v19 =	vadd.s32 $0x6, v10;
	v32 =	vadd.s32 v3, v60  }
0x51e: {  	v45 =	vnsel vm12, $0x1BF, v12;
	vm15 =	vle.f32 v56, v7;
	[tilespmem:v59+s25+$0x0] =	vst.idx.msk vm5, v19  }
0x51f: {  	vm7 =	vlt.s32 v63, $0x1BF;
	v38 =	vsel vm15, $0x1, v2;
	vm2 =	vle.f32 v31, v8;
	[tilespmem:v54+s0+$0x0] =	vst.idx.msk vm11, v27  }
0x520: {  	v46 =	vadd.s32 v4, v45;
	v33 =	vnsel vm7, $0x1BF, v63;
	v20 =	vadd.s32 v38, v63;
	[tilespmem:v39+s0+$0x0] =	vst.idx.msk vm0, v58  }
0x521: {  	v26 =	vld [tilespmem:s4+$0x90];
	[tilespmem:v54+s25+$0x0] =	vst.idx.msk vm11, v13;
	v41 =	vadd.s32 v3, v33;
	vm10 =	vlt.s32 v20, $0x1BF;
	vm11 =	vle.f32 v36, v7  }
0x522: {  	v42 =	vnsel vm10, $0x1BF, v20;
	v43 =	vld [tilespmem:s4+$0xFFFFFFA0];
	v44 =	vsel vm11, $0x1, v2;
	[tilespmem:v32+s0+$0x0] =	vst.idx.msk vm13, v49  }
0x523: {  	v27 =	vadd.s32 v3, v42;
	v29 =	vadd.s32 v44, v20;
	v20 =	vadd.s32 $0x7, v10;
	[tilespmem:v32+s25+$0x0] =	vst.idx.msk vm13, v16  }
0x524: {  	v48 =	vsel vm2, $0x1, v2;
	[tilespmem:v39+s25+$0x0] =	vst.idx.msk vm0, v20  }
0x525: {  	v12 =	vadd.s32 v48, v12;
	vm13 =	vlt.s32 v29, $0x1BF;
	[tilespmem:v46+s0+$0x0] =	vst.idx.msk vm2, v31;
	v50 =	vld [tilespmem:s4+$0xD0]  }
0x526: {  	vm9 =	vlt.s32 v12, $0x1BF;
	vm14 =	vle.f32 v26, v7;
	v47 =	vld [tilespmem:s4+$0xFFFFFFE0];
	[tilespmem:v41+s0+$0x0] =	vst.idx.msk vm15, v56;
	v49 =	vnsel vm13, $0x1BF, v29  }
0x527: {  	v21 =	vld [tilespmem:s4+$0xFFFFFF30];
	v52 =	vsel vm14, $0x1, v2;
	[tilespmem:v41+s25+$0x0] =	vst.idx.msk vm15, v15;
	v51 =	vadd.s32 v3, v49;
	vm15 =	vle.f32 v43, v8  }
0x528: {  	v53 =	vnsel vm9, $0x1BF, v12;
	v23 =	vadd.s32 v52, v29;
	v25 =	vld [tilespmem:s4+$0x20];
	[tilespmem:v27+s0+$0x0] =	vst.idx.msk vm11, v36;
	v54 =	vsel vm15, $0x1, v2  }
0x529: {  	v55 =	vadd.s32 v4, v53;
	vm10 =	vlt.s32 v23, $0x1BF;
	[tilespmem:v27+s25+$0x0] =	vst.idx.msk vm11, v17;
	v12 =	vadd.s32 v54, v12  }
0x52a: {  	[tilespmem:v46+s25+$0x0] =	vst.idx.msk vm2, v14;
	v57 =	vnsel vm10, $0x1BF, v23;
	v56 =	vld [tilespmem:s4+$0x60];
	vm9 =	vlt.s32 v12, $0x1BF;
	vm2 =	vle.f32 v50, v7  }
0x52b: {  	v22 =	vadd.s32 v3, v57;
	vm11 =	vle.f32 v47, v8;
	v60 =	vnsel vm9, $0x1BF, v12  }
0x52c: {  	vm1 =	vle.f32 v21, v9;
	v59 =	vld [tilespmem:s4+$0xFFFFFF70];
	v58 =	vsel vm11, $0x1, v2;
	[tilespmem:v51+s0+$0x0] =	vst.idx.msk vm14, v26;
	v61 =	vadd.s32 v4, v60  }
0x52d: {  	v34 =	vsel vm1, $0x1, v2;
	v12 =	vadd.s32 v58, v12;
	vm10 =	vle.f32 v25, v8;
	[tilespmem:v51+s25+$0x0] =	vst.idx.msk vm14, v19  }
0x52e: {  	v37 =	vadd.s32 v34, v11;
	[tilespmem:v55+s0+$0x0] =	vst.idx.msk vm15, v43;
	vm12 =	vlt.s32 v12, $0x1BF;
	v62 =	vsel vm10, $0x1, v2;
	v63 =	vld [tilespmem:s4+$0xA0]  }
0x52f: {  	[tilespmem:v55+s25+$0x0] =	vst.idx.msk vm15, v13;
	v35 =	vnsel vm12, $0x1BF, v12;
	v12 =	vadd.s32 v62, v12;
	vm6 =	vle.f32 v56, v8  }
0x530: {  	v28 =	vadd.s32 v4, v35;
	vm13 =	vlt.s32 v12, $0x1BF;
	v36 =	vsel vm6, $0x1, v2;
	[tilespmem:v22+s0+$0x0] =	vst.idx.msk vm2, v50  }
0x531: {  	vm4 =	vle.f32 v59, v9;
	v38 =	vnsel vm13, $0x1BF, v12;
	v12 =	vadd.s32 v36, v12;
	[tilespmem:v61+s0+$0x0] =	vst.idx.msk vm11, v47  }
0x532: {  	v41 =	vsel vm4, $0x1, v2;
	v39 =	vld [tilespmem:s4+$0xFFFFFFB0];
	v40 =	vadd.s32 v4, v38;
	vm14 =	vlt.s32 v12, $0x1BF;
	[tilespmem:v22+s25+$0x0] =	vst.idx.msk vm2, v20  }
0x533: {  	[tilespmem:v61+s25+$0x0] =	vst.idx.msk vm11, v16;
	vm11 =	vlt.s32 v37, $0x1BF;
	v42 =	vnsel vm14, $0x1BF, v12;
	vm15 =	vle.f32 v63, v8;
	v43 =	vld [tilespmem:s4+$0xE0]  }
0x534: {  	v22 =	vadd.s32 v41, v37;
	v30 =	vnsel vm11, $0x1BF, v37;
	v44 =	vadd.s32 v4, v42  }
0x535: {  	vm12 =	vlt.s32 v22, $0x1BF;
	v45 =	vsel vm15, $0x1, v2;
	v30 =	vadd.s32 v5, v30;
	[tilespmem:v28+s0+$0x0] =	vst.idx.msk vm10, v25  }
0x536: {  	v47 =	vld [tilespmem:s4+$0xFFFFFFF0];
	v46 =	vnsel vm12, $0x1BF, v22;
	v12 =	vadd.s32 v45, v12;
	[tilespmem:v28+s25+$0x0] =	vst.idx.msk vm10, v15  }
0x537: {  	vm13 =	vle.f32 v39, v9;
	v48 =	vadd.s32 v5, v46;
	vm8 =	vlt.s32 v12, $0x1BF;
	[tilespmem:v40+s0+$0x0] =	vst.idx.msk vm6, v56  }
0x538: {  	v49 =	vsel vm13, $0x1, v2;
	v50 =	vld [tilespmem:s4+$0x30];
	v51 =	vnsel vm8, $0x1BF, v12;
	[tilespmem:v40+s25+$0x0] =	vst.idx.msk vm6, v17;
	vm3 =	vle.f32 v43, v8  }
0x539: {  	v22 =	vadd.s32 v49, v22;
	v52 =	vadd.s32 v4, v51;
	[tilespmem:v44+s0+$0x0] =	vst.idx.msk vm15, v63  }
0x53a: {  	vm14 =	vlt.s32 v22, $0x1BF;
	v53 =	vld [tilespmem:s4+$0x70];
	[tilespmem:v30+s0+$0x0] =	vst.idx.msk vm4, v59  }
0x53b: {  	v54 =	vnsel vm14, $0x1BF, v22;
	[tilespmem:v44+s25+$0x0] =	vst.idx.msk vm15, v19;
	vm15 =	vle.f32 v47, v9  }
0x53c: {  	vm8 =	vlt.s32 v11, $0x1BF;
	[tilespmem:v30+s25+$0x0] =	vst.idx.msk vm4, v14;
	v14 =	vadd.s32 v5, v54;
	v55 =	vsel vm15, $0x1, v2;
	v56 =	vld [tilespmem:s4+$0xB0]  }
0x53d: {  	v11 =	vnsel vm8, $0x1BF, v11;
	[tilespmem:v48+s0+$0x0] =	vst.idx.msk vm13, v39;
	v22 =	vadd.s32 v55, v22;
	vm4 =	vle.f32 v50, v9  }
0x53e: {  	v11 =	vadd.s32 v5, v11;
	vm9 =	vlt.s32 v22, $0x1BF;
	v57 =	vsel vm4, $0x1, v2;
	[tilespmem:v52+s0+$0x0] =	vst.idx.msk vm3, v43  }
0x53f: {  	v26 =	vadd.s32 v57, v22;
	v22 =	vnsel vm9, $0x1BF, v22;
	vm10 =	vle.f32 v53, v9;
	[tilespmem:v52+s25+$0x0] =	vst.idx.msk vm3, v20  }
0x540: {  	[tilespmem:v48+s25+$0x0] =	vst.idx.msk vm13, v13;
	v13 =	vadd.s32 v5, v22;
	vm11 =	vlt.s32 v26, $0x1BF;
	v58 =	vsel vm10, $0x1, v2;
	v59 =	vld [tilespmem:s4+$0xF0]  }
0x541: {  	[tilespmem:v14+s0+$0x0] =	vst.idx.msk vm15, v47;
	v22 =	vadd.s32 v58, v26;
	v26 =	vnsel vm11, $0x1BF, v26;
	vm12 =	vle.f32 v56, v9  }
0x542: {  	[tilespmem:v14+s25+$0x0] =	vst.idx.msk vm15, v16;
	v14 =	vadd.s32 v5, v26;
	vm13 =	vlt.s32 v22, $0x1BF;
	v60 =	vsel vm12, $0x1, v2  }
0x543: {  	[tilespmem:v11+s0+$0x0] =	vst.idx.msk vm1, v21;
	v61 =	vnsel vm13, $0x1BF, v22;
	v16 =	vadd.s32 v60, v22  }
0x544: {  	[tilespmem:v11+s25+$0x0] =	vst.idx.msk vm1, v10;
	v11 =	vadd.s32 v5, v61;
	vm14 =	vlt.s32 v16, $0x1BF  }
0x545: {  	[tilespmem:v13+s0+$0x0] =	vst.idx.msk vm4, v50;
	v62 =	vnsel vm14, $0x1BF, v16;
	vm15 =	vle.f32 v59, v9  }
0x546: {  	s3 =	sadd.s32 $0x8, s3;
	[tilespmem:v13+s25+$0x0] =	vst.idx.msk vm4, v15;
	v15 =	vadd.s32 v5, v62  }
0x547: {  	p0 =	slt.u32 s3, $0xF8;
	[tilespmem:v14+s0+$0x0] =	vst.idx.msk vm10, v53  }
.Ltmp17:
0x548: {  	[tilespmem:v14+s25+$0x0] =	vst.idx.msk vm10, v17;
	(pc) =	sbr.rel @p0 .LBB2_29-.Ltmp17, $4  }
0x549: {  	[tilespmem:v11+s0+$0x0] =	vst.idx.msk vm12, v56  }
0x54a: {  	v13 =	vsel vm0, $0x1, v2;
	v63 =	vsel vm15, $0x1, v2;
	[tilespmem:v11+s25+$0x0] =	vst.idx.msk vm12, v19;
	v11 =	vsel vm2, $0x1, v2  }
0x54b: {  	v14 =	vadd.s32 v13, v18;
	v13 =	vadd.s32 v11, v23;
	v11 =	vsel vm3, $0x1, v2;
	[tilespmem:v15+s0+$0x0] =	vst.idx.msk vm15, v59  }
0x54c: {  	v10 =	vadd.s32 $0x8, v10;
	s4 =	sadd.s32 $0x200, s4;
	v12 =	vadd.s32 v11, v12;
	v11 =	vadd.s32 v63, v16;
	[tilespmem:v15+s25+$0x0] =	vst.idx.msk vm15, v20  }
0x54d: {  	_ =	swait.ge [sflag:s31], $0x4000  }
0x54e: {  	[sflag:s31] =	ssyncset.done $0x0  }
0x54f: {  	s3 =	sadd.s32 s29, s21;
	[sflag:s31] =	ssyncadd.s32 $0xFFFFC000  }
0x550: {  	[tilespmem:s1], [sflag:$0x2] =	stream.strided.gather [hbm4b:s3+s30], $0x4000, s26, s30, $0x38;
	[tilespmem:$0x18040] =	vst v63  }
0x551: {  	s4 =	simm.s32 $0x100;
	s3 =	simm.s32 $0xFFFFFFF8  }
.LBB2_31:
0x552: {  	v15 =	vld [tilespmem:s4+$0xFFFFFF00];
	_ =	sdelay $0x3  }
0x553: {  	vm0 =	vlt.s32 v14, $0x1BF  }
0x554: {  	v16 =	vnsel vm0, $0x1BF, v14;
	vm1 =	vle.f32 v15, v6  }
0x555: {  	v16 =	vadd.s32 v1, v16;
	_ =	sdelay $0x4  }
0x556: {  	[tilespmem:v16+s0+$0x0] =	vst.idx.msk vm1, v15  }
0x557: {  	[tilespmem:v16+s25+$0x0] =	vst.idx.msk vm1, v10  }
0x558: {  	v15 =	vld [tilespmem:s4+$0xFFFFFF10]  }
0x559: {  	v37 =	vld [tilespmem:s4+$0xFFFFFF40]  }
0x55a: {  	v39 =	vld [tilespmem:s4+$0xFFFFFF80]  }
0x55b: {  	v21 =	vld [tilespmem:s4+$0xFFFFFFC0];
	v17 =	vsel vm1, $0x1, v2  }
0x55c: {  	vm6 =	vlt.s32 v13, $0x1BF;
	v41 =	vld [tilespmem:s4+$0x0];
	v14 =	vadd.s32 v17, v14  }
0x55d: {  	v25 =	vld [tilespmem:s4+$0x40];
	v18 =	vnsel vm6, $0x1BF, v13;
	vm8 =	vlt.s32 v14, $0x1BF;
	vm7 =	vle.f32 v15, v7  }
0x55e: {  	v48 =	vld [tilespmem:s4+$0x80];
	v38 =	vadd.s32 v3, v18;
	vm2 =	vle.f32 v37, v6;
	v19 =	vnsel vm8, $0x1BF, v14  }
0x55f: {  	v19 =	vadd.s32 v1, v19;
	_ =	sdelay $0x1  }
0x560: {  	vm12 =	vlt.s32 v12, $0x1BF;
	vm9 =	vle.f32 v39, v6;
	vm10 =	vle.f32 v21, v6  }
0x561: {  	vm4 =	vle.f32 v41, v6;
	vm6 =	vle.f32 v25, v6;
	v20 =	vsel vm2, $0x1, v2  }
0x562: {  	v58 =	vld [tilespmem:s4+$0xC0];
	v45 =	vnsel vm12, $0x1BF, v12;
	vm5 =	vle.f32 v48, v6;
	[tilespmem:v38+s0+$0x0] =	vst.idx.msk vm7, v15;
	v15 =	vadd.s32 v20, v14  }
0x563: {  	v22 =	vsel vm9, $0x1, v2;
	v23 =	vsel vm10, $0x1, v2;
	[tilespmem:v19+s0+$0x0] =	vst.idx.msk vm2, v37;
	vm3 =	vlt.s32 v15, $0x1BF  }
0x564: {  	v14 =	vadd.s32 $0x1, v10;
	[tilespmem:v38+s25+$0x0] =	vst.idx.msk vm7, v10;
	v20 =	vnsel vm3, $0x1BF, v15;
	v15 =	vadd.s32 v22, v15  }
0x565: {  	v42 =	vsel vm7, $0x1, v2;
	[tilespmem:v19+s25+$0x0] =	vst.idx.msk vm2, v14;
	v17 =	vld [tilespmem:s4+$0xFFFFFF20];
	v40 =	vadd.s32 v1, v20;
	vm11 =	vlt.s32 v15, $0x1BF  }
0x566: {  	v43 =	vadd.s32 v42, v13;
	v44 =	vld [tilespmem:s4+$0xFFFFFF50];
	v13 =	vnsel vm11, $0x1BF, v15;
	v15 =	vadd.s32 v23, v15  }
0x567: {  	vm0 =	vle.f32 v58, v6;
	v24 =	vadd.s32 v1, v13;
	vm13 =	vlt.s32 v15, $0x1BF  }
0x568: {  	v28 =	vsel vm4, $0x1, v2;
	v52 =	vsel vm6, $0x1, v2;
	v46 =	vnsel vm13, $0x1BF, v15  }
0x569: {  	v61 =	vsel vm5, $0x1, v2;
	vm14 =	vlt.s32 v43, $0x1BF;
	v18 =	vadd.s32 v1, v46  }
0x56a: {  	v23 =	vadd.s32 v4, v45;
	v13 =	vadd.s32 $0x2, v10;
	vm1 =	vle.f32 v17, v8;
	[tilespmem:v40+s0+$0x0] =	vst.idx.msk vm9, v39  }
0x56b: {  	v26 =	vnsel vm14, $0x1BF, v43;
	v47 =	vadd.s32 v28, v15;
	vm15 =	vle.f32 v44, v7;
	[tilespmem:v40+s25+$0x0] =	vst.idx.msk vm9, v13  }
0x56c: {  	v16 =	vadd.s32 $0x3, v10;
	v26 =	vadd.s32 v3, v26;
	vm9 =	vlt.s32 v47, $0x1BF;
	v27 =	vld [tilespmem:s4+$0xFFFFFF90];
	[tilespmem:v24+s0+$0x0] =	vst.idx.msk vm10, v21  }
0x56d: {  	v15 =	vadd.s32 $0x4, v10;
	v53 =	vadd.s32 v52, v47;
	v50 =	vnsel vm9, $0x1BF, v47;
	[tilespmem:v24+s25+$0x0] =	vst.idx.msk vm10, v16  }
0x56e: {  	vm12 =	vlt.s32 v53, $0x1BF;
	v29 =	vsel vm15, $0x1, v2;
	v51 =	vadd.s32 v1, v50;
	[tilespmem:v18+s0+$0x0] =	vst.idx.msk vm4, v41  }
0x56f: {  	v57 =	vnsel vm12, $0x1BF, v53;
	v19 =	vadd.s32 v29, v43;
	v40 =	vsel vm1, $0x1, v2;
	v49 =	vld [tilespmem:s4+$0xFFFFFFD0];
	[tilespmem:v18+s25+$0x0] =	vst.idx.msk vm4, v15  }
0x570: {  	v59 =	vadd.s32 v1, v57;
	v12 =	vadd.s32 v40, v12;
	vm10 =	vlt.s32 v19, $0x1BF;
	[tilespmem:v23+s0+$0x0] =	vst.idx.msk vm1, v17  }
0x571: {  	v30 =	vnsel vm10, $0x1BF, v19;
	[tilespmem:v26+s0+$0x0] =	vst.idx.msk vm15, v44;
	v18 =	vadd.s32 v61, v53;
	vm11 =	vle.f32 v27, v7  }
0x572: {  	v54 =	vadd.s32 v3, v30;
	v56 =	vld [tilespmem:s4+$0x10];
	[tilespmem:v26+s25+$0x0] =	vst.idx.msk vm15, v14;
	vm9 =	vlt.s32 v18, $0x1BF;
	v55 =	vsel vm11, $0x1, v2  }
0x573: {  	v17 =	vadd.s32 $0x5, v10;
	v31 =	vld [tilespmem:s4+$0xFFFFFF60];
	v37 =	vnsel vm9, $0x1BF, v18;
	[tilespmem:v51+s0+$0x0] =	vst.idx.msk vm6, v25;
	v19 =	vadd.s32 v55, v19  }
0x574: {  	v39 =	vadd.s32 v1, v37;
	vm13 =	vle.f32 v49, v7;
	[tilespmem:v51+s25+$0x0] =	vst.idx.msk vm6, v17;
	vm14 =	vlt.s32 v19, $0x1BF  }
0x575: {  	vm12 =	vlt.s32 v12, $0x1BF;
	[tilespmem:v23+s25+$0x0] =	vst.idx.msk vm1, v10;
	v62 =	vsel vm13, $0x1, v2;
	v36 =	vld [tilespmem:s4+$0x50];
	v60 =	vnsel vm14, $0x1BF, v19  }
0x576: {  	[tilespmem:v59+s0+$0x0] =	vst.idx.msk vm5, v48;
	v63 =	vadd.s32 v62, v19;
	v19 =	vadd.s32 $0x6, v10;
	v32 =	vadd.s32 v3, v60  }
0x577: {  	v45 =	vnsel vm12, $0x1BF, v12;
	vm15 =	vle.f32 v56, v7;
	[tilespmem:v59+s25+$0x0] =	vst.idx.msk vm5, v19  }
0x578: {  	vm7 =	vlt.s32 v63, $0x1BF;
	v38 =	vsel vm15, $0x1, v2;
	vm2 =	vle.f32 v31, v8;
	[tilespmem:v54+s0+$0x0] =	vst.idx.msk vm11, v27  }
0x579: {  	v46 =	vadd.s32 v4, v45;
	v33 =	vnsel vm7, $0x1BF, v63;
	v20 =	vadd.s32 v38, v63;
	[tilespmem:v39+s0+$0x0] =	vst.idx.msk vm0, v58  }
0x57a: {  	v26 =	vld [tilespmem:s4+$0x90];
	[tilespmem:v54+s25+$0x0] =	vst.idx.msk vm11, v13;
	v41 =	vadd.s32 v3, v33;
	vm10 =	vlt.s32 v20, $0x1BF;
	vm11 =	vle.f32 v36, v7  }
0x57b: {  	v42 =	vnsel vm10, $0x1BF, v20;
	v43 =	vld [tilespmem:s4+$0xFFFFFFA0];
	v44 =	vsel vm11, $0x1, v2;
	[tilespmem:v32+s0+$0x0] =	vst.idx.msk vm13, v49  }
0x57c: {  	v27 =	vadd.s32 v3, v42;
	v29 =	vadd.s32 v44, v20;
	v20 =	vadd.s32 $0x7, v10;
	[tilespmem:v32+s25+$0x0] =	vst.idx.msk vm13, v16  }
0x57d: {  	v48 =	vsel vm2, $0x1, v2;
	[tilespmem:v39+s25+$0x0] =	vst.idx.msk vm0, v20  }
0x57e: {  	v12 =	vadd.s32 v48, v12;
	vm13 =	vlt.s32 v29, $0x1BF;
	[tilespmem:v46+s0+$0x0] =	vst.idx.msk vm2, v31;
	v50 =	vld [tilespmem:s4+$0xD0]  }
0x57f: {  	vm9 =	vlt.s32 v12, $0x1BF;
	vm14 =	vle.f32 v26, v7;
	v47 =	vld [tilespmem:s4+$0xFFFFFFE0];
	[tilespmem:v41+s0+$0x0] =	vst.idx.msk vm15, v56;
	v49 =	vnsel vm13, $0x1BF, v29  }
0x580: {  	v21 =	vld [tilespmem:s4+$0xFFFFFF30];
	v52 =	vsel vm14, $0x1, v2;
	[tilespmem:v41+s25+$0x0] =	vst.idx.msk vm15, v15;
	v51 =	vadd.s32 v3, v49;
	vm15 =	vle.f32 v43, v8  }
0x581: {  	v53 =	vnsel vm9, $0x1BF, v12;
	v23 =	vadd.s32 v52, v29;
	v25 =	vld [tilespmem:s4+$0x20];
	[tilespmem:v27+s0+$0x0] =	vst.idx.msk vm11, v36;
	v54 =	vsel vm15, $0x1, v2  }
0x582: {  	v55 =	vadd.s32 v4, v53;
	vm10 =	vlt.s32 v23, $0x1BF;
	[tilespmem:v27+s25+$0x0] =	vst.idx.msk vm11, v17;
	v12 =	vadd.s32 v54, v12  }
0x583: {  	[tilespmem:v46+s25+$0x0] =	vst.idx.msk vm2, v14;
	v57 =	vnsel vm10, $0x1BF, v23;
	v56 =	vld [tilespmem:s4+$0x60];
	vm9 =	vlt.s32 v12, $0x1BF;
	vm2 =	vle.f32 v50, v7  }
0x584: {  	v22 =	vadd.s32 v3, v57;
	vm11 =	vle.f32 v47, v8;
	v60 =	vnsel vm9, $0x1BF, v12  }
0x585: {  	vm1 =	vle.f32 v21, v9;
	v59 =	vld [tilespmem:s4+$0xFFFFFF70];
	v58 =	vsel vm11, $0x1, v2;
	[tilespmem:v51+s0+$0x0] =	vst.idx.msk vm14, v26;
	v61 =	vadd.s32 v4, v60  }
0x586: {  	v34 =	vsel vm1, $0x1, v2;
	v12 =	vadd.s32 v58, v12;
	vm10 =	vle.f32 v25, v8;
	[tilespmem:v51+s25+$0x0] =	vst.idx.msk vm14, v19  }
0x587: {  	v37 =	vadd.s32 v34, v11;
	[tilespmem:v55+s0+$0x0] =	vst.idx.msk vm15, v43;
	vm12 =	vlt.s32 v12, $0x1BF;
	v62 =	vsel vm10, $0x1, v2;
	v63 =	vld [tilespmem:s4+$0xA0]  }
0x588: {  	[tilespmem:v55+s25+$0x0] =	vst.idx.msk vm15, v13;
	v35 =	vnsel vm12, $0x1BF, v12;
	v12 =	vadd.s32 v62, v12;
	vm6 =	vle.f32 v56, v8  }
0x589: {  	v28 =	vadd.s32 v4, v35;
	vm13 =	vlt.s32 v12, $0x1BF;
	v36 =	vsel vm6, $0x1, v2;
	[tilespmem:v22+s0+$0x0] =	vst.idx.msk vm2, v50  }
0x58a: {  	vm4 =	vle.f32 v59, v9;
	v38 =	vnsel vm13, $0x1BF, v12;
	v12 =	vadd.s32 v36, v12;
	[tilespmem:v61+s0+$0x0] =	vst.idx.msk vm11, v47  }
0x58b: {  	v41 =	vsel vm4, $0x1, v2;
	v39 =	vld [tilespmem:s4+$0xFFFFFFB0];
	v40 =	vadd.s32 v4, v38;
	vm14 =	vlt.s32 v12, $0x1BF;
	[tilespmem:v22+s25+$0x0] =	vst.idx.msk vm2, v20  }
0x58c: {  	[tilespmem:v61+s25+$0x0] =	vst.idx.msk vm11, v16;
	vm11 =	vlt.s32 v37, $0x1BF;
	v42 =	vnsel vm14, $0x1BF, v12;
	vm15 =	vle.f32 v63, v8;
	v43 =	vld [tilespmem:s4+$0xE0]  }
0x58d: {  	v22 =	vadd.s32 v41, v37;
	v30 =	vnsel vm11, $0x1BF, v37;
	v44 =	vadd.s32 v4, v42  }
0x58e: {  	vm12 =	vlt.s32 v22, $0x1BF;
	v45 =	vsel vm15, $0x1, v2;
	v30 =	vadd.s32 v5, v30;
	[tilespmem:v28+s0+$0x0] =	vst.idx.msk vm10, v25  }
0x58f: {  	v47 =	vld [tilespmem:s4+$0xFFFFFFF0];
	v46 =	vnsel vm12, $0x1BF, v22;
	v12 =	vadd.s32 v45, v12;
	[tilespmem:v28+s25+$0x0] =	vst.idx.msk vm10, v15  }
0x590: {  	vm13 =	vle.f32 v39, v9;
	v48 =	vadd.s32 v5, v46;
	vm8 =	vlt.s32 v12, $0x1BF;
	[tilespmem:v40+s0+$0x0] =	vst.idx.msk vm6, v56  }
0x591: {  	v49 =	vsel vm13, $0x1, v2;
	v50 =	vld [tilespmem:s4+$0x30];
	v51 =	vnsel vm8, $0x1BF, v12;
	[tilespmem:v40+s25+$0x0] =	vst.idx.msk vm6, v17;
	vm3 =	vle.f32 v43, v8  }
0x592: {  	v22 =	vadd.s32 v49, v22;
	v52 =	vadd.s32 v4, v51;
	[tilespmem:v44+s0+$0x0] =	vst.idx.msk vm15, v63  }
0x593: {  	vm14 =	vlt.s32 v22, $0x1BF;
	v53 =	vld [tilespmem:s4+$0x70];
	[tilespmem:v30+s0+$0x0] =	vst.idx.msk vm4, v59  }
0x594: {  	v54 =	vnsel vm14, $0x1BF, v22;
	[tilespmem:v44+s25+$0x0] =	vst.idx.msk vm15, v19;
	vm15 =	vle.f32 v47, v9  }
0x595: {  	vm8 =	vlt.s32 v11, $0x1BF;
	[tilespmem:v30+s25+$0x0] =	vst.idx.msk vm4, v14;
	v14 =	vadd.s32 v5, v54;
	v55 =	vsel vm15, $0x1, v2;
	v56 =	vld [tilespmem:s4+$0xB0]  }
0x596: {  	v11 =	vnsel vm8, $0x1BF, v11;
	[tilespmem:v48+s0+$0x0] =	vst.idx.msk vm13, v39;
	v22 =	vadd.s32 v55, v22;
	vm4 =	vle.f32 v50, v9  }
0x597: {  	v11 =	vadd.s32 v5, v11;
	vm9 =	vlt.s32 v22, $0x1BF;
	v57 =	vsel vm4, $0x1, v2;
	[tilespmem:v52+s0+$0x0] =	vst.idx.msk vm3, v43  }
0x598: {  	v26 =	vadd.s32 v57, v22;
	v22 =	vnsel vm9, $0x1BF, v22;
	vm10 =	vle.f32 v53, v9;
	[tilespmem:v52+s25+$0x0] =	vst.idx.msk vm3, v20  }
0x599: {  	[tilespmem:v48+s25+$0x0] =	vst.idx.msk vm13, v13;
	v13 =	vadd.s32 v5, v22;
	vm11 =	vlt.s32 v26, $0x1BF;
	v58 =	vsel vm10, $0x1, v2;
	v59 =	vld [tilespmem:s4+$0xF0]  }
0x59a: {  	[tilespmem:v14+s0+$0x0] =	vst.idx.msk vm15, v47;
	v22 =	vadd.s32 v58, v26;
	v26 =	vnsel vm11, $0x1BF, v26;
	vm12 =	vle.f32 v56, v9  }
0x59b: {  	[tilespmem:v14+s25+$0x0] =	vst.idx.msk vm15, v16;
	v14 =	vadd.s32 v5, v26;
	vm13 =	vlt.s32 v22, $0x1BF;
	v60 =	vsel vm12, $0x1, v2  }
0x59c: {  	[tilespmem:v11+s0+$0x0] =	vst.idx.msk vm1, v21;
	v61 =	vnsel vm13, $0x1BF, v22;
	v16 =	vadd.s32 v60, v22  }
0x59d: {  	[tilespmem:v11+s25+$0x0] =	vst.idx.msk vm1, v10;
	v11 =	vadd.s32 v5, v61;
	vm14 =	vlt.s32 v16, $0x1BF  }
0x59e: {  	[tilespmem:v13+s0+$0x0] =	vst.idx.msk vm4, v50;
	v62 =	vnsel vm14, $0x1BF, v16;
	vm15 =	vle.f32 v59, v9  }
0x59f: {  	s3 =	sadd.s32 $0x8, s3;
	[tilespmem:v13+s25+$0x0] =	vst.idx.msk vm4, v15;
	v15 =	vadd.s32 v5, v62  }
0x5a0: {  	p0 =	slt.u32 s3, $0xF8;
	[tilespmem:v14+s0+$0x0] =	vst.idx.msk vm10, v53  }
.Ltmp18:
0x5a1: {  	[tilespmem:v14+s25+$0x0] =	vst.idx.msk vm10, v17;
	(pc) =	sbr.rel @p0 .LBB2_31-.Ltmp18, $4  }
0x5a2: {  	[tilespmem:v11+s0+$0x0] =	vst.idx.msk vm12, v56  }
0x5a3: {  	v13 =	vsel vm0, $0x1, v2;
	v63 =	vsel vm15, $0x1, v2;
	[tilespmem:v11+s25+$0x0] =	vst.idx.msk vm12, v19;
	v11 =	vsel vm2, $0x1, v2  }
0x5a4: {  	v14 =	vadd.s32 v13, v18;
	v13 =	vadd.s32 v11, v23;
	v11 =	vsel vm3, $0x1, v2;
	[tilespmem:v15+s0+$0x0] =	vst.idx.msk vm15, v59  }
0x5a5: {  	v10 =	vadd.s32 $0x8, v10;
	s4 =	sadd.s32 $0x200, s4;
	v12 =	vadd.s32 v11, v12;
	v11 =	vadd.s32 v63, v16;
	[tilespmem:v15+s25+$0x0] =	vst.idx.msk vm15, v20  }
0x5a6: {  	p0 =	seq.s32 s23, $0x3;
	_ =	swait.ge [sflag:s28], $0x4000  }
0x5a7: {  	s3 =	sadd.s32 @!p0 s24, s22;
	[sflag:s28] =	ssyncset.done $0x0  }
0x5a8: {  	s4 =	simm.s32 @!p0 $0x40;
	s5 =	simm.s32 @!p0 $0x1000;
	s3 =	sshrl.u32 @!p0 s3, $0x3  }
0x5a9: {  	s6 =	simm.s32 @!p0 $0x0;
	[sflag:s28] =	ssyncadd.s32 $0xFFFFC000;
	s3 =	sadd.s32 @!p0 s15, s3  }
0x5aa: {  	[tilespmem:s6], [sflag:$0x1] =	stream.strided.gather @!p0 [hbm4b:s3+s4], $0x4000, s5, s4, $0x38;
	[tilespmem:$0x18040] =	vst v63  }
0x5ab: {  	s3 =	simm.s32 $0xFFFFFFF8;
	s4 =	simm.s32 $0x4100  }
.LBB2_33:
0x5ac: {  	v15 =	vld [tilespmem:s4+$0xFFFFFF00];
	_ =	sdelay $0x3  }
0x5ad: {  	vm0 =	vlt.s32 v14, $0x1BF  }
0x5ae: {  	v16 =	vnsel vm0, $0x1BF, v14;
	vm1 =	vle.f32 v15, v6  }
0x5af: {  	v16 =	vadd.s32 v1, v16;
	_ =	sdelay $0x4  }
0x5b0: {  	[tilespmem:v16+s0+$0x0] =	vst.idx.msk vm1, v15  }
0x5b1: {  	[tilespmem:v16+s25+$0x0] =	vst.idx.msk vm1, v10  }
0x5b2: {  	v15 =	vld [tilespmem:s4+$0xFFFFFF10]  }
0x5b3: {  	v37 =	vld [tilespmem:s4+$0xFFFFFF40]  }
0x5b4: {  	v39 =	vld [tilespmem:s4+$0xFFFFFF80]  }
0x5b5: {  	v21 =	vld [tilespmem:s4+$0xFFFFFFC0];
	v17 =	vsel vm1, $0x1, v2  }
0x5b6: {  	vm6 =	vlt.s32 v13, $0x1BF;
	v41 =	vld [tilespmem:s4+$0x0];
	v14 =	vadd.s32 v17, v14  }
0x5b7: {  	v25 =	vld [tilespmem:s4+$0x40];
	v18 =	vnsel vm6, $0x1BF, v13;
	vm8 =	vlt.s32 v14, $0x1BF;
	vm7 =	vle.f32 v15, v7  }
0x5b8: {  	v48 =	vld [tilespmem:s4+$0x80];
	v38 =	vadd.s32 v3, v18;
	vm2 =	vle.f32 v37, v6;
	v19 =	vnsel vm8, $0x1BF, v14  }
0x5b9: {  	v19 =	vadd.s32 v1, v19;
	_ =	sdelay $0x1  }
0x5ba: {  	vm12 =	vlt.s32 v12, $0x1BF;
	vm9 =	vle.f32 v39, v6;
	vm10 =	vle.f32 v21, v6  }
0x5bb: {  	vm4 =	vle.f32 v41, v6;
	vm6 =	vle.f32 v25, v6;
	v20 =	vsel vm2, $0x1, v2  }
0x5bc: {  	v58 =	vld [tilespmem:s4+$0xC0];
	v45 =	vnsel vm12, $0x1BF, v12;
	vm5 =	vle.f32 v48, v6;
	[tilespmem:v38+s0+$0x0] =	vst.idx.msk vm7, v15;
	v15 =	vadd.s32 v20, v14  }
0x5bd: {  	v22 =	vsel vm9, $0x1, v2;
	v23 =	vsel vm10, $0x1, v2;
	[tilespmem:v19+s0+$0x0] =	vst.idx.msk vm2, v37;
	vm3 =	vlt.s32 v15, $0x1BF  }
0x5be: {  	v14 =	vadd.s32 $0x1, v10;
	[tilespmem:v38+s25+$0x0] =	vst.idx.msk vm7, v10;
	v20 =	vnsel vm3, $0x1BF, v15;
	v15 =	vadd.s32 v22, v15  }
0x5bf: {  	v42 =	vsel vm7, $0x1, v2;
	[tilespmem:v19+s25+$0x0] =	vst.idx.msk vm2, v14;
	v17 =	vld [tilespmem:s4+$0xFFFFFF20];
	v40 =	vadd.s32 v1, v20;
	vm11 =	vlt.s32 v15, $0x1BF  }
0x5c0: {  	v43 =	vadd.s32 v42, v13;
	v44 =	vld [tilespmem:s4+$0xFFFFFF50];
	v13 =	vnsel vm11, $0x1BF, v15;
	v15 =	vadd.s32 v23, v15  }
0x5c1: {  	vm0 =	vle.f32 v58, v6;
	v24 =	vadd.s32 v1, v13;
	vm13 =	vlt.s32 v15, $0x1BF  }
0x5c2: {  	v28 =	vsel vm4, $0x1, v2;
	v52 =	vsel vm6, $0x1, v2;
	v46 =	vnsel vm13, $0x1BF, v15  }
0x5c3: {  	v61 =	vsel vm5, $0x1, v2;
	vm14 =	vlt.s32 v43, $0x1BF;
	v18 =	vadd.s32 v1, v46  }
0x5c4: {  	v23 =	vadd.s32 v4, v45;
	v13 =	vadd.s32 $0x2, v10;
	vm1 =	vle.f32 v17, v8;
	[tilespmem:v40+s0+$0x0] =	vst.idx.msk vm9, v39  }
0x5c5: {  	v26 =	vnsel vm14, $0x1BF, v43;
	v47 =	vadd.s32 v28, v15;
	vm15 =	vle.f32 v44, v7;
	[tilespmem:v40+s25+$0x0] =	vst.idx.msk vm9, v13  }
0x5c6: {  	v16 =	vadd.s32 $0x3, v10;
	v26 =	vadd.s32 v3, v26;
	vm9 =	vlt.s32 v47, $0x1BF;
	v27 =	vld [tilespmem:s4+$0xFFFFFF90];
	[tilespmem:v24+s0+$0x0] =	vst.idx.msk vm10, v21  }
0x5c7: {  	v15 =	vadd.s32 $0x4, v10;
	v53 =	vadd.s32 v52, v47;
	v50 =	vnsel vm9, $0x1BF, v47;
	[tilespmem:v24+s25+$0x0] =	vst.idx.msk vm10, v16  }
0x5c8: {  	vm12 =	vlt.s32 v53, $0x1BF;
	v29 =	vsel vm15, $0x1, v2;
	v51 =	vadd.s32 v1, v50;
	[tilespmem:v18+s0+$0x0] =	vst.idx.msk vm4, v41  }
0x5c9: {  	v57 =	vnsel vm12, $0x1BF, v53;
	v19 =	vadd.s32 v29, v43;
	v40 =	vsel vm1, $0x1, v2;
	v49 =	vld [tilespmem:s4+$0xFFFFFFD0];
	[tilespmem:v18+s25+$0x0] =	vst.idx.msk vm4, v15  }
0x5ca: {  	v59 =	vadd.s32 v1, v57;
	v12 =	vadd.s32 v40, v12;
	vm10 =	vlt.s32 v19, $0x1BF;
	[tilespmem:v23+s0+$0x0] =	vst.idx.msk vm1, v17  }
0x5cb: {  	v30 =	vnsel vm10, $0x1BF, v19;
	[tilespmem:v26+s0+$0x0] =	vst.idx.msk vm15, v44;
	v18 =	vadd.s32 v61, v53;
	vm11 =	vle.f32 v27, v7  }
0x5cc: {  	v54 =	vadd.s32 v3, v30;
	v56 =	vld [tilespmem:s4+$0x10];
	[tilespmem:v26+s25+$0x0] =	vst.idx.msk vm15, v14;
	vm9 =	vlt.s32 v18, $0x1BF;
	v55 =	vsel vm11, $0x1, v2  }
0x5cd: {  	v17 =	vadd.s32 $0x5, v10;
	v31 =	vld [tilespmem:s4+$0xFFFFFF60];
	v37 =	vnsel vm9, $0x1BF, v18;
	[tilespmem:v51+s0+$0x0] =	vst.idx.msk vm6, v25;
	v19 =	vadd.s32 v55, v19  }
0x5ce: {  	v39 =	vadd.s32 v1, v37;
	vm13 =	vle.f32 v49, v7;
	[tilespmem:v51+s25+$0x0] =	vst.idx.msk vm6, v17;
	vm14 =	vlt.s32 v19, $0x1BF  }
0x5cf: {  	vm12 =	vlt.s32 v12, $0x1BF;
	[tilespmem:v23+s25+$0x0] =	vst.idx.msk vm1, v10;
	v62 =	vsel vm13, $0x1, v2;
	v36 =	vld [tilespmem:s4+$0x50];
	v60 =	vnsel vm14, $0x1BF, v19  }
0x5d0: {  	[tilespmem:v59+s0+$0x0] =	vst.idx.msk vm5, v48;
	v63 =	vadd.s32 v62, v19;
	v19 =	vadd.s32 $0x6, v10;
	v32 =	vadd.s32 v3, v60  }
0x5d1: {  	v45 =	vnsel vm12, $0x1BF, v12;
	vm15 =	vle.f32 v56, v7;
	[tilespmem:v59+s25+$0x0] =	vst.idx.msk vm5, v19  }
0x5d2: {  	vm7 =	vlt.s32 v63, $0x1BF;
	v38 =	vsel vm15, $0x1, v2;
	vm2 =	vle.f32 v31, v8;
	[tilespmem:v54+s0+$0x0] =	vst.idx.msk vm11, v27  }
0x5d3: {  	v46 =	vadd.s32 v4, v45;
	v33 =	vnsel vm7, $0x1BF, v63;
	v20 =	vadd.s32 v38, v63;
	[tilespmem:v39+s0+$0x0] =	vst.idx.msk vm0, v58  }
0x5d4: {  	v26 =	vld [tilespmem:s4+$0x90];
	[tilespmem:v54+s25+$0x0] =	vst.idx.msk vm11, v13;
	v41 =	vadd.s32 v3, v33;
	vm10 =	vlt.s32 v20, $0x1BF;
	vm11 =	vle.f32 v36, v7  }
0x5d5: {  	v42 =	vnsel vm10, $0x1BF, v20;
	v43 =	vld [tilespmem:s4+$0xFFFFFFA0];
	v44 =	vsel vm11, $0x1, v2;
	[tilespmem:v32+s0+$0x0] =	vst.idx.msk vm13, v49  }
0x5d6: {  	v27 =	vadd.s32 v3, v42;
	v29 =	vadd.s32 v44, v20;
	v20 =	vadd.s32 $0x7, v10;
	[tilespmem:v32+s25+$0x0] =	vst.idx.msk vm13, v16  }
0x5d7: {  	v48 =	vsel vm2, $0x1, v2;
	[tilespmem:v39+s25+$0x0] =	vst.idx.msk vm0, v20  }
0x5d8: {  	v12 =	vadd.s32 v48, v12;
	vm13 =	vlt.s32 v29, $0x1BF;
	[tilespmem:v46+s0+$0x0] =	vst.idx.msk vm2, v31;
	v50 =	vld [tilespmem:s4+$0xD0]  }
0x5d9: {  	vm9 =	vlt.s32 v12, $0x1BF;
	vm14 =	vle.f32 v26, v7;
	v47 =	vld [tilespmem:s4+$0xFFFFFFE0];
	[tilespmem:v41+s0+$0x0] =	vst.idx.msk vm15, v56;
	v49 =	vnsel vm13, $0x1BF, v29  }
0x5da: {  	v21 =	vld [tilespmem:s4+$0xFFFFFF30];
	v52 =	vsel vm14, $0x1, v2;
	[tilespmem:v41+s25+$0x0] =	vst.idx.msk vm15, v15;
	v51 =	vadd.s32 v3, v49;
	vm15 =	vle.f32 v43, v8  }
0x5db: {  	v53 =	vnsel vm9, $0x1BF, v12;
	v23 =	vadd.s32 v52, v29;
	v25 =	vld [tilespmem:s4+$0x20];
	[tilespmem:v27+s0+$0x0] =	vst.idx.msk vm11, v36;
	v54 =	vsel vm15, $0x1, v2  }
0x5dc: {  	v55 =	vadd.s32 v4, v53;
	vm10 =	vlt.s32 v23, $0x1BF;
	[tilespmem:v27+s25+$0x0] =	vst.idx.msk vm11, v17;
	v12 =	vadd.s32 v54, v12  }
0x5dd: {  	[tilespmem:v46+s25+$0x0] =	vst.idx.msk vm2, v14;
	v57 =	vnsel vm10, $0x1BF, v23;
	v56 =	vld [tilespmem:s4+$0x60];
	vm9 =	vlt.s32 v12, $0x1BF;
	vm2 =	vle.f32 v50, v7  }
0x5de: {  	v22 =	vadd.s32 v3, v57;
	vm11 =	vle.f32 v47, v8;
	v60 =	vnsel vm9, $0x1BF, v12  }
0x5df: {  	vm1 =	vle.f32 v21, v9;
	v59 =	vld [tilespmem:s4+$0xFFFFFF70];
	v58 =	vsel vm11, $0x1, v2;
	[tilespmem:v51+s0+$0x0] =	vst.idx.msk vm14, v26;
	v61 =	vadd.s32 v4, v60  }
0x5e0: {  	v34 =	vsel vm1, $0x1, v2;
	v12 =	vadd.s32 v58, v12;
	vm10 =	vle.f32 v25, v8;
	[tilespmem:v51+s25+$0x0] =	vst.idx.msk vm14, v19  }
0x5e1: {  	v37 =	vadd.s32 v34, v11;
	[tilespmem:v55+s0+$0x0] =	vst.idx.msk vm15, v43;
	vm12 =	vlt.s32 v12, $0x1BF;
	v62 =	vsel vm10, $0x1, v2;
	v63 =	vld [tilespmem:s4+$0xA0]  }
0x5e2: {  	[tilespmem:v55+s25+$0x0] =	vst.idx.msk vm15, v13;
	v35 =	vnsel vm12, $0x1BF, v12;
	v12 =	vadd.s32 v62, v12;
	vm6 =	vle.f32 v56, v8  }
0x5e3: {  	v28 =	vadd.s32 v4, v35;
	vm13 =	vlt.s32 v12, $0x1BF;
	v36 =	vsel vm6, $0x1, v2;
	[tilespmem:v22+s0+$0x0] =	vst.idx.msk vm2, v50  }
0x5e4: {  	vm4 =	vle.f32 v59, v9;
	v38 =	vnsel vm13, $0x1BF, v12;
	v12 =	vadd.s32 v36, v12;
	[tilespmem:v61+s0+$0x0] =	vst.idx.msk vm11, v47  }
0x5e5: {  	v41 =	vsel vm4, $0x1, v2;
	v39 =	vld [tilespmem:s4+$0xFFFFFFB0];
	v40 =	vadd.s32 v4, v38;
	vm14 =	vlt.s32 v12, $0x1BF;
	[tilespmem:v22+s25+$0x0] =	vst.idx.msk vm2, v20  }
0x5e6: {  	[tilespmem:v61+s25+$0x0] =	vst.idx.msk vm11, v16;
	vm11 =	vlt.s32 v37, $0x1BF;
	v42 =	vnsel vm14, $0x1BF, v12;
	vm15 =	vle.f32 v63, v8;
	v43 =	vld [tilespmem:s4+$0xE0]  }
0x5e7: {  	v22 =	vadd.s32 v41, v37;
	v30 =	vnsel vm11, $0x1BF, v37;
	v44 =	vadd.s32 v4, v42  }
0x5e8: {  	vm12 =	vlt.s32 v22, $0x1BF;
	v45 =	vsel vm15, $0x1, v2;
	v30 =	vadd.s32 v5, v30;
	[tilespmem:v28+s0+$0x0] =	vst.idx.msk vm10, v25  }
0x5e9: {  	v47 =	vld [tilespmem:s4+$0xFFFFFFF0];
	v46 =	vnsel vm12, $0x1BF, v22;
	v12 =	vadd.s32 v45, v12;
	[tilespmem:v28+s25+$0x0] =	vst.idx.msk vm10, v15  }
0x5ea: {  	vm13 =	vle.f32 v39, v9;
	v48 =	vadd.s32 v5, v46;
	vm8 =	vlt.s32 v12, $0x1BF;
	[tilespmem:v40+s0+$0x0] =	vst.idx.msk vm6, v56  }
0x5eb: {  	v49 =	vsel vm13, $0x1, v2;
	v50 =	vld [tilespmem:s4+$0x30];
	v51 =	vnsel vm8, $0x1BF, v12;
	[tilespmem:v40+s25+$0x0] =	vst.idx.msk vm6, v17;
	vm3 =	vle.f32 v43, v8  }
0x5ec: {  	v22 =	vadd.s32 v49, v22;
	v52 =	vadd.s32 v4, v51;
	[tilespmem:v44+s0+$0x0] =	vst.idx.msk vm15, v63  }
0x5ed: {  	vm14 =	vlt.s32 v22, $0x1BF;
	v53 =	vld [tilespmem:s4+$0x70];
	[tilespmem:v30+s0+$0x0] =	vst.idx.msk vm4, v59  }
0x5ee: {  	v54 =	vnsel vm14, $0x1BF, v22;
	[tilespmem:v44+s25+$0x0] =	vst.idx.msk vm15, v19;
	vm15 =	vle.f32 v47, v9  }
0x5ef: {  	vm8 =	vlt.s32 v11, $0x1BF;
	[tilespmem:v30+s25+$0x0] =	vst.idx.msk vm4, v14;
	v14 =	vadd.s32 v5, v54;
	v55 =	vsel vm15, $0x1, v2;
	v56 =	vld [tilespmem:s4+$0xB0]  }
0x5f0: {  	v11 =	vnsel vm8, $0x1BF, v11;
	[tilespmem:v48+s0+$0x0] =	vst.idx.msk vm13, v39;
	v22 =	vadd.s32 v55, v22;
	vm4 =	vle.f32 v50, v9  }
0x5f1: {  	v11 =	vadd.s32 v5, v11;
	vm9 =	vlt.s32 v22, $0x1BF;
	v57 =	vsel vm4, $0x1, v2;
	[tilespmem:v52+s0+$0x0] =	vst.idx.msk vm3, v43  }
0x5f2: {  	v26 =	vadd.s32 v57, v22;
	v22 =	vnsel vm9, $0x1BF, v22;
	vm10 =	vle.f32 v53, v9;
	[tilespmem:v52+s25+$0x0] =	vst.idx.msk vm3, v20  }
0x5f3: {  	[tilespmem:v48+s25+$0x0] =	vst.idx.msk vm13, v13;
	v13 =	vadd.s32 v5, v22;
	vm11 =	vlt.s32 v26, $0x1BF;
	v58 =	vsel vm10, $0x1, v2;
	v59 =	vld [tilespmem:s4+$0xF0]  }
0x5f4: {  	[tilespmem:v14+s0+$0x0] =	vst.idx.msk vm15, v47;
	v22 =	vadd.s32 v58, v26;
	v26 =	vnsel vm11, $0x1BF, v26;
	vm12 =	vle.f32 v56, v9  }
0x5f5: {  	[tilespmem:v14+s25+$0x0] =	vst.idx.msk vm15, v16;
	v14 =	vadd.s32 v5, v26;
	vm13 =	vlt.s32 v22, $0x1BF;
	v60 =	vsel vm12, $0x1, v2  }
0x5f6: {  	[tilespmem:v11+s0+$0x0] =	vst.idx.msk vm1, v21;
	v61 =	vnsel vm13, $0x1BF, v22;
	v16 =	vadd.s32 v60, v22  }
0x5f7: {  	[tilespmem:v11+s25+$0x0] =	vst.idx.msk vm1, v10;
	v11 =	vadd.s32 v5, v61;
	vm14 =	vlt.s32 v16, $0x1BF  }
0x5f8: {  	[tilespmem:v13+s0+$0x0] =	vst.idx.msk vm4, v50;
	v62 =	vnsel vm14, $0x1BF, v16;
	vm15 =	vle.f32 v59, v9  }
0x5f9: {  	s3 =	sadd.s32 $0x8, s3;
	[tilespmem:v13+s25+$0x0] =	vst.idx.msk vm4, v15;
	v15 =	vadd.s32 v5, v62  }
0x5fa: {  	p0 =	slt.u32 s3, $0xF8;
	[tilespmem:v14+s0+$0x0] =	vst.idx.msk vm10, v53  }
.Ltmp19:
0x5fb: {  	[tilespmem:v14+s25+$0x0] =	vst.idx.msk vm10, v17;
	(pc) =	sbr.rel @p0 .LBB2_33-.Ltmp19, $4  }
0x5fc: {  	[tilespmem:v11+s0+$0x0] =	vst.idx.msk vm12, v56  }
0x5fd: {  	v13 =	vsel vm0, $0x1, v2;
	v63 =	vsel vm15, $0x1, v2;
	[tilespmem:v11+s25+$0x0] =	vst.idx.msk vm12, v19;
	v11 =	vsel vm2, $0x1, v2  }
0x5fe: {  	v14 =	vadd.s32 v13, v18;
	v13 =	vadd.s32 v11, v23;
	v11 =	vsel vm3, $0x1, v2;
	[tilespmem:v15+s0+$0x0] =	vst.idx.msk vm15, v59  }
0x5ff: {  	v10 =	vadd.s32 $0x8, v10;
	s4 =	sadd.s32 $0x200, s4;
	v12 =	vadd.s32 v11, v12;
	v11 =	vadd.s32 v63, v16;
	[tilespmem:v15+s25+$0x0] =	vst.idx.msk vm15, v20  }
0x600: {  	vm0 =	vlt.s32 v14, $0x1C0  }
.Ltmp20:
0x601: {  	vm13 =	vlt.s32 v13, $0x1C0;
	v6 =	vnsel vm0, $0x1C0, v14;
	(pc) =	sbr.rel .LBB2_35-.Ltmp20, $4  }
0x602: {  	vm14 =	vlt.s32 v12, $0x1C0;
	[tilespmem:$0x17000] =	vst v6;
	v6 =	vnsel vm13, $0x1C0, v13  }
0x603: {  	vm15 =	vlt.s32 v11, $0x1C0;
	[tilespmem:$0x17010] =	vst v6;
	v6 =	vnsel vm14, $0x1C0, v12  }
0x604: {  	s29 =	simm.s32 $0x0;
	s17 =	simm.s32 $0x9000;
	s3 =	simm.s32 $0x10000;
	[tilespmem:$0x17020] =	vst v6;
	v6 =	vnsel vm15, $0x1C0, v11  }
0x605: {  	s4 =	simm.s32 $0x91C0;
	s5 =	simm.s32 $0x101C0;
	s6 =	simm.s32 $0x0;
	[tilespmem:$0x17030] =	vst v6  }
.LBB2_44:
0x606: {  	s10 =	simm.s32 $0x0  }
.LBB2_48:
0x607: {  	vm2 =	vlt.f32 @p0 v14, v12;
	vm0 =	vmand @p0 vm0, vm1  }
0x608: {  	s10 =	sadd.s32 @p0 $0x10, s10;
	vm0 =	vmor @p0 vm2, vm0  }
0x609: {  	s9 =	smov.u32 @p0 s10;
	v11 =	vsel @p0 vm0, v14, v12;
	v12 =	vsel @p0 vm0, v15, v13  }
0x60a: {  	v61 =	vor.u32 s9, v0;
	(xrf1) =	vsort.ascd.msk.f32 @p0 $0xffff, v11, v12  }
0x60b: {  	vm12 =	vlt.s32 v61, v7  }
0x60c: {  	v7 =	vnsel vm12, $0x7F800000, v9;
	v62 =	vnsel vm12, $0x40000000, v10  }
0x60d: {  	(xrf1) =	vsort.ascd.msk.f32 $0xffff, v7, v62;
	_ =	sdelay $0x8  }
0x60e: {  	v7 =	vmul.u32 $0xFFFFFFFF, v0;
	_ =	sdelay $0x1  }
0x60f: {  	v7 =	vadd.s32 $0xF, v7;
	v9, v10, _ =	vpop @p0 (xrf1)  }
0x610: {  	v8 =	vpsel p0, v9, v8;
	v6 =	vpsel p0, v10, v6  }
0x611: {  	v8 =	vperm.xlane v8, v7;
	v6 =	vperm.xlane v6, v7  }
0x612: {  	v7, v63, _ =	vpop (xrf1)  }
0x613: {  	vm13 =	veq.f32 v7, v8;
	vm14 =	vlt.s32 v63, v6  }
0x614: {  	vm15 =	vlt.f32 v7, v8;
	vm0 =	vmand vm13, vm14  }
0x615: {  	vm0 =	vmor vm15, vm0  }
0x616: {  	v7 =	vsel vm0, v7, v8;
	v6 =	vsel vm0, v63, v6  }
0x617: {  	(xrf1) =	vsort.ascd.msk.f32 $0xffff, v7, v6;
	_ =	sdelay $0xd  }
0x618: {  	v7, v6, _ =	vpop (xrf1)  }
.LBB2_49:
0x619: {  	p0 =	slt.u32 s6, $0x3E  }
.Ltmp21:
0x61a: {  	_ = 	snop;
	(pc) =	sbr.rel @!p0 .LBB2_50-.Ltmp21, $4  }
0x61b: {  	s8 =	sadd.s32 s24, s8  }
0x61c: {  	s9 =	sadd.s32 $0x2, s6;
	s8 =	sshll.u32 s8, $0x4  }
0x61d: {  	s17 =	sadd.s32 $0x380, s17;
	s3 =	sadd.s32 $0x380, s3;
	s8 =	sand.u32 $0x3FFFFFF0, s8  }
0x61e: {  	s4 =	sadd.s32 $0x380, s4;
	s5 =	sadd.s32 $0x380, s5;
	s6 =	smov.u32 s9;
	[tilespmem:s8+$0x17040] =	vst v6  }
.LBB2_35:
0x61f: {  	v6 =	vmov s6  }
0x620: {  	v6 =	vand.u32 $0xFFFFFFFE, v6  }
0x621: {  	v6 =	vbroadcast v6, $0x0;
	_ =	sdelay $0x5  }
0x622: {  	v7 =	vld.idx.msk [tilespmem:v6+s7+$0x0], $0xffff;
	_ =	sdelay $0x4  }
0x623: {  	v6 =	vxor.u32 $0x80000000, v7  }
0x624: {  	(xrf0) =	vmax.scan.msk.u32 $0xffff, v6;
	_ =	sdelay $0x5  }
0x625: {  	v6, _, _ =	vpop (xrf0)  }
0x626: {  	(v2sf) =	vpush v6, $0xF;
	_ =	sdelay $0xe  }
0x627: {  	s8 =	spop (v2sf)  }
0x628: {  	s8 =	sadd.s32 $0x8000000F, s8  }
0x629: {  	s9 =	sand.u32 $0xF, s8  }
0x62a: {  	s14 =	sshra.s32 s8, $0x1F;
	p1 =	slt.s32 s8, $0x1;
	p0 =	sne.s32 s9, $0x0  }
0x62b: {  	s9 =	sshrl.u32 s14, $0x1C;
	p0 =	por !p1, !p0  }
0x62c: {  	s8 =	sadd.s32 s9, s8;
	s9 =	simm.s32 $0x1;
	p0 =	por !p0, !p0  }
0x62d: {  	s8 =	sshra.s32 s8, $0x4;
	s9 =	simm.s32 @!p0 $0x0  }
0x62e: {  	s8 =	ssub.s32 s8, s9  }
0x62f: {  	p0 =	slt.s32 s8, $0x1  }
.Ltmp22:
0x630: {  	_ = 	snop;
	(pc) =	sbr.rel @p0 .LBB2_42-.Ltmp22, $2  }
0x631: {  	_ =	sdelay $0x2  }
0x632: {  	v8 =	vimm.f32 $+Inf;
	v9 =	vimm.s32 $0x40000000;
	v6 =	vimm.s32 $0x40000000  }
0x633: {  	p1 =	sne.s32 s8, $0x1  }
.Ltmp23:
0x634: {  	_ = 	snop;
	(pc) =	sbr.rel @!p1 .LBB2_37-.Ltmp23, $3  }
0x635: {  	_ =	sdelay $0x1  }
0x636: {  	v9 =	vld [tilespmem:s17+$0x0]  }
0x637: {  	v10 =	vld [tilespmem:s3+$0x0];
	s8 =	sadd.s32 $0xFFFFFFFF, s8;
	p0 =	por $0x0, $0x0  }
0x638: {  	_ =	sdelay $0x1  }
0x639: {  	v11 =	vor.u32 s29, v0  }
0x63a: {  	vm0 =	vlt.s32 v11, v7  }
0x63b: {  	v9 =	vnsel vm0, $0x7F800000, v9;
	v10 =	vnsel vm0, $0x40000000, v10  }
0x63c: {  	(xrf1) =	vsort.ascd.msk.f32 $0xffff, v9, v10;
	_ =	sdelay $0x9  }
0x63d: {  	p1 =	sne.s32 s8, $0x1;
	v9 =	vmul.u32 $0xFFFFFFFF, v0  }
.Ltmp24:
0x63e: {  	_ = 	snop;
	(pc) =	sbr.rel @!p1 .LBB2_39-.Ltmp24, $4  }
0x63f: {  	v11 =	vadd.s32 $0xF, v9  }
0x640: {  	s10 =	sadd.s32 $0x10, s3;
	v12 =	vperm.xlane v8, v11;
	v13 =	vperm.xlane v6, v11  }
0x641: {  	s9 =	sadd.s32 $0x10, s17;
	v10 =	vld [tilespmem:s10+$0x0];
	v14, v15, _ =	vpop (xrf1)  }
0x642: {  	s11 =	sadd.s32 $0xFFFFFFFF, s8;
	p0 =	por $0x1, $0x1;
	s8 =	simm.s32 $0x0;
	v9 =	vld [tilespmem:s9+$0x0];
	vm0 =	veq.f32 v14, v12;
	vm1 =	vlt.s32 v15, v13  }
.LBB2_40:
0x643: {  	p1 =	sne.s32 s11, $0x1;
	vm2 =	vlt.f32 v14, v12;
	vm0 =	vmand vm0, vm1  }
0x644: {  	s8 =	sadd.s32 $0x10, s8;
	vm0 =	vmor vm2, vm0  }
0x645: {  	v16 =	vor.u32 s8, v0;
	v12 =	vsel vm0, v14, v12;
	v13 =	vsel vm0, v15, v13  }
0x646: {  	vm0 =	vlt.s32 v16, v7;
	(xrf1) =	vsort.ascd.msk.f32 $0xffff, v12, v13  }
0x647: {  	v9 =	vnsel vm0, $0x7F800000, v9;
	v10 =	vnsel vm0, $0x40000000, v10  }
0x648: {  	(xrf1) =	vsort.ascd.msk.f32 $0xffff, v9, v10;
	_ =	sdelay $0xa  }
.Ltmp25:
0x649: {  	(pc) =	sbr.rel @p1 .LBB2_40-.Ltmp25, $4  }
0x64a: {  	v9, v10, _ =	vpop (xrf1)  }
0x64b: {  	s9 =	sadd.s32 $0x10, s9;
	v12 =	vperm.xlane v9, v11;
	v13 =	vperm.xlane v10, v11  }
0x64c: {  	s10 =	sadd.s32 $0x10, s10;
	v9 =	vld [tilespmem:s9+$0x0];
	v14, v15, _ =	vpop (xrf1)  }
0x64d: {  	s11 =	sadd.s32 $0xFFFFFFFF, s11;
	v10 =	vld [tilespmem:s10+$0x0];
	vm0 =	veq.f32 v14, v12;
	vm1 =	vlt.s32 v15, v13  }
.LBB2_41:
0x64e: {  	vm2 =	vlt.f32 @p0 v14, v12;
	vm0 =	vmand @p0 vm0, vm1  }
0x64f: {  	vm0 =	vmor @p0 vm2, vm0  }
0x650: {  	s8 =	sadd.s32 @p0 $0x10, s8;
	s9 =	simm.s32 $0x0;
	v11 =	vsel @p0 vm0, v14, v12;
	v12 =	vsel @p0 vm0, v15, v13  }
0x651: {  	s9 =	smov.u32 @p0 s8;
	(xrf1) =	vsort.ascd.msk.f32 @p0 $0xffff, v11, v12  }
0x652: {  	v63 =	vor.u32 s9, v0  }
0x653: {  	vm12 =	vlt.s32 v63, v7  }
0x654: {  	v7 =	vnsel vm12, $0x7F800000, v9;
	v9 =	vnsel vm12, $0x40000000, v10  }
0x655: {  	(xrf1) =	vsort.ascd.msk.f32 $0xffff, v7, v9;
	_ =	sdelay $0x9  }
0x656: {  	v7 =	vmul.u32 $0xFFFFFFFF, v0;
	v9, v10, _ =	vpop @p0 (xrf1)  }
0x657: {  	v8 =	vpsel p0, v9, v8;
	v9 =	vpsel p0, v10, v6  }
0x658: {  	v7 =	vadd.s32 $0xF, v7  }
0x659: {  	v8 =	vperm.xlane v8, v7;
	v7 =	vperm.xlane v9, v7  }
0x65a: {  	v9, v10, _ =	vpop (xrf1)  }
0x65b: {  	vm13 =	veq.f32 v9, v8;
	vm14 =	vlt.s32 v10, v7  }
0x65c: {  	vm15 =	vlt.f32 v9, v8;
	vm0 =	vmand vm13, vm14  }
0x65d: {  	vm0 =	vmor vm15, vm0  }
0x65e: {  	v8 =	vsel vm0, v9, v8;
	v7 =	vsel vm0, v10, v7  }
0x65f: {  	(xrf1) =	vsort.ascd.msk.f32 $0xffff, v8, v7;
	_ =	sdelay $0xd  }
0x660: {  	v7, v9, _ =	vpop (xrf1)  }
.LBB2_42:
0x661: {  	s8 =	sor.u32 $0x1, s6  }
0x662: {  	v7 =	vmov s8;
	_ =	sdelay $0x4  }
0x663: {  	v7 =	vld.idx.msk [tilespmem:v7+s7+$0x0], $0xffff;
	_ =	sdelay $0x4  }
0x664: {  	v8 =	vxor.u32 $0x80000000, v7  }
0x665: {  	(xrf0) =	vmax.scan.msk.u32 $0xffff, v8;
	_ =	sdelay $0x5  }
0x666: {  	v8, _, _ =	vpop (xrf0)  }
0x667: {  	(v2sf) =	vpush v8, $0xF;
	_ =	sdelay $0xe  }
0x668: {  	s9 =	spop (v2sf)  }
0x669: {  	s9 =	sadd.s32 $0x8000000F, s9  }
0x66a: {  	s10 =	sand.u32 $0xF, s9  }
0x66b: {  	s11 =	sshra.s32 s9, $0x1F;
	p0 =	slt.s32 s9, $0x1;
	p1 =	sne.s32 s10, $0x0  }
0x66c: {  	s11 =	sshrl.u32 s11, $0x1C;
	p0 =	por !p0, !p1  }
0x66d: {  	s10 =	simm.s32 $0x1;
	s9 =	sadd.s32 s11, s9;
	p0 =	por !p0, !p0  }
0x66e: {  	s9 =	sshra.s32 s9, $0x4;
	s10 =	simm.s32 @!p0 $0x0  }
0x66f: {  	s10 =	ssub.s32 s9, s10  }
0x670: {  	p0 =	slt.s32 s10, $0x1  }
.Ltmp26:
0x671: {  	_ = 	snop;
	(pc) =	sbr.rel @p0 .LBB2_49-.Ltmp26, $4  }
0x672: {  	s13 =	sadd.s32 s24, s6  }
0x673: {  	s14 =	sshll.u32 s13, $0x4  }
0x674: {  	s9 =	sand.u32 $0x3FFFFFF0, s14  }
0x675: {  	[tilespmem:s9+$0x17040] =	vst v9  }
0x676: {  	p1 =	sne.s32 s10, $0x1  }
.Ltmp27:
0x677: {  	_ = 	snop;
	(pc) =	sbr.rel @!p1 .LBB2_44-.Ltmp27, $3  }
0x678: {  	_ =	sdelay $0x1  }
0x679: {  	v9 =	vld [tilespmem:s4+$0x0]  }
0x67a: {  	v8 =	vimm.f32 $+Inf;
	s9 =	simm.s32 $0x0;
	v10 =	vld [tilespmem:s5+$0x0];
	s10 =	sadd.s32 $0xFFFFFFFF, s10;
	p0 =	por $0x0, $0x0  }
0x67b: {  	_ =	sdelay $0x1  }
0x67c: {  	v11 =	vor.u32 s9, v0  }
0x67d: {  	vm0 =	vlt.s32 v11, v7  }
0x67e: {  	v9 =	vnsel vm0, $0x7F800000, v9;
	v10 =	vnsel vm0, $0x40000000, v10  }
0x67f: {  	(xrf1) =	vsort.ascd.msk.f32 $0xffff, v9, v10;
	_ =	sdelay $0x9  }
0x680: {  	p1 =	sne.s32 s10, $0x1;
	v9 =	vmul.u32 $0xFFFFFFFF, v0  }
.Ltmp28:
0x681: {  	_ = 	snop;
	(pc) =	sbr.rel @!p1 .LBB2_46-.Ltmp28, $4  }
0x682: {  	v11 =	vadd.s32 $0xF, v9  }
0x683: {  	s13 =	sadd.s32 $0x10, s5;
	v12 =	vperm.xlane v8, v11;
	v13 =	vperm.xlane v6, v11  }
0x684: {  	s11 =	sadd.s32 $0x10, s4;
	v10 =	vld [tilespmem:s13+$0x0];
	v14, v15, _ =	vpop (xrf1)  }
0x685: {  	s14 =	sadd.s32 $0xFFFFFFFF, s10;
	p0 =	por $0x1, $0x1;
	s10 =	simm.s32 $0x0;
	v9 =	vld [tilespmem:s11+$0x0];
	vm0 =	veq.f32 v14, v12;
	vm1 =	vlt.s32 v15, v13  }
.LBB2_47:
0x686: {  	p1 =	sne.s32 s14, $0x1;
	vm2 =	vlt.f32 v14, v12;
	vm0 =	vmand vm0, vm1  }
0x687: {  	s10 =	sadd.s32 $0x10, s10;
	vm0 =	vmor vm2, vm0  }
0x688: {  	v16 =	vor.u32 s10, v0;
	v12 =	vsel vm0, v14, v12;
	v13 =	vsel vm0, v15, v13  }
0x689: {  	vm0 =	vlt.s32 v16, v7;
	(xrf1) =	vsort.ascd.msk.f32 $0xffff, v12, v13  }
0x68a: {  	v9 =	vnsel vm0, $0x7F800000, v9;
	v10 =	vnsel vm0, $0x40000000, v10  }
0x68b: {  	(xrf1) =	vsort.ascd.msk.f32 $0xffff, v9, v10;
	_ =	sdelay $0xa  }
.Ltmp29:
0x68c: {  	(pc) =	sbr.rel @p1 .LBB2_47-.Ltmp29, $4  }
0x68d: {  	v9, v10, _ =	vpop (xrf1)  }
0x68e: {  	s11 =	sadd.s32 $0x10, s11;
	v12 =	vperm.xlane v9, v11;
	v13 =	vperm.xlane v10, v11  }
0x68f: {  	s13 =	sadd.s32 $0x10, s13;
	v9 =	vld [tilespmem:s11+$0x0];
	v14, v15, _ =	vpop (xrf1)  }
0x690: {  	s14 =	sadd.s32 $0xFFFFFFFF, s14;
	v10 =	vld [tilespmem:s13+$0x0];
	vm0 =	veq.f32 v14, v12;
	vm1 =	vlt.s32 v15, v13  }
.Ltmp30:
0x691: {  	_ = 	snop;
	(pc) =	sbr.rel .LBB2_48-.Ltmp30, $1  }
0x692: {  	_ =	sdelay $0x3  }
.LBB2_37:
.Ltmp31:
0x693: {  	(pc) =	sbr.rel .LBB2_41-.Ltmp31, $2  }
0x694: {  	_ =	sdelay $0x2  }
0x695: {  	s8 =	simm.s32 $0x0  }
.LBB2_39:
.Ltmp32:
0x696: {  	(pc) =	sbr.rel .LBB2_41-.Ltmp32, $2  }
0x697: {  	_ =	sdelay $0x2  }
0x698: {  	s8 =	simm.s32 $0x0  }
.LBB2_46:
.Ltmp33:
0x699: {  	(pc) =	sbr.rel .LBB2_48-.Ltmp33, $2  }
0x69a: {  	_ =	sdelay $0x2  }
0x69b: {  	s10 =	simm.s32 $0x0  }
.LBB2_52:
0x69c: {  	_ =	sfence.sel $0x180000  }
0x69d: {  	[bflag:$0x0] =	sbarrier.arrive $0xFFFF  }
0x69e: {  	_ =	strace $0x9000004A  }
0x69f: {  	s0 =	stileid.u32;
	[bflag:$0x2] =	sbarrier.arrive $0xFFFF  }
0x6a0: {  	p0 =	sne.s32 s0, $0x0;
	s0 =	rddreg [dreg:$0x2]  }
0x6a1: {  	s0 =	sadd.s32 @!p0 $0x100000, s0  }
0x6a2: {  	[sflag:s0] =	ssyncadd.tile.s32 @!p0 $0x1;
	_ =	shalt  }
.Lfunc_end2:
_tile_overlayer_lowered:
.L_overlay_start_2:
0x6a3: {  	(tag) =	ssettag $0x2  }
0x6a4: {  	s0 =	rddreg [dreg:$0x0];
	s2 =	stileid.u32  }
0x6a5: {  	s1 =	rddreg [dreg:$0x1];
	p0 =	sne.s32 s2, $0x0  }
0x6a6: {  	s3 =	rddreg [dreg:$0x2];
	[bflag:$0x3] =	sbarrier.arrive $0xFFFF;
	s2 =	simm.s32 @!p0 $0x1C03  }
0x6a7: {  	[timem:s3], [sflag:s2] =	dma.local @!p0 [hbm:s0], s1  }
0x6a8: {  	s0 =	simm.s32 @!p0 $0x3  }
0x6a9: {  	_ =	swait.ge @!p0 [sflag:s0], s1  }
0x6aa: {  	s1 =	ssub.s32 @!p0 $0x0, s1;
	[sflag:s0] =	ssyncset.done @!p0 $0x0  }
0x6ab: {  	[sflag:s0] =	ssyncadd.s32 @!p0 s1  }
0x6ac: {  	[bflag:$0x3] =	sbarrier.arrive $0xFFFF  }
0x6ad: {  	_ =	shalt  }

// kernel: sparse-core-data-format-call.cloned.1.call-start
scs
called_computation_lowered:
.L_overlay_start_0:
0x0: {  	s1 =	sld [smem:$0x3FD9]  }
0x1: {  	s2 =	sld [smem:$0x3FFE];
	_ =	sdelay $0x1  }
0x2: {  	s3 =	srdreg.scid  }
0x3: {  	s0 =	sand.u32 $0x1, s3  }
0x4: {  	s17 =	sshll.u32 s0, $0xA;
	s1 =	sadd.s32 s2, s1  }
0x5: {  	s1 =	sadd.s32 s1, s17  }
0x6: {  	[smem:$0x3FC6] =	sst s1  }
0x7: {  	_ = 	snop  }
0x8: {  	(tm) =	ssettm $0x1  }
0x9: {  	s18 =	sld [smem:$0x3FFB];
	_ =	sdelay $0x3  }
0xa: {  	_ =	strace s18  }
0xb: {  	s1 =	sld [smem:$0x3FFC];
	_ =	sdelay $0x3  }
0xc: {  	_ =	strace s1  }
0xd: {  	s1 =	sld [smem:$0x3FFD];
	_ =	sdelay $0x3  }
0xe: {  	_ =	strace s1  }
0xf: {  	_ =	strace $0x8FFFFFFF  }
0x10: {  	s19 =	sld [smem:$0x3FDB];
	_ =	sdelay $0x1  }
0x11: {  	s20 =	simm.s32 $_scs_section_size  }
0x12: {  	s4 =	simm.s32 $_size__tile_overlayer_lowered;
	s5 =	simm.s32 $_tile_overlayer_lowered  }
0x13: {  	s23 =	simm.s32 $0x1BFF;
	s22 =	sshll.u32 s5, $0x1;
	s1 =	sadd.s32 s20, s19  }
0x14: {  	s6 =	simm.s32 $0x0;
	s21 =	sshll.u32 s4, $0x1;
	s4 =	sadd.s32 s22, s1  }
0x15: {  	[timem:s6], [sflag:s23] =	dma.local [hbm:s4], s21  }
0x16: {  	_ =	swait.ge [sflag:s23], s21  }
0x17: {  	s2 =	ssub.s32 $0x0, s21;
	[sflag:s23] =	ssyncset.done $0x0  }
0x18: {  	[sflag:s23] =	ssyncadd.s32 s2;
	_ =	sdelay $0x1  }
0x19: {  	s24 =	simm.s32 $0x1B8B  }
0x1a: {  	_ =	swait.ge [sflag:s24], $0x1  }
0x1b: {  	[sflag:s24] =	ssyncset.done $0x0  }
0x1c: {  	s26 =	simm.s32 $0x1B8E;
	s25 =	sld [smem:$0x3FFE];
	[sflag:s24] =	ssyncadd.s32 $0xFFFFFFFF  }
0x1d: {  	s27 =	simm.s32 $execute0_lowered;
	[smem:$0x3FD2] =	sst s26  }
0x1e: {  	s4 =	sshll.u32 s27, $0x1;
	_ =	strace $0x80000046;
	[dreg:$0x1] =	wrdreg $0xFFFFFFFF  }
0x1f: {  	s28 =	simm.s32 $_size_execute0_lowered;
	s1 =	sadd.s32 s1, s4;
	[dreg:$0x0] =	wrdreg $0x0  }
0x20: {  	s4 =	sshll.u32 s28, $0x1;
	[dreg:$0x2] =	wrdreg s1  }
0x21: {  	[dreg:$0x3] =	wrdreg s4  }
0x22: {  	[dreg:$0x4] =	wrdreg $0xC0  }
0x23: {  	_ =	task [dreg:s6], $0x5FFFF  }
0x24: {  	[dreg:$0x1] =	wrdreg $0xFFFFFFFF  }
0x25: {  	[dreg:$0x0] =	wrdreg $0x60  }
0x26: {  	[dreg:$0x2] =	wrdreg s25  }
0x27: {  	[dreg:$0x3] =	wrdreg $0x9  }
0x28: {  	_ =	task.clear_ibuf [dreg:s6], $0x4FFFF;
	_ =	strace $0x90000046  }
0x29: {  	s29 =	simm.s32 $0x9;
	_ =	strace $0x80000048  }
0x2a: {  	_ =	swait.ge [sflag:s29], $0x1  }
0x2b: {  	[sflag:s29] =	ssyncadd.s32 $0xFFFFFFFF  }
0x2c: {  	_ =	strace $0x90000048  }
0x2d: {  	_ =	sfence  }
0x2e: {  	s30 =	sld [smem:$0x0];
	_ =	sdelay $0x2  }
0x2f: {  	s31 =	sshll.u32 s3, $0xD;
	s3 =	sshrl.u32 s3, $0x2  }
0x30: {  	s2 =	sand.u32 $0x4000, s31;
	s1 =	sadd.s32 s3, s30  }
0x31: {  	s0 =	sor.u32 s2, s0;
	s1 =	sshll.u32 s1, $0x11  }
0x32: {  	s0 =	sor.u32 s1, s0  }
0x33: {  	s0 =	sadd.s32 $0x8F2B, s0  }
0x34: {  	[sflag:s0] =	ssyncadd.remote.s32 $0x1  }
0x35: {  	_ =	sfence.sel $0xFFFF  }
0x36: {  	[dreg:$0x0] =	wrdreg $0xFFFFFFFF;
	(pc) =	sbr.abs _section_cstart, $3  }
0x37: {  	[dreg:$0x1] =	wrdreg $0xFFFFFFFF  }
0x38: {  	_ =	task.clear_ibuf [dreg:s6], $0x2FFFF;
	_ =	strace $0x9FFFFFFF  }
0x39: {  	(tm) =	ssettm $0x7FFFFFFF  }
tec
execute0_lowered:
.L_overlay_start_1:
0x0: {  	(tag) =	ssettag $0x1  }
0x1: {  	s1 =	rddreg [dreg:$0x0]  }
0x2: {  	s0 =	rddreg [dreg:$0x1]  }
0x3: {  	_ =	strace $0x80000047;
	s4 =	srdreg.scid;
	s6 =	simm.s32 $0x2  }
0x4: {  	s11 =	simm.s32 $0x0;
	p0 =	por $0x0, $0x0;
	s7 =	simm.s32 $0x1000  }
.Ltmp0:
0x5: {  	s12 =	simm.s32 $0x0;
	s9 =	simm.s32 $0x0;
	(pc) =	sbr.rel .LBB1_1-.Ltmp0, $4  }
0x6: {  	s2 =	sadd.s32 $0xE00, s1;
	s3 =	sadd.s32 $0x400E00, s1;
	s5 =	sshll.u32 s4, $0x4  }
0x7: {  	s1 =	stileid.u32;
	s4 =	simm.s32 $0x1;
	s5 =	sand.u32 $0x10, s5  }
0x8: {  	s8 =	simm.s32 $0x0;
	[sflag:s4] =	ssyncpa.u1 $0x0;
	s5 =	sor.u32 s1, s5  }
0x9: {  	[sflag:s6] =	ssyncpa.u1 $0x0;
	s6 =	simm.s32 $0x800;
	s10 =	smov.u32 s5  }
.LBB1_7:
0xa: {  	s13 =	sadd.s32 $0x10, s9  }
0xb: {  	s11 =	sadd.s32 $0x20, s10;
	s15 =	smov.u32 s10;
	p2 =	sgt.s32 s13, $0x1F  }
0xc: {  	p1 =	slt.u32 s8, $0x2;
	s15 =	smov.u32 @p2 s11  }
0xd: {  	s8 =	sadd.s32 $0x1, s8;
	s13 =	simm.s32 @p2 $0x0;
	p2 =	sgt.s32 s15, $0x3FF  }
0xe: {  	s15 =	smov.u32 @p2 s5;
	p2 =	sne.s32 s8, $0x42  }
.Ltmp1:
0xf: {  	_ = 	snop;
	(pc) =	sbr.rel @!p2 .LBB1_8-.Ltmp1, $4  }
0x10: {  	s14 =	simm.s32 @!p1 $0x2  }
0x11: {  	s12 =	smov.u32 s10;
	_ =	swait.ge @!p1 [sflag:s14], $0x4000  }
0x12: {  	p0 =	por !p0, !p0;
	s11 =	smov.u32 s9;
	[sflag:s14] =	ssyncset.done @!p1 $0x0  }
0x13: {  	s9 =	smov.u32 s13;
	[sflag:s14] =	ssyncadd.s32 @!p1 $0xFFFFC000;
	s10 =	smov.u32 s15  }
.LBB1_1:
0x14: {  	p1 =	sgt.u32 s8, $0x3F  }
0x15: {  	s13 =	sxor.u32 @!p1 $0xFFFFFFFF, s8;
	s14 =	sshll.u32 @!p1 s10, $0xC  }
0x16: {  	s15 =	sshll.u32 @!p1 s9, $0x7;
	s13 =	sshll.u32 @!p1 s13, $0xE;
	s14 =	sadd.s32 @!p1 s2, s14  }
0x17: {  	s13 =	sand.u32 @!p1 $0x4000, s13;
	s14 =	sadd.s32 @!p1 s15, s14;
	s15 =	simm.s32 @!p1 $0x0  }
0x18: {  	[tilespmem:s13], [sflag:$0x1] =	stream.linear.gather @!p1 [hbm4b:s14+s15], $0x4000, $0x38;
	[tilespmem:$0x10000] =	vst v63  }
0x19: {  	p1 =	seq.s32 s8, $0x0  }
0x1a: {  	p2 =	seq.s32 @!p1 s8, $0x41  }
0x1b: {  	p1 =	por p1, p2  }
.Ltmp2:
0x1c: {  	_ = 	snop;
	(pc) =	sbr.rel @p1 .LBB1_7-.Ltmp2, $1  }
0x1d: {  	_ =	sdelay $0x3  }
0x1e: {  	s13 =	simm.s32 $0x1;
	_ =	swait.ge [sflag:s4], $0x4000;
	s16 =	sshll.u32 s8, $0xE  }
0x1f: {  	s13 =	simm.s32 @!p0 $0x0;
	[sflag:s4] =	ssyncset.done $0x0;
	s31 =	sand.u32 $0x4000, s16  }
0x20: {  	s16 =	simm.s32 $0x0;
	s14 =	sshll.u32 s13, $0xE;
	[sflag:s4] =	ssyncadd.s32 $0xFFFFC000  }
0x21: {  	s13 =	sor.u32 $0x8040, s14;
	s15 =	sor.u32 $0x40, s14;
	s14 =	sor.u32 $0x8000, s31  }
.LBB1_3:
0x22: {  	v0 =	vmov s15;
	_ =	sdelay $0x3  }
0x23: {  	s18 =	simm.s32 $0x0  }
0x24: {  	v6 =	vld.idx.msk [tilespmem:v0+s18+$0x30 ss:$0x1], $0xffff  }
0x25: {  	v7 =	vld.idx.msk [tilespmem:v0+s18+$0xFFFFFFC0 ss:$0x1], $0xffff  }
0x26: {  	v5 =	vld.idx.msk [tilespmem:v0+s18+$0xFFFFFFD0 ss:$0x1], $0xffff  }
0x27: {  	v4 =	vld.idx.msk [tilespmem:v0+s18+$0xFFFFFFE0 ss:$0x1], $0xffff  }
0x28: {  	v3 =	vld.idx.msk [tilespmem:v0+s18+$0xFFFFFFF0 ss:$0x1], $0xffff  }
0x29: {  	v1 =	vld.idx.msk [tilespmem:v0+s18+$0x0 ss:$0x1], $0xffff  }
0x2a: {  	v2 =	vld.idx.msk [tilespmem:v0+s18+$0x10 ss:$0x1], $0xffff;
	[tilespmem:s13+$0x30] =	vst v6  }
0x2b: {  	s17 =	simm.s32 $0x80;
	s19 =	simm.s32 $0x400;
	[tilespmem:s13+$0xFFFFFFC0] =	vst v7;
	v6 =	vld.idx.msk [tilespmem:v0+s18+$0x20 ss:$0x1], $0xffff;
	s18 =	smov.u32 s13  }
.LBB1_4:
0x2c: {  	p1 =	sne.s32 s19, $0xE00;
	v7 =	vld.idx.msk [tilespmem:v0+s17+$0x30 ss:$0x1], $0xffff;
	[tilespmem:s18+$0xFFFFFFD0] =	vst v5  }
0x2d: {  	v8 =	vld.idx.msk [tilespmem:v0+s17+$0xFFFFFFC0 ss:$0x1], $0xffff;
	[tilespmem:s18+$0xFFFFFFE0] =	vst v4  }
0x2e: {  	v5 =	vld.idx.msk [tilespmem:v0+s17+$0xFFFFFFD0 ss:$0x1], $0xffff;
	[tilespmem:s18+$0xFFFFFFF0] =	vst v3  }
.Ltmp3:
0x2f: {  	v4 =	vld.idx.msk [tilespmem:v0+s17+$0xFFFFFFE0 ss:$0x1], $0xffff;
	[tilespmem:s18+$0x0] =	vst v1;
	(pc) =	sbr.rel @p1 .LBB1_4-.Ltmp3, $4  }
0x30: {  	v3 =	vld.idx.msk [tilespmem:v0+s17+$0xFFFFFFF0 ss:$0x1], $0xffff;
	[tilespmem:s18+$0x10] =	vst v2  }
0x31: {  	v1 =	vld.idx.msk [tilespmem:v0+s17+$0x0 ss:$0x1], $0xffff;
	[tilespmem:s18+$0x20] =	vst v6;
	s18 =	sadd.s32 $0x800, s18  }
0x32: {  	v2 =	vld.idx.msk [tilespmem:v0+s17+$0x10 ss:$0x1], $0xffff;
	[tilespmem:s18+$0x30] =	vst v7  }
0x33: {  	[tilespmem:s18+$0xFFFFFFC0] =	vst v8;
	v6 =	vld.idx.msk [tilespmem:v0+s17+$0x20 ss:$0x1], $0xffff;
	s17 =	sshra.s32 s19, $0x2;
	s19 =	sadd.s32 $0x200, s19  }
0x34: {  	_ =	sdelay $0x2  }
0x35: {  	[tilespmem:s18+$0xFFFFFFD0] =	vst v5  }
0x36: {  	v56 =	vld.idx.msk [tilespmem:v0+s17+$0x30 ss:$0x1], $0xffff;
	[tilespmem:s18+$0xFFFFFFE0] =	vst v4  }
0x37: {  	v57 =	vld.idx.msk [tilespmem:v0+s17+$0xFFFFFFC0 ss:$0x1], $0xffff;
	[tilespmem:s18+$0xFFFFFFF0] =	vst v3  }
0x38: {  	v58 =	vld.idx.msk [tilespmem:v0+s17+$0xFFFFFFD0 ss:$0x1], $0xffff;
	[tilespmem:s18+$0x0] =	vst v1  }
0x39: {  	v59 =	vld.idx.msk [tilespmem:v0+s17+$0xFFFFFFE0 ss:$0x1], $0xffff;
	[tilespmem:s18+$0x10] =	vst v2  }
0x3a: {  	v60 =	vld.idx.msk [tilespmem:v0+s17+$0xFFFFFFF0 ss:$0x1], $0xffff;
	s31 =	sadd.s32 $0x800, s18;
	[tilespmem:s18+$0x20] =	vst v6  }
0x3b: {  	v61 =	vld.idx.msk [tilespmem:v0+s17+$0x0 ss:$0x1], $0xffff;
	[tilespmem:s31+$0x30] =	vst v56  }
0x3c: {  	v62 =	vld.idx.msk [tilespmem:v0+s17+$0x10 ss:$0x1], $0xffff;
	s16 =	sadd.s32 $0x1, s16;
	[tilespmem:s31+$0xFFFFFFC0] =	vst v57  }
0x3d: {  	v63 =	vld.idx.msk [tilespmem:v0+s17+$0x20 ss:$0x1], $0xffff;
	p1 =	sne.s32 s16, $0x10;
	[tilespmem:s31+$0xFFFFFFD0] =	vst v58  }
.Ltmp4:
0x3e: {  	[tilespmem:s31+$0xFFFFFFE0] =	vst v59;
	(pc) =	sbr.rel @p1 .LBB1_3-.Ltmp4, $4  }
0x3f: {  	[tilespmem:s31+$0xFFFFFFF0] =	vst v60  }
0x40: {  	[tilespmem:s31+$0x0] =	vst v61  }
0x41: {  	[tilespmem:s31+$0x10] =	vst v62  }
0x42: {  	s13 =	sadd.s32 $0x80, s13;
	s15 =	sadd.s32 $0x400, s15;
	[tilespmem:s31+$0x20] =	vst v63  }
.Ltmp5:
0x43: {  	(pc) =	sbr.rel .LBB1_7-.Ltmp5, $4  }
0x44: {  	s12 =	sshll.u32 s12, $0xC;
	s11 =	sshll.u32 s11, $0x4  }
0x45: {  	s11 =	sand.u32 $0x1F0, s11;
	s12 =	sadd.s32 s3, s12  }
0x46: {  	s11 =	sadd.s32 s11, s12  }
0x47: {  	[hbm4b:s11+s6] =	stream.strided.scatter [tilespmem:s14], [sflag:$0x2], $0x4000, s7, s6, $0x38;
	[tilespmem:$0x10000] =	vst v63  }
.LBB1_8:
0x48: {  	_ =	sfence.sel $0x180000  }
0x49: {  	s2 =	simm.s32 $0x1;
	[bflag:$0x0] =	sbarrier.arrive $0xFFFF  }
0x4a: {  	s31 =	simm.s32 $0x2;
	[sflag:s2] =	ssyncpa.u1 $0x1  }
0x4b: {  	[sflag:s31] =	ssyncpa.u1 $0x1  }
0x4c: {  	p0 =	sne.s32 s1, $0x0;
	_ =	strace $0x90000047  }
0x4d: {  	s0 =	sadd.s32 @!p0 $0x100000, s0;
	[bflag:$0x2] =	sbarrier.arrive $0xFFFF  }
0x4e: {  	[sflag:s0] =	ssyncadd.tile.s32 @!p0 $0x1;
	_ =	shalt  }
.Lfunc_end1:
_tile_overlayer_lowered:
.L_overlay_start_2:
0x4f: {  	(tag) =	ssettag $0x2  }
0x50: {  	s0 =	rddreg [dreg:$0x0];
	s2 =	stileid.u32  }
0x51: {  	s1 =	rddreg [dreg:$0x1];
	p0 =	sne.s32 s2, $0x0  }
0x52: {  	s3 =	rddreg [dreg:$0x2];
	[bflag:$0x3] =	sbarrier.arrive $0xFFFF;
	s2 =	simm.s32 @!p0 $0x1C01  }
0x53: {  	[timem:s3], [sflag:s2] =	dma.local @!p0 [hbm:s0], s1  }
0x54: {  	s0 =	simm.s32 @!p0 $0x1  }
0x55: {  	_ =	swait.ge @!p0 [sflag:s0], s1  }
0x56: {  	s1 =	ssub.s32 @!p0 $0x0, s1;
	[sflag:s0] =	ssyncset.done @!p0 $0x0  }
0x57: {  	[sflag:s0] =	ssyncadd.s32 @!p0 s1  }
0x58: {  	[bflag:$0x3] =	sbarrier.arrive $0xFFFF  }
0x59: {  	_ =	shalt  }

</sc_bundles>
